<compile_context>
chip_gen: v7x
topology: tpu7x:2x2x1
jax: 0.10.2.dev20260603
libtpu: 0.0.44.dev20260713+nightly
codegen_flags: <defaults>
</compile_context>

<pallas_src>
import functools

import jax
import jax.numpy as jnp
from jax import lax
from jax.experimental import pallas as pl
from jax.experimental.pallas import tpu as pltpu
from jax.experimental.pallas import tpu_sc as plsc

N = 10000
E = 320000
D = 128
K = 4
L = 3

NC = 2
NS = 16
NW = NC * NS
CHUNK = 128
CPW0 = 120
CPW1 = 40
NCHUNKS = NS * (CPW0 + CPW1)
EDGES_PAD = NCHUNKS * CHUNK
RING = 8
ROWS_PAD = 10240


def _sc_segment_sum(h, src3, dst3, zeros):
    mesh = plsc.VectorSubcoreMesh(core_axis_name="c", subcore_axis_name="s")

    @functools.partial(
        pl.kernel,
        mesh=mesh,
        out_type=jax.ShapeDtypeStruct((NC, ROWS_PAD, D), jnp.float32),
        scratch_types=[
            pltpu.VMEM((RING, CHUNK), jnp.int32),
            pltpu.VMEM((RING, CHUNK), jnp.int32),
            pltpu.VMEM((CHUNK, D), jnp.float32),
            pltpu.VMEM((CHUNK, D), jnp.float32),
            pltpu.VMEM_SHARED((ROWS_PAD, D), jnp.float32),
            pltpu.SemaphoreType.DMA,
            pltpu.SemaphoreType.DMA,
        ],
    )
    def k(h_hbm, src_hbm, dst_hbm, z_hbm, out_hbm, src_v, dst_v, rows0_v,
          rows1_v, agg_sh, sem0, sem1):
        c = lax.axis_index("c")
        s = lax.axis_index("s")
        rpt = ROWS_PAD // NS
        base = pl.multiple_of(s * rpt, 8)
        pltpu.sync_copy(z_hbm.at[pl.ds(base, rpt)],
                        agg_sh.at[pl.ds(base, rpt)])
        plsc.subcore_barrier()

        rows = (rows0_v, rows1_v)
        sems = (sem0, sem1)

        def ring_loop(start, count):
            @pl.loop(0, count, step=RING)
            def _(g):
                g8 = pl.multiple_of(start + g, 8)
                pltpu.sync_copy(src_hbm.at[pl.ds(g8, RING)], src_v)
                pltpu.sync_copy(dst_hbm.at[pl.ds(g8, RING)], dst_v)
                pltpu.async_copy(h_hbm.at[src_v.at[0]], rows0_v, sem0)
                pltpu.async_copy(h_hbm.at[src_v.at[1]], rows1_v, sem1)
                for j in range(RING):
                    b = j % 2
                    pltpu.make_async_copy(h_hbm.at[src_v.at[j]], rows[b],
                                          sems[b]).wait()
                    pltpu.sync_copy(rows[b], agg_sh.at[dst_v.at[j]],
                                    add=True)
                    if j + 2 < RING:
                        pltpu.async_copy(h_hbm.at[src_v.at[j + 2]], rows[b],
                                         sems[b])

        @pl.when(c == 0)
        def _():
            ring_loop(s * CPW0, CPW0)

        @pl.when(c == 1)
        def _():
            ring_loop(NS * CPW0 + s * CPW1, CPW1)

        plsc.subcore_barrier()
        pltpu.sync_copy(agg_sh.at[pl.ds(base, rpt)],
                        out_hbm.at[c, pl.ds(base, rpt)])

    return k(h, src3, dst3, zeros)


def _mask_body(x_ref, wm1_ref, wm2_ref, mask_ref):
    hid = jnp.maximum(
        jnp.dot(x_ref[...], wm1_ref[...], preferred_element_type=jnp.float32,
                 precision=lax.Precision.HIGHEST),
        0.0)
    logits = jnp.dot(hid, wm2_ref[...], preferred_element_type=jnp.float32,
                 precision=lax.Precision.HIGHEST)
    m = logits - jnp.max(logits, axis=-1, keepdims=True)
    e = jnp.exp(m)
    mask_ref[...] = e / jnp.sum(e, axis=-1, keepdims=True)


RB = 2000
NB = N // RB


def _pre_body(h_ref, p0_ref, p1_ref, mask_ref, ws_ref, wc_ref, pre_ref,
              stats_ref):
    agg = p0_ref[...] + p1_ref[...]
    pre = jnp.dot(h_ref[...], ws_ref[...], preferred_element_type=jnp.float32,
                  precision=lax.Precision.HIGHEST)
    for k in range(K):
        bk = jnp.dot(agg, wc_ref[k], preferred_element_type=jnp.float32,
                     precision=lax.Precision.HIGHEST)
        pre = pre + mask_ref[:, k:k + 1] * bk
    pre_ref[...] = pre
    i = pl.program_id(0)

    @pl.when(i == 0)
    def _():
        stats_ref[...] = jnp.zeros_like(stats_ref)

    stats_ref[0:1, :] += jnp.sum(pre, axis=0, keepdims=True)
    stats_ref[1:2, :] += jnp.sum(pre * pre, axis=0, keepdims=True)


def _norm_body(pre_ref, stats_ref, gb_ref, out_ref):
    mu = stats_ref[0:1, :] * (1.0 / N)
    var = stats_ref[1:2, :] * (1.0 / N) - mu * mu
    inv = lax.rsqrt(var + 1e-5)
    out_ref[...] = jnp.maximum(
        (pre_ref[...] - mu) * inv * gb_ref[0:1, :] + gb_ref[1:2, :], 0.0)


def kernel(x, edge_index, Wm1, Wm2, Ws, Wc, gamma, beta, eps, cur_layer):
    del cur_layer
    src = edge_index[0]
    dst = edge_index[1]
    pad = EDGES_PAD - E
    src3 = jnp.concatenate([src, jnp.zeros((pad,), jnp.int32)]) \
        .reshape(NCHUNKS, CHUNK)
    pad_dst = N + (jnp.arange(pad, dtype=jnp.int32) % (ROWS_PAD - N))
    dst3 = jnp.concatenate([dst, pad_dst]).reshape(NCHUNKS, CHUNK)
    zeros = jnp.zeros((ROWS_PAD, D), jnp.float32)

    mask = pl.pallas_call(
        _mask_body,
        out_shape=jax.ShapeDtypeStruct((N, K), jnp.float32),
    )(x, Wm1, Wm2)

    ws_eff = Ws * (1.0 + eps)[:, None, None]
    row_blk = pl.BlockSpec((RB, D), lambda i: (i, 0))
    mask_blk = pl.BlockSpec((RB, K), lambda i: (i, 0))
    full = lambda shp: pl.BlockSpec(shp, lambda i: tuple(0 for _ in shp))
    pre_call = pl.pallas_call(
        _pre_body,
        grid=(NB,),
        in_specs=[row_blk, row_blk, row_blk, mask_blk,
                  full((D, D)), full((K, D, D))],
        out_specs=[row_blk, full((8, D))],
        out_shape=[jax.ShapeDtypeStruct((N, D), jnp.float32),
                   jax.ShapeDtypeStruct((8, D), jnp.float32)],
    )
    norm_call = pl.pallas_call(
        _norm_body,
        grid=(NB,),
        in_specs=[row_blk, full((8, D)), full((2, D))],
        out_specs=row_blk,
        out_shape=jax.ShapeDtypeStruct((N, D), jnp.float32),
    )

    h = x
    for l in range(L):
        parts = _sc_segment_sum(h, src3, dst3, zeros)[:, :N]
        gb = jnp.stack([gamma[l], beta[l]])
        pre, stats = pre_call(h, parts[0], parts[1], mask, ws_eff[l], Wc[l])
        h = norm_call(pre, stats, gb)
    return h

# --- scband reference (transcript-rebuilt; emitter-appended) ---
"""Pipeline reference for scband-subgraph-heat-conv-block-56762287784072 (READ-ONLY COPY).

The authoritative reference and input builder live on the scoring server;
editing this copy changes nothing except your own understanding.
"""

import jax, jax.numpy as jnp
import numpy as np

N_NODES = 10000
N_EDGES = 320000
D = 128
K_CLUSTERS = 4
N_LAYERS = 3


def setup_inputs(seed: int = 0) -> dict:
    key = jax.random.key(seed)
    ks = jax.random.split(key, 10)
    x = jax.random.normal(ks[0], (N_NODES, D), dtype=jnp.float32)
    edge_index = jax.random.randint(ks[1], (2, N_EDGES), 0, N_NODES, dtype=jnp.int32)
    # mask encoder params (SUNMaskEncoder simplified: GNN/MLP -> cluster soft-assignments)
    Wm1 = jax.random.normal(ks[2], (D, D), dtype=jnp.float32) * 0.05
    Wm2 = jax.random.normal(ks[3], (D, K_CLUSTERS), dtype=jnp.float32) * 0.05
    # HeatConvLayer params: per-layer self weight, per-cluster message weights, BN affine, train_eps
    Ws = jax.random.normal(ks[4], (N_LAYERS, D, D), dtype=jnp.float32) * 0.05
    Wc = jax.random.normal(ks[5], (N_LAYERS, K_CLUSTERS, D, D), dtype=jnp.float32) * 0.05
    gamma = jnp.ones((N_LAYERS, D), dtype=jnp.float32)
    beta = jnp.zeros((N_LAYERS, D), dtype=jnp.float32)
    eps = jnp.zeros((N_LAYERS,), dtype=jnp.float32)
    return {"x": x, "edge_index": edge_index, "Wm1": Wm1, "Wm2": Wm2,
            "Ws": Ws, "Wc": Wc, "gamma": gamma, "beta": beta, "eps": eps,
            "cur_layer": 0}


def reference(x, edge_index, Wm1, Wm2, Ws, Wc, gamma, beta, eps, cur_layer):
    src = edge_index[0]
    dst = edge_index[1]
    n = x.shape[0]
    # mask encoder: soft cluster assignment per node
    mask = jax.nn.softmax(jax.nn.relu(x @ Wm1) @ Wm2, axis=-1)  # [N, K]
    h = x
    for l in range(N_LAYERS):
        # GIN-style neighbor aggregation (scatter-add over edges)
        msgs = jnp.take(h, src, axis=0)                      # gather [E, D]
        agg = jnp.zeros((n, h.shape[1]), dtype=h.dtype).at[dst].add(msgs)
        # heat/cluster-conditioned transform of aggregated messages
        clustered = jnp.einsum('nk,nd,kdo->no', mask, agg, Wc[l])
        pre = (1.0 + eps[l]) * (h @ Ws[l]) + clustered
        # BatchNorm1d (training-mode batch statistics over nodes)
        mu = pre.mean(axis=0)
        var = pre.var(axis=0)
        pre = (pre - mu) / jnp.sqrt(var + 1e-5) * gamma[l] + beta[l]
        h = jax.nn.relu(pre)
    return h

if __name__ == "__main__":
    import jax
    _d = setup_inputs()
    print(jax.jit(kernel)(*tuple(_d.values())))

</pallas_src>

<mosaic_0001>
#map = affine_map<(d0, d1) -> (0, 0)>
#map1 = affine_map<(d0, d1) -> (0, 0, 0)>
module attributes {stable_mosaic.version = 14 : i64} {
  func.func @k(%arg0: i32, %arg1: i32, %arg2: memref<10000x128xf32, #tpu.memory_space<hbm>>, %arg3: memref<2560x128xi32, #tpu.memory_space<hbm>>, %arg4: memref<2560x128xi32, #tpu.memory_space<hbm>>, %arg5: memref<10240x128xf32, #tpu.memory_space<hbm>>, %arg6: memref<2x10240x128xf32, #tpu.memory_space<hbm>>, %arg7: memref<8x128xi32, #tpu.memory_space<vmem>>, %arg8: memref<8x128xi32, #tpu.memory_space<vmem>>, %arg9: memref<128x128xf32, #tpu.memory_space<vmem>>, %arg10: memref<128x128xf32, #tpu.memory_space<vmem>>, %arg11: memref<10240x128xf32, #tpu.memory_space<vmem_shared>>, %arg12: memref<!tpu.dma_semaphore, #tpu.memory_space<semaphore_mem>>, %arg13: memref<!tpu.dma_semaphore, #tpu.memory_space<semaphore_mem>>) attributes {dimension_semantics = [#tpu.dimension_semantics<core_parallel>, #tpu.dimension_semantics<subcore_parallel>], iteration_bounds = array<i64: 2, 16>, scalar_prefetch = 0 : i64, scratch_operands = 7 : i64, tpu.core_type = #tpu.core_type<sc_vector_subcore>, window_params = [{transform_indices = #map}, {transform_indices = #map}, {transform_indices = #map}, {transform_indices = #map}, {transform_indices = #map1}]} {
    %mul3A = arith.constant 640 : i32
    %mul3A_0 = arith.muli %arg1, %mul3A : i32
    %multiple_of3A = tpu.assume_multiple %mul3A_0, 8 : i32
    "tpu.region"() ({
      %run_scoped3A = tpu.sem_alloc : memref<!tpu.dma_semaphore, #tpu.memory_space<semaphore_mem>>
      %dma_start3A = arith.constant 0 : i32
      %dma_start3A_9 = tpu.memref_slice %arg11[%multiple_of3A, %dma_start3A] : memref<10240x128xf32, #tpu.memory_space<vmem_shared>> -> memref<640x128xf32, #tpu.memory_space<vmem_shared>>
      %dma_start3A_10 = arith.constant 0 : i32
      %dma_start3A_11 = tpu.memref_slice %arg5[%multiple_of3A, %dma_start3A_10] : memref<10240x128xf32, #tpu.memory_space<hbm>> -> memref<640x128xf32, #tpu.memory_space<hbm>>
      tpu.enqueue_dma source(%dma_start3A_11 : memref<640x128xf32, #tpu.memory_space<hbm>>) target(%dma_start3A_9 : memref<640x128xf32, #tpu.memory_space<vmem_shared>>) target_semaphore(%run_scoped3A : memref<!tpu.dma_semaphore, #tpu.memory_space<semaphore_mem>>)
      %dma_wait3A = arith.constant 0 : i32
      %dma_wait3A_12 = tpu.memref_slice %arg11[%multiple_of3A, %dma_wait3A] : memref<10240x128xf32, #tpu.memory_space<vmem_shared>> -> memref<640x128xf32, #tpu.memory_space<vmem_shared>>
      %dma_wait3A_13 = arith.constant 0 : i32
      %dma_wait3A_14 = tpu.memref_slice %arg5[%multiple_of3A, %dma_wait3A_13] : memref<10240x128xf32, #tpu.memory_space<hbm>> -> memref<640x128xf32, #tpu.memory_space<hbm>>
      tpu.wait_dma2 semaphore(%run_scoped3A : memref<!tpu.dma_semaphore, #tpu.memory_space<semaphore_mem>>) src(%dma_wait3A_14 : memref<640x128xf32, #tpu.memory_space<hbm>>) dst(%dma_wait3A_12 : memref<640x128xf32, #tpu.memory_space<vmem_shared>>)
      tpu.yield
    }) : () -> ()
    %barrier3A = arith.constant 0 : index
    tpu.barrier barrier_id(%barrier3A)
    %eq3A = arith.constant 0 : i32
    %eq3A_1 = arith.cmpi eq, %arg0, %eq3A : i32
    %convert_element_type3A = arith.extui %eq3A_1 : i1 to i32
    %cond3A = arith.constant 0 : i32
    %cond3A_2 = arith.cmpi ne, %convert_element_type3A, %cond3A : i32
    scf.if %cond3A_2 {
      %mul3A_9 = arith.constant 120 : i32
      %mul3A_10 = arith.muli %arg1, %mul3A_9 : i32
      %scan3A = arith.constant 0 : i32
      %scan3A_11 = arith.constant 15 : i32
      %scan3A_12 = arith.addi %scan3A, %scan3A_11 : i32
      %scan3A_13 = arith.constant 1 : i32
      scf.for %scan3A_15 = %scan3A to %scan3A_12 step %scan3A_13  : i32 {
        %mul3A_16 = arith.constant 8 : i32
        %mul3A_17 = arith.muli %scan3A_15, %mul3A_16 : i32
        %add3A = arith.constant 0 : i32
        %add3A_18 = arith.addi %add3A, %mul3A_17 : i32
        %add3A_19 = arith.addi %mul3A_10, %add3A_18 : i32
        %multiple_of3A_20 = tpu.assume_multiple %add3A_19, 8 : i32
        "tpu.region"() ({
          %run_scoped3A_138 = tpu.sem_alloc : memref<!tpu.dma_semaphore, #tpu.memory_space<semaphore_mem>>
          %dma_start3A_139 = arith.constant 0 : i32
          %dma_start3A_140 = tpu.memref_slice %arg3[%multiple_of3A_20, %dma_start3A_139] : memref<2560x128xi32, #tpu.memory_space<hbm>> -> memref<8x128xi32, #tpu.memory_space<hbm>>
          %dma_start3A_141 = arith.constant 0 : i32
          %dma_start3A_142 = tpu.memref_slice %arg3[%multiple_of3A_20, %dma_start3A_141] : memref<2560x128xi32, #tpu.memory_space<hbm>> -> memref<8x128xi32, #tpu.memory_space<hbm>>
          tpu.enqueue_dma source(%dma_start3A_142 : memref<8x128xi32, #tpu.memory_space<hbm>>) target(%arg7 : memref<8x128xi32, #tpu.memory_space<vmem>>) target_semaphore(%run_scoped3A_138 : memref<!tpu.dma_semaphore, #tpu.memory_space<semaphore_mem>>)
          %dma_wait3A_143 = arith.constant 0 : i32
          %dma_wait3A_144 = tpu.memref_slice %arg3[%multiple_of3A_20, %dma_wait3A_143] : memref<2560x128xi32, #tpu.memory_space<hbm>> -> memref<8x128xi32, #tpu.memory_space<hbm>>
          %dma_wait3A_145 = arith.constant 0 : i32
          %dma_wait3A_146 = tpu.memref_slice %arg3[%multiple_of3A_20, %dma_wait3A_145] : memref<2560x128xi32, #tpu.memory_space<hbm>> -> memref<8x128xi32, #tpu.memory_space<hbm>>
          tpu.wait_dma2 semaphore(%run_scoped3A_138 : memref<!tpu.dma_semaphore, #tpu.memory_space<semaphore_mem>>) src(%dma_wait3A_146 : memref<8x128xi32, #tpu.memory_space<hbm>>) dst(%arg7 : memref<8x128xi32, #tpu.memory_space<vmem>>)
          tpu.yield
        }) : () -> ()
        "tpu.region"() ({
          %run_scoped3A_138 = tpu.sem_alloc : memref<!tpu.dma_semaphore, #tpu.memory_space<semaphore_mem>>
          %dma_start3A_139 = arith.constant 0 : i32
          %dma_start3A_140 = tpu.memref_slice %arg4[%multiple_of3A_20, %dma_start3A_139] : memref<2560x128xi32, #tpu.memory_space<hbm>> -> memref<8x128xi32, #tpu.memory_space<hbm>>
          %dma_start3A_141 = arith.constant 0 : i32
          %dma_start3A_142 = tpu.memref_slice %arg4[%multiple_of3A_20, %dma_start3A_141] : memref<2560x128xi32, #tpu.memory_space<hbm>> -> memref<8x128xi32, #tpu.memory_space<hbm>>
          tpu.enqueue_dma source(%dma_start3A_142 : memref<8x128xi32, #tpu.memory_space<hbm>>) target(%arg8 : memref<8x128xi32, #tpu.memory_space<vmem>>) target_semaphore(%run_scoped3A_138 : memref<!tpu.dma_semaphore, #tpu.memory_space<semaphore_mem>>)
          %dma_wait3A_143 = arith.constant 0 : i32
          %dma_wait3A_144 = tpu.memref_slice %arg4[%multiple_of3A_20, %dma_wait3A_143] : memref<2560x128xi32, #tpu.memory_space<hbm>> -> memref<8x128xi32, #tpu.memory_space<hbm>>
          %dma_wait3A_145 = arith.constant 0 : i32
          %dma_wait3A_146 = tpu.memref_slice %arg4[%multiple_of3A_20, %dma_wait3A_145] : memref<2560x128xi32, #tpu.memory_space<hbm>> -> memref<8x128xi32, #tpu.memory_space<hbm>>
          tpu.wait_dma2 semaphore(%run_scoped3A_138 : memref<!tpu.dma_semaphore, #tpu.memory_space<semaphore_mem>>) src(%dma_wait3A_146 : memref<8x128xi32, #tpu.memory_space<hbm>>) dst(%arg8 : memref<8x128xi32, #tpu.memory_space<vmem>>)
          tpu.yield
        }) : () -> ()
        %dma_start3A = arith.constant 0 : i32
        %dma_start3A_21 = arith.constant 0 : i32
        %dma_start3A_22 = tpu.memref_slice %arg7[%dma_start3A, %dma_start3A_21] : memref<8x128xi32, #tpu.memory_space<vmem>> -> memref<1x128xi32, #tpu.memory_space<vmem>>
        %dma_start3A_23 = tpu.memref_squeeze %dma_start3A_22 : memref<1x128xi32, #tpu.memory_space<vmem>> -> memref<128xi32, #tpu.memory_space<vmem>>
        %dma_start3A_24 = arith.constant 0 : i32
        %dma_start3A_25 = arith.constant 0 : i32
        %dma_start3A_26 = tpu.memref_slice %arg2[%dma_start3A_24, %dma_start3A_25] : memref<10000x128xf32, #tpu.memory_space<hbm>> -> memref<10000x128xf32, #tpu.memory_space<hbm>>
        tpu.enqueue_indirect_dma source(%dma_start3A_26 : memref<10000x128xf32, #tpu.memory_space<hbm>>) target(%arg9 : memref<128x128xf32, #tpu.memory_space<vmem>>) offsets(%dma_start3A_23 : memref<128xi32, #tpu.memory_space<vmem>>) semaphore(%arg12 : memref<!tpu.dma_semaphore, #tpu.memory_space<semaphore_mem>>)
        %dma_start3A_27 = arith.constant 1 : i32
        %dma_start3A_28 = arith.constant 0 : i32
        %dma_start3A_29 = tpu.memref_slice %arg7[%dma_start3A_27, %dma_start3A_28] : memref<8x128xi32, #tpu.memory_space<vmem>> -> memref<1x128xi32, #tpu.memory_space<vmem>>
        %dma_start3A_30 = tpu.memref_squeeze %dma_start3A_29 : memref<1x128xi32, #tpu.memory_space<vmem>> -> memref<128xi32, #tpu.memory_space<vmem>>
        %dma_start3A_31 = arith.constant 0 : i32
        %dma_start3A_32 = arith.constant 0 : i32
        %dma_start3A_33 = tpu.memref_slice %arg2[%dma_start3A_31, %dma_start3A_32] : memref<10000x128xf32, #tpu.memory_space<hbm>> -> memref<10000x128xf32, #tpu.memory_space<hbm>>
        tpu.enqueue_indirect_dma source(%dma_start3A_33 : memref<10000x128xf32, #tpu.memory_space<hbm>>) target(%arg10 : memref<128x128xf32, #tpu.memory_space<vmem>>) offsets(%dma_start3A_30 : memref<128xi32, #tpu.memory_space<vmem>>) semaphore(%arg13 : memref<!tpu.dma_semaphore, #tpu.memory_space<semaphore_mem>>)
        %dma_wait3A = arith.constant 0 : i32
        %dma_wait3A_34 = arith.constant 0 : i32
        %dma_wait3A_35 = tpu.memref_slice %arg7[%dma_wait3A, %dma_wait3A_34] : memref<8x128xi32, #tpu.memory_space<vmem>> -> memref<1x128xi32, #tpu.memory_space<vmem>>
        %dma_wait3A_36 = tpu.memref_squeeze %dma_wait3A_35 : memref<1x128xi32, #tpu.memory_space<vmem>> -> memref<128xi32, #tpu.memory_space<vmem>>
        %dma_wait3A_37 = arith.constant 0 : i32
        %dma_wait3A_38 = arith.constant 0 : i32
        %dma_wait3A_39 = tpu.memref_slice %arg2[%dma_wait3A_37, %dma_wait3A_38] : memref<10000x128xf32, #tpu.memory_space<hbm>> -> memref<10000x128xf32, #tpu.memory_space<hbm>>
        tpu.wait_indirect_dma semaphore(%arg12 : memref<!tpu.dma_semaphore, #tpu.memory_space<semaphore_mem>>) src(%dma_wait3A_39 : memref<10000x128xf32, #tpu.memory_space<hbm>>) dst(%arg9 : memref<128x128xf32, #tpu.memory_space<vmem>>)
        %run_scoped3A = arith.constant 0 : i32
        "tpu.region"() ({
          %run_scoped3A_138 = tpu.sem_alloc : memref<!tpu.dma_semaphore, #tpu.memory_space<semaphore_mem>>
          %dma_start3A_139 = arith.constant 0 : i32
          %dma_start3A_140 = tpu.memref_slice %arg8[%run_scoped3A, %dma_start3A_139] : memref<8x128xi32, #tpu.memory_space<vmem>> -> memref<1x128xi32, #tpu.memory_space<vmem>>
          %dma_start3A_141 = tpu.memref_squeeze %dma_start3A_140 : memref<1x128xi32, #tpu.memory_space<vmem>> -> memref<128xi32, #tpu.memory_space<vmem>>
          %dma_start3A_142 = arith.constant 0 : i32
          %dma_start3A_143 = arith.constant 0 : i32
          %dma_start3A_144 = tpu.memref_slice %arg11[%dma_start3A_142, %dma_start3A_143] : memref<10240x128xf32, #tpu.memory_space<vmem_shared>> -> memref<10240x128xf32, #tpu.memory_space<vmem_shared>>
          tpu.enqueue_indirect_dma source(%arg9 : memref<128x128xf32, #tpu.memory_space<vmem>>) target(%dma_start3A_144 : memref<10240x128xf32, #tpu.memory_space<vmem_shared>>) offsets(%dma_start3A_141 : memref<128xi32, #tpu.memory_space<vmem>>) semaphore(%run_scoped3A_138 : memref<!tpu.dma_semaphore, #tpu.memory_space<semaphore_mem>>) {add = true}
          %dma_wait3A_145 = arith.constant 0 : i32
          %dma_wait3A_146 = tpu.memref_slice %arg8[%run_scoped3A, %dma_wait3A_145] : memref<8x128xi32, #tpu.memory_space<vmem>> -> memref<1x128xi32, #tpu.memory_space<vmem>>
          %dma_wait3A_147 = tpu.memref_squeeze %dma_wait3A_146 : memref<1x128xi32, #tpu.memory_space<vmem>> -> memref<128xi32, #tpu.memory_space<vmem>>
          %dma_wait3A_148 = arith.constant 0 : i32
          %dma_wait3A_149 = arith.constant 0 : i32
          %dma_wait3A_150 = tpu.memref_slice %arg11[%dma_wait3A_148, %dma_wait3A_149] : memref<10240x128xf32, #tpu.memory_space<vmem_shared>> -> memref<10240x128xf32, #tpu.memory_space<vmem_shared>>
          tpu.wait_indirect_dma semaphore(%run_scoped3A_138 : memref<!tpu.dma_semaphore, #tpu.memory_space<semaphore_mem>>) src(%arg9 : memref<128x128xf32, #tpu.memory_space<vmem>>) dst(%dma_wait3A_150 : memref<10240x128xf32, #tpu.memory_space<vmem_shared>>)
          tpu.yield
        }) : () -> ()
        %dma_start3A_40 = arith.constant 2 : i32
        %dma_start3A_41 = arith.constant 0 : i32
        %dma_start3A_42 = tpu.memref_slice %arg7[%dma_start3A_40, %dma_start3A_41] : memref<8x128xi32, #tpu.memory_space<vmem>> -> memref<1x128xi32, #tpu.memory_space<vmem>>
        %dma_start3A_43 = tpu.memref_squeeze %dma_start3A_42 : memref<1x128xi32, #tpu.memory_space<vmem>> -> memref<128xi32, #tpu.memory_space<vmem>>
        %dma_start3A_44 = arith.constant 0 : i32
        %dma_start3A_45 = arith.constant 0 : i32
        %dma_start3A_46 = tpu.memref_slice %arg2[%dma_start3A_44, %dma_start3A_45] : memref<10000x128xf32, #tpu.memory_space<hbm>> -> memref<10000x128xf32, #tpu.memory_space<hbm>>
        tpu.enqueue_indirect_dma source(%dma_start3A_46 : memref<10000x128xf32, #tpu.memory_space<hbm>>) target(%arg9 : memref<128x128xf32, #tpu.memory_space<vmem>>) offsets(%dma_start3A_43 : memref<128xi32, #tpu.memory_space<vmem>>) semaphore(%arg12 : memref<!tpu.dma_semaphore, #tpu.memory_space<semaphore_mem>>)
        %dma_wait3A_47 = arith.constant 1 : i32
        %dma_wait3A_48 = arith.constant 0 : i32
        %dma_wait3A_49 = tpu.memref_slice %arg7[%dma_wait3A_47, %dma_wait3A_48] : memref<8x128xi32, #tpu.memory_space<vmem>> -> memref<1x128xi32, #tpu.memory_space<vmem>>
        %dma_wait3A_50 = tpu.memref_squeeze %dma_wait3A_49 : memref<1x128xi32, #tpu.memory_space<vmem>> -> memref<128xi32, #tpu.memory_space<vmem>>
        %dma_wait3A_51 = arith.constant 0 : i32
        %dma_wait3A_52 = arith.constant 0 : i32
        %dma_wait3A_53 = tpu.memref_slice %arg2[%dma_wait3A_51, %dma_wait3A_52] : memref<10000x128xf32, #tpu.memory_space<hbm>> -> memref<10000x128xf32, #tpu.memory_space<hbm>>
        tpu.wait_indirect_dma semaphore(%arg13 : memref<!tpu.dma_semaphore, #tpu.memory_space<semaphore_mem>>) src(%dma_wait3A_53 : memref<10000x128xf32, #tpu.memory_space<hbm>>) dst(%arg10 : memref<128x128xf32, #tpu.memory_space<vmem>>)
        %run_scoped3A_54 = arith.constant 1 : i32
        "tpu.region"() ({
          %run_scoped3A_138 = tpu.sem_alloc : memref<!tpu.dma_semaphore, #tpu.memory_space<semaphore_mem>>
          %dma_start3A_139 = arith.constant 0 : i32
          %dma_start3A_140 = tpu.memref_slice %arg8[%run_scoped3A_54, %dma_start3A_139] : memref<8x128xi32, #tpu.memory_space<vmem>> -> memref<1x128xi32, #tpu.memory_space<vmem>>
          %dma_start3A_141 = tpu.memref_squeeze %dma_start3A_140 : memref<1x128xi32, #tpu.memory_space<vmem>> -> memref<128xi32, #tpu.memory_space<vmem>>
          %dma_start3A_142 = arith.constant 0 : i32
          %dma_start3A_143 = arith.constant 0 : i32
          %dma_start3A_144 = tpu.memref_slice %arg11[%dma_start3A_142, %dma_start3A_143] : memref<10240x128xf32, #tpu.memory_space<vmem_shared>> -> memref<10240x128xf32, #tpu.memory_space<vmem_shared>>
          tpu.enqueue_indirect_dma source(%arg10 : memref<128x128xf32, #tpu.memory_space<vmem>>) target(%dma_start3A_144 : memref<10240x128xf32, #tpu.memory_space<vmem_shared>>) offsets(%dma_start3A_141 : memref<128xi32, #tpu.memory_space<vmem>>) semaphore(%run_scoped3A_138 : memref<!tpu.dma_semaphore, #tpu.memory_space<semaphore_mem>>) {add = true}
          %dma_wait3A_145 = arith.constant 0 : i32
          %dma_wait3A_146 = tpu.memref_slice %arg8[%run_scoped3A_54, %dma_wait3A_145] : memref<8x128xi32, #tpu.memory_space<vmem>> -> memref<1x128xi32, #tpu.memory_space<vmem>>
          %dma_wait3A_147 = tpu.memref_squeeze %dma_wait3A_146 : memref<1x128xi32, #tpu.memory_space<vmem>> -> memref<128xi32, #tpu.memory_space<vmem>>
          %dma_wait3A_148 = arith.constant 0 : i32
          %dma_wait3A_149 = arith.constant 0 : i32
          %dma_wait3A_150 = tpu.memref_slice %arg11[%dma_wait3A_148, %dma_wait3A_149] : memref<10240x128xf32, #tpu.memory_space<vmem_shared>> -> memref<10240x128xf32, #tpu.memory_space<vmem_shared>>
          tpu.wait_indirect_dma semaphore(%run_scoped3A_138 : memref<!tpu.dma_semaphore, #tpu.memory_space<semaphore_mem>>) src(%arg10 : memref<128x128xf32, #tpu.memory_space<vmem>>) dst(%dma_wait3A_150 : memref<10240x128xf32, #tpu.memory_space<vmem_shared>>)
          tpu.yield
        }) : () -> ()
        %dma_start3A_55 = arith.constant 3 : i32
        %dma_start3A_56 = arith.constant 0 : i32
        %dma_start3A_57 = tpu.memref_slice %arg7[%dma_start3A_55, %dma_start3A_56] : memref<8x128xi32, #tpu.memory_space<vmem>> -> memref<1x128xi32, #tpu.memory_space<vmem>>
        %dma_start3A_58 = tpu.memref_squeeze %dma_start3A_57 : memref<1x128xi32, #tpu.memory_space<vmem>> -> memref<128xi32, #tpu.memory_space<vmem>>
        %dma_start3A_59 = arith.constant 0 : i32
        %dma_start3A_60 = arith.constant 0 : i32
        %dma_start3A_61 = tpu.memref_slice %arg2[%dma_start3A_59, %dma_start3A_60] : memref<10000x128xf32, #tpu.memory_space<hbm>> -> memref<10000x128xf32, #tpu.memory_space<hbm>>
        tpu.enqueue_indirect_dma source(%dma_start3A_61 : memref<10000x128xf32, #tpu.memory_space<hbm>>) target(%arg10 : memref<128x128xf32, #tpu.memory_space<vmem>>) offsets(%dma_start3A_58 : memref<128xi32, #tpu.memory_space<vmem>>) semaphore(%arg13 : memref<!tpu.dma_semaphore, #tpu.memory_space<semaphore_mem>>)
        %dma_wait3A_62 = arith.constant 2 : i32
        %dma_wait3A_63 = arith.constant 0 : i32
        %dma_wait3A_64 = tpu.memref_slice %arg7[%dma_wait3A_62, %dma_wait3A_63] : memref<8x128xi32, #tpu.memory_space<vmem>> -> memref<1x128xi32, #tpu.memory_space<vmem>>
        %dma_wait3A_65 = tpu.memref_squeeze %dma_wait3A_64 : memref<1x128xi32, #tpu.memory_space<vmem>> -> memref<128xi32, #tpu.memory_space<vmem>>
        %dma_wait3A_66 = arith.constant 0 : i32
        %dma_wait3A_67 = arith.constant 0 : i32
        %dma_wait3A_68 = tpu.memref_slice %arg2[%dma_wait3A_66, %dma_wait3A_67] : memref<10000x128xf32, #tpu.memory_space<hbm>> -> memref<10000x128xf32, #tpu.memory_space<hbm>>
        tpu.wait_indirect_dma semaphore(%arg12 : memref<!tpu.dma_semaphore, #tpu.memory_space<semaphore_mem>>) src(%dma_wait3A_68 : memref<10000x128xf32, #tpu.memory_space<hbm>>) dst(%arg9 : memref<128x128xf32, #tpu.memory_space<vmem>>)
        %run_scoped3A_69 = arith.constant 2 : i32
        "tpu.region"() ({
          %run_scoped3A_138 = tpu.sem_alloc : memref<!tpu.dma_semaphore, #tpu.memory_space<semaphore_mem>>
          %dma_start3A_139 = arith.constant 0 : i32
          %dma_start3A_140 = tpu.memref_slice %arg8[%run_scoped3A_69, %dma_start3A_139] : memref<8x128xi32, #tpu.memory_space<vmem>> -> memref<1x128xi32, #tpu.memory_space<vmem>>
          %dma_start3A_141 = tpu.memref_squeeze %dma_start3A_140 : memref<1x128xi32, #tpu.memory_space<vmem>> -> memref<128xi32, #tpu.memory_space<vmem>>
          %dma_start3A_142 = arith.constant 0 : i32
          %dma_start3A_143 = arith.constant 0 : i32
          %dma_start3A_144 = tpu.memref_slice %arg11[%dma_start3A_142, %dma_start3A_143] : memref<10240x128xf32, #tpu.memory_space<vmem_shared>> -> memref<10240x128xf32, #tpu.memory_space<vmem_shared>>
          tpu.enqueue_indirect_dma source(%arg9 : memref<128x128xf32, #tpu.memory_space<vmem>>) target(%dma_start3A_144 : memref<10240x128xf32, #tpu.memory_space<vmem_shared>>) offsets(%dma_start3A_141 : memref<128xi32, #tpu.memory_space<vmem>>) semaphore(%run_scoped3A_138 : memref<!tpu.dma_semaphore, #tpu.memory_space<semaphore_mem>>) {add = true}
          %dma_wait3A_145 = arith.constant 0 : i32
          %dma_wait3A_146 = tpu.memref_slice %arg8[%run_scoped3A_69, %dma_wait3A_145] : memref<8x128xi32, #tpu.memory_space<vmem>> -> memref<1x128xi32, #tpu.memory_space<vmem>>
          %dma_wait3A_147 = tpu.memref_squeeze %dma_wait3A_146 : memref<1x128xi32, #tpu.memory_space<vmem>> -> memref<128xi32, #tpu.memory_space<vmem>>
          %dma_wait3A_148 = arith.constant 0 : i32
          %dma_wait3A_149 = arith.constant 0 : i32
          %dma_wait3A_150 = tpu.memref_slice %arg11[%dma_wait3A_148, %dma_wait3A_149] : memref<10240x128xf32, #tpu.memory_space<vmem_shared>> -> memref<10240x128xf32, #tpu.memory_space<vmem_shared>>
          tpu.wait_indirect_dma semaphore(%run_scoped3A_138 : memref<!tpu.dma_semaphore, #tpu.memory_space<semaphore_mem>>) src(%arg9 : memref<128x128xf32, #tpu.memory_space<vmem>>) dst(%dma_wait3A_150 : memref<10240x128xf32, #tpu.memory_space<vmem_shared>>)
          tpu.yield
        }) : () -> ()
        %dma_start3A_70 = arith.constant 4 : i32
        %dma_start3A_71 = arith.constant 0 : i32
        %dma_start3A_72 = tpu.memref_slice %arg7[%dma_start3A_70, %dma_start3A_71] : memref<8x128xi32, #tpu.memory_space<vmem>> -> memref<1x128xi32, #tpu.memory_space<vmem>>
        %dma_start3A_73 = tpu.memref_squeeze %dma_start3A_72 : memref<1x128xi32, #tpu.memory_space<vmem>> -> memref<128xi32, #tpu.memory_space<vmem>>
        %dma_start3A_74 = arith.constant 0 : i32
        %dma_start3A_75 = arith.constant 0 : i32
        %dma_start3A_76 = tpu.memref_slice %arg2[%dma_start3A_74, %dma_start3A_75] : memref<10000x128xf32, #tpu.memory_space<hbm>> -> memref<10000x128xf32, #tpu.memory_space<hbm>>
        tpu.enqueue_indirect_dma source(%dma_start3A_76 : memref<10000x128xf32, #tpu.memory_space<hbm>>) target(%arg9 : memref<128x128xf32, #tpu.memory_space<vmem>>) offsets(%dma_start3A_73 : memref<128xi32, #tpu.memory_space<vmem>>) semaphore(%arg12 : memref<!tpu.dma_semaphore, #tpu.memory_space<semaphore_mem>>)
        %dma_wait3A_77 = arith.constant 3 : i32
        %dma_wait3A_78 = arith.constant 0 : i32
        %dma_wait3A_79 = tpu.memref_slice %arg7[%dma_wait3A_77, %dma_wait3A_78] : memref<8x128xi32, #tpu.memory_space<vmem>> -> memref<1x128xi32, #tpu.memory_space<vmem>>
        %dma_wait3A_80 = tpu.memref_squeeze %dma_wait3A_79 : memref<1x128xi32, #tpu.memory_space<vmem>> -> memref<128xi32, #tpu.memory_space<vmem>>
        %dma_wait3A_81 = arith.constant 0 : i32
        %dma_wait3A_82 = arith.constant 0 : i32
        %dma_wait3A_83 = tpu.memref_slice %arg2[%dma_wait3A_81, %dma_wait3A_82] : memref<10000x128xf32, #tpu.memory_space<hbm>> -> memref<10000x128xf32, #tpu.memory_space<hbm>>
        tpu.wait_indirect_dma semaphore(%arg13 : memref<!tpu.dma_semaphore, #tpu.memory_space<semaphore_mem>>) src(%dma_wait3A_83 : memref<10000x128xf32, #tpu.memory_space<hbm>>) dst(%arg10 : memref<128x128xf32, #tpu.memory_space<vmem>>)
        %run_scoped3A_84 = arith.constant 3 : i32
        "tpu.region"() ({
          %run_scoped3A_138 = tpu.sem_alloc : memref<!tpu.dma_semaphore, #tpu.memory_space<semaphore_mem>>
          %dma_start3A_139 = arith.constant 0 : i32
          %dma_start3A_140 = tpu.memref_slice %arg8[%run_scoped3A_84, %dma_start3A_139] : memref<8x128xi32, #tpu.memory_space<vmem>> -> memref<1x128xi32, #tpu.memory_space<vmem>>
          %dma_start3A_141 = tpu.memref_squeeze %dma_start3A_140 : memref<1x128xi32, #tpu.memory_space<vmem>> -> memref<128xi32, #tpu.memory_space<vmem>>
          %dma_start3A_142 = arith.constant 0 : i32
          %dma_start3A_143 = arith.constant 0 : i32
          %dma_start3A_144 = tpu.memref_slice %arg11[%dma_start3A_142, %dma_start3A_143] : memref<10240x128xf32, #tpu.memory_space<vmem_shared>> -> memref<10240x128xf32, #tpu.memory_space<vmem_shared>>
          tpu.enqueue_indirect_dma source(%arg10 : memref<128x128xf32, #tpu.memory_space<vmem>>) target(%dma_start3A_144 : memref<10240x128xf32, #tpu.memory_space<vmem_shared>>) offsets(%dma_start3A_141 : memref<128xi32, #tpu.memory_space<vmem>>) semaphore(%run_scoped3A_138 : memref<!tpu.dma_semaphore, #tpu.memory_space<semaphore_mem>>) {add = true}
          %dma_wait3A_145 = arith.constant 0 : i32
          %dma_wait3A_146 = tpu.memref_slice %arg8[%run_scoped3A_84, %dma_wait3A_145] : memref<8x128xi32, #tpu.memory_space<vmem>> -> memref<1x128xi32, #tpu.memory_space<vmem>>
          %dma_wait3A_147 = tpu.memref_squeeze %dma_wait3A_146 : memref<1x128xi32, #tpu.memory_space<vmem>> -> memref<128xi32, #tpu.memory_space<vmem>>
          %dma_wait3A_148 = arith.constant 0 : i32
          %dma_wait3A_149 = arith.constant 0 : i32
          %dma_wait3A_150 = tpu.memref_slice %arg11[%dma_wait3A_148, %dma_wait3A_149] : memref<10240x128xf32, #tpu.memory_space<vmem_shared>> -> memref<10240x128xf32, #tpu.memory_space<vmem_shared>>
          tpu.wait_indirect_dma semaphore(%run_scoped3A_138 : memref<!tpu.dma_semaphore, #tpu.memory_space<semaphore_mem>>) src(%arg10 : memref<128x128xf32, #tpu.memory_space<vmem>>) dst(%dma_wait3A_150 : memref<10240x128xf32, #tpu.memory_space<vmem_shared>>)
          tpu.yield
        }) : () -> ()
        %dma_start3A_85 = arith.constant 5 : i32
        %dma_start3A_86 = arith.constant 0 : i32
        %dma_start3A_87 = tpu.memref_slice %arg7[%dma_start3A_85, %dma_start3A_86] : memref<8x128xi32, #tpu.memory_space<vmem>> -> memref<1x128xi32, #tpu.memory_space<vmem>>
        %dma_start3A_88 = tpu.memref_squeeze %dma_start3A_87 : memref<1x128xi32, #tpu.memory_space<vmem>> -> memref<128xi32, #tpu.memory_space<vmem>>
        %dma_start3A_89 = arith.constant 0 : i32
        %dma_start3A_90 = arith.constant 0 : i32
        %dma_start3A_91 = tpu.memref_slice %arg2[%dma_start3A_89, %dma_start3A_90] : memref<10000x128xf32, #tpu.memory_space<hbm>> -> memref<10000x128xf32, #tpu.memory_space<hbm>>
        tpu.enqueue_indirect_dma source(%dma_start3A_91 : memref<10000x128xf32, #tpu.memory_space<hbm>>) target(%arg10 : memref<128x128xf32, #tpu.memory_space<vmem>>) offsets(%dma_start3A_88 : memref<128xi32, #tpu.memory_space<vmem>>) semaphore(%arg13 : memref<!tpu.dma_semaphore, #tpu.memory_space<semaphore_mem>>)
        %dma_wait3A_92 = arith.constant 4 : i32
        %dma_wait3A_93 = arith.constant 0 : i32
        %dma_wait3A_94 = tpu.memref_slice %arg7[%dma_wait3A_92, %dma_wait3A_93] : memref<8x128xi32, #tpu.memory_space<vmem>> -> memref<1x128xi32, #tpu.memory_space<vmem>>
        %dma_wait3A_95 = tpu.memref_squeeze %dma_wait3A_94 : memref<1x128xi32, #tpu.memory_space<vmem>> -> memref<128xi32, #tpu.memory_space<vmem>>
        %dma_wait3A_96 = arith.constant 0 : i32
        %dma_wait3A_97 = arith.constant 0 : i32
        %dma_wait3A_98 = tpu.memref_slice %arg2[%dma_wait3A_96, %dma_wait3A_97] : memref<10000x128xf32, #tpu.memory_space<hbm>> -> memref<10000x128xf32, #tpu.memory_space<hbm>>
        tpu.wait_indirect_dma semaphore(%arg12 : memref<!tpu.dma_semaphore, #tpu.memory_space<semaphore_mem>>) src(%dma_wait3A_98 : memref<10000x128xf32, #tpu.memory_space<hbm>>) dst(%arg9 : memref<128x128xf32, #tpu.memory_space<vmem>>)
        %run_scoped3A_99 = arith.constant 4 : i32
        "tpu.region"() ({
          %run_scoped3A_138 = tpu.sem_alloc : memref<!tpu.dma_semaphore, #tpu.memory_space<semaphore_mem>>
          %dma_start3A_139 = arith.constant 0 : i32
          %dma_start3A_140 = tpu.memref_slice %arg8[%run_scoped3A_99, %dma_start3A_139] : memref<8x128xi32, #tpu.memory_space<vmem>> -> memref<1x128xi32, #tpu.memory_space<vmem>>
          %dma_start3A_141 = tpu.memref_squeeze %dma_start3A_140 : memref<1x128xi32, #tpu.memory_space<vmem>> -> memref<128xi32, #tpu.memory_space<vmem>>
          %dma_start3A_142 = arith.constant 0 : i32
          %dma_start3A_143 = arith.constant 0 : i32
          %dma_start3A_144 = tpu.memref_slice %arg11[%dma_start3A_142, %dma_start3A_143] : memref<10240x128xf32, #tpu.memory_space<vmem_shared>> -> memref<10240x128xf32, #tpu.memory_space<vmem_shared>>
          tpu.enqueue_indirect_dma source(%arg9 : memref<128x128xf32, #tpu.memory_space<vmem>>) target(%dma_start3A_144 : memref<10240x128xf32, #tpu.memory_space<vmem_shared>>) offsets(%dma_start3A_141 : memref<128xi32, #tpu.memory_space<vmem>>) semaphore(%run_scoped3A_138 : memref<!tpu.dma_semaphore, #tpu.memory_space<semaphore_mem>>) {add = true}
          %dma_wait3A_145 = arith.constant 0 : i32
          %dma_wait3A_146 = tpu.memref_slice %arg8[%run_scoped3A_99, %dma_wait3A_145] : memref<8x128xi32, #tpu.memory_space<vmem>> -> memref<1x128xi32, #tpu.memory_space<vmem>>
          %dma_wait3A_147 = tpu.memref_squeeze %dma_wait3A_146 : memref<1x128xi32, #tpu.memory_space<vmem>> -> memref<128xi32, #tpu.memory_space<vmem>>
          %dma_wait3A_148 = arith.constant 0 : i32
          %dma_wait3A_149 = arith.constant 0 : i32
          %dma_wait3A_150 = tpu.memref_slice %arg11[%dma_wait3A_148, %dma_wait3A_149] : memref<10240x128xf32, #tpu.memory_space<vmem_shared>> -> memref<10240x128xf32, #tpu.memory_space<vmem_shared>>
          tpu.wait_indirect_dma semaphore(%run_scoped3A_138 : memref<!tpu.dma_semaphore, #tpu.memory_space<semaphore_mem>>) src(%arg9 : memref<128x128xf32, #tpu.memory_space<vmem>>) dst(%dma_wait3A_150 : memref<10240x128xf32, #tpu.memory_space<vmem_shared>>)
          tpu.yield
        }) : () -> ()
        %dma_start3A_100 = arith.constant 6 : i32
        %dma_start3A_101 = arith.constant 0 : i32
        %dma_start3A_102 = tpu.memref_slice %arg7[%dma_start3A_100, %dma_start3A_101] : memref<8x128xi32, #tpu.memory_space<vmem>> -> memref<1x128xi32, #tpu.memory_space<vmem>>
        %dma_start3A_103 = tpu.memref_squeeze %dma_start3A_102 : memref<1x128xi32, #tpu.memory_space<vmem>> -> memref<128xi32, #tpu.memory_space<vmem>>
        %dma_start3A_104 = arith.constant 0 : i32
        %dma_start3A_105 = arith.constant 0 : i32
        %dma_start3A_106 = tpu.memref_slice %arg2[%dma_start3A_104, %dma_start3A_105] : memref<10000x128xf32, #tpu.memory_space<hbm>> -> memref<10000x128xf32, #tpu.memory_space<hbm>>
        tpu.enqueue_indirect_dma source(%dma_start3A_106 : memref<10000x128xf32, #tpu.memory_space<hbm>>) target(%arg9 : memref<128x128xf32, #tpu.memory_space<vmem>>) offsets(%dma_start3A_103 : memref<128xi32, #tpu.memory_space<vmem>>) semaphore(%arg12 : memref<!tpu.dma_semaphore, #tpu.memory_space<semaphore_mem>>)
        %dma_wait3A_107 = arith.constant 5 : i32
        %dma_wait3A_108 = arith.constant 0 : i32
        %dma_wait3A_109 = tpu.memref_slice %arg7[%dma_wait3A_107, %dma_wait3A_108] : memref<8x128xi32, #tpu.memory_space<vmem>> -> memref<1x128xi32, #tpu.memory_space<vmem>>
        %dma_wait3A_110 = tpu.memref_squeeze %dma_wait3A_109 : memref<1x128xi32, #tpu.memory_space<vmem>> -> memref<128xi32, #tpu.memory_space<vmem>>
        %dma_wait3A_111 = arith.constant 0 : i32
        %dma_wait3A_112 = arith.constant 0 : i32
        %dma_wait3A_113 = tpu.memref_slice %arg2[%dma_wait3A_111, %dma_wait3A_112] : memref<10000x128xf32, #tpu.memory_space<hbm>> -> memref<10000x128xf32, #tpu.memory_space<hbm>>
        tpu.wait_indirect_dma semaphore(%arg13 : memref<!tpu.dma_semaphore, #tpu.memory_space<semaphore_mem>>) src(%dma_wait3A_113 : memref<10000x128xf32, #tpu.memory_space<hbm>>) dst(%arg10 : memref<128x128xf32, #tpu.memory_space<vmem>>)
        %run_scoped3A_114 = arith.constant 5 : i32
        "tpu.region"() ({
          %run_scoped3A_138 = tpu.sem_alloc : memref<!tpu.dma_semaphore, #tpu.memory_space<semaphore_mem>>
          %dma_start3A_139 = arith.constant 0 : i32
          %dma_start3A_140 = tpu.memref_slice %arg8[%run_scoped3A_114, %dma_start3A_139] : memref<8x128xi32, #tpu.memory_space<vmem>> -> memref<1x128xi32, #tpu.memory_space<vmem>>
          %dma_start3A_141 = tpu.memref_squeeze %dma_start3A_140 : memref<1x128xi32, #tpu.memory_space<vmem>> -> memref<128xi32, #tpu.memory_space<vmem>>
          %dma_start3A_142 = arith.constant 0 : i32
          %dma_start3A_143 = arith.constant 0 : i32
          %dma_start3A_144 = tpu.memref_slice %arg11[%dma_start3A_142, %dma_start3A_143] : memref<10240x128xf32, #tpu.memory_space<vmem_shared>> -> memref<10240x128xf32, #tpu.memory_space<vmem_shared>>
          tpu.enqueue_indirect_dma source(%arg10 : memref<128x128xf32, #tpu.memory_space<vmem>>) target(%dma_start3A_144 : memref<10240x128xf32, #tpu.memory_space<vmem_shared>>) offsets(%dma_start3A_141 : memref<128xi32, #tpu.memory_space<vmem>>) semaphore(%run_scoped3A_138 : memref<!tpu.dma_semaphore, #tpu.memory_space<semaphore_mem>>) {add = true}
          %dma_wait3A_145 = arith.constant 0 : i32
          %dma_wait3A_146 = tpu.memref_slice %arg8[%run_scoped3A_114, %dma_wait3A_145] : memref<8x128xi32, #tpu.memory_space<vmem>> -> memref<1x128xi32, #tpu.memory_space<vmem>>
          %dma_wait3A_147 = tpu.memref_squeeze %dma_wait3A_146 : memref<1x128xi32, #tpu.memory_space<vmem>> -> memref<128xi32, #tpu.memory_space<vmem>>
          %dma_wait3A_148 = arith.constant 0 : i32
          %dma_wait3A_149 = arith.constant 0 : i32
          %dma_wait3A_150 = tpu.memref_slice %arg11[%dma_wait3A_148, %dma_wait3A_149] : memref<10240x128xf32, #tpu.memory_space<vmem_shared>> -> memref<10240x128xf32, #tpu.memory_space<vmem_shared>>
          tpu.wait_indirect_dma semaphore(%run_scoped3A_138 : memref<!tpu.dma_semaphore, #tpu.memory_space<semaphore_mem>>) src(%arg10 : memref<128x128xf32, #tpu.memory_space<vmem>>) dst(%dma_wait3A_150 : memref<10240x128xf32, #tpu.memory_space<vmem_shared>>)
          tpu.yield
        }) : () -> ()
        %dma_start3A_115 = arith.constant 7 : i32
        %dma_start3A_116 = arith.constant 0 : i32
        %dma_start3A_117 = tpu.memref_slice %arg7[%dma_start3A_115, %dma_start3A_116] : memref<8x128xi32, #tpu.memory_space<vmem>> -> memref<1x128xi32, #tpu.memory_space<vmem>>
        %dma_start3A_118 = tpu.memref_squeeze %dma_start3A_117 : memref<1x128xi32, #tpu.memory_space<vmem>> -> memref<128xi32, #tpu.memory_space<vmem>>
        %dma_start3A_119 = arith.constant 0 : i32
        %dma_start3A_120 = arith.constant 0 : i32
        %dma_start3A_121 = tpu.memref_slice %arg2[%dma_start3A_119, %dma_start3A_120] : memref<10000x128xf32, #tpu.memory_space<hbm>> -> memref<10000x128xf32, #tpu.memory_space<hbm>>
        tpu.enqueue_indirect_dma source(%dma_start3A_121 : memref<10000x128xf32, #tpu.memory_space<hbm>>) target(%arg10 : memref<128x128xf32, #tpu.memory_space<vmem>>) offsets(%dma_start3A_118 : memref<128xi32, #tpu.memory_space<vmem>>) semaphore(%arg13 : memref<!tpu.dma_semaphore, #tpu.memory_space<semaphore_mem>>)
        %dma_wait3A_122 = arith.constant 6 : i32
        %dma_wait3A_123 = arith.constant 0 : i32
        %dma_wait3A_124 = tpu.memref_slice %arg7[%dma_wait3A_122, %dma_wait3A_123] : memref<8x128xi32, #tpu.memory_space<vmem>> -> memref<1x128xi32, #tpu.memory_space<vmem>>
        %dma_wait3A_125 = tpu.memref_squeeze %dma_wait3A_124 : memref<1x128xi32, #tpu.memory_space<vmem>> -> memref<128xi32, #tpu.memory_space<vmem>>
        %dma_wait3A_126 = arith.constant 0 : i32
        %dma_wait3A_127 = arith.constant 0 : i32
        %dma_wait3A_128 = tpu.memref_slice %arg2[%dma_wait3A_126, %dma_wait3A_127] : memref<10000x128xf32, #tpu.memory_space<hbm>> -> memref<10000x128xf32, #tpu.memory_space<hbm>>
        tpu.wait_indirect_dma semaphore(%arg12 : memref<!tpu.dma_semaphore, #tpu.memory_space<semaphore_mem>>) src(%dma_wait3A_128 : memref<10000x128xf32, #tpu.memory_space<hbm>>) dst(%arg9 : memref<128x128xf32, #tpu.memory_space<vmem>>)
        %run_scoped3A_129 = arith.constant 6 : i32
        "tpu.region"() ({
          %run_scoped3A_138 = tpu.sem_alloc : memref<!tpu.dma_semaphore, #tpu.memory_space<semaphore_mem>>
          %dma_start3A_139 = arith.constant 0 : i32
          %dma_start3A_140 = tpu.memref_slice %arg8[%run_scoped3A_129, %dma_start3A_139] : memref<8x128xi32, #tpu.memory_space<vmem>> -> memref<1x128xi32, #tpu.memory_space<vmem>>
          %dma_start3A_141 = tpu.memref_squeeze %dma_start3A_140 : memref<1x128xi32, #tpu.memory_space<vmem>> -> memref<128xi32, #tpu.memory_space<vmem>>
          %dma_start3A_142 = arith.constant 0 : i32
          %dma_start3A_143 = arith.constant 0 : i32
          %dma_start3A_144 = tpu.memref_slice %arg11[%dma_start3A_142, %dma_start3A_143] : memref<10240x128xf32, #tpu.memory_space<vmem_shared>> -> memref<10240x128xf32, #tpu.memory_space<vmem_shared>>
          tpu.enqueue_indirect_dma source(%arg9 : memref<128x128xf32, #tpu.memory_space<vmem>>) target(%dma_start3A_144 : memref<10240x128xf32, #tpu.memory_space<vmem_shared>>) offsets(%dma_start3A_141 : memref<128xi32, #tpu.memory_space<vmem>>) semaphore(%run_scoped3A_138 : memref<!tpu.dma_semaphore, #tpu.memory_space<semaphore_mem>>) {add = true}
          %dma_wait3A_145 = arith.constant 0 : i32
          %dma_wait3A_146 = tpu.memref_slice %arg8[%run_scoped3A_129, %dma_wait3A_145] : memref<8x128xi32, #tpu.memory_space<vmem>> -> memref<1x128xi32, #tpu.memory_space<vmem>>
          %dma_wait3A_147 = tpu.memref_squeeze %dma_wait3A_146 : memref<1x128xi32, #tpu.memory_space<vmem>> -> memref<128xi32, #tpu.memory_space<vmem>>
          %dma_wait3A_148 = arith.constant 0 : i32
          %dma_wait3A_149 = arith.constant 0 : i32
          %dma_wait3A_150 = tpu.memref_slice %arg11[%dma_wait3A_148, %dma_wait3A_149] : memref<10240x128xf32, #tpu.memory_space<vmem_shared>> -> memref<10240x128xf32, #tpu.memory_space<vmem_shared>>
          tpu.wait_indirect_dma semaphore(%run_scoped3A_138 : memref<!tpu.dma_semaphore, #tpu.memory_space<semaphore_mem>>) src(%arg9 : memref<128x128xf32, #tpu.memory_space<vmem>>) dst(%dma_wait3A_150 : memref<10240x128xf32, #tpu.memory_space<vmem_shared>>)
          tpu.yield
        }) : () -> ()
        %dma_wait3A_130 = arith.constant 7 : i32
        %dma_wait3A_131 = arith.constant 0 : i32
        %dma_wait3A_132 = tpu.memref_slice %arg7[%dma_wait3A_130, %dma_wait3A_131] : memref<8x128xi32, #tpu.memory_space<vmem>> -> memref<1x128xi32, #tpu.memory_space<vmem>>
        %dma_wait3A_133 = tpu.memref_squeeze %dma_wait3A_132 : memref<1x128xi32, #tpu.memory_space<vmem>> -> memref<128xi32, #tpu.memory_space<vmem>>
        %dma_wait3A_134 = arith.constant 0 : i32
        %dma_wait3A_135 = arith.constant 0 : i32
        %dma_wait3A_136 = tpu.memref_slice %arg2[%dma_wait3A_134, %dma_wait3A_135] : memref<10000x128xf32, #tpu.memory_space<hbm>> -> memref<10000x128xf32, #tpu.memory_space<hbm>>
        tpu.wait_indirect_dma semaphore(%arg13 : memref<!tpu.dma_semaphore, #tpu.memory_space<semaphore_mem>>) src(%dma_wait3A_136 : memref<10000x128xf32, #tpu.memory_space<hbm>>) dst(%arg10 : memref<128x128xf32, #tpu.memory_space<vmem>>)
        %run_scoped3A_137 = arith.constant 7 : i32
        "tpu.region"() ({
          %run_scoped3A_138 = tpu.sem_alloc : memref<!tpu.dma_semaphore, #tpu.memory_space<semaphore_mem>>
          %dma_start3A_139 = arith.constant 0 : i32
          %dma_start3A_140 = tpu.memref_slice %arg8[%run_scoped3A_137, %dma_start3A_139] : memref<8x128xi32, #tpu.memory_space<vmem>> -> memref<1x128xi32, #tpu.memory_space<vmem>>
          %dma_start3A_141 = tpu.memref_squeeze %dma_start3A_140 : memref<1x128xi32, #tpu.memory_space<vmem>> -> memref<128xi32, #tpu.memory_space<vmem>>
          %dma_start3A_142 = arith.constant 0 : i32
          %dma_start3A_143 = arith.constant 0 : i32
          %dma_start3A_144 = tpu.memref_slice %arg11[%dma_start3A_142, %dma_start3A_143] : memref<10240x128xf32, #tpu.memory_space<vmem_shared>> -> memref<10240x128xf32, #tpu.memory_space<vmem_shared>>
          tpu.enqueue_indirect_dma source(%arg10 : memref<128x128xf32, #tpu.memory_space<vmem>>) target(%dma_start3A_144 : memref<10240x128xf32, #tpu.memory_space<vmem_shared>>) offsets(%dma_start3A_141 : memref<128xi32, #tpu.memory_space<vmem>>) semaphore(%run_scoped3A_138 : memref<!tpu.dma_semaphore, #tpu.memory_space<semaphore_mem>>) {add = true}
          %dma_wait3A_145 = arith.constant 0 : i32
          %dma_wait3A_146 = tpu.memref_slice %arg8[%run_scoped3A_137, %dma_wait3A_145] : memref<8x128xi32, #tpu.memory_space<vmem>> -> memref<1x128xi32, #tpu.memory_space<vmem>>
          %dma_wait3A_147 = tpu.memref_squeeze %dma_wait3A_146 : memref<1x128xi32, #tpu.memory_space<vmem>> -> memref<128xi32, #tpu.memory_space<vmem>>
          %dma_wait3A_148 = arith.constant 0 : i32
          %dma_wait3A_149 = arith.constant 0 : i32
          %dma_wait3A_150 = tpu.memref_slice %arg11[%dma_wait3A_148, %dma_wait3A_149] : memref<10240x128xf32, #tpu.memory_space<vmem_shared>> -> memref<10240x128xf32, #tpu.memory_space<vmem_shared>>
          tpu.wait_indirect_dma semaphore(%run_scoped3A_138 : memref<!tpu.dma_semaphore, #tpu.memory_space<semaphore_mem>>) src(%arg10 : memref<128x128xf32, #tpu.memory_space<vmem>>) dst(%dma_wait3A_150 : memref<10240x128xf32, #tpu.memory_space<vmem_shared>>)
          tpu.yield
        }) : () -> ()
      }
      %scan3A_14 = arith.constant 15 : i32
    } else {
    }
    %eq3A_3 = arith.constant 1 : i32
    %eq3A_4 = arith.cmpi eq, %arg0, %eq3A_3 : i32
    %convert_element_type3A_5 = arith.extui %eq3A_4 : i1 to i32
    %cond3A_6 = arith.constant 0 : i32
    %cond3A_7 = arith.cmpi ne, %convert_element_type3A_5, %cond3A_6 : i32
    scf.if %cond3A_7 {
      %mul3A_9 = arith.constant 40 : i32
      %mul3A_10 = arith.muli %arg1, %mul3A_9 : i32
      %add3A = arith.constant 1920 : i32
      %add3A_11 = arith.addi %add3A, %mul3A_10 : i32
      %scan3A = arith.constant 0 : i32
      %scan3A_12 = arith.constant 5 : i32
      %scan3A_13 = arith.addi %scan3A, %scan3A_12 : i32
      %scan3A_14 = arith.constant 1 : i32
      scf.for %scan3A_16 = %scan3A to %scan3A_13 step %scan3A_14  : i32 {
        %mul3A_17 = arith.constant 8 : i32
        %mul3A_18 = arith.muli %scan3A_16, %mul3A_17 : i32
        %add3A_19 = arith.constant 0 : i32
        %add3A_20 = arith.addi %add3A_19, %mul3A_18 : i32
        %add3A_21 = arith.addi %add3A_11, %add3A_20 : i32
        %multiple_of3A_22 = tpu.assume_multiple %add3A_21, 8 : i32
        "tpu.region"() ({
          %run_scoped3A_140 = tpu.sem_alloc : memref<!tpu.dma_semaphore, #tpu.memory_space<semaphore_mem>>
          %dma_start3A_141 = arith.constant 0 : i32
          %dma_start3A_142 = tpu.memref_slice %arg3[%multiple_of3A_22, %dma_start3A_141] : memref<2560x128xi32, #tpu.memory_space<hbm>> -> memref<8x128xi32, #tpu.memory_space<hbm>>
          %dma_start3A_143 = arith.constant 0 : i32
          %dma_start3A_144 = tpu.memref_slice %arg3[%multiple_of3A_22, %dma_start3A_143] : memref<2560x128xi32, #tpu.memory_space<hbm>> -> memref<8x128xi32, #tpu.memory_space<hbm>>
          tpu.enqueue_dma source(%dma_start3A_144 : memref<8x128xi32, #tpu.memory_space<hbm>>) target(%arg7 : memref<8x128xi32, #tpu.memory_space<vmem>>) target_semaphore(%run_scoped3A_140 : memref<!tpu.dma_semaphore, #tpu.memory_space<semaphore_mem>>)
          %dma_wait3A_145 = arith.constant 0 : i32
          %dma_wait3A_146 = tpu.memref_slice %arg3[%multiple_of3A_22, %dma_wait3A_145] : memref<2560x128xi32, #tpu.memory_space<hbm>> -> memref<8x128xi32, #tpu.memory_space<hbm>>
          %dma_wait3A_147 = arith.constant 0 : i32
          %dma_wait3A_148 = tpu.memref_slice %arg3[%multiple_of3A_22, %dma_wait3A_147] : memref<2560x128xi32, #tpu.memory_space<hbm>> -> memref<8x128xi32, #tpu.memory_space<hbm>>
          tpu.wait_dma2 semaphore(%run_scoped3A_140 : memref<!tpu.dma_semaphore, #tpu.memory_space<semaphore_mem>>) src(%dma_wait3A_148 : memref<8x128xi32, #tpu.memory_space<hbm>>) dst(%arg7 : memref<8x128xi32, #tpu.memory_space<vmem>>)
          tpu.yield
        }) : () -> ()
        "tpu.region"() ({
          %run_scoped3A_140 = tpu.sem_alloc : memref<!tpu.dma_semaphore, #tpu.memory_space<semaphore_mem>>
          %dma_start3A_141 = arith.constant 0 : i32
          %dma_start3A_142 = tpu.memref_slice %arg4[%multiple_of3A_22, %dma_start3A_141] : memref<2560x128xi32, #tpu.memory_space<hbm>> -> memref<8x128xi32, #tpu.memory_space<hbm>>
          %dma_start3A_143 = arith.constant 0 : i32
          %dma_start3A_144 = tpu.memref_slice %arg4[%multiple_of3A_22, %dma_start3A_143] : memref<2560x128xi32, #tpu.memory_space<hbm>> -> memref<8x128xi32, #tpu.memory_space<hbm>>
          tpu.enqueue_dma source(%dma_start3A_144 : memref<8x128xi32, #tpu.memory_space<hbm>>) target(%arg8 : memref<8x128xi32, #tpu.memory_space<vmem>>) target_semaphore(%run_scoped3A_140 : memref<!tpu.dma_semaphore, #tpu.memory_space<semaphore_mem>>)
          %dma_wait3A_145 = arith.constant 0 : i32
          %dma_wait3A_146 = tpu.memref_slice %arg4[%multiple_of3A_22, %dma_wait3A_145] : memref<2560x128xi32, #tpu.memory_space<hbm>> -> memref<8x128xi32, #tpu.memory_space<hbm>>
          %dma_wait3A_147 = arith.constant 0 : i32
          %dma_wait3A_148 = tpu.memref_slice %arg4[%multiple_of3A_22, %dma_wait3A_147] : memref<2560x128xi32, #tpu.memory_space<hbm>> -> memref<8x128xi32, #tpu.memory_space<hbm>>
          tpu.wait_dma2 semaphore(%run_scoped3A_140 : memref<!tpu.dma_semaphore, #tpu.memory_space<semaphore_mem>>) src(%dma_wait3A_148 : memref<8x128xi32, #tpu.memory_space<hbm>>) dst(%arg8 : memref<8x128xi32, #tpu.memory_space<vmem>>)
          tpu.yield
        }) : () -> ()
        %dma_start3A = arith.constant 0 : i32
        %dma_start3A_23 = arith.constant 0 : i32
        %dma_start3A_24 = tpu.memref_slice %arg7[%dma_start3A, %dma_start3A_23] : memref<8x128xi32, #tpu.memory_space<vmem>> -> memref<1x128xi32, #tpu.memory_space<vmem>>
        %dma_start3A_25 = tpu.memref_squeeze %dma_start3A_24 : memref<1x128xi32, #tpu.memory_space<vmem>> -> memref<128xi32, #tpu.memory_space<vmem>>
        %dma_start3A_26 = arith.constant 0 : i32
        %dma_start3A_27 = arith.constant 0 : i32
        %dma_start3A_28 = tpu.memref_slice %arg2[%dma_start3A_26, %dma_start3A_27] : memref<10000x128xf32, #tpu.memory_space<hbm>> -> memref<10000x128xf32, #tpu.memory_space<hbm>>
        tpu.enqueue_indirect_dma source(%dma_start3A_28 : memref<10000x128xf32, #tpu.memory_space<hbm>>) target(%arg9 : memref<128x128xf32, #tpu.memory_space<vmem>>) offsets(%dma_start3A_25 : memref<128xi32, #tpu.memory_space<vmem>>) semaphore(%arg12 : memref<!tpu.dma_semaphore, #tpu.memory_space<semaphore_mem>>)
        %dma_start3A_29 = arith.constant 1 : i32
        %dma_start3A_30 = arith.constant 0 : i32
        %dma_start3A_31 = tpu.memref_slice %arg7[%dma_start3A_29, %dma_start3A_30] : memref<8x128xi32, #tpu.memory_space<vmem>> -> memref<1x128xi32, #tpu.memory_space<vmem>>
        %dma_start3A_32 = tpu.memref_squeeze %dma_start3A_31 : memref<1x128xi32, #tpu.memory_space<vmem>> -> memref<128xi32, #tpu.memory_space<vmem>>
        %dma_start3A_33 = arith.constant 0 : i32
        %dma_start3A_34 = arith.constant 0 : i32
        %dma_start3A_35 = tpu.memref_slice %arg2[%dma_start3A_33, %dma_start3A_34] : memref<10000x128xf32, #tpu.memory_space<hbm>> -> memref<10000x128xf32, #tpu.memory_space<hbm>>
        tpu.enqueue_indirect_dma source(%dma_start3A_35 : memref<10000x128xf32, #tpu.memory_space<hbm>>) target(%arg10 : memref<128x128xf32, #tpu.memory_space<vmem>>) offsets(%dma_start3A_32 : memref<128xi32, #tpu.memory_space<vmem>>) semaphore(%arg13 : memref<!tpu.dma_semaphore, #tpu.memory_space<semaphore_mem>>)
        %dma_wait3A = arith.constant 0 : i32
        %dma_wait3A_36 = arith.constant 0 : i32
        %dma_wait3A_37 = tpu.memref_slice %arg7[%dma_wait3A, %dma_wait3A_36] : memref<8x128xi32, #tpu.memory_space<vmem>> -> memref<1x128xi32, #tpu.memory_space<vmem>>
        %dma_wait3A_38 = tpu.memref_squeeze %dma_wait3A_37 : memref<1x128xi32, #tpu.memory_space<vmem>> -> memref<128xi32, #tpu.memory_space<vmem>>
        %dma_wait3A_39 = arith.constant 0 : i32
        %dma_wait3A_40 = arith.constant 0 : i32
        %dma_wait3A_41 = tpu.memref_slice %arg2[%dma_wait3A_39, %dma_wait3A_40] : memref<10000x128xf32, #tpu.memory_space<hbm>> -> memref<10000x128xf32, #tpu.memory_space<hbm>>
        tpu.wait_indirect_dma semaphore(%arg12 : memref<!tpu.dma_semaphore, #tpu.memory_space<semaphore_mem>>) src(%dma_wait3A_41 : memref<10000x128xf32, #tpu.memory_space<hbm>>) dst(%arg9 : memref<128x128xf32, #tpu.memory_space<vmem>>)
        %run_scoped3A = arith.constant 0 : i32
        "tpu.region"() ({
          %run_scoped3A_140 = tpu.sem_alloc : memref<!tpu.dma_semaphore, #tpu.memory_space<semaphore_mem>>
          %dma_start3A_141 = arith.constant 0 : i32
          %dma_start3A_142 = tpu.memref_slice %arg8[%run_scoped3A, %dma_start3A_141] : memref<8x128xi32, #tpu.memory_space<vmem>> -> memref<1x128xi32, #tpu.memory_space<vmem>>
          %dma_start3A_143 = tpu.memref_squeeze %dma_start3A_142 : memref<1x128xi32, #tpu.memory_space<vmem>> -> memref<128xi32, #tpu.memory_space<vmem>>
          %dma_start3A_144 = arith.constant 0 : i32
          %dma_start3A_145 = arith.constant 0 : i32
          %dma_start3A_146 = tpu.memref_slice %arg11[%dma_start3A_144, %dma_start3A_145] : memref<10240x128xf32, #tpu.memory_space<vmem_shared>> -> memref<10240x128xf32, #tpu.memory_space<vmem_shared>>
          tpu.enqueue_indirect_dma source(%arg9 : memref<128x128xf32, #tpu.memory_space<vmem>>) target(%dma_start3A_146 : memref<10240x128xf32, #tpu.memory_space<vmem_shared>>) offsets(%dma_start3A_143 : memref<128xi32, #tpu.memory_space<vmem>>) semaphore(%run_scoped3A_140 : memref<!tpu.dma_semaphore, #tpu.memory_space<semaphore_mem>>) {add = true}
          %dma_wait3A_147 = arith.constant 0 : i32
          %dma_wait3A_148 = tpu.memref_slice %arg8[%run_scoped3A, %dma_wait3A_147] : memref<8x128xi32, #tpu.memory_space<vmem>> -> memref<1x128xi32, #tpu.memory_space<vmem>>
          %dma_wait3A_149 = tpu.memref_squeeze %dma_wait3A_148 : memref<1x128xi32, #tpu.memory_space<vmem>> -> memref<128xi32, #tpu.memory_space<vmem>>
          %dma_wait3A_150 = arith.constant 0 : i32
          %dma_wait3A_151 = arith.constant 0 : i32
          %dma_wait3A_152 = tpu.memref_slice %arg11[%dma_wait3A_150, %dma_wait3A_151] : memref<10240x128xf32, #tpu.memory_space<vmem_shared>> -> memref<10240x128xf32, #tpu.memory_space<vmem_shared>>
          tpu.wait_indirect_dma semaphore(%run_scoped3A_140 : memref<!tpu.dma_semaphore, #tpu.memory_space<semaphore_mem>>) src(%arg9 : memref<128x128xf32, #tpu.memory_space<vmem>>) dst(%dma_wait3A_152 : memref<10240x128xf32, #tpu.memory_space<vmem_shared>>)
          tpu.yield
        }) : () -> ()
        %dma_start3A_42 = arith.constant 2 : i32
        %dma_start3A_43 = arith.constant 0 : i32
        %dma_start3A_44 = tpu.memref_slice %arg7[%dma_start3A_42, %dma_start3A_43] : memref<8x128xi32, #tpu.memory_space<vmem>> -> memref<1x128xi32, #tpu.memory_space<vmem>>
        %dma_start3A_45 = tpu.memref_squeeze %dma_start3A_44 : memref<1x128xi32, #tpu.memory_space<vmem>> -> memref<128xi32, #tpu.memory_space<vmem>>
        %dma_start3A_46 = arith.constant 0 : i32
        %dma_start3A_47 = arith.constant 0 : i32
        %dma_start3A_48 = tpu.memref_slice %arg2[%dma_start3A_46, %dma_start3A_47] : memref<10000x128xf32, #tpu.memory_space<hbm>> -> memref<10000x128xf32, #tpu.memory_space<hbm>>
        tpu.enqueue_indirect_dma source(%dma_start3A_48 : memref<10000x128xf32, #tpu.memory_space<hbm>>) target(%arg9 : memref<128x128xf32, #tpu.memory_space<vmem>>) offsets(%dma_start3A_45 : memref<128xi32, #tpu.memory_space<vmem>>) semaphore(%arg12 : memref<!tpu.dma_semaphore, #tpu.memory_space<semaphore_mem>>)
        %dma_wait3A_49 = arith.constant 1 : i32
        %dma_wait3A_50 = arith.constant 0 : i32
        %dma_wait3A_51 = tpu.memref_slice %arg7[%dma_wait3A_49, %dma_wait3A_50] : memref<8x128xi32, #tpu.memory_space<vmem>> -> memref<1x128xi32, #tpu.memory_space<vmem>>
        %dma_wait3A_52 = tpu.memref_squeeze %dma_wait3A_51 : memref<1x128xi32, #tpu.memory_space<vmem>> -> memref<128xi32, #tpu.memory_space<vmem>>
        %dma_wait3A_53 = arith.constant 0 : i32
        %dma_wait3A_54 = arith.constant 0 : i32
        %dma_wait3A_55 = tpu.memref_slice %arg2[%dma_wait3A_53, %dma_wait3A_54] : memref<10000x128xf32, #tpu.memory_space<hbm>> -> memref<10000x128xf32, #tpu.memory_space<hbm>>
        tpu.wait_indirect_dma semaphore(%arg13 : memref<!tpu.dma_semaphore, #tpu.memory_space<semaphore_mem>>) src(%dma_wait3A_55 : memref<10000x128xf32, #tpu.memory_space<hbm>>) dst(%arg10 : memref<128x128xf32, #tpu.memory_space<vmem>>)
        %run_scoped3A_56 = arith.constant 1 : i32
        "tpu.region"() ({
          %run_scoped3A_140 = tpu.sem_alloc : memref<!tpu.dma_semaphore, #tpu.memory_space<semaphore_mem>>
          %dma_start3A_141 = arith.constant 0 : i32
          %dma_start3A_142 = tpu.memref_slice %arg8[%run_scoped3A_56, %dma_start3A_141] : memref<8x128xi32, #tpu.memory_space<vmem>> -> memref<1x128xi32, #tpu.memory_space<vmem>>
          %dma_start3A_143 = tpu.memref_squeeze %dma_start3A_142 : memref<1x128xi32, #tpu.memory_space<vmem>> -> memref<128xi32, #tpu.memory_space<vmem>>
          %dma_start3A_144 = arith.constant 0 : i32
          %dma_start3A_145 = arith.constant 0 : i32
          %dma_start3A_146 = tpu.memref_slice %arg11[%dma_start3A_144, %dma_start3A_145] : memref<10240x128xf32, #tpu.memory_space<vmem_shared>> -> memref<10240x128xf32, #tpu.memory_space<vmem_shared>>
          tpu.enqueue_indirect_dma source(%arg10 : memref<128x128xf32, #tpu.memory_space<vmem>>) target(%dma_start3A_146 : memref<10240x128xf32, #tpu.memory_space<vmem_shared>>) offsets(%dma_start3A_143 : memref<128xi32, #tpu.memory_space<vmem>>) semaphore(%run_scoped3A_140 : memref<!tpu.dma_semaphore, #tpu.memory_space<semaphore_mem>>) {add = true}
          %dma_wait3A_147 = arith.constant 0 : i32
          %dma_wait3A_148 = tpu.memref_slice %arg8[%run_scoped3A_56, %dma_wait3A_147] : memref<8x128xi32, #tpu.memory_space<vmem>> -> memref<1x128xi32, #tpu.memory_space<vmem>>
          %dma_wait3A_149 = tpu.memref_squeeze %dma_wait3A_148 : memref<1x128xi32, #tpu.memory_space<vmem>> -> memref<128xi32, #tpu.memory_space<vmem>>
          %dma_wait3A_150 = arith.constant 0 : i32
          %dma_wait3A_151 = arith.constant 0 : i32
          %dma_wait3A_152 = tpu.memref_slice %arg11[%dma_wait3A_150, %dma_wait3A_151] : memref<10240x128xf32, #tpu.memory_space<vmem_shared>> -> memref<10240x128xf32, #tpu.memory_space<vmem_shared>>
          tpu.wait_indirect_dma semaphore(%run_scoped3A_140 : memref<!tpu.dma_semaphore, #tpu.memory_space<semaphore_mem>>) src(%arg10 : memref<128x128xf32, #tpu.memory_space<vmem>>) dst(%dma_wait3A_152 : memref<10240x128xf32, #tpu.memory_space<vmem_shared>>)
          tpu.yield
        }) : () -> ()
        %dma_start3A_57 = arith.constant 3 : i32
        %dma_start3A_58 = arith.constant 0 : i32
        %dma_start3A_59 = tpu.memref_slice %arg7[%dma_start3A_57, %dma_start3A_58] : memref<8x128xi32, #tpu.memory_space<vmem>> -> memref<1x128xi32, #tpu.memory_space<vmem>>
        %dma_start3A_60 = tpu.memref_squeeze %dma_start3A_59 : memref<1x128xi32, #tpu.memory_space<vmem>> -> memref<128xi32, #tpu.memory_space<vmem>>
        %dma_start3A_61 = arith.constant 0 : i32
        %dma_start3A_62 = arith.constant 0 : i32
        %dma_start3A_63 = tpu.memref_slice %arg2[%dma_start3A_61, %dma_start3A_62] : memref<10000x128xf32, #tpu.memory_space<hbm>> -> memref<10000x128xf32, #tpu.memory_space<hbm>>
        tpu.enqueue_indirect_dma source(%dma_start3A_63 : memref<10000x128xf32, #tpu.memory_space<hbm>>) target(%arg10 : memref<128x128xf32, #tpu.memory_space<vmem>>) offsets(%dma_start3A_60 : memref<128xi32, #tpu.memory_space<vmem>>) semaphore(%arg13 : memref<!tpu.dma_semaphore, #tpu.memory_space<semaphore_mem>>)
        %dma_wait3A_64 = arith.constant 2 : i32
        %dma_wait3A_65 = arith.constant 0 : i32
        %dma_wait3A_66 = tpu.memref_slice %arg7[%dma_wait3A_64, %dma_wait3A_65] : memref<8x128xi32, #tpu.memory_space<vmem>> -> memref<1x128xi32, #tpu.memory_space<vmem>>
        %dma_wait3A_67 = tpu.memref_squeeze %dma_wait3A_66 : memref<1x128xi32, #tpu.memory_space<vmem>> -> memref<128xi32, #tpu.memory_space<vmem>>
        %dma_wait3A_68 = arith.constant 0 : i32
        %dma_wait3A_69 = arith.constant 0 : i32
        %dma_wait3A_70 = tpu.memref_slice %arg2[%dma_wait3A_68, %dma_wait3A_69] : memref<10000x128xf32, #tpu.memory_space<hbm>> -> memref<10000x128xf32, #tpu.memory_space<hbm>>
        tpu.wait_indirect_dma semaphore(%arg12 : memref<!tpu.dma_semaphore, #tpu.memory_space<semaphore_mem>>) src(%dma_wait3A_70 : memref<10000x128xf32, #tpu.memory_space<hbm>>) dst(%arg9 : memref<128x128xf32, #tpu.memory_space<vmem>>)
        %run_scoped3A_71 = arith.constant 2 : i32
        "tpu.region"() ({
          %run_scoped3A_140 = tpu.sem_alloc : memref<!tpu.dma_semaphore, #tpu.memory_space<semaphore_mem>>
          %dma_start3A_141 = arith.constant 0 : i32
          %dma_start3A_142 = tpu.memref_slice %arg8[%run_scoped3A_71, %dma_start3A_141] : memref<8x128xi32, #tpu.memory_space<vmem>> -> memref<1x128xi32, #tpu.memory_space<vmem>>
          %dma_start3A_143 = tpu.memref_squeeze %dma_start3A_142 : memref<1x128xi32, #tpu.memory_space<vmem>> -> memref<128xi32, #tpu.memory_space<vmem>>
          %dma_start3A_144 = arith.constant 0 : i32
          %dma_start3A_145 = arith.constant 0 : i32
          %dma_start3A_146 = tpu.memref_slice %arg11[%dma_start3A_144, %dma_start3A_145] : memref<10240x128xf32, #tpu.memory_space<vmem_shared>> -> memref<10240x128xf32, #tpu.memory_space<vmem_shared>>
          tpu.enqueue_indirect_dma source(%arg9 : memref<128x128xf32, #tpu.memory_space<vmem>>) target(%dma_start3A_146 : memref<10240x128xf32, #tpu.memory_space<vmem_shared>>) offsets(%dma_start3A_143 : memref<128xi32, #tpu.memory_space<vmem>>) semaphore(%run_scoped3A_140 : memref<!tpu.dma_semaphore, #tpu.memory_space<semaphore_mem>>) {add = true}
          %dma_wait3A_147 = arith.constant 0 : i32
          %dma_wait3A_148 = tpu.memref_slice %arg8[%run_scoped3A_71, %dma_wait3A_147] : memref<8x128xi32, #tpu.memory_space<vmem>> -> memref<1x128xi32, #tpu.memory_space<vmem>>
          %dma_wait3A_149 = tpu.memref_squeeze %dma_wait3A_148 : memref<1x128xi32, #tpu.memory_space<vmem>> -> memref<128xi32, #tpu.memory_space<vmem>>
          %dma_wait3A_150 = arith.constant 0 : i32
          %dma_wait3A_151 = arith.constant 0 : i32
          %dma_wait3A_152 = tpu.memref_slice %arg11[%dma_wait3A_150, %dma_wait3A_151] : memref<10240x128xf32, #tpu.memory_space<vmem_shared>> -> memref<10240x128xf32, #tpu.memory_space<vmem_shared>>
          tpu.wait_indirect_dma semaphore(%run_scoped3A_140 : memref<!tpu.dma_semaphore, #tpu.memory_space<semaphore_mem>>) src(%arg9 : memref<128x128xf32, #tpu.memory_space<vmem>>) dst(%dma_wait3A_152 : memref<10240x128xf32, #tpu.memory_space<vmem_shared>>)
          tpu.yield
        }) : () -> ()
        %dma_start3A_72 = arith.constant 4 : i32
        %dma_start3A_73 = arith.constant 0 : i32
        %dma_start3A_74 = tpu.memref_slice %arg7[%dma_start3A_72, %dma_start3A_73] : memref<8x128xi32, #tpu.memory_space<vmem>> -> memref<1x128xi32, #tpu.memory_space<vmem>>
        %dma_start3A_75 = tpu.memref_squeeze %dma_start3A_74 : memref<1x128xi32, #tpu.memory_space<vmem>> -> memref<128xi32, #tpu.memory_space<vmem>>
        %dma_start3A_76 = arith.constant 0 : i32
        %dma_start3A_77 = arith.constant 0 : i32
        %dma_start3A_78 = tpu.memref_slice %arg2[%dma_start3A_76, %dma_start3A_77] : memref<10000x128xf32, #tpu.memory_space<hbm>> -> memref<10000x128xf32, #tpu.memory_space<hbm>>
        tpu.enqueue_indirect_dma source(%dma_start3A_78 : memref<10000x128xf32, #tpu.memory_space<hbm>>) target(%arg9 : memref<128x128xf32, #tpu.memory_space<vmem>>) offsets(%dma_start3A_75 : memref<128xi32, #tpu.memory_space<vmem>>) semaphore(%arg12 : memref<!tpu.dma_semaphore, #tpu.memory_space<semaphore_mem>>)
        %dma_wait3A_79 = arith.constant 3 : i32
        %dma_wait3A_80 = arith.constant 0 : i32
        %dma_wait3A_81 = tpu.memref_slice %arg7[%dma_wait3A_79, %dma_wait3A_80] : memref<8x128xi32, #tpu.memory_space<vmem>> -> memref<1x128xi32, #tpu.memory_space<vmem>>
        %dma_wait3A_82 = tpu.memref_squeeze %dma_wait3A_81 : memref<1x128xi32, #tpu.memory_space<vmem>> -> memref<128xi32, #tpu.memory_space<vmem>>
        %dma_wait3A_83 = arith.constant 0 : i32
        %dma_wait3A_84 = arith.constant 0 : i32
        %dma_wait3A_85 = tpu.memref_slice %arg2[%dma_wait3A_83, %dma_wait3A_84] : memref<10000x128xf32, #tpu.memory_space<hbm>> -> memref<10000x128xf32, #tpu.memory_space<hbm>>
        tpu.wait_indirect_dma semaphore(%arg13 : memref<!tpu.dma_semaphore, #tpu.memory_space<semaphore_mem>>) src(%dma_wait3A_85 : memref<10000x128xf32, #tpu.memory_space<hbm>>) dst(%arg10 : memref<128x128xf32, #tpu.memory_space<vmem>>)
        %run_scoped3A_86 = arith.constant 3 : i32
        "tpu.region"() ({
          %run_scoped3A_140 = tpu.sem_alloc : memref<!tpu.dma_semaphore, #tpu.memory_space<semaphore_mem>>
          %dma_start3A_141 = arith.constant 0 : i32
          %dma_start3A_142 = tpu.memref_slice %arg8[%run_scoped3A_86, %dma_start3A_141] : memref<8x128xi32, #tpu.memory_space<vmem>> -> memref<1x128xi32, #tpu.memory_space<vmem>>
          %dma_start3A_143 = tpu.memref_squeeze %dma_start3A_142 : memref<1x128xi32, #tpu.memory_space<vmem>> -> memref<128xi32, #tpu.memory_space<vmem>>
          %dma_start3A_144 = arith.constant 0 : i32
          %dma_start3A_145 = arith.constant 0 : i32
          %dma_start3A_146 = tpu.memref_slice %arg11[%dma_start3A_144, %dma_start3A_145] : memref<10240x128xf32, #tpu.memory_space<vmem_shared>> -> memref<10240x128xf32, #tpu.memory_space<vmem_shared>>
          tpu.enqueue_indirect_dma source(%arg10 : memref<128x128xf32, #tpu.memory_space<vmem>>) target(%dma_start3A_146 : memref<10240x128xf32, #tpu.memory_space<vmem_shared>>) offsets(%dma_start3A_143 : memref<128xi32, #tpu.memory_space<vmem>>) semaphore(%run_scoped3A_140 : memref<!tpu.dma_semaphore, #tpu.memory_space<semaphore_mem>>) {add = true}
          %dma_wait3A_147 = arith.constant 0 : i32
          %dma_wait3A_148 = tpu.memref_slice %arg8[%run_scoped3A_86, %dma_wait3A_147] : memref<8x128xi32, #tpu.memory_space<vmem>> -> memref<1x128xi32, #tpu.memory_space<vmem>>
          %dma_wait3A_149 = tpu.memref_squeeze %dma_wait3A_148 : memref<1x128xi32, #tpu.memory_space<vmem>> -> memref<128xi32, #tpu.memory_space<vmem>>
          %dma_wait3A_150 = arith.constant 0 : i32
          %dma_wait3A_151 = arith.constant 0 : i32
          %dma_wait3A_152 = tpu.memref_slice %arg11[%dma_wait3A_150, %dma_wait3A_151] : memref<10240x128xf32, #tpu.memory_space<vmem_shared>> -> memref<10240x128xf32, #tpu.memory_space<vmem_shared>>
          tpu.wait_indirect_dma semaphore(%run_scoped3A_140 : memref<!tpu.dma_semaphore, #tpu.memory_space<semaphore_mem>>) src(%arg10 : memref<128x128xf32, #tpu.memory_space<vmem>>) dst(%dma_wait3A_152 : memref<10240x128xf32, #tpu.memory_space<vmem_shared>>)
          tpu.yield
        }) : () -> ()
        %dma_start3A_87 = arith.constant 5 : i32
        %dma_start3A_88 = arith.constant 0 : i32
        %dma_start3A_89 = tpu.memref_slice %arg7[%dma_start3A_87, %dma_start3A_88] : memref<8x128xi32, #tpu.memory_space<vmem>> -> memref<1x128xi32, #tpu.memory_space<vmem>>
        %dma_start3A_90 = tpu.memref_squeeze %dma_start3A_89 : memref<1x128xi32, #tpu.memory_space<vmem>> -> memref<128xi32, #tpu.memory_space<vmem>>
        %dma_start3A_91 = arith.constant 0 : i32
        %dma_start3A_92 = arith.constant 0 : i32
        %dma_start3A_93 = tpu.memref_slice %arg2[%dma_start3A_91, %dma_start3A_92] : memref<10000x128xf32, #tpu.memory_space<hbm>> -> memref<10000x128xf32, #tpu.memory_space<hbm>>
        tpu.enqueue_indirect_dma source(%dma_start3A_93 : memref<10000x128xf32, #tpu.memory_space<hbm>>) target(%arg10 : memref<128x128xf32, #tpu.memory_space<vmem>>) offsets(%dma_start3A_90 : memref<128xi32, #tpu.memory_space<vmem>>) semaphore(%arg13 : memref<!tpu.dma_semaphore, #tpu.memory_space<semaphore_mem>>)
        %dma_wait3A_94 = arith.constant 4 : i32
        %dma_wait3A_95 = arith.constant 0 : i32
        %dma_wait3A_96 = tpu.memref_slice %arg7[%dma_wait3A_94, %dma_wait3A_95] : memref<8x128xi32, #tpu.memory_space<vmem>> -> memref<1x128xi32, #tpu.memory_space<vmem>>
        %dma_wait3A_97 = tpu.memref_squeeze %dma_wait3A_96 : memref<1x128xi32, #tpu.memory_space<vmem>> -> memref<128xi32, #tpu.memory_space<vmem>>
        %dma_wait3A_98 = arith.constant 0 : i32
        %dma_wait3A_99 = arith.constant 0 : i32
        %dma_wait3A_100 = tpu.memref_slice %arg2[%dma_wait3A_98, %dma_wait3A_99] : memref<10000x128xf32, #tpu.memory_space<hbm>> -> memref<10000x128xf32, #tpu.memory_space<hbm>>
        tpu.wait_indirect_dma semaphore(%arg12 : memref<!tpu.dma_semaphore, #tpu.memory_space<semaphore_mem>>) src(%dma_wait3A_100 : memref<10000x128xf32, #tpu.memory_space<hbm>>) dst(%arg9 : memref<128x128xf32, #tpu.memory_space<vmem>>)
        %run_scoped3A_101 = arith.constant 4 : i32
        "tpu.region"() ({
          %run_scoped3A_140 = tpu.sem_alloc : memref<!tpu.dma_semaphore, #tpu.memory_space<semaphore_mem>>
          %dma_start3A_141 = arith.constant 0 : i32
          %dma_start3A_142 = tpu.memref_slice %arg8[%run_scoped3A_101, %dma_start3A_141] : memref<8x128xi32, #tpu.memory_space<vmem>> -> memref<1x128xi32, #tpu.memory_space<vmem>>
          %dma_start3A_143 = tpu.memref_squeeze %dma_start3A_142 : memref<1x128xi32, #tpu.memory_space<vmem>> -> memref<128xi32, #tpu.memory_space<vmem>>
          %dma_start3A_144 = arith.constant 0 : i32
          %dma_start3A_145 = arith.constant 0 : i32
          %dma_start3A_146 = tpu.memref_slice %arg11[%dma_start3A_144, %dma_start3A_145] : memref<10240x128xf32, #tpu.memory_space<vmem_shared>> -> memref<10240x128xf32, #tpu.memory_space<vmem_shared>>
          tpu.enqueue_indirect_dma source(%arg9 : memref<128x128xf32, #tpu.memory_space<vmem>>) target(%dma_start3A_146 : memref<10240x128xf32, #tpu.memory_space<vmem_shared>>) offsets(%dma_start3A_143 : memref<128xi32, #tpu.memory_space<vmem>>) semaphore(%run_scoped3A_140 : memref<!tpu.dma_semaphore, #tpu.memory_space<semaphore_mem>>) {add = true}
          %dma_wait3A_147 = arith.constant 0 : i32
          %dma_wait3A_148 = tpu.memref_slice %arg8[%run_scoped3A_101, %dma_wait3A_147] : memref<8x128xi32, #tpu.memory_space<vmem>> -> memref<1x128xi32, #tpu.memory_space<vmem>>
          %dma_wait3A_149 = tpu.memref_squeeze %dma_wait3A_148 : memref<1x128xi32, #tpu.memory_space<vmem>> -> memref<128xi32, #tpu.memory_space<vmem>>
          %dma_wait3A_150 = arith.constant 0 : i32
          %dma_wait3A_151 = arith.constant 0 : i32
          %dma_wait3A_152 = tpu.memref_slice %arg11[%dma_wait3A_150, %dma_wait3A_151] : memref<10240x128xf32, #tpu.memory_space<vmem_shared>> -> memref<10240x128xf32, #tpu.memory_space<vmem_shared>>
          tpu.wait_indirect_dma semaphore(%run_scoped3A_140 : memref<!tpu.dma_semaphore, #tpu.memory_space<semaphore_mem>>) src(%arg9 : memref<128x128xf32, #tpu.memory_space<vmem>>) dst(%dma_wait3A_152 : memref<10240x128xf32, #tpu.memory_space<vmem_shared>>)
          tpu.yield
        }) : () -> ()
        %dma_start3A_102 = arith.constant 6 : i32
        %dma_start3A_103 = arith.constant 0 : i32
        %dma_start3A_104 = tpu.memref_slice %arg7[%dma_start3A_102, %dma_start3A_103] : memref<8x128xi32, #tpu.memory_space<vmem>> -> memref<1x128xi32, #tpu.memory_space<vmem>>
        %dma_start3A_105 = tpu.memref_squeeze %dma_start3A_104 : memref<1x128xi32, #tpu.memory_space<vmem>> -> memref<128xi32, #tpu.memory_space<vmem>>
        %dma_start3A_106 = arith.constant 0 : i32
        %dma_start3A_107 = arith.constant 0 : i32
        %dma_start3A_108 = tpu.memref_slice %arg2[%dma_start3A_106, %dma_start3A_107] : memref<10000x128xf32, #tpu.memory_space<hbm>> -> memref<10000x128xf32, #tpu.memory_space<hbm>>
        tpu.enqueue_indirect_dma source(%dma_start3A_108 : memref<10000x128xf32, #tpu.memory_space<hbm>>) target(%arg9 : memref<128x128xf32, #tpu.memory_space<vmem>>) offsets(%dma_start3A_105 : memref<128xi32, #tpu.memory_space<vmem>>) semaphore(%arg12 : memref<!tpu.dma_semaphore, #tpu.memory_space<semaphore_mem>>)
        %dma_wait3A_109 = arith.constant 5 : i32
        %dma_wait3A_110 = arith.constant 0 : i32
        %dma_wait3A_111 = tpu.memref_slice %arg7[%dma_wait3A_109, %dma_wait3A_110] : memref<8x128xi32, #tpu.memory_space<vmem>> -> memref<1x128xi32, #tpu.memory_space<vmem>>
        %dma_wait3A_112 = tpu.memref_squeeze %dma_wait3A_111 : memref<1x128xi32, #tpu.memory_space<vmem>> -> memref<128xi32, #tpu.memory_space<vmem>>
        %dma_wait3A_113 = arith.constant 0 : i32
        %dma_wait3A_114 = arith.constant 0 : i32
        %dma_wait3A_115 = tpu.memref_slice %arg2[%dma_wait3A_113, %dma_wait3A_114] : memref<10000x128xf32, #tpu.memory_space<hbm>> -> memref<10000x128xf32, #tpu.memory_space<hbm>>
        tpu.wait_indirect_dma semaphore(%arg13 : memref<!tpu.dma_semaphore, #tpu.memory_space<semaphore_mem>>) src(%dma_wait3A_115 : memref<10000x128xf32, #tpu.memory_space<hbm>>) dst(%arg10 : memref<128x128xf32, #tpu.memory_space<vmem>>)
        %run_scoped3A_116 = arith.constant 5 : i32
        "tpu.region"() ({
          %run_scoped3A_140 = tpu.sem_alloc : memref<!tpu.dma_semaphore, #tpu.memory_space<semaphore_mem>>
          %dma_start3A_141 = arith.constant 0 : i32
          %dma_start3A_142 = tpu.memref_slice %arg8[%run_scoped3A_116, %dma_start3A_141] : memref<8x128xi32, #tpu.memory_space<vmem>> -> memref<1x128xi32, #tpu.memory_space<vmem>>
          %dma_start3A_143 = tpu.memref_squeeze %dma_start3A_142 : memref<1x128xi32, #tpu.memory_space<vmem>> -> memref<128xi32, #tpu.memory_space<vmem>>
          %dma_start3A_144 = arith.constant 0 : i32
          %dma_start3A_145 = arith.constant 0 : i32
          %dma_start3A_146 = tpu.memref_slice %arg11[%dma_start3A_144, %dma_start3A_145] : memref<10240x128xf32, #tpu.memory_space<vmem_shared>> -> memref<10240x128xf32, #tpu.memory_space<vmem_shared>>
          tpu.enqueue_indirect_dma source(%arg10 : memref<128x128xf32, #tpu.memory_space<vmem>>) target(%dma_start3A_146 : memref<10240x128xf32, #tpu.memory_space<vmem_shared>>) offsets(%dma_start3A_143 : memref<128xi32, #tpu.memory_space<vmem>>) semaphore(%run_scoped3A_140 : memref<!tpu.dma_semaphore, #tpu.memory_space<semaphore_mem>>) {add = true}
          %dma_wait3A_147 = arith.constant 0 : i32
          %dma_wait3A_148 = tpu.memref_slice %arg8[%run_scoped3A_116, %dma_wait3A_147] : memref<8x128xi32, #tpu.memory_space<vmem>> -> memref<1x128xi32, #tpu.memory_space<vmem>>
          %dma_wait3A_149 = tpu.memref_squeeze %dma_wait3A_148 : memref<1x128xi32, #tpu.memory_space<vmem>> -> memref<128xi32, #tpu.memory_space<vmem>>
          %dma_wait3A_150 = arith.constant 0 : i32
          %dma_wait3A_151 = arith.constant 0 : i32
          %dma_wait3A_152 = tpu.memref_slice %arg11[%dma_wait3A_150, %dma_wait3A_151] : memref<10240x128xf32, #tpu.memory_space<vmem_shared>> -> memref<10240x128xf32, #tpu.memory_space<vmem_shared>>
          tpu.wait_indirect_dma semaphore(%run_scoped3A_140 : memref<!tpu.dma_semaphore, #tpu.memory_space<semaphore_mem>>) src(%arg10 : memref<128x128xf32, #tpu.memory_space<vmem>>) dst(%dma_wait3A_152 : memref<10240x128xf32, #tpu.memory_space<vmem_shared>>)
          tpu.yield
        }) : () -> ()
        %dma_start3A_117 = arith.constant 7 : i32
        %dma_start3A_118 = arith.constant 0 : i32
        %dma_start3A_119 = tpu.memref_slice %arg7[%dma_start3A_117, %dma_start3A_118] : memref<8x128xi32, #tpu.memory_space<vmem>> -> memref<1x128xi32, #tpu.memory_space<vmem>>
        %dma_start3A_120 = tpu.memref_squeeze %dma_start3A_119 : memref<1x128xi32, #tpu.memory_space<vmem>> -> memref<128xi32, #tpu.memory_space<vmem>>
        %dma_start3A_121 = arith.constant 0 : i32
        %dma_start3A_122 = arith.constant 0 : i32
        %dma_start3A_123 = tpu.memref_slice %arg2[%dma_start3A_121, %dma_start3A_122] : memref<10000x128xf32, #tpu.memory_space<hbm>> -> memref<10000x128xf32, #tpu.memory_space<hbm>>
        tpu.enqueue_indirect_dma source(%dma_start3A_123 : memref<10000x128xf32, #tpu.memory_space<hbm>>) target(%arg10 : memref<128x128xf32, #tpu.memory_space<vmem>>) offsets(%dma_start3A_120 : memref<128xi32, #tpu.memory_space<vmem>>) semaphore(%arg13 : memref<!tpu.dma_semaphore, #tpu.memory_space<semaphore_mem>>)
        %dma_wait3A_124 = arith.constant 6 : i32
        %dma_wait3A_125 = arith.constant 0 : i32
        %dma_wait3A_126 = tpu.memref_slice %arg7[%dma_wait3A_124, %dma_wait3A_125] : memref<8x128xi32, #tpu.memory_space<vmem>> -> memref<1x128xi32, #tpu.memory_space<vmem>>
        %dma_wait3A_127 = tpu.memref_squeeze %dma_wait3A_126 : memref<1x128xi32, #tpu.memory_space<vmem>> -> memref<128xi32, #tpu.memory_space<vmem>>
        %dma_wait3A_128 = arith.constant 0 : i32
        %dma_wait3A_129 = arith.constant 0 : i32
        %dma_wait3A_130 = tpu.memref_slice %arg2[%dma_wait3A_128, %dma_wait3A_129] : memref<10000x128xf32, #tpu.memory_space<hbm>> -> memref<10000x128xf32, #tpu.memory_space<hbm>>
        tpu.wait_indirect_dma semaphore(%arg12 : memref<!tpu.dma_semaphore, #tpu.memory_space<semaphore_mem>>) src(%dma_wait3A_130 : memref<10000x128xf32, #tpu.memory_space<hbm>>) dst(%arg9 : memref<128x128xf32, #tpu.memory_space<vmem>>)
        %run_scoped3A_131 = arith.constant 6 : i32
        "tpu.region"() ({
          %run_scoped3A_140 = tpu.sem_alloc : memref<!tpu.dma_semaphore, #tpu.memory_space<semaphore_mem>>
          %dma_start3A_141 = arith.constant 0 : i32
          %dma_start3A_142 = tpu.memref_slice %arg8[%run_scoped3A_131, %dma_start3A_141] : memref<8x128xi32, #tpu.memory_space<vmem>> -> memref<1x128xi32, #tpu.memory_space<vmem>>
          %dma_start3A_143 = tpu.memref_squeeze %dma_start3A_142 : memref<1x128xi32, #tpu.memory_space<vmem>> -> memref<128xi32, #tpu.memory_space<vmem>>
          %dma_start3A_144 = arith.constant 0 : i32
          %dma_start3A_145 = arith.constant 0 : i32
          %dma_start3A_146 = tpu.memref_slice %arg11[%dma_start3A_144, %dma_start3A_145] : memref<10240x128xf32, #tpu.memory_space<vmem_shared>> -> memref<10240x128xf32, #tpu.memory_space<vmem_shared>>
          tpu.enqueue_indirect_dma source(%arg9 : memref<128x128xf32, #tpu.memory_space<vmem>>) target(%dma_start3A_146 : memref<10240x128xf32, #tpu.memory_space<vmem_shared>>) offsets(%dma_start3A_143 : memref<128xi32, #tpu.memory_space<vmem>>) semaphore(%run_scoped3A_140 : memref<!tpu.dma_semaphore, #tpu.memory_space<semaphore_mem>>) {add = true}
          %dma_wait3A_147 = arith.constant 0 : i32
          %dma_wait3A_148 = tpu.memref_slice %arg8[%run_scoped3A_131, %dma_wait3A_147] : memref<8x128xi32, #tpu.memory_space<vmem>> -> memref<1x128xi32, #tpu.memory_space<vmem>>
          %dma_wait3A_149 = tpu.memref_squeeze %dma_wait3A_148 : memref<1x128xi32, #tpu.memory_space<vmem>> -> memref<128xi32, #tpu.memory_space<vmem>>
          %dma_wait3A_150 = arith.constant 0 : i32
          %dma_wait3A_151 = arith.constant 0 : i32
          %dma_wait3A_152 = tpu.memref_slice %arg11[%dma_wait3A_150, %dma_wait3A_151] : memref<10240x128xf32, #tpu.memory_space<vmem_shared>> -> memref<10240x128xf32, #tpu.memory_space<vmem_shared>>
          tpu.wait_indirect_dma semaphore(%run_scoped3A_140 : memref<!tpu.dma_semaphore, #tpu.memory_space<semaphore_mem>>) src(%arg9 : memref<128x128xf32, #tpu.memory_space<vmem>>) dst(%dma_wait3A_152 : memref<10240x128xf32, #tpu.memory_space<vmem_shared>>)
          tpu.yield
        }) : () -> ()
        %dma_wait3A_132 = arith.constant 7 : i32
        %dma_wait3A_133 = arith.constant 0 : i32
        %dma_wait3A_134 = tpu.memref_slice %arg7[%dma_wait3A_132, %dma_wait3A_133] : memref<8x128xi32, #tpu.memory_space<vmem>> -> memref<1x128xi32, #tpu.memory_space<vmem>>
        %dma_wait3A_135 = tpu.memref_squeeze %dma_wait3A_134 : memref<1x128xi32, #tpu.memory_space<vmem>> -> memref<128xi32, #tpu.memory_space<vmem>>
        %dma_wait3A_136 = arith.constant 0 : i32
        %dma_wait3A_137 = arith.constant 0 : i32
        %dma_wait3A_138 = tpu.memref_slice %arg2[%dma_wait3A_136, %dma_wait3A_137] : memref<10000x128xf32, #tpu.memory_space<hbm>> -> memref<10000x128xf32, #tpu.memory_space<hbm>>
        tpu.wait_indirect_dma semaphore(%arg13 : memref<!tpu.dma_semaphore, #tpu.memory_space<semaphore_mem>>) src(%dma_wait3A_138 : memref<10000x128xf32, #tpu.memory_space<hbm>>) dst(%arg10 : memref<128x128xf32, #tpu.memory_space<vmem>>)
        %run_scoped3A_139 = arith.constant 7 : i32
        "tpu.region"() ({
          %run_scoped3A_140 = tpu.sem_alloc : memref<!tpu.dma_semaphore, #tpu.memory_space<semaphore_mem>>
          %dma_start3A_141 = arith.constant 0 : i32
          %dma_start3A_142 = tpu.memref_slice %arg8[%run_scoped3A_139, %dma_start3A_141] : memref<8x128xi32, #tpu.memory_space<vmem>> -> memref<1x128xi32, #tpu.memory_space<vmem>>
          %dma_start3A_143 = tpu.memref_squeeze %dma_start3A_142 : memref<1x128xi32, #tpu.memory_space<vmem>> -> memref<128xi32, #tpu.memory_space<vmem>>
          %dma_start3A_144 = arith.constant 0 : i32
          %dma_start3A_145 = arith.constant 0 : i32
          %dma_start3A_146 = tpu.memref_slice %arg11[%dma_start3A_144, %dma_start3A_145] : memref<10240x128xf32, #tpu.memory_space<vmem_shared>> -> memref<10240x128xf32, #tpu.memory_space<vmem_shared>>
          tpu.enqueue_indirect_dma source(%arg10 : memref<128x128xf32, #tpu.memory_space<vmem>>) target(%dma_start3A_146 : memref<10240x128xf32, #tpu.memory_space<vmem_shared>>) offsets(%dma_start3A_143 : memref<128xi32, #tpu.memory_space<vmem>>) semaphore(%run_scoped3A_140 : memref<!tpu.dma_semaphore, #tpu.memory_space<semaphore_mem>>) {add = true}
          %dma_wait3A_147 = arith.constant 0 : i32
          %dma_wait3A_148 = tpu.memref_slice %arg8[%run_scoped3A_139, %dma_wait3A_147] : memref<8x128xi32, #tpu.memory_space<vmem>> -> memref<1x128xi32, #tpu.memory_space<vmem>>
          %dma_wait3A_149 = tpu.memref_squeeze %dma_wait3A_148 : memref<1x128xi32, #tpu.memory_space<vmem>> -> memref<128xi32, #tpu.memory_space<vmem>>
          %dma_wait3A_150 = arith.constant 0 : i32
          %dma_wait3A_151 = arith.constant 0 : i32
          %dma_wait3A_152 = tpu.memref_slice %arg11[%dma_wait3A_150, %dma_wait3A_151] : memref<10240x128xf32, #tpu.memory_space<vmem_shared>> -> memref<10240x128xf32, #tpu.memory_space<vmem_shared>>
          tpu.wait_indirect_dma semaphore(%run_scoped3A_140 : memref<!tpu.dma_semaphore, #tpu.memory_space<semaphore_mem>>) src(%arg10 : memref<128x128xf32, #tpu.memory_space<vmem>>) dst(%dma_wait3A_152 : memref<10240x128xf32, #tpu.memory_space<vmem_shared>>)
          tpu.yield
        }) : () -> ()
      }
      %scan3A_15 = arith.constant 5 : i32
    } else {
    }
    %barrier3A_8 = arith.constant 0 : index
    tpu.barrier barrier_id(%barrier3A_8)
    "tpu.region"() ({
      %run_scoped3A = tpu.sem_alloc : memref<!tpu.dma_semaphore, #tpu.memory_space<semaphore_mem>>
      %dma_start3A = arith.constant 0 : i32
      %dma_start3A_9 = tpu.memref_slice %arg6[%arg0, %multiple_of3A, %dma_start3A] : memref<2x10240x128xf32, #tpu.memory_space<hbm>> -> memref<1x640x128xf32, #tpu.memory_space<hbm>>
      %dma_start3A_10 = tpu.memref_squeeze %dma_start3A_9 : memref<1x640x128xf32, #tpu.memory_space<hbm>> -> memref<640x128xf32, #tpu.memory_space<hbm>>
      %dma_start3A_11 = arith.constant 0 : i32
      %dma_start3A_12 = tpu.memref_slice %arg11[%multiple_of3A, %dma_start3A_11] : memref<10240x128xf32, #tpu.memory_space<vmem_shared>> -> memref<640x128xf32, #tpu.memory_space<vmem_shared>>
      tpu.enqueue_dma source(%dma_start3A_12 : memref<640x128xf32, #tpu.memory_space<vmem_shared>>) target(%dma_start3A_10 : memref<640x128xf32, #tpu.memory_space<hbm>>) target_semaphore(%run_scoped3A : memref<!tpu.dma_semaphore, #tpu.memory_space<semaphore_mem>>)
      %dma_wait3A = arith.constant 0 : i32
      %dma_wait3A_13 = tpu.memref_slice %arg6[%arg0, %multiple_of3A, %dma_wait3A] : memref<2x10240x128xf32, #tpu.memory_space<hbm>> -> memref<1x640x128xf32, #tpu.memory_space<hbm>>
      %dma_wait3A_14 = tpu.memref_squeeze %dma_wait3A_13 : memref<1x640x128xf32, #tpu.memory_space<hbm>> -> memref<640x128xf32, #tpu.memory_space<hbm>>
      %dma_wait3A_15 = arith.constant 0 : i32
      %dma_wait3A_16 = tpu.memref_slice %arg11[%multiple_of3A, %dma_wait3A_15] : memref<10240x128xf32, #tpu.memory_space<vmem_shared>> -> memref<640x128xf32, #tpu.memory_space<vmem_shared>>
      tpu.wait_dma2 semaphore(%run_scoped3A : memref<!tpu.dma_semaphore, #tpu.memory_space<semaphore_mem>>) src(%dma_wait3A_16 : memref<640x128xf32, #tpu.memory_space<vmem_shared>>) dst(%dma_wait3A_14 : memref<640x128xf32, #tpu.memory_space<hbm>>)
      tpu.yield
    }) : () -> ()
    return
  }
}

#map = affine_map<(d0, d1) -> (0, 0)>
#map1 = affine_map<(d0, d1) -> (0, 0, 0)>
module attributes {stable_mosaic.version = 14 : i64} {
  func.func @k(%arg0: i32, %arg1: i32, %arg2: memref<10000x128xf32, #tpu.memory_space<hbm>>, %arg3: memref<2560x128xi32, #tpu.memory_space<hbm>>, %arg4: memref<2560x128xi32, #tpu.memory_space<hbm>>, %arg5: memref<10240x128xf32, #tpu.memory_space<hbm>>, %arg6: memref<2x10240x128xf32, #tpu.memory_space<hbm>>, %arg7: memref<8x128xi32, #tpu.memory_space<vmem>>, %arg8: memref<8x128xi32, #tpu.memory_space<vmem>>, %arg9: memref<128x128xf32, #tpu.memory_space<vmem>>, %arg10: memref<128x128xf32, #tpu.memory_space<vmem>>, %arg11: memref<10240x128xf32, #tpu.memory_space<vmem_shared>>, %arg12: memref<!tpu.dma_semaphore, #tpu.memory_space<semaphore_mem>>, %arg13: memref<!tpu.dma_semaphore, #tpu.memory_space<semaphore_mem>>) attributes {dimension_semantics = [#tpu.dimension_semantics<core_parallel>, #tpu.dimension_semantics<subcore_parallel>], iteration_bounds = array<i64: 2, 16>, scalar_prefetch = 0 : i64, scratch_operands = 7 : i64, tpu.core_type = #tpu.core_type<sc_vector_subcore>, window_params = [{transform_indices = #map}, {transform_indices = #map}, {transform_indices = #map}, {transform_indices = #map}, {transform_indices = #map1}]} {
    %mul3A = arith.constant 640 : i32
    %mul3A_0 = arith.muli %arg1, %mul3A : i32
    %multiple_of3A = tpu.assume_multiple %mul3A_0, 8 : i32
    "tpu.region"() ({
      %run_scoped3A = tpu.sem_alloc : memref<!tpu.dma_semaphore, #tpu.memory_space<semaphore_mem>>
      %dma_start3A = arith.constant 0 : i32
      %dma_start3A_9 = tpu.memref_slice %arg11[%multiple_of3A, %dma_start3A] : memref<10240x128xf32, #tpu.memory_space<vmem_shared>> -> memref<640x128xf32, #tpu.memory_space<vmem_shared>>
      %dma_start3A_10 = arith.constant 0 : i32
      %dma_start3A_11 = tpu.memref_slice %arg5[%multiple_of3A, %dma_start3A_10] : memref<10240x128xf32, #tpu.memory_space<hbm>> -> memref<640x128xf32, #tpu.memory_space<hbm>>
      tpu.enqueue_dma source(%dma_start3A_11 : memref<640x128xf32, #tpu.memory_space<hbm>>) target(%dma_start3A_9 : memref<640x128xf32, #tpu.memory_space<vmem_shared>>) target_semaphore(%run_scoped3A : memref<!tpu.dma_semaphore, #tpu.memory_space<semaphore_mem>>)
      %dma_wait3A = arith.constant 0 : i32
      %dma_wait3A_12 = tpu.memref_slice %arg11[%multiple_of3A, %dma_wait3A] : memref<10240x128xf32, #tpu.memory_space<vmem_shared>> -> memref<640x128xf32, #tpu.memory_space<vmem_shared>>
      %dma_wait3A_13 = arith.constant 0 : i32
      %dma_wait3A_14 = tpu.memref_slice %arg5[%multiple_of3A, %dma_wait3A_13] : memref<10240x128xf32, #tpu.memory_space<hbm>> -> memref<640x128xf32, #tpu.memory_space<hbm>>
      tpu.wait_dma2 semaphore(%run_scoped3A : memref<!tpu.dma_semaphore, #tpu.memory_space<semaphore_mem>>) src(%dma_wait3A_14 : memref<640x128xf32, #tpu.memory_space<hbm>>) dst(%dma_wait3A_12 : memref<640x128xf32, #tpu.memory_space<vmem_shared>>)
      tpu.yield
    }) : () -> ()
    %barrier3A = arith.constant 0 : index
    tpu.barrier barrier_id(%barrier3A)
    %eq3A = arith.constant 0 : i32
    %eq3A_1 = arith.cmpi eq, %arg0, %eq3A : i32
    %convert_element_type3A = arith.extui %eq3A_1 : i1 to i32
    %cond3A = arith.constant 0 : i32
    %cond3A_2 = arith.cmpi ne, %convert_element_type3A, %cond3A : i32
    scf.if %cond3A_2 {
      %mul3A_9 = arith.constant 120 : i32
      %mul3A_10 = arith.muli %arg1, %mul3A_9 : i32
      %scan3A = arith.constant 0 : i32
      %scan3A_11 = arith.constant 15 : i32
      %scan3A_12 = arith.addi %scan3A, %scan3A_11 : i32
      %scan3A_13 = arith.constant 1 : i32
      scf.for %scan3A_15 = %scan3A to %scan3A_12 step %scan3A_13  : i32 {
        %mul3A_16 = arith.constant 8 : i32
        %mul3A_17 = arith.muli %scan3A_15, %mul3A_16 : i32
        %add3A = arith.constant 0 : i32
        %add3A_18 = arith.addi %add3A, %mul3A_17 : i32
        %add3A_19 = arith.addi %mul3A_10, %add3A_18 : i32
        %multiple_of3A_20 = tpu.assume_multiple %add3A_19, 8 : i32
        "tpu.region"() ({
          %run_scoped3A_138 = tpu.sem_alloc : memref<!tpu.dma_semaphore, #tpu.memory_space<semaphore_mem>>
          %dma_start3A_139 = arith.constant 0 : i32
          %dma_start3A_140 = tpu.memref_slice %arg3[%multiple_of3A_20, %dma_start3A_139] : memref<2560x128xi32, #tpu.memory_space<hbm>> -> memref<8x128xi32, #tpu.memory_space<hbm>>
          %dma_start3A_141 = arith.constant 0 : i32
          %dma_start3A_142 = tpu.memref_slice %arg3[%multiple_of3A_20, %dma_start3A_141] : memref<2560x128xi32, #tpu.memory_space<hbm>> -> memref<8x128xi32, #tpu.memory_space<hbm>>
          tpu.enqueue_dma source(%dma_start3A_142 : memref<8x128xi32, #tpu.memory_space<hbm>>) target(%arg7 : memref<8x128xi32, #tpu.memory_space<vmem>>) target_semaphore(%run_scoped3A_138 : memref<!tpu.dma_semaphore, #tpu.memory_space<semaphore_mem>>)
          %dma_wait3A_143 = arith.constant 0 : i32
          %dma_wait3A_144 = tpu.memref_slice %arg3[%multiple_of3A_20, %dma_wait3A_143] : memref<2560x128xi32, #tpu.memory_space<hbm>> -> memref<8x128xi32, #tpu.memory_space<hbm>>
          %dma_wait3A_145 = arith.constant 0 : i32
          %dma_wait3A_146 = tpu.memref_slice %arg3[%multiple_of3A_20, %dma_wait3A_145] : memref<2560x128xi32, #tpu.memory_space<hbm>> -> memref<8x128xi32, #tpu.memory_space<hbm>>
          tpu.wait_dma2 semaphore(%run_scoped3A_138 : memref<!tpu.dma_semaphore, #tpu.memory_space<semaphore_mem>>) src(%dma_wait3A_146 : memref<8x128xi32, #tpu.memory_space<hbm>>) dst(%arg7 : memref<8x128xi32, #tpu.memory_space<vmem>>)
          tpu.yield
        }) : () -> ()
        "tpu.region"() ({
          %run_scoped3A_138 = tpu.sem_alloc : memref<!tpu.dma_semaphore, #tpu.memory_space<semaphore_mem>>
          %dma_start3A_139 = arith.constant 0 : i32
          %dma_start3A_140 = tpu.memref_slice %arg4[%multiple_of3A_20, %dma_start3A_139] : memref<2560x128xi32, #tpu.memory_space<hbm>> -> memref<8x128xi32, #tpu.memory_space<hbm>>
          %dma_start3A_141 = arith.constant 0 : i32
          %dma_start3A_142 = tpu.memref_slice %arg4[%multiple_of3A_20, %dma_start3A_141] : memref<2560x128xi32, #tpu.memory_space<hbm>> -> memref<8x128xi32, #tpu.memory_space<hbm>>
          tpu.enqueue_dma source(%dma_start3A_142 : memref<8x128xi32, #tpu.memory_space<hbm>>) target(%arg8 : memref<8x128xi32, #tpu.memory_space<vmem>>) target_semaphore(%run_scoped3A_138 : memref<!tpu.dma_semaphore, #tpu.memory_space<semaphore_mem>>)
          %dma_wait3A_143 = arith.constant 0 : i32
          %dma_wait3A_144 = tpu.memref_slice %arg4[%multiple_of3A_20, %dma_wait3A_143] : memref<2560x128xi32, #tpu.memory_space<hbm>> -> memref<8x128xi32, #tpu.memory_space<hbm>>
          %dma_wait3A_145 = arith.constant 0 : i32
          %dma_wait3A_146 = tpu.memref_slice %arg4[%multiple_of3A_20, %dma_wait3A_145] : memref<2560x128xi32, #tpu.memory_space<hbm>> -> memref<8x128xi32, #tpu.memory_space<hbm>>
          tpu.wait_dma2 semaphore(%run_scoped3A_138 : memref<!tpu.dma_semaphore, #tpu.memory_space<semaphore_mem>>) src(%dma_wait3A_146 : memref<8x128xi32, #tpu.memory_space<hbm>>) dst(%arg8 : memref<8x128xi32, #tpu.memory_space<vmem>>)
          tpu.yield
        }) : () -> ()
        %dma_start3A = arith.constant 0 : i32
        %dma_start3A_21 = arith.constant 0 : i32
        %dma_start3A_22 = tpu.memref_slice %arg7[%dma_start3A, %dma_start3A_21] : memref<8x128xi32, #tpu.memory_space<vmem>> -> memref<1x128xi32, #tpu.memory_space<vmem>>
        %dma_start3A_23 = tpu.memref_squeeze %dma_start3A_22 : memref<1x128xi32, #tpu.memory_space<vmem>> -> memref<128xi32, #tpu.memory_space<vmem>>
        %dma_start3A_24 = arith.constant 0 : i32
        %dma_start3A_25 = arith.constant 0 : i32
        %dma_start3A_26 = tpu.memref_slice %arg2[%dma_start3A_24, %dma_start3A_25] : memref<10000x128xf32, #tpu.memory_space<hbm>> -> memref<10000x128xf32, #tpu.memory_space<hbm>>
        tpu.enqueue_indirect_dma source(%dma_start3A_26 : memref<10000x128xf32, #tpu.memory_space<hbm>>) target(%arg9 : memref<128x128xf32, #tpu.memory_space<vmem>>) offsets(%dma_start3A_23 : memref<128xi32, #tpu.memory_space<vmem>>) semaphore(%arg12 : memref<!tpu.dma_semaphore, #tpu.memory_space<semaphore_mem>>)
        %dma_start3A_27 = arith.constant 1 : i32
        %dma_start3A_28 = arith.constant 0 : i32
        %dma_start3A_29 = tpu.memref_slice %arg7[%dma_start3A_27, %dma_start3A_28] : memref<8x128xi32, #tpu.memory_space<vmem>> -> memref<1x128xi32, #tpu.memory_space<vmem>>
        %dma_start3A_30 = tpu.memref_squeeze %dma_start3A_29 : memref<1x128xi32, #tpu.memory_space<vmem>> -> memref<128xi32, #tpu.memory_space<vmem>>
        %dma_start3A_31 = arith.constant 0 : i32
        %dma_start3A_32 = arith.constant 0 : i32
        %dma_start3A_33 = tpu.memref_slice %arg2[%dma_start3A_31, %dma_start3A_32] : memref<10000x128xf32, #tpu.memory_space<hbm>> -> memref<10000x128xf32, #tpu.memory_space<hbm>>
        tpu.enqueue_indirect_dma source(%dma_start3A_33 : memref<10000x128xf32, #tpu.memory_space<hbm>>) target(%arg10 : memref<128x128xf32, #tpu.memory_space<vmem>>) offsets(%dma_start3A_30 : memref<128xi32, #tpu.memory_space<vmem>>) semaphore(%arg13 : memref<!tpu.dma_semaphore, #tpu.memory_space<semaphore_mem>>)
        %dma_wait3A = arith.constant 0 : i32
        %dma_wait3A_34 = arith.constant 0 : i32
        %dma_wait3A_35 = tpu.memref_slice %arg7[%dma_wait3A, %dma_wait3A_34] : memref<8x128xi32, #tpu.memory_space<vmem>> -> memref<1x128xi32, #tpu.memory_space<vmem>>
        %dma_wait3A_36 = tpu.memref_squeeze %dma_wait3A_35 : memref<1x128xi32, #tpu.memory_space<vmem>> -> memref<128xi32, #tpu.memory_space<vmem>>
        %dma_wait3A_37 = arith.constant 0 : i32
        %dma_wait3A_38 = arith.constant 0 : i32
        %dma_wait3A_39 = tpu.memref_slice %arg2[%dma_wait3A_37, %dma_wait3A_38] : memref<10000x128xf32, #tpu.memory_space<hbm>> -> memref<10000x128xf32, #tpu.memory_space<hbm>>
        tpu.wait_indirect_dma semaphore(%arg12 : memref<!tpu.dma_semaphore, #tpu.memory_space<semaphore_mem>>) src(%dma_wait3A_39 : memref<10000x128xf32, #tpu.memory_space<hbm>>) dst(%arg9 : memref<128x128xf32, #tpu.memory_space<vmem>>)
        %run_scoped3A = arith.constant 0 : i32
        "tpu.region"() ({
          %run_scoped3A_138 = tpu.sem_alloc : memref<!tpu.dma_semaphore, #tpu.memory_space<semaphore_mem>>
          %dma_start3A_139 = arith.constant 0 : i32
          %dma_start3A_140 = tpu.memref_slice %arg8[%run_scoped3A, %dma_start3A_139] : memref<8x128xi32, #tpu.memory_space<vmem>> -> memref<1x128xi32, #tpu.memory_space<vmem>>
          %dma_start3A_141 = tpu.memref_squeeze %dma_start3A_140 : memref<1x128xi32, #tpu.memory_space<vmem>> -> memref<128xi32, #tpu.memory_space<vmem>>
          %dma_start3A_142 = arith.constant 0 : i32
          %dma_start3A_143 = arith.constant 0 : i32
          %dma_start3A_144 = tpu.memref_slice %arg11[%dma_start3A_142, %dma_start3A_143] : memref<10240x128xf32, #tpu.memory_space<vmem_shared>> -> memref<10240x128xf32, #tpu.memory_space<vmem_shared>>
          tpu.enqueue_indirect_dma source(%arg9 : memref<128x128xf32, #tpu.memory_space<vmem>>) target(%dma_start3A_144 : memref<10240x128xf32, #tpu.memory_space<vmem_shared>>) offsets(%dma_start3A_141 : memref<128xi32, #tpu.memory_space<vmem>>) semaphore(%run_scoped3A_138 : memref<!tpu.dma_semaphore, #tpu.memory_space<semaphore_mem>>) {add = true}
          %dma_wait3A_145 = arith.constant 0 : i32
          %dma_wait3A_146 = tpu.memref_slice %arg8[%run_scoped3A, %dma_wait3A_145] : memref<8x128xi32, #tpu.memory_space<vmem>> -> memref<1x128xi32, #tpu.memory_space<vmem>>
          %dma_wait3A_147 = tpu.memref_squeeze %dma_wait3A_146 : memref<1x128xi32, #tpu.memory_space<vmem>> -> memref<128xi32, #tpu.memory_space<vmem>>
          %dma_wait3A_148 = arith.constant 0 : i32
          %dma_wait3A_149 = arith.constant 0 : i32
          %dma_wait3A_150 = tpu.memref_slice %arg11[%dma_wait3A_148, %dma_wait3A_149] : memref<10240x128xf32, #tpu.memory_space<vmem_shared>> -> memref<10240x128xf32, #tpu.memory_space<vmem_shared>>
          tpu.wait_indirect_dma semaphore(%run_scoped3A_138 : memref<!tpu.dma_semaphore, #tpu.memory_space<semaphore_mem>>) src(%arg9 : memref<128x128xf32, #tpu.memory_space<vmem>>) dst(%dma_wait3A_150 : memref<10240x128xf32, #tpu.memory_space<vmem_shared>>)
          tpu.yield
        }) : () -> ()
        %dma_start3A_40 = arith.constant 2 : i32
        %dma_start3A_41 = arith.constant 0 : i32
        %dma_start3A_42 = tpu.memref_slice %arg7[%dma_start3A_40, %dma_start3A_41] : memref<8x128xi32, #tpu.memory_space<vmem>> -> memref<1x128xi32, #tpu.memory_space<vmem>>
        %dma_start3A_43 = tpu.memref_squeeze %dma_start3A_42 : memref<1x128xi32, #tpu.memory_space<vmem>> -> memref<128xi32, #tpu.memory_space<vmem>>
        %dma_start3A_44 = arith.constant 0 : i32
        %dma_start3A_45 = arith.constant 0 : i32
        %dma_start3A_46 = tpu.memref_slice %arg2[%dma_start3A_44, %dma_start3A_45] : memref<10000x128xf32, #tpu.memory_space<hbm>> -> memref<10000x128xf32, #tpu.memory_space<hbm>>
        tpu.enqueue_indirect_dma source(%dma_start3A_46 : memref<10000x128xf32, #tpu.memory_space<hbm>>) target(%arg9 : memref<128x128xf32, #tpu.memory_space<vmem>>) offsets(%dma_start3A_43 : memref<128xi32, #tpu.memory_space<vmem>>) semaphore(%arg12 : memref<!tpu.dma_semaphore, #tpu.memory_space<semaphore_mem>>)
        %dma_wait3A_47 = arith.constant 1 : i32
        %dma_wait3A_48 = arith.constant 0 : i32
        %dma_wait3A_49 = tpu.memref_slice %arg7[%dma_wait3A_47, %dma_wait3A_48] : memref<8x128xi32, #tpu.memory_space<vmem>> -> memref<1x128xi32, #tpu.memory_space<vmem>>
        %dma_wait3A_50 = tpu.memref_squeeze %dma_wait3A_49 : memref<1x128xi32, #tpu.memory_space<vmem>> -> memref<128xi32, #tpu.memory_space<vmem>>
        %dma_wait3A_51 = arith.constant 0 : i32
        %dma_wait3A_52 = arith.constant 0 : i32
        %dma_wait3A_53 = tpu.memref_slice %arg2[%dma_wait3A_51, %dma_wait3A_52] : memref<10000x128xf32, #tpu.memory_space<hbm>> -> memref<10000x128xf32, #tpu.memory_space<hbm>>
        tpu.wait_indirect_dma semaphore(%arg13 : memref<!tpu.dma_semaphore, #tpu.memory_space<semaphore_mem>>) src(%dma_wait3A_53 : memref<10000x128xf32, #tpu.memory_space<hbm>>) dst(%arg10 : memref<128x128xf32, #tpu.memory_space<vmem>>)
        %run_scoped3A_54 = arith.constant 1 : i32
        "tpu.region"() ({
          %run_scoped3A_138 = tpu.sem_alloc : memref<!tpu.dma_semaphore, #tpu.memory_space<semaphore_mem>>
          %dma_start3A_139 = arith.constant 0 : i32
          %dma_start3A_140 = tpu.memref_slice %arg8[%run_scoped3A_54, %dma_start3A_139] : memref<8x128xi32, #tpu.memory_space<vmem>> -> memref<1x128xi32, #tpu.memory_space<vmem>>
          %dma_start3A_141 = tpu.memref_squeeze %dma_start3A_140 : memref<1x128xi32, #tpu.memory_space<vmem>> -> memref<128xi32, #tpu.memory_space<vmem>>
          %dma_start3A_142 = arith.constant 0 : i32
          %dma_start3A_143 = arith.constant 0 : i32
          %dma_start3A_144 = tpu.memref_slice %arg11[%dma_start3A_142, %dma_start3A_143] : memref<10240x128xf32, #tpu.memory_space<vmem_shared>> -> memref<10240x128xf32, #tpu.memory_space<vmem_shared>>
          tpu.enqueue_indirect_dma source(%arg10 : memref<128x128xf32, #tpu.memory_space<vmem>>) target(%dma_start3A_144 : memref<10240x128xf32, #tpu.memory_space<vmem_shared>>) offsets(%dma_start3A_141 : memref<128xi32, #tpu.memory_space<vmem>>) semaphore(%run_scoped3A_138 : memref<!tpu.dma_semaphore, #tpu.memory_space<semaphore_mem>>) {add = true}
          %dma_wait3A_145 = arith.constant 0 : i32
          %dma_wait3A_146 = tpu.memref_slice %arg8[%run_scoped3A_54, %dma_wait3A_145] : memref<8x128xi32, #tpu.memory_space<vmem>> -> memref<1x128xi32, #tpu.memory_space<vmem>>
          %dma_wait3A_147 = tpu.memref_squeeze %dma_wait3A_146 : memref<1x128xi32, #tpu.memory_space<vmem>> -> memref<128xi32, #tpu.memory_space<vmem>>
          %dma_wait3A_148 = arith.constant 0 : i32
          %dma_wait3A_149 = arith.constant 0 : i32
          %dma_wait3A_150 = tpu.memref_slice %arg11[%dma_wait3A_148, %dma_wait3A_149] : memref<10240x128xf32, #tpu.memory_space<vmem_shared>> -> memref<10240x128xf32, #tpu.memory_space<vmem_shared>>
          tpu.wait_indirect_dma semaphore(%run_scoped3A_138 : memref<!tpu.dma_semaphore, #tpu.memory_space<semaphore_mem>>) src(%arg10 : memref<128x128xf32, #tpu.memory_space<vmem>>) dst(%dma_wait3A_150 : memref<10240x128xf32, #tpu.memory_space<vmem_shared>>)
          tpu.yield
        }) : () -> ()
        %dma_start3A_55 = arith.constant 3 : i32
        %dma_start3A_56 = arith.constant 0 : i32
        %dma_start3A_57 = tpu.memref_slice %arg7[%dma_start3A_55, %dma_start3A_56] : memref<8x128xi32, #tpu.memory_space<vmem>> -> memref<1x128xi32, #tpu.memory_space<vmem>>
        %dma_start3A_58 = tpu.memref_squeeze %dma_start3A_57 : memref<1x128xi32, #tpu.memory_space<vmem>> -> memref<128xi32, #tpu.memory_space<vmem>>
        %dma_start3A_59 = arith.constant 0 : i32
        %dma_start3A_60 = arith.constant 0 : i32
        %dma_start3A_61 = tpu.memref_slice %arg2[%dma_start3A_59, %dma_start3A_60] : memref<10000x128xf32, #tpu.memory_space<hbm>> -> memref<10000x128xf32, #tpu.memory_space<hbm>>
        tpu.enqueue_indirect_dma source(%dma_start3A_61 : memref<10000x128xf32, #tpu.memory_space<hbm>>) target(%arg10 : memref<128x128xf32, #tpu.memory_space<vmem>>) offsets(%dma_start3A_58 : memref<128xi32, #tpu.memory_space<vmem>>) semaphore(%arg13 : memref<!tpu.dma_semaphore, #tpu.memory_space<semaphore_mem>>)
        %dma_wait3A_62 = arith.constant 2 : i32
        %dma_wait3A_63 = arith.constant 0 : i32
        %dma_wait3A_64 = tpu.memref_slice %arg7[%dma_wait3A_62, %dma_wait3A_63] : memref<8x128xi32, #tpu.memory_space<vmem>> -> memref<1x128xi32, #tpu.memory_space<vmem>>
        %dma_wait3A_65 = tpu.memref_squeeze %dma_wait3A_64 : memref<1x128xi32, #tpu.memory_space<vmem>> -> memref<128xi32, #tpu.memory_space<vmem>>
        %dma_wait3A_66 = arith.constant 0 : i32
        %dma_wait3A_67 = arith.constant 0 : i32
        %dma_wait3A_68 = tpu.memref_slice %arg2[%dma_wait3A_66, %dma_wait3A_67] : memref<10000x128xf32, #tpu.memory_space<hbm>> -> memref<10000x128xf32, #tpu.memory_space<hbm>>
        tpu.wait_indirect_dma semaphore(%arg12 : memref<!tpu.dma_semaphore, #tpu.memory_space<semaphore_mem>>) src(%dma_wait3A_68 : memref<10000x128xf32, #tpu.memory_space<hbm>>) dst(%arg9 : memref<128x128xf32, #tpu.memory_space<vmem>>)
        %run_scoped3A_69 = arith.constant 2 : i32
        "tpu.region"() ({
          %run_scoped3A_138 = tpu.sem_alloc : memref<!tpu.dma_semaphore, #tpu.memory_space<semaphore_mem>>
          %dma_start3A_139 = arith.constant 0 : i32
          %dma_start3A_140 = tpu.memref_slice %arg8[%run_scoped3A_69, %dma_start3A_139] : memref<8x128xi32, #tpu.memory_space<vmem>> -> memref<1x128xi32, #tpu.memory_space<vmem>>
          %dma_start3A_141 = tpu.memref_squeeze %dma_start3A_140 : memref<1x128xi32, #tpu.memory_space<vmem>> -> memref<128xi32, #tpu.memory_space<vmem>>
          %dma_start3A_142 = arith.constant 0 : i32
          %dma_start3A_143 = arith.constant 0 : i32
          %dma_start3A_144 = tpu.memref_slice %arg11[%dma_start3A_142, %dma_start3A_143] : memref<10240x128xf32, #tpu.memory_space<vmem_shared>> -> memref<10240x128xf32, #tpu.memory_space<vmem_shared>>
          tpu.enqueue_indirect_dma source(%arg9 : memref<128x128xf32, #tpu.memory_space<vmem>>) target(%dma_start3A_144 : memref<10240x128xf32, #tpu.memory_space<vmem_shared>>) offsets(%dma_start3A_141 : memref<128xi32, #tpu.memory_space<vmem>>) semaphore(%run_scoped3A_138 : memref<!tpu.dma_semaphore, #tpu.memory_space<semaphore_mem>>) {add = true}
          %dma_wait3A_145 = arith.constant 0 : i32
          %dma_wait3A_146 = tpu.memref_slice %arg8[%run_scoped3A_69, %dma_wait3A_145] : memref<8x128xi32, #tpu.memory_space<vmem>> -> memref<1x128xi32, #tpu.memory_space<vmem>>
          %dma_wait3A_147 = tpu.memref_squeeze %dma_wait3A_146 : memref<1x128xi32, #tpu.memory_space<vmem>> -> memref<128xi32, #tpu.memory_space<vmem>>
          %dma_wait3A_148 = arith.constant 0 : i32
          %dma_wait3A_149 = arith.constant 0 : i32
          %dma_wait3A_150 = tpu.memref_slice %arg11[%dma_wait3A_148, %dma_wait3A_149] : memref<10240x128xf32, #tpu.memory_space<vmem_shared>> -> memref<10240x128xf32, #tpu.memory_space<vmem_shared>>
          tpu.wait_indirect_dma semaphore(%run_scoped3A_138 : memref<!tpu.dma_semaphore, #tpu.memory_space<semaphore_mem>>) src(%arg9 : memref<128x128xf32, #tpu.memory_space<vmem>>) dst(%dma_wait3A_150 : memref<10240x128xf32, #tpu.memory_space<vmem_shared>>)
          tpu.yield
        }) : () -> ()
        %dma_start3A_70 = arith.constant 4 : i32
        %dma_start3A_71 = arith.constant 0 : i32
        %dma_start3A_72 = tpu.memref_slice %arg7[%dma_start3A_70, %dma_start3A_71] : memref<8x128xi32, #tpu.memory_space<vmem>> -> memref<1x128xi32, #tpu.memory_space<vmem>>
        %dma_start3A_73 = tpu.memref_squeeze %dma_start3A_72 : memref<1x128xi32, #tpu.memory_space<vmem>> -> memref<128xi32, #tpu.memory_space<vmem>>
        %dma_start3A_74 = arith.constant 0 : i32
        %dma_start3A_75 = arith.constant 0 : i32
        %dma_start3A_76 = tpu.memref_slice %arg2[%dma_start3A_74, %dma_start3A_75] : memref<10000x128xf32, #tpu.memory_space<hbm>> -> memref<10000x128xf32, #tpu.memory_space<hbm>>
        tpu.enqueue_indirect_dma source(%dma_start3A_76 : memref<10000x128xf32, #tpu.memory_space<hbm>>) target(%arg9 : memref<128x128xf32, #tpu.memory_space<vmem>>) offsets(%dma_start3A_73 : memref<128xi32, #tpu.memory_space<vmem>>) semaphore(%arg12 : memref<!tpu.dma_semaphore, #tpu.memory_space<semaphore_mem>>)
        %dma_wait3A_77 = arith.constant 3 : i32
        %dma_wait3A_78 = arith.constant 0 : i32
        %dma_wait3A_79 = tpu.memref_slice %arg7[%dma_wait3A_77, %dma_wait3A_78] : memref<8x128xi32, #tpu.memory_space<vmem>> -> memref<1x128xi32, #tpu.memory_space<vmem>>
        %dma_wait3A_80 = tpu.memref_squeeze %dma_wait3A_79 : memref<1x128xi32, #tpu.memory_space<vmem>> -> memref<128xi32, #tpu.memory_space<vmem>>
        %dma_wait3A_81 = arith.constant 0 : i32
        %dma_wait3A_82 = arith.constant 0 : i32
        %dma_wait3A_83 = tpu.memref_slice %arg2[%dma_wait3A_81, %dma_wait3A_82] : memref<10000x128xf32, #tpu.memory_space<hbm>> -> memref<10000x128xf32, #tpu.memory_space<hbm>>
        tpu.wait_indirect_dma semaphore(%arg13 : memref<!tpu.dma_semaphore, #tpu.memory_space<semaphore_mem>>) src(%dma_wait3A_83 : memref<10000x128xf32, #tpu.memory_space<hbm>>) dst(%arg10 : memref<128x128xf32, #tpu.memory_space<vmem>>)
        %run_scoped3A_84 = arith.constant 3 : i32
        "tpu.region"() ({
          %run_scoped3A_138 = tpu.sem_alloc : memref<!tpu.dma_semaphore, #tpu.memory_space<semaphore_mem>>
          %dma_start3A_139 = arith.constant 0 : i32
          %dma_start3A_140 = tpu.memref_slice %arg8[%run_scoped3A_84, %dma_start3A_139] : memref<8x128xi32, #tpu.memory_space<vmem>> -> memref<1x128xi32, #tpu.memory_space<vmem>>
          %dma_start3A_141 = tpu.memref_squeeze %dma_start3A_140 : memref<1x128xi32, #tpu.memory_space<vmem>> -> memref<128xi32, #tpu.memory_space<vmem>>
          %dma_start3A_142 = arith.constant 0 : i32
          %dma_start3A_143 = arith.constant 0 : i32
          %dma_start3A_144 = tpu.memref_slice %arg11[%dma_start3A_142, %dma_start3A_143] : memref<10240x128xf32, #tpu.memory_space<vmem_shared>> -> memref<10240x128xf32, #tpu.memory_space<vmem_shared>>
          tpu.enqueue_indirect_dma source(%arg10 : memref<128x128xf32, #tpu.memory_space<vmem>>) target(%dma_start3A_144 : memref<10240x128xf32, #tpu.memory_space<vmem_shared>>) offsets(%dma_start3A_141 : memref<128xi32, #tpu.memory_space<vmem>>) semaphore(%run_scoped3A_138 : memref<!tpu.dma_semaphore, #tpu.memory_space<semaphore_mem>>) {add = true}
          %dma_wait3A_145 = arith.constant 0 : i32
          %dma_wait3A_146 = tpu.memref_slice %arg8[%run_scoped3A_84, %dma_wait3A_145] : memref<8x128xi32, #tpu.memory_space<vmem>> -> memref<1x128xi32, #tpu.memory_space<vmem>>
          %dma_wait3A_147 = tpu.memref_squeeze %dma_wait3A_146 : memref<1x128xi32, #tpu.memory_space<vmem>> -> memref<128xi32, #tpu.memory_space<vmem>>
          %dma_wait3A_148 = arith.constant 0 : i32
          %dma_wait3A_149 = arith.constant 0 : i32
          %dma_wait3A_150 = tpu.memref_slice %arg11[%dma_wait3A_148, %dma_wait3A_149] : memref<10240x128xf32, #tpu.memory_space<vmem_shared>> -> memref<10240x128xf32, #tpu.memory_space<vmem_shared>>
          tpu.wait_indirect_dma semaphore(%run_scoped3A_138 : memref<!tpu.dma_semaphore, #tpu.memory_space<semaphore_mem>>) src(%arg10 : memref<128x128xf32, #tpu.memory_space<vmem>>) dst(%dma_wait3A_150 : memref<10240x128xf32, #tpu.memory_space<vmem_shared>>)
          tpu.yield
        }) : () -> ()
        %dma_start3A_85 = arith.constant 5 : i32
        %dma_start3A_86 = arith.constant 0 : i32
        %dma_start3A_87 = tpu.memref_slice %arg7[%dma_start3A_85, %dma_start3A_86] : memref<8x128xi32, #tpu.memory_space<vmem>> -> memref<1x128xi32, #tpu.memory_space<vmem>>
        %dma_start3A_88 = tpu.memref_squeeze %dma_start3A_87 : memref<1x128xi32, #tpu.memory_space<vmem>> -> memref<128xi32, #tpu.memory_space<vmem>>
        %dma_start3A_89 = arith.constant 0 : i32
        %dma_start3A_90 = arith.constant 0 : i32
        %dma_start3A_91 = tpu.memref_slice %arg2[%dma_start3A_89, %dma_start3A_90] : memref<10000x128xf32, #tpu.memory_space<hbm>> -> memref<10000x128xf32, #tpu.memory_space<hbm>>
        tpu.enqueue_indirect_dma source(%dma_start3A_91 : memref<10000x128xf32, #tpu.memory_space<hbm>>) target(%arg10 : memref<128x128xf32, #tpu.memory_space<vmem>>) offsets(%dma_start3A_88 : memref<128xi32, #tpu.memory_space<vmem>>) semaphore(%arg13 : memref<!tpu.dma_semaphore, #tpu.memory_space<semaphore_mem>>)
        %dma_wait3A_92 = arith.constant 4 : i32
        %dma_wait3A_93 = arith.constant 0 : i32
        %dma_wait3A_94 = tpu.memref_slice %arg7[%dma_wait3A_92, %dma_wait3A_93] : memref<8x128xi32, #tpu.memory_space<vmem>> -> memref<1x128xi32, #tpu.memory_space<vmem>>
        %dma_wait3A_95 = tpu.memref_squeeze %dma_wait3A_94 : memref<1x128xi32, #tpu.memory_space<vmem>> -> memref<128xi32, #tpu.memory_space<vmem>>
        %dma_wait3A_96 = arith.constant 0 : i32
        %dma_wait3A_97 = arith.constant 0 : i32
        %dma_wait3A_98 = tpu.memref_slice %arg2[%dma_wait3A_96, %dma_wait3A_97] : memref<10000x128xf32, #tpu.memory_space<hbm>> -> memref<10000x128xf32, #tpu.memory_space<hbm>>
        tpu.wait_indirect_dma semaphore(%arg12 : memref<!tpu.dma_semaphore, #tpu.memory_space<semaphore_mem>>) src(%dma_wait3A_98 : memref<10000x128xf32, #tpu.memory_space<hbm>>) dst(%arg9 : memref<128x128xf32, #tpu.memory_space<vmem>>)
        %run_scoped3A_99 = arith.constant 4 : i32
        "tpu.region"() ({
          %run_scoped3A_138 = tpu.sem_alloc : memref<!tpu.dma_semaphore, #tpu.memory_space<semaphore_mem>>
          %dma_start3A_139 = arith.constant 0 : i32
          %dma_start3A_140 = tpu.memref_slice %arg8[%run_scoped3A_99, %dma_start3A_139] : memref<8x128xi32, #tpu.memory_space<vmem>> -> memref<1x128xi32, #tpu.memory_space<vmem>>
          %dma_start3A_141 = tpu.memref_squeeze %dma_start3A_140 : memref<1x128xi32, #tpu.memory_space<vmem>> -> memref<128xi32, #tpu.memory_space<vmem>>
          %dma_start3A_142 = arith.constant 0 : i32
          %dma_start3A_143 = arith.constant 0 : i32
          %dma_start3A_144 = tpu.memref_slice %arg11[%dma_start3A_142, %dma_start3A_143] : memref<10240x128xf32, #tpu.memory_space<vmem_shared>> -> memref<10240x128xf32, #tpu.memory_space<vmem_shared>>
          tpu.enqueue_indirect_dma source(%arg9 : memref<128x128xf32, #tpu.memory_space<vmem>>) target(%dma_start3A_144 : memref<10240x128xf32, #tpu.memory_space<vmem_shared>>) offsets(%dma_start3A_141 : memref<128xi32, #tpu.memory_space<vmem>>) semaphore(%run_scoped3A_138 : memref<!tpu.dma_semaphore, #tpu.memory_space<semaphore_mem>>) {add = true}
          %dma_wait3A_145 = arith.constant 0 : i32
          %dma_wait3A_146 = tpu.memref_slice %arg8[%run_scoped3A_99, %dma_wait3A_145] : memref<8x128xi32, #tpu.memory_space<vmem>> -> memref<1x128xi32, #tpu.memory_space<vmem>>
          %dma_wait3A_147 = tpu.memref_squeeze %dma_wait3A_146 : memref<1x128xi32, #tpu.memory_space<vmem>> -> memref<128xi32, #tpu.memory_space<vmem>>
          %dma_wait3A_148 = arith.constant 0 : i32
          %dma_wait3A_149 = arith.constant 0 : i32
          %dma_wait3A_150 = tpu.memref_slice %arg11[%dma_wait3A_148, %dma_wait3A_149] : memref<10240x128xf32, #tpu.memory_space<vmem_shared>> -> memref<10240x128xf32, #tpu.memory_space<vmem_shared>>
          tpu.wait_indirect_dma semaphore(%run_scoped3A_138 : memref<!tpu.dma_semaphore, #tpu.memory_space<semaphore_mem>>) src(%arg9 : memref<128x128xf32, #tpu.memory_space<vmem>>) dst(%dma_wait3A_150 : memref<10240x128xf32, #tpu.memory_space<vmem_shared>>)
          tpu.yield
        }) : () -> ()
        %dma_start3A_100 = arith.constant 6 : i32
        %dma_start3A_101 = arith.constant 0 : i32
        %dma_start3A_102 = tpu.memref_slice %arg7[%dma_start3A_100, %dma_start3A_101] : memref<8x128xi32, #tpu.memory_space<vmem>> -> memref<1x128xi32, #tpu.memory_space<vmem>>
        %dma_start3A_103 = tpu.memref_squeeze %dma_start3A_102 : memref<1x128xi32, #tpu.memory_space<vmem>> -> memref<128xi32, #tpu.memory_space<vmem>>
        %dma_start3A_104 = arith.constant 0 : i32
        %dma_start3A_105 = arith.constant 0 : i32
        %dma_start3A_106 = tpu.memref_slice %arg2[%dma_start3A_104, %dma_start3A_105] : memref<10000x128xf32, #tpu.memory_space<hbm>> -> memref<10000x128xf32, #tpu.memory_space<hbm>>
        tpu.enqueue_indirect_dma source(%dma_start3A_106 : memref<10000x128xf32, #tpu.memory_space<hbm>>) target(%arg9 : memref<128x128xf32, #tpu.memory_space<vmem>>) offsets(%dma_start3A_103 : memref<128xi32, #tpu.memory_space<vmem>>) semaphore(%arg12 : memref<!tpu.dma_semaphore, #tpu.memory_space<semaphore_mem>>)
        %dma_wait3A_107 = arith.constant 5 : i32
        %dma_wait3A_108 = arith.constant 0 : i32
        %dma_wait3A_109 = tpu.memref_slice %arg7[%dma_wait3A_107, %dma_wait3A_108] : memref<8x128xi32, #tpu.memory_space<vmem>> -> memref<1x128xi32, #tpu.memory_space<vmem>>
        %dma_wait3A_110 = tpu.memref_squeeze %dma_wait3A_109 : memref<1x128xi32, #tpu.memory_space<vmem>> -> memref<128xi32, #tpu.memory_space<vmem>>
        %dma_wait3A_111 = arith.constant 0 : i32
        %dma_wait3A_112 = arith.constant 0 : i32
        %dma_wait3A_113 = tpu.memref_slice %arg2[%dma_wait3A_111, %dma_wait3A_112] : memref<10000x128xf32, #tpu.memory_space<hbm>> -> memref<10000x128xf32, #tpu.memory_space<hbm>>
        tpu.wait_indirect_dma semaphore(%arg13 : memref<!tpu.dma_semaphore, #tpu.memory_space<semaphore_mem>>) src(%dma_wait3A_113 : memref<10000x128xf32, #tpu.memory_space<hbm>>) dst(%arg10 : memref<128x128xf32, #tpu.memory_space<vmem>>)
        %run_scoped3A_114 = arith.constant 5 : i32
        "tpu.region"() ({
          %run_scoped3A_138 = tpu.sem_alloc : memref<!tpu.dma_semaphore, #tpu.memory_space<semaphore_mem>>
          %dma_start3A_139 = arith.constant 0 : i32
          %dma_start3A_140 = tpu.memref_slice %arg8[%run_scoped3A_114, %dma_start3A_139] : memref<8x128xi32, #tpu.memory_space<vmem>> -> memref<1x128xi32, #tpu.memory_space<vmem>>
          %dma_start3A_141 = tpu.memref_squeeze %dma_start3A_140 : memref<1x128xi32, #tpu.memory_space<vmem>> -> memref<128xi32, #tpu.memory_space<vmem>>
          %dma_start3A_142 = arith.constant 0 : i32
          %dma_start3A_143 = arith.constant 0 : i32
          %dma_start3A_144 = tpu.memref_slice %arg11[%dma_start3A_142, %dma_start3A_143] : memref<10240x128xf32, #tpu.memory_space<vmem_shared>> -> memref<10240x128xf32, #tpu.memory_space<vmem_shared>>
          tpu.enqueue_indirect_dma source(%arg10 : memref<128x128xf32, #tpu.memory_space<vmem>>) target(%dma_start3A_144 : memref<10240x128xf32, #tpu.memory_space<vmem_shared>>) offsets(%dma_start3A_141 : memref<128xi32, #tpu.memory_space<vmem>>) semaphore(%run_scoped3A_138 : memref<!tpu.dma_semaphore, #tpu.memory_space<semaphore_mem>>) {add = true}
          %dma_wait3A_145 = arith.constant 0 : i32
          %dma_wait3A_146 = tpu.memref_slice %arg8[%run_scoped3A_114, %dma_wait3A_145] : memref<8x128xi32, #tpu.memory_space<vmem>> -> memref<1x128xi32, #tpu.memory_space<vmem>>
          %dma_wait3A_147 = tpu.memref_squeeze %dma_wait3A_146 : memref<1x128xi32, #tpu.memory_space<vmem>> -> memref<128xi32, #tpu.memory_space<vmem>>
          %dma_wait3A_148 = arith.constant 0 : i32
          %dma_wait3A_149 = arith.constant 0 : i32
          %dma_wait3A_150 = tpu.memref_slice %arg11[%dma_wait3A_148, %dma_wait3A_149] : memref<10240x128xf32, #tpu.memory_space<vmem_shared>> -> memref<10240x128xf32, #tpu.memory_space<vmem_shared>>
          tpu.wait_indirect_dma semaphore(%run_scoped3A_138 : memref<!tpu.dma_semaphore, #tpu.memory_space<semaphore_mem>>) src(%arg10 : memref<128x128xf32, #tpu.memory_space<vmem>>) dst(%dma_wait3A_150 : memref<10240x128xf32, #tpu.memory_space<vmem_shared>>)
          tpu.yield
        }) : () -> ()
        %dma_start3A_115 = arith.constant 7 : i32
        %dma_start3A_116 = arith.constant 0 : i32
        %dma_start3A_117 = tpu.memref_slice %arg7[%dma_start3A_115, %dma_start3A_116] : memref<8x128xi32, #tpu.memory_space<vmem>> -> memref<1x128xi32, #tpu.memory_space<vmem>>
        %dma_start3A_118 = tpu.memref_squeeze %dma_start3A_117 : memref<1x128xi32, #tpu.memory_space<vmem>> -> memref<128xi32, #tpu.memory_space<vmem>>
        %dma_start3A_119 = arith.constant 0 : i32
        %dma_start3A_120 = arith.constant 0 : i32
        %dma_start3A_121 = tpu.memref_slice %arg2[%dma_start3A_119, %dma_start3A_120] : memref<10000x128xf32, #tpu.memory_space<hbm>> -> memref<10000x128xf32, #tpu.memory_space<hbm>>
        tpu.enqueue_indirect_dma source(%dma_start3A_121 : memref<10000x128xf32, #tpu.memory_space<hbm>>) target(%arg10 : memref<128x128xf32, #tpu.memory_space<vmem>>) offsets(%dma_start3A_118 : memref<128xi32, #tpu.memory_space<vmem>>) semaphore(%arg13 : memref<!tpu.dma_semaphore, #tpu.memory_space<semaphore_mem>>)
        %dma_wait3A_122 = arith.constant 6 : i32
        %dma_wait3A_123 = arith.constant 0 : i32
        %dma_wait3A_124 = tpu.memref_slice %arg7[%dma_wait3A_122, %dma_wait3A_123] : memref<8x128xi32, #tpu.memory_space<vmem>> -> memref<1x128xi32, #tpu.memory_space<vmem>>
        %dma_wait3A_125 = tpu.memref_squeeze %dma_wait3A_124 : memref<1x128xi32, #tpu.memory_space<vmem>> -> memref<128xi32, #tpu.memory_space<vmem>>
        %dma_wait3A_126 = arith.constant 0 : i32
        %dma_wait3A_127 = arith.constant 0 : i32
        %dma_wait3A_128 = tpu.memref_slice %arg2[%dma_wait3A_126, %dma_wait3A_127] : memref<10000x128xf32, #tpu.memory_space<hbm>> -> memref<10000x128xf32, #tpu.memory_space<hbm>>
        tpu.wait_indirect_dma semaphore(%arg12 : memref<!tpu.dma_semaphore, #tpu.memory_space<semaphore_mem>>) src(%dma_wait3A_128 : memref<10000x128xf32, #tpu.memory_space<hbm>>) dst(%arg9 : memref<128x128xf32, #tpu.memory_space<vmem>>)
        %run_scoped3A_129 = arith.constant 6 : i32
        "tpu.region"() ({
          %run_scoped3A_138 = tpu.sem_alloc : memref<!tpu.dma_semaphore, #tpu.memory_space<semaphore_mem>>
          %dma_start3A_139 = arith.constant 0 : i32
          %dma_start3A_140 = tpu.memref_slice %arg8[%run_scoped3A_129, %dma_start3A_139] : memref<8x128xi32, #tpu.memory_space<vmem>> -> memref<1x128xi32, #tpu.memory_space<vmem>>
          %dma_start3A_141 = tpu.memref_squeeze %dma_start3A_140 : memref<1x128xi32, #tpu.memory_space<vmem>> -> memref<128xi32, #tpu.memory_space<vmem>>
          %dma_start3A_142 = arith.constant 0 : i32
          %dma_start3A_143 = arith.constant 0 : i32
          %dma_start3A_144 = tpu.memref_slice %arg11[%dma_start3A_142, %dma_start3A_143] : memref<10240x128xf32, #tpu.memory_space<vmem_shared>> -> memref<10240x128xf32, #tpu.memory_space<vmem_shared>>
          tpu.enqueue_indirect_dma source(%arg9 : memref<128x128xf32, #tpu.memory_space<vmem>>) target(%dma_start3A_144 : memref<10240x128xf32, #tpu.memory_space<vmem_shared>>) offsets(%dma_start3A_141 : memref<128xi32, #tpu.memory_space<vmem>>) semaphore(%run_scoped3A_138 : memref<!tpu.dma_semaphore, #tpu.memory_space<semaphore_mem>>) {add = true}
          %dma_wait3A_145 = arith.constant 0 : i32
          %dma_wait3A_146 = tpu.memref_slice %arg8[%run_scoped3A_129, %dma_wait3A_145] : memref<8x128xi32, #tpu.memory_space<vmem>> -> memref<1x128xi32, #tpu.memory_space<vmem>>
          %dma_wait3A_147 = tpu.memref_squeeze %dma_wait3A_146 : memref<1x128xi32, #tpu.memory_space<vmem>> -> memref<128xi32, #tpu.memory_space<vmem>>
          %dma_wait3A_148 = arith.constant 0 : i32
          %dma_wait3A_149 = arith.constant 0 : i32
          %dma_wait3A_150 = tpu.memref_slice %arg11[%dma_wait3A_148, %dma_wait3A_149] : memref<10240x128xf32, #tpu.memory_space<vmem_shared>> -> memref<10240x128xf32, #tpu.memory_space<vmem_shared>>
          tpu.wait_indirect_dma semaphore(%run_scoped3A_138 : memref<!tpu.dma_semaphore, #tpu.memory_space<semaphore_mem>>) src(%arg9 : memref<128x128xf32, #tpu.memory_space<vmem>>) dst(%dma_wait3A_150 : memref<10240x128xf32, #tpu.memory_space<vmem_shared>>)
          tpu.yield
        }) : () -> ()
        %dma_wait3A_130 = arith.constant 7 : i32
        %dma_wait3A_131 = arith.constant 0 : i32
        %dma_wait3A_132 = tpu.memref_slice %arg7[%dma_wait3A_130, %dma_wait3A_131] : memref<8x128xi32, #tpu.memory_space<vmem>> -> memref<1x128xi32, #tpu.memory_space<vmem>>
        %dma_wait3A_133 = tpu.memref_squeeze %dma_wait3A_132 : memref<1x128xi32, #tpu.memory_space<vmem>> -> memref<128xi32, #tpu.memory_space<vmem>>
        %dma_wait3A_134 = arith.constant 0 : i32
        %dma_wait3A_135 = arith.constant 0 : i32
        %dma_wait3A_136 = tpu.memref_slice %arg2[%dma_wait3A_134, %dma_wait3A_135] : memref<10000x128xf32, #tpu.memory_space<hbm>> -> memref<10000x128xf32, #tpu.memory_space<hbm>>
        tpu.wait_indirect_dma semaphore(%arg13 : memref<!tpu.dma_semaphore, #tpu.memory_space<semaphore_mem>>) src(%dma_wait3A_136 : memref<10000x128xf32, #tpu.memory_space<hbm>>) dst(%arg10 : memref<128x128xf32, #tpu.memory_space<vmem>>)
        %run_scoped3A_137 = arith.constant 7 : i32
        "tpu.region"() ({
          %run_scoped3A_138 = tpu.sem_alloc : memref<!tpu.dma_semaphore, #tpu.memory_space<semaphore_mem>>
          %dma_start3A_139 = arith.constant 0 : i32
          %dma_start3A_140 = tpu.memref_slice %arg8[%run_scoped3A_137, %dma_start3A_139] : memref<8x128xi32, #tpu.memory_space<vmem>> -> memref<1x128xi32, #tpu.memory_space<vmem>>
          %dma_start3A_141 = tpu.memref_squeeze %dma_start3A_140 : memref<1x128xi32, #tpu.memory_space<vmem>> -> memref<128xi32, #tpu.memory_space<vmem>>
          %dma_start3A_142 = arith.constant 0 : i32
          %dma_start3A_143 = arith.constant 0 : i32
          %dma_start3A_144 = tpu.memref_slice %arg11[%dma_start3A_142, %dma_start3A_143] : memref<10240x128xf32, #tpu.memory_space<vmem_shared>> -> memref<10240x128xf32, #tpu.memory_space<vmem_shared>>
          tpu.enqueue_indirect_dma source(%arg10 : memref<128x128xf32, #tpu.memory_space<vmem>>) target(%dma_start3A_144 : memref<10240x128xf32, #tpu.memory_space<vmem_shared>>) offsets(%dma_start3A_141 : memref<128xi32, #tpu.memory_space<vmem>>) semaphore(%run_scoped3A_138 : memref<!tpu.dma_semaphore, #tpu.memory_space<semaphore_mem>>) {add = true}
          %dma_wait3A_145 = arith.constant 0 : i32
          %dma_wait3A_146 = tpu.memref_slice %arg8[%run_scoped3A_137, %dma_wait3A_145] : memref<8x128xi32, #tpu.memory_space<vmem>> -> memref<1x128xi32, #tpu.memory_space<vmem>>
          %dma_wait3A_147 = tpu.memref_squeeze %dma_wait3A_146 : memref<1x128xi32, #tpu.memory_space<vmem>> -> memref<128xi32, #tpu.memory_space<vmem>>
          %dma_wait3A_148 = arith.constant 0 : i32
          %dma_wait3A_149 = arith.constant 0 : i32
          %dma_wait3A_150 = tpu.memref_slice %arg11[%dma_wait3A_148, %dma_wait3A_149] : memref<10240x128xf32, #tpu.memory_space<vmem_shared>> -> memref<10240x128xf32, #tpu.memory_space<vmem_shared>>
          tpu.wait_indirect_dma semaphore(%run_scoped3A_138 : memref<!tpu.dma_semaphore, #tpu.memory_space<semaphore_mem>>) src(%arg10 : memref<128x128xf32, #tpu.memory_space<vmem>>) dst(%dma_wait3A_150 : memref<10240x128xf32, #tpu.memory_space<vmem_shared>>)
          tpu.yield
        }) : () -> ()
      }
      %scan3A_14 = arith.constant 15 : i32
    } else {
    }
    %eq3A_3 = arith.constant 1 : i32
    %eq3A_4 = arith.cmpi eq, %arg0, %eq3A_3 : i32
    %convert_element_type3A_5 = arith.extui %eq3A_4 : i1 to i32
    %cond3A_6 = arith.constant 0 : i32
    %cond3A_7 = arith.cmpi ne, %convert_element_type3A_5, %cond3A_6 : i32
    scf.if %cond3A_7 {
      %mul3A_9 = arith.constant 40 : i32
      %mul3A_10 = arith.muli %arg1, %mul3A_9 : i32
      %add3A = arith.constant 1920 : i32
      %add3A_11 = arith.addi %add3A, %mul3A_10 : i32
      %scan3A = arith.constant 0 : i32
      %scan3A_12 = arith.constant 5 : i32
      %scan3A_13 = arith.addi %scan3A, %scan3A_12 : i32
      %scan3A_14 = arith.constant 1 : i32
      scf.for %scan3A_16 = %scan3A to %scan3A_13 step %scan3A_14  : i32 {
        %mul3A_17 = arith.constant 8 : i32
        %mul3A_18 = arith.muli %scan3A_16, %mul3A_17 : i32
        %add3A_19 = arith.constant 0 : i32
        %add3A_20 = arith.addi %add3A_19, %mul3A_18 : i32
        %add3A_21 = arith.addi %add3A_11, %add3A_20 : i32
        %multiple_of3A_22 = tpu.assume_multiple %add3A_21, 8 : i32
        "tpu.region"() ({
          %run_scoped3A_140 = tpu.sem_alloc : memref<!tpu.dma_semaphore, #tpu.memory_space<semaphore_mem>>
          %dma_start3A_141 = arith.constant 0 : i32
          %dma_start3A_142 = tpu.memref_slice %arg3[%multiple_of3A_22, %dma_start3A_141] : memref<2560x128xi32, #tpu.memory_space<hbm>> -> memref<8x128xi32, #tpu.memory_space<hbm>>
          %dma_start3A_143 = arith.constant 0 : i32
          %dma_start3A_144 = tpu.memref_slice %arg3[%multiple_of3A_22, %dma_start3A_143] : memref<2560x128xi32, #tpu.memory_space<hbm>> -> memref<8x128xi32, #tpu.memory_space<hbm>>
          tpu.enqueue_dma source(%dma_start3A_144 : memref<8x128xi32, #tpu.memory_space<hbm>>) target(%arg7 : memref<8x128xi32, #tpu.memory_space<vmem>>) target_semaphore(%run_scoped3A_140 : memref<!tpu.dma_semaphore, #tpu.memory_space<semaphore_mem>>)
          %dma_wait3A_145 = arith.constant 0 : i32
          %dma_wait3A_146 = tpu.memref_slice %arg3[%multiple_of3A_22, %dma_wait3A_145] : memref<2560x128xi32, #tpu.memory_space<hbm>> -> memref<8x128xi32, #tpu.memory_space<hbm>>
          %dma_wait3A_147 = arith.constant 0 : i32
          %dma_wait3A_148 = tpu.memref_slice %arg3[%multiple_of3A_22, %dma_wait3A_147] : memref<2560x128xi32, #tpu.memory_space<hbm>> -> memref<8x128xi32, #tpu.memory_space<hbm>>
          tpu.wait_dma2 semaphore(%run_scoped3A_140 : memref<!tpu.dma_semaphore, #tpu.memory_space<semaphore_mem>>) src(%dma_wait3A_148 : memref<8x128xi32, #tpu.memory_space<hbm>>) dst(%arg7 : memref<8x128xi32, #tpu.memory_space<vmem>>)
          tpu.yield
        }) : () -> ()
        "tpu.region"() ({
          %run_scoped3A_140 = tpu.sem_alloc : memref<!tpu.dma_semaphore, #tpu.memory_space<semaphore_mem>>
          %dma_start3A_141 = arith.constant 0 : i32
          %dma_start3A_142 = tpu.memref_slice %arg4[%multiple_of3A_22, %dma_start3A_141] : memref<2560x128xi32, #tpu.memory_space<hbm>> -> memref<8x128xi32, #tpu.memory_space<hbm>>
          %dma_start3A_143 = arith.constant 0 : i32
          %dma_start3A_144 = tpu.memref_slice %arg4[%multiple_of3A_22, %dma_start3A_143] : memref<2560x128xi32, #tpu.memory_space<hbm>> -> memref<8x128xi32, #tpu.memory_space<hbm>>
          tpu.enqueue_dma source(%dma_start3A_144 : memref<8x128xi32, #tpu.memory_space<hbm>>) target(%arg8 : memref<8x128xi32, #tpu.memory_space<vmem>>) target_semaphore(%run_scoped3A_140 : memref<!tpu.dma_semaphore, #tpu.memory_space<semaphore_mem>>)
          %dma_wait3A_145 = arith.constant 0 : i32
          %dma_wait3A_146 = tpu.memref_slice %arg4[%multiple_of3A_22, %dma_wait3A_145] : memref<2560x128xi32, #tpu.memory_space<hbm>> -> memref<8x128xi32, #tpu.memory_space<hbm>>
          %dma_wait3A_147 = arith.constant 0 : i32
          %dma_wait3A_148 = tpu.memref_slice %arg4[%multiple_of3A_22, %dma_wait3A_147] : memref<2560x128xi32, #tpu.memory_space<hbm>> -> memref<8x128xi32, #tpu.memory_space<hbm>>
          tpu.wait_dma2 semaphore(%run_scoped3A_140 : memref<!tpu.dma_semaphore, #tpu.memory_space<semaphore_mem>>) src(%dma_wait3A_148 : memref<8x128xi32, #tpu.memory_space<hbm>>) dst(%arg8 : memref<8x128xi32, #tpu.memory_space<vmem>>)
          tpu.yield
        }) : () -> ()
        %dma_start3A = arith.constant 0 : i32
        %dma_start3A_23 = arith.constant 0 : i32
        %dma_start3A_24 = tpu.memref_slice %arg7[%dma_start3A, %dma_start3A_23] : memref<8x128xi32, #tpu.memory_space<vmem>> -> memref<1x128xi32, #tpu.memory_space<vmem>>
        %dma_start3A_25 = tpu.memref_squeeze %dma_start3A_24 : memref<1x128xi32, #tpu.memory_space<vmem>> -> memref<128xi32, #tpu.memory_space<vmem>>
        %dma_start3A_26 = arith.constant 0 : i32
        %dma_start3A_27 = arith.constant 0 : i32
        %dma_start3A_28 = tpu.memref_slice %arg2[%dma_start3A_26, %dma_start3A_27] : memref<10000x128xf32, #tpu.memory_space<hbm>> -> memref<10000x128xf32, #tpu.memory_space<hbm>>
        tpu.enqueue_indirect_dma source(%dma_start3A_28 : memref<10000x128xf32, #tpu.memory_space<hbm>>) target(%arg9 : memref<128x128xf32, #tpu.memory_space<vmem>>) offsets(%dma_start3A_25 : memref<128xi32, #tpu.memory_space<vmem>>) semaphore(%arg12 : memref<!tpu.dma_semaphore, #tpu.memory_space<semaphore_mem>>)
        %dma_start3A_29 = arith.constant 1 : i32
        %dma_start3A_30 = arith.constant 0 : i32
        %dma_start3A_31 = tpu.memref_slice %arg7[%dma_start3A_29, %dma_start3A_30] : memref<8x128xi32, #tpu.memory_space<vmem>> -> memref<1x128xi32, #tpu.memory_space<vmem>>
        %dma_start3A_32 = tpu.memref_squeeze %dma_start3A_31 : memref<1x128xi32, #tpu.memory_space<vmem>> -> memref<128xi32, #tpu.memory_space<vmem>>
        %dma_start3A_33 = arith.constant 0 : i32
        %dma_start3A_34 = arith.constant 0 : i32
        %dma_start3A_35 = tpu.memref_slice %arg2[%dma_start3A_33, %dma_start3A_34] : memref<10000x128xf32, #tpu.memory_space<hbm>> -> memref<10000x128xf32, #tpu.memory_space<hbm>>
        tpu.enqueue_indirect_dma source(%dma_start3A_35 : memref<10000x128xf32, #tpu.memory_space<hbm>>) target(%arg10 : memref<128x128xf32, #tpu.memory_space<vmem>>) offsets(%dma_start3A_32 : memref<128xi32, #tpu.memory_space<vmem>>) semaphore(%arg13 : memref<!tpu.dma_semaphore, #tpu.memory_space<semaphore_mem>>)
        %dma_wait3A = arith.constant 0 : i32
        %dma_wait3A_36 = arith.constant 0 : i32
        %dma_wait3A_37 = tpu.memref_slice %arg7[%dma_wait3A, %dma_wait3A_36] : memref<8x128xi32, #tpu.memory_space<vmem>> -> memref<1x128xi32, #tpu.memory_space<vmem>>
        %dma_wait3A_38 = tpu.memref_squeeze %dma_wait3A_37 : memref<1x128xi32, #tpu.memory_space<vmem>> -> memref<128xi32, #tpu.memory_space<vmem>>
        %dma_wait3A_39 = arith.constant 0 : i32
        %dma_wait3A_40 = arith.constant 0 : i32
        %dma_wait3A_41 = tpu.memref_slice %arg2[%dma_wait3A_39, %dma_wait3A_40] : memref<10000x128xf32, #tpu.memory_space<hbm>> -> memref<10000x128xf32, #tpu.memory_space<hbm>>
        tpu.wait_indirect_dma semaphore(%arg12 : memref<!tpu.dma_semaphore, #tpu.memory_space<semaphore_mem>>) src(%dma_wait3A_41 : memref<10000x128xf32, #tpu.memory_space<hbm>>) dst(%arg9 : memref<128x128xf32, #tpu.memory_space<vmem>>)
        %run_scoped3A = arith.constant 0 : i32
        "tpu.region"() ({
          %run_scoped3A_140 = tpu.sem_alloc : memref<!tpu.dma_semaphore, #tpu.memory_space<semaphore_mem>>
          %dma_start3A_141 = arith.constant 0 : i32
          %dma_start3A_142 = tpu.memref_slice %arg8[%run_scoped3A, %dma_start3A_141] : memref<8x128xi32, #tpu.memory_space<vmem>> -> memref<1x128xi32, #tpu.memory_space<vmem>>
          %dma_start3A_143 = tpu.memref_squeeze %dma_start3A_142 : memref<1x128xi32, #tpu.memory_space<vmem>> -> memref<128xi32, #tpu.memory_space<vmem>>
          %dma_start3A_144 = arith.constant 0 : i32
          %dma_start3A_145 = arith.constant 0 : i32
          %dma_start3A_146 = tpu.memref_slice %arg11[%dma_start3A_144, %dma_start3A_145] : memref<10240x128xf32, #tpu.memory_space<vmem_shared>> -> memref<10240x128xf32, #tpu.memory_space<vmem_shared>>
          tpu.enqueue_indirect_dma source(%arg9 : memref<128x128xf32, #tpu.memory_space<vmem>>) target(%dma_start3A_146 : memref<10240x128xf32, #tpu.memory_space<vmem_shared>>) offsets(%dma_start3A_143 : memref<128xi32, #tpu.memory_space<vmem>>) semaphore(%run_scoped3A_140 : memref<!tpu.dma_semaphore, #tpu.memory_space<semaphore_mem>>) {add = true}
          %dma_wait3A_147 = arith.constant 0 : i32
          %dma_wait3A_148 = tpu.memref_slice %arg8[%run_scoped3A, %dma_wait3A_147] : memref<8x128xi32, #tpu.memory_space<vmem>> -> memref<1x128xi32, #tpu.memory_space<vmem>>
          %dma_wait3A_149 = tpu.memref_squeeze %dma_wait3A_148 : memref<1x128xi32, #tpu.memory_space<vmem>> -> memref<128xi32, #tpu.memory_space<vmem>>
          %dma_wait3A_150 = arith.constant 0 : i32
          %dma_wait3A_151 = arith.constant 0 : i32
          %dma_wait3A_152 = tpu.memref_slice %arg11[%dma_wait3A_150, %dma_wait3A_151] : memref<10240x128xf32, #tpu.memory_space<vmem_shared>> -> memref<10240x128xf32, #tpu.memory_space<vmem_shared>>
          tpu.wait_indirect_dma semaphore(%run_scoped3A_140 : memref<!tpu.dma_semaphore, #tpu.memory_space<semaphore_mem>>) src(%arg9 : memref<128x128xf32, #tpu.memory_space<vmem>>) dst(%dma_wait3A_152 : memref<10240x128xf32, #tpu.memory_space<vmem_shared>>)
          tpu.yield
        }) : () -> ()
        %dma_start3A_42 = arith.constant 2 : i32
        %dma_start3A_43 = arith.constant 0 : i32
        %dma_start3A_44 = tpu.memref_slice %arg7[%dma_start3A_42, %dma_start3A_43] : memref<8x128xi32, #tpu.memory_space<vmem>> -> memref<1x128xi32, #tpu.memory_space<vmem>>
        %dma_start3A_45 = tpu.memref_squeeze %dma_start3A_44 : memref<1x128xi32, #tpu.memory_space<vmem>> -> memref<128xi32, #tpu.memory_space<vmem>>
        %dma_start3A_46 = arith.constant 0 : i32
        %dma_start3A_47 = arith.constant 0 : i32
        %dma_start3A_48 = tpu.memref_slice %arg2[%dma_start3A_46, %dma_start3A_47] : memref<10000x128xf32, #tpu.memory_space<hbm>> -> memref<10000x128xf32, #tpu.memory_space<hbm>>
        tpu.enqueue_indirect_dma source(%dma_start3A_48 : memref<10000x128xf32, #tpu.memory_space<hbm>>) target(%arg9 : memref<128x128xf32, #tpu.memory_space<vmem>>) offsets(%dma_start3A_45 : memref<128xi32, #tpu.memory_space<vmem>>) semaphore(%arg12 : memref<!tpu.dma_semaphore, #tpu.memory_space<semaphore_mem>>)
        %dma_wait3A_49 = arith.constant 1 : i32
        %dma_wait3A_50 = arith.constant 0 : i32
        %dma_wait3A_51 = tpu.memref_slice %arg7[%dma_wait3A_49, %dma_wait3A_50] : memref<8x128xi32, #tpu.memory_space<vmem>> -> memref<1x128xi32, #tpu.memory_space<vmem>>
        %dma_wait3A_52 = tpu.memref_squeeze %dma_wait3A_51 : memref<1x128xi32, #tpu.memory_space<vmem>> -> memref<128xi32, #tpu.memory_space<vmem>>
        %dma_wait3A_53 = arith.constant 0 : i32
        %dma_wait3A_54 = arith.constant 0 : i32
        %dma_wait3A_55 = tpu.memref_slice %arg2[%dma_wait3A_53, %dma_wait3A_54] : memref<10000x128xf32, #tpu.memory_space<hbm>> -> memref<10000x128xf32, #tpu.memory_space<hbm>>
        tpu.wait_indirect_dma semaphore(%arg13 : memref<!tpu.dma_semaphore, #tpu.memory_space<semaphore_mem>>) src(%dma_wait3A_55 : memref<10000x128xf32, #tpu.memory_space<hbm>>) dst(%arg10 : memref<128x128xf32, #tpu.memory_space<vmem>>)
        %run_scoped3A_56 = arith.constant 1 : i32
        "tpu.region"() ({
          %run_scoped3A_140 = tpu.sem_alloc : memref<!tpu.dma_semaphore, #tpu.memory_space<semaphore_mem>>
          %dma_start3A_141 = arith.constant 0 : i32
          %dma_start3A_142 = tpu.memref_slice %arg8[%run_scoped3A_56, %dma_start3A_141] : memref<8x128xi32, #tpu.memory_space<vmem>> -> memref<1x128xi32, #tpu.memory_space<vmem>>
          %dma_start3A_143 = tpu.memref_squeeze %dma_start3A_142 : memref<1x128xi32, #tpu.memory_space<vmem>> -> memref<128xi32, #tpu.memory_space<vmem>>
          %dma_start3A_144 = arith.constant 0 : i32
          %dma_start3A_145 = arith.constant 0 : i32
          %dma_start3A_146 = tpu.memref_slice %arg11[%dma_start3A_144, %dma_start3A_145] : memref<10240x128xf32, #tpu.memory_space<vmem_shared>> -> memref<10240x128xf32, #tpu.memory_space<vmem_shared>>
          tpu.enqueue_indirect_dma source(%arg10 : memref<128x128xf32, #tpu.memory_space<vmem>>) target(%dma_start3A_146 : memref<10240x128xf32, #tpu.memory_space<vmem_shared>>) offsets(%dma_start3A_143 : memref<128xi32, #tpu.memory_space<vmem>>) semaphore(%run_scoped3A_140 : memref<!tpu.dma_semaphore, #tpu.memory_space<semaphore_mem>>) {add = true}
          %dma_wait3A_147 = arith.constant 0 : i32
          %dma_wait3A_148 = tpu.memref_slice %arg8[%run_scoped3A_56, %dma_wait3A_147] : memref<8x128xi32, #tpu.memory_space<vmem>> -> memref<1x128xi32, #tpu.memory_space<vmem>>
          %dma_wait3A_149 = tpu.memref_squeeze %dma_wait3A_148 : memref<1x128xi32, #tpu.memory_space<vmem>> -> memref<128xi32, #tpu.memory_space<vmem>>
          %dma_wait3A_150 = arith.constant 0 : i32
          %dma_wait3A_151 = arith.constant 0 : i32
          %dma_wait3A_152 = tpu.memref_slice %arg11[%dma_wait3A_150, %dma_wait3A_151] : memref<10240x128xf32, #tpu.memory_space<vmem_shared>> -> memref<10240x128xf32, #tpu.memory_space<vmem_shared>>
          tpu.wait_indirect_dma semaphore(%run_scoped3A_140 : memref<!tpu.dma_semaphore, #tpu.memory_space<semaphore_mem>>) src(%arg10 : memref<128x128xf32, #tpu.memory_space<vmem>>) dst(%dma_wait3A_152 : memref<10240x128xf32, #tpu.memory_space<vmem_shared>>)
          tpu.yield
        }) : () -> ()
        %dma_start3A_57 = arith.constant 3 : i32
        %dma_start3A_58 = arith.constant 0 : i32
        %dma_start3A_59 = tpu.memref_slice %arg7[%dma_start3A_57, %dma_start3A_58] : memref<8x128xi32, #tpu.memory_space<vmem>> -> memref<1x128xi32, #tpu.memory_space<vmem>>
        %dma_start3A_60 = tpu.memref_squeeze %dma_start3A_59 : memref<1x128xi32, #tpu.memory_space<vmem>> -> memref<128xi32, #tpu.memory_space<vmem>>
        %dma_start3A_61 = arith.constant 0 : i32
        %dma_start3A_62 = arith.constant 0 : i32
        %dma_start3A_63 = tpu.memref_slice %arg2[%dma_start3A_61, %dma_start3A_62] : memref<10000x128xf32, #tpu.memory_space<hbm>> -> memref<10000x128xf32, #tpu.memory_space<hbm>>
        tpu.enqueue_indirect_dma source(%dma_start3A_63 : memref<10000x128xf32, #tpu.memory_space<hbm>>) target(%arg10 : memref<128x128xf32, #tpu.memory_space<vmem>>) offsets(%dma_start3A_60 : memref<128xi32, #tpu.memory_space<vmem>>) semaphore(%arg13 : memref<!tpu.dma_semaphore, #tpu.memory_space<semaphore_mem>>)
        %dma_wait3A_64 = arith.constant 2 : i32
        %dma_wait3A_65 = arith.constant 0 : i32
        %dma_wait3A_66 = tpu.memref_slice %arg7[%dma_wait3A_64, %dma_wait3A_65] : memref<8x128xi32, #tpu.memory_space<vmem>> -> memref<1x128xi32, #tpu.memory_space<vmem>>
        %dma_wait3A_67 = tpu.memref_squeeze %dma_wait3A_66 : memref<1x128xi32, #tpu.memory_space<vmem>> -> memref<128xi32, #tpu.memory_space<vmem>>
        %dma_wait3A_68 = arith.constant 0 : i32
        %dma_wait3A_69 = arith.constant 0 : i32
        %dma_wait3A_70 = tpu.memref_slice %arg2[%dma_wait3A_68, %dma_wait3A_69] : memref<10000x128xf32, #tpu.memory_space<hbm>> -> memref<10000x128xf32, #tpu.memory_space<hbm>>
        tpu.wait_indirect_dma semaphore(%arg12 : memref<!tpu.dma_semaphore, #tpu.memory_space<semaphore_mem>>) src(%dma_wait3A_70 : memref<10000x128xf32, #tpu.memory_space<hbm>>) dst(%arg9 : memref<128x128xf32, #tpu.memory_space<vmem>>)
        %run_scoped3A_71 = arith.constant 2 : i32
        "tpu.region"() ({
          %run_scoped3A_140 = tpu.sem_alloc : memref<!tpu.dma_semaphore, #tpu.memory_space<semaphore_mem>>
          %dma_start3A_141 = arith.constant 0 : i32
          %dma_start3A_142 = tpu.memref_slice %arg8[%run_scoped3A_71, %dma_start3A_141] : memref<8x128xi32, #tpu.memory_space<vmem>> -> memref<1x128xi32, #tpu.memory_space<vmem>>
          %dma_start3A_143 = tpu.memref_squeeze %dma_start3A_142 : memref<1x128xi32, #tpu.memory_space<vmem>> -> memref<128xi32, #tpu.memory_space<vmem>>
          %dma_start3A_144 = arith.constant 0 : i32
          %dma_start3A_145 = arith.constant 0 : i32
          %dma_start3A_146 = tpu.memref_slice %arg11[%dma_start3A_144, %dma_start3A_145] : memref<10240x128xf32, #tpu.memory_space<vmem_shared>> -> memref<10240x128xf32, #tpu.memory_space<vmem_shared>>
          tpu.enqueue_indirect_dma source(%arg9 : memref<128x128xf32, #tpu.memory_space<vmem>>) target(%dma_start3A_146 : memref<10240x128xf32, #tpu.memory_space<vmem_shared>>) offsets(%dma_start3A_143 : memref<128xi32, #tpu.memory_space<vmem>>) semaphore(%run_scoped3A_140 : memref<!tpu.dma_semaphore, #tpu.memory_space<semaphore_mem>>) {add = true}
          %dma_wait3A_147 = arith.constant 0 : i32
          %dma_wait3A_148 = tpu.memref_slice %arg8[%run_scoped3A_71, %dma_wait3A_147] : memref<8x128xi32, #tpu.memory_space<vmem>> -> memref<1x128xi32, #tpu.memory_space<vmem>>
          %dma_wait3A_149 = tpu.memref_squeeze %dma_wait3A_148 : memref<1x128xi32, #tpu.memory_space<vmem>> -> memref<128xi32, #tpu.memory_space<vmem>>
          %dma_wait3A_150 = arith.constant 0 : i32
          %dma_wait3A_151 = arith.constant 0 : i32
          %dma_wait3A_152 = tpu.memref_slice %arg11[%dma_wait3A_150, %dma_wait3A_151] : memref<10240x128xf32, #tpu.memory_space<vmem_shared>> -> memref<10240x128xf32, #tpu.memory_space<vmem_shared>>
          tpu.wait_indirect_dma semaphore(%run_scoped3A_140 : memref<!tpu.dma_semaphore, #tpu.memory_space<semaphore_mem>>) src(%arg9 : memref<128x128xf32, #tpu.memory_space<vmem>>) dst(%dma_wait3A_152 : memref<10240x128xf32, #tpu.memory_space<vmem_shared>>)
          tpu.yield
        }) : () -> ()
        %dma_start3A_72 = arith.constant 4 : i32
        %dma_start3A_73 = arith.constant 0 : i32
        %dma_start3A_74 = tpu.memref_slice %arg7[%dma_start3A_72, %dma_start3A_73] : memref<8x128xi32, #tpu.memory_space<vmem>> -> memref<1x128xi32, #tpu.memory_space<vmem>>
        %dma_start3A_75 = tpu.memref_squeeze %dma_start3A_74 : memref<1x128xi32, #tpu.memory_space<vmem>> -> memref<128xi32, #tpu.memory_space<vmem>>
        %dma_start3A_76 = arith.constant 0 : i32
        %dma_start3A_77 = arith.constant 0 : i32
        %dma_start3A_78 = tpu.memref_slice %arg2[%dma_start3A_76, %dma_start3A_77] : memref<10000x128xf32, #tpu.memory_space<hbm>> -> memref<10000x128xf32, #tpu.memory_space<hbm>>
        tpu.enqueue_indirect_dma source(%dma_start3A_78 : memref<10000x128xf32, #tpu.memory_space<hbm>>) target(%arg9 : memref<128x128xf32, #tpu.memory_space<vmem>>) offsets(%dma_start3A_75 : memref<128xi32, #tpu.memory_space<vmem>>) semaphore(%arg12 : memref<!tpu.dma_semaphore, #tpu.memory_space<semaphore_mem>>)
        %dma_wait3A_79 = arith.constant 3 : i32
        %dma_wait3A_80 = arith.constant 0 : i32
        %dma_wait3A_81 = tpu.memref_slice %arg7[%dma_wait3A_79, %dma_wait3A_80] : memref<8x128xi32, #tpu.memory_space<vmem>> -> memref<1x128xi32, #tpu.memory_space<vmem>>
        %dma_wait3A_82 = tpu.memref_squeeze %dma_wait3A_81 : memref<1x128xi32, #tpu.memory_space<vmem>> -> memref<128xi32, #tpu.memory_space<vmem>>
        %dma_wait3A_83 = arith.constant 0 : i32
        %dma_wait3A_84 = arith.constant 0 : i32
        %dma_wait3A_85 = tpu.memref_slice %arg2[%dma_wait3A_83, %dma_wait3A_84] : memref<10000x128xf32, #tpu.memory_space<hbm>> -> memref<10000x128xf32, #tpu.memory_space<hbm>>
        tpu.wait_indirect_dma semaphore(%arg13 : memref<!tpu.dma_semaphore, #tpu.memory_space<semaphore_mem>>) src(%dma_wait3A_85 : memref<10000x128xf32, #tpu.memory_space<hbm>>) dst(%arg10 : memref<128x128xf32, #tpu.memory_space<vmem>>)
        %run_scoped3A_86 = arith.constant 3 : i32
        "tpu.region"() ({
          %run_scoped3A_140 = tpu.sem_alloc : memref<!tpu.dma_semaphore, #tpu.memory_space<semaphore_mem>>
          %dma_start3A_141 = arith.constant 0 : i32
          %dma_start3A_142 = tpu.memref_slice %arg8[%run_scoped3A_86, %dma_start3A_141] : memref<8x128xi32, #tpu.memory_space<vmem>> -> memref<1x128xi32, #tpu.memory_space<vmem>>
          %dma_start3A_143 = tpu.memref_squeeze %dma_start3A_142 : memref<1x128xi32, #tpu.memory_space<vmem>> -> memref<128xi32, #tpu.memory_space<vmem>>
          %dma_start3A_144 = arith.constant 0 : i32
          %dma_start3A_145 = arith.constant 0 : i32
          %dma_start3A_146 = tpu.memref_slice %arg11[%dma_start3A_144, %dma_start3A_145] : memref<10240x128xf32, #tpu.memory_space<vmem_shared>> -> memref<10240x128xf32, #tpu.memory_space<vmem_shared>>
          tpu.enqueue_indirect_dma source(%arg10 : memref<128x128xf32, #tpu.memory_space<vmem>>) target(%dma_start3A_146 : memref<10240x128xf32, #tpu.memory_space<vmem_shared>>) offsets(%dma_start3A_143 : memref<128xi32, #tpu.memory_space<vmem>>) semaphore(%run_scoped3A_140 : memref<!tpu.dma_semaphore, #tpu.memory_space<semaphore_mem>>) {add = true}
          %dma_wait3A_147 = arith.constant 0 : i32
          %dma_wait3A_148 = tpu.memref_slice %arg8[%run_scoped3A_86, %dma_wait3A_147] : memref<8x128xi32, #tpu.memory_space<vmem>> -> memref<1x128xi32, #tpu.memory_space<vmem>>
          %dma_wait3A_149 = tpu.memref_squeeze %dma_wait3A_148 : memref<1x128xi32, #tpu.memory_space<vmem>> -> memref<128xi32, #tpu.memory_space<vmem>>
          %dma_wait3A_150 = arith.constant 0 : i32
          %dma_wait3A_151 = arith.constant 0 : i32
          %dma_wait3A_152 = tpu.memref_slice %arg11[%dma_wait3A_150, %dma_wait3A_151] : memref<10240x128xf32, #tpu.memory_space<vmem_shared>> -> memref<10240x128xf32, #tpu.memory_space<vmem_shared>>
          tpu.wait_indirect_dma semaphore(%run_scoped3A_140 : memref<!tpu.dma_semaphore, #tpu.memory_space<semaphore_mem>>) src(%arg10 : memref<128x128xf32, #tpu.memory_space<vmem>>) dst(%dma_wait3A_152 : memref<10240x128xf32, #tpu.memory_space<vmem_shared>>)
          tpu.yield
        }) : () -> ()
        %dma_start3A_87 = arith.constant 5 : i32
        %dma_start3A_88 = arith.constant 0 : i32
        %dma_start3A_89 = tpu.memref_slice %arg7[%dma_start3A_87, %dma_start3A_88] : memref<8x128xi32, #tpu.memory_space<vmem>> -> memref<1x128xi32, #tpu.memory_space<vmem>>
        %dma_start3A_90 = tpu.memref_squeeze %dma_start3A_89 : memref<1x128xi32, #tpu.memory_space<vmem>> -> memref<128xi32, #tpu.memory_space<vmem>>
        %dma_start3A_91 = arith.constant 0 : i32
        %dma_start3A_92 = arith.constant 0 : i32
        %dma_start3A_93 = tpu.memref_slice %arg2[%dma_start3A_91, %dma_start3A_92] : memref<10000x128xf32, #tpu.memory_space<hbm>> -> memref<10000x128xf32, #tpu.memory_space<hbm>>
        tpu.enqueue_indirect_dma source(%dma_start3A_93 : memref<10000x128xf32, #tpu.memory_space<hbm>>) target(%arg10 : memref<128x128xf32, #tpu.memory_space<vmem>>) offsets(%dma_start3A_90 : memref<128xi32, #tpu.memory_space<vmem>>) semaphore(%arg13 : memref<!tpu.dma_semaphore, #tpu.memory_space<semaphore_mem>>)
        %dma_wait3A_94 = arith.constant 4 : i32
        %dma_wait3A_95 = arith.constant 0 : i32
        %dma_wait3A_96 = tpu.memref_slice %arg7[%dma_wait3A_94, %dma_wait3A_95] : memref<8x128xi32, #tpu.memory_space<vmem>> -> memref<1x128xi32, #tpu.memory_space<vmem>>
        %dma_wait3A_97 = tpu.memref_squeeze %dma_wait3A_96 : memref<1x128xi32, #tpu.memory_space<vmem>> -> memref<128xi32, #tpu.memory_space<vmem>>
        %dma_wait3A_98 = arith.constant 0 : i32
        %dma_wait3A_99 = arith.constant 0 : i32
        %dma_wait3A_100 = tpu.memref_slice %arg2[%dma_wait3A_98, %dma_wait3A_99] : memref<10000x128xf32, #tpu.memory_space<hbm>> -> memref<10000x128xf32, #tpu.memory_space<hbm>>
        tpu.wait_indirect_dma semaphore(%arg12 : memref<!tpu.dma_semaphore, #tpu.memory_space<semaphore_mem>>) src(%dma_wait3A_100 : memref<10000x128xf32, #tpu.memory_space<hbm>>) dst(%arg9 : memref<128x128xf32, #tpu.memory_space<vmem>>)
        %run_scoped3A_101 = arith.constant 4 : i32
        "tpu.region"() ({
          %run_scoped3A_140 = tpu.sem_alloc : memref<!tpu.dma_semaphore, #tpu.memory_space<semaphore_mem>>
          %dma_start3A_141 = arith.constant 0 : i32
          %dma_start3A_142 = tpu.memref_slice %arg8[%run_scoped3A_101, %dma_start3A_141] : memref<8x128xi32, #tpu.memory_space<vmem>> -> memref<1x128xi32, #tpu.memory_space<vmem>>
          %dma_start3A_143 = tpu.memref_squeeze %dma_start3A_142 : memref<1x128xi32, #tpu.memory_space<vmem>> -> memref<128xi32, #tpu.memory_space<vmem>>
          %dma_start3A_144 = arith.constant 0 : i32
          %dma_start3A_145 = arith.constant 0 : i32
          %dma_start3A_146 = tpu.memref_slice %arg11[%dma_start3A_144, %dma_start3A_145] : memref<10240x128xf32, #tpu.memory_space<vmem_shared>> -> memref<10240x128xf32, #tpu.memory_space<vmem_shared>>
          tpu.enqueue_indirect_dma source(%arg9 : memref<128x128xf32, #tpu.memory_space<vmem>>) target(%dma_start3A_146 : memref<10240x128xf32, #tpu.memory_space<vmem_shared>>) offsets(%dma_start3A_143 : memref<128xi32, #tpu.memory_space<vmem>>) semaphore(%run_scoped3A_140 : memref<!tpu.dma_semaphore, #tpu.memory_space<semaphore_mem>>) {add = true}
          %dma_wait3A_147 = arith.constant 0 : i32
          %dma_wait3A_148 = tpu.memref_slice %arg8[%run_scoped3A_101, %dma_wait3A_147] : memref<8x128xi32, #tpu.memory_space<vmem>> -> memref<1x128xi32, #tpu.memory_space<vmem>>
          %dma_wait3A_149 = tpu.memref_squeeze %dma_wait3A_148 : memref<1x128xi32, #tpu.memory_space<vmem>> -> memref<128xi32, #tpu.memory_space<vmem>>
          %dma_wait3A_150 = arith.constant 0 : i32
          %dma_wait3A_151 = arith.constant 0 : i32
          %dma_wait3A_152 = tpu.memref_slice %arg11[%dma_wait3A_150, %dma_wait3A_151] : memref<10240x128xf32, #tpu.memory_space<vmem_shared>> -> memref<10240x128xf32, #tpu.memory_space<vmem_shared>>
          tpu.wait_indirect_dma semaphore(%run_scoped3A_140 : memref<!tpu.dma_semaphore, #tpu.memory_space<semaphore_mem>>) src(%arg9 : memref<128x128xf32, #tpu.memory_space<vmem>>) dst(%dma_wait3A_152 : memref<10240x128xf32, #tpu.memory_space<vmem_shared>>)
          tpu.yield
        }) : () -> ()
        %dma_start3A_102 = arith.constant 6 : i32
        %dma_start3A_103 = arith.constant 0 : i32
        %dma_start3A_104 = tpu.memref_slice %arg7[%dma_start3A_102, %dma_start3A_103] : memref<8x128xi32, #tpu.memory_space<vmem>> -> memref<1x128xi32, #tpu.memory_space<vmem>>
        %dma_start3A_105 = tpu.memref_squeeze %dma_start3A_104 : memref<1x128xi32, #tpu.memory_space<vmem>> -> memref<128xi32, #tpu.memory_space<vmem>>
        %dma_start3A_106 = arith.constant 0 : i32
        %dma_start3A_107 = arith.constant 0 : i32
        %dma_start3A_108 = tpu.memref_slice %arg2[%dma_start3A_106, %dma_start3A_107] : memref<10000x128xf32, #tpu.memory_space<hbm>> -> memref<10000x128xf32, #tpu.memory_space<hbm>>
        tpu.enqueue_indirect_dma source(%dma_start3A_108 : memref<10000x128xf32, #tpu.memory_space<hbm>>) target(%arg9 : memref<128x128xf32, #tpu.memory_space<vmem>>) offsets(%dma_start3A_105 : memref<128xi32, #tpu.memory_space<vmem>>) semaphore(%arg12 : memref<!tpu.dma_semaphore, #tpu.memory_space<semaphore_mem>>)
        %dma_wait3A_109 = arith.constant 5 : i32
        %dma_wait3A_110 = arith.constant 0 : i32
        %dma_wait3A_111 = tpu.memref_slice %arg7[%dma_wait3A_109, %dma_wait3A_110] : memref<8x128xi32, #tpu.memory_space<vmem>> -> memref<1x128xi32, #tpu.memory_space<vmem>>
        %dma_wait3A_112 = tpu.memref_squeeze %dma_wait3A_111 : memref<1x128xi32, #tpu.memory_space<vmem>> -> memref<128xi32, #tpu.memory_space<vmem>>
        %dma_wait3A_113 = arith.constant 0 : i32
        %dma_wait3A_114 = arith.constant 0 : i32
        %dma_wait3A_115 = tpu.memref_slice %arg2[%dma_wait3A_113, %dma_wait3A_114] : memref<10000x128xf32, #tpu.memory_space<hbm>> -> memref<10000x128xf32, #tpu.memory_space<hbm>>
        tpu.wait_indirect_dma semaphore(%arg13 : memref<!tpu.dma_semaphore, #tpu.memory_space<semaphore_mem>>) src(%dma_wait3A_115 : memref<10000x128xf32, #tpu.memory_space<hbm>>) dst(%arg10 : memref<128x128xf32, #tpu.memory_space<vmem>>)
        %run_scoped3A_116 = arith.constant 5 : i32
        "tpu.region"() ({
          %run_scoped3A_140 = tpu.sem_alloc : memref<!tpu.dma_semaphore, #tpu.memory_space<semaphore_mem>>
          %dma_start3A_141 = arith.constant 0 : i32
          %dma_start3A_142 = tpu.memref_slice %arg8[%run_scoped3A_116, %dma_start3A_141] : memref<8x128xi32, #tpu.memory_space<vmem>> -> memref<1x128xi32, #tpu.memory_space<vmem>>
          %dma_start3A_143 = tpu.memref_squeeze %dma_start3A_142 : memref<1x128xi32, #tpu.memory_space<vmem>> -> memref<128xi32, #tpu.memory_space<vmem>>
          %dma_start3A_144 = arith.constant 0 : i32
          %dma_start3A_145 = arith.constant 0 : i32
          %dma_start3A_146 = tpu.memref_slice %arg11[%dma_start3A_144, %dma_start3A_145] : memref<10240x128xf32, #tpu.memory_space<vmem_shared>> -> memref<10240x128xf32, #tpu.memory_space<vmem_shared>>
          tpu.enqueue_indirect_dma source(%arg10 : memref<128x128xf32, #tpu.memory_space<vmem>>) target(%dma_start3A_146 : memref<10240x128xf32, #tpu.memory_space<vmem_shared>>) offsets(%dma_start3A_143 : memref<128xi32, #tpu.memory_space<vmem>>) semaphore(%run_scoped3A_140 : memref<!tpu.dma_semaphore, #tpu.memory_space<semaphore_mem>>) {add = true}
          %dma_wait3A_147 = arith.constant 0 : i32
          %dma_wait3A_148 = tpu.memref_slice %arg8[%run_scoped3A_116, %dma_wait3A_147] : memref<8x128xi32, #tpu.memory_space<vmem>> -> memref<1x128xi32, #tpu.memory_space<vmem>>
          %dma_wait3A_149 = tpu.memref_squeeze %dma_wait3A_148 : memref<1x128xi32, #tpu.memory_space<vmem>> -> memref<128xi32, #tpu.memory_space<vmem>>
          %dma_wait3A_150 = arith.constant 0 : i32
          %dma_wait3A_151 = arith.constant 0 : i32
          %dma_wait3A_152 = tpu.memref_slice %arg11[%dma_wait3A_150, %dma_wait3A_151] : memref<10240x128xf32, #tpu.memory_space<vmem_shared>> -> memref<10240x128xf32, #tpu.memory_space<vmem_shared>>
          tpu.wait_indirect_dma semaphore(%run_scoped3A_140 : memref<!tpu.dma_semaphore, #tpu.memory_space<semaphore_mem>>) src(%arg10 : memref<128x128xf32, #tpu.memory_space<vmem>>) dst(%dma_wait3A_152 : memref<10240x128xf32, #tpu.memory_space<vmem_shared>>)
          tpu.yield
        }) : () -> ()
        %dma_start3A_117 = arith.constant 7 : i32
        %dma_start3A_118 = arith.constant 0 : i32
        %dma_start3A_119 = tpu.memref_slice %arg7[%dma_start3A_117, %dma_start3A_118] : memref<8x128xi32, #tpu.memory_space<vmem>> -> memref<1x128xi32, #tpu.memory_space<vmem>>
        %dma_start3A_120 = tpu.memref_squeeze %dma_start3A_119 : memref<1x128xi32, #tpu.memory_space<vmem>> -> memref<128xi32, #tpu.memory_space<vmem>>
        %dma_start3A_121 = arith.constant 0 : i32
        %dma_start3A_122 = arith.constant 0 : i32
        %dma_start3A_123 = tpu.memref_slice %arg2[%dma_start3A_121, %dma_start3A_122] : memref<10000x128xf32, #tpu.memory_space<hbm>> -> memref<10000x128xf32, #tpu.memory_space<hbm>>
        tpu.enqueue_indirect_dma source(%dma_start3A_123 : memref<10000x128xf32, #tpu.memory_space<hbm>>) target(%arg10 : memref<128x128xf32, #tpu.memory_space<vmem>>) offsets(%dma_start3A_120 : memref<128xi32, #tpu.memory_space<vmem>>) semaphore(%arg13 : memref<!tpu.dma_semaphore, #tpu.memory_space<semaphore_mem>>)
        %dma_wait3A_124 = arith.constant 6 : i32
        %dma_wait3A_125 = arith.constant 0 : i32
        %dma_wait3A_126 = tpu.memref_slice %arg7[%dma_wait3A_124, %dma_wait3A_125] : memref<8x128xi32, #tpu.memory_space<vmem>> -> memref<1x128xi32, #tpu.memory_space<vmem>>
        %dma_wait3A_127 = tpu.memref_squeeze %dma_wait3A_126 : memref<1x128xi32, #tpu.memory_space<vmem>> -> memref<128xi32, #tpu.memory_space<vmem>>
        %dma_wait3A_128 = arith.constant 0 : i32
        %dma_wait3A_129 = arith.constant 0 : i32
        %dma_wait3A_130 = tpu.memref_slice %arg2[%dma_wait3A_128, %dma_wait3A_129] : memref<10000x128xf32, #tpu.memory_space<hbm>> -> memref<10000x128xf32, #tpu.memory_space<hbm>>
        tpu.wait_indirect_dma semaphore(%arg12 : memref<!tpu.dma_semaphore, #tpu.memory_space<semaphore_mem>>) src(%dma_wait3A_130 : memref<10000x128xf32, #tpu.memory_space<hbm>>) dst(%arg9 : memref<128x128xf32, #tpu.memory_space<vmem>>)
        %run_scoped3A_131 = arith.constant 6 : i32
        "tpu.region"() ({
          %run_scoped3A_140 = tpu.sem_alloc : memref<!tpu.dma_semaphore, #tpu.memory_space<semaphore_mem>>
          %dma_start3A_141 = arith.constant 0 : i32
          %dma_start3A_142 = tpu.memref_slice %arg8[%run_scoped3A_131, %dma_start3A_141] : memref<8x128xi32, #tpu.memory_space<vmem>> -> memref<1x128xi32, #tpu.memory_space<vmem>>
          %dma_start3A_143 = tpu.memref_squeeze %dma_start3A_142 : memref<1x128xi32, #tpu.memory_space<vmem>> -> memref<128xi32, #tpu.memory_space<vmem>>
          %dma_start3A_144 = arith.constant 0 : i32
          %dma_start3A_145 = arith.constant 0 : i32
          %dma_start3A_146 = tpu.memref_slice %arg11[%dma_start3A_144, %dma_start3A_145] : memref<10240x128xf32, #tpu.memory_space<vmem_shared>> -> memref<10240x128xf32, #tpu.memory_space<vmem_shared>>
          tpu.enqueue_indirect_dma source(%arg9 : memref<128x128xf32, #tpu.memory_space<vmem>>) target(%dma_start3A_146 : memref<10240x128xf32, #tpu.memory_space<vmem_shared>>) offsets(%dma_start3A_143 : memref<128xi32, #tpu.memory_space<vmem>>) semaphore(%run_scoped3A_140 : memref<!tpu.dma_semaphore, #tpu.memory_space<semaphore_mem>>) {add = true}
          %dma_wait3A_147 = arith.constant 0 : i32
          %dma_wait3A_148 = tpu.memref_slice %arg8[%run_scoped3A_131, %dma_wait3A_147] : memref<8x128xi32, #tpu.memory_space<vmem>> -> memref<1x128xi32, #tpu.memory_space<vmem>>
          %dma_wait3A_149 = tpu.memref_squeeze %dma_wait3A_148 : memref<1x128xi32, #tpu.memory_space<vmem>> -> memref<128xi32, #tpu.memory_space<vmem>>
          %dma_wait3A_150 = arith.constant 0 : i32
          %dma_wait3A_151 = arith.constant 0 : i32
          %dma_wait3A_152 = tpu.memref_slice %arg11[%dma_wait3A_150, %dma_wait3A_151] : memref<10240x128xf32, #tpu.memory_space<vmem_shared>> -> memref<10240x128xf32, #tpu.memory_space<vmem_shared>>
          tpu.wait_indirect_dma semaphore(%run_scoped3A_140 : memref<!tpu.dma_semaphore, #tpu.memory_space<semaphore_mem>>) src(%arg9 : memref<128x128xf32, #tpu.memory_space<vmem>>) dst(%dma_wait3A_152 : memref<10240x128xf32, #tpu.memory_space<vmem_shared>>)
          tpu.yield
        }) : () -> ()
        %dma_wait3A_132 = arith.constant 7 : i32
        %dma_wait3A_133 = arith.constant 0 : i32
        %dma_wait3A_134 = tpu.memref_slice %arg7[%dma_wait3A_132, %dma_wait3A_133] : memref<8x128xi32, #tpu.memory_space<vmem>> -> memref<1x128xi32, #tpu.memory_space<vmem>>
        %dma_wait3A_135 = tpu.memref_squeeze %dma_wait3A_134 : memref<1x128xi32, #tpu.memory_space<vmem>> -> memref<128xi32, #tpu.memory_space<vmem>>
        %dma_wait3A_136 = arith.constant 0 : i32
        %dma_wait3A_137 = arith.constant 0 : i32
        %dma_wait3A_138 = tpu.memref_slice %arg2[%dma_wait3A_136, %dma_wait3A_137] : memref<10000x128xf32, #tpu.memory_space<hbm>> -> memref<10000x128xf32, #tpu.memory_space<hbm>>
        tpu.wait_indirect_dma semaphore(%arg13 : memref<!tpu.dma_semaphore, #tpu.memory_space<semaphore_mem>>) src(%dma_wait3A_138 : memref<10000x128xf32, #tpu.memory_space<hbm>>) dst(%arg10 : memref<128x128xf32, #tpu.memory_space<vmem>>)
        %run_scoped3A_139 = arith.constant 7 : i32
        "tpu.region"() ({
          %run_scoped3A_140 = tpu.sem_alloc : memref<!tpu.dma_semaphore, #tpu.memory_space<semaphore_mem>>
          %dma_start3A_141 = arith.constant 0 : i32
          %dma_start3A_142 = tpu.memref_slice %arg8[%run_scoped3A_139, %dma_start3A_141] : memref<8x128xi32, #tpu.memory_space<vmem>> -> memref<1x128xi32, #tpu.memory_space<vmem>>
          %dma_start3A_143 = tpu.memref_squeeze %dma_start3A_142 : memref<1x128xi32, #tpu.memory_space<vmem>> -> memref<128xi32, #tpu.memory_space<vmem>>
          %dma_start3A_144 = arith.constant 0 : i32
          %dma_start3A_145 = arith.constant 0 : i32
          %dma_start3A_146 = tpu.memref_slice %arg11[%dma_start3A_144, %dma_start3A_145] : memref<10240x128xf32, #tpu.memory_space<vmem_shared>> -> memref<10240x128xf32, #tpu.memory_space<vmem_shared>>
          tpu.enqueue_indirect_dma source(%arg10 : memref<128x128xf32, #tpu.memory_space<vmem>>) target(%dma_start3A_146 : memref<10240x128xf32, #tpu.memory_space<vmem_shared>>) offsets(%dma_start3A_143 : memref<128xi32, #tpu.memory_space<vmem>>) semaphore(%run_scoped3A_140 : memref<!tpu.dma_semaphore, #tpu.memory_space<semaphore_mem>>) {add = true}
          %dma_wait3A_147 = arith.constant 0 : i32
          %dma_wait3A_148 = tpu.memref_slice %arg8[%run_scoped3A_139, %dma_wait3A_147] : memref<8x128xi32, #tpu.memory_space<vmem>> -> memref<1x128xi32, #tpu.memory_space<vmem>>
          %dma_wait3A_149 = tpu.memref_squeeze %dma_wait3A_148 : memref<1x128xi32, #tpu.memory_space<vmem>> -> memref<128xi32, #tpu.memory_space<vmem>>
          %dma_wait3A_150 = arith.constant 0 : i32
          %dma_wait3A_151 = arith.constant 0 : i32
          %dma_wait3A_152 = tpu.memref_slice %arg11[%dma_wait3A_150, %dma_wait3A_151] : memref<10240x128xf32, #tpu.memory_space<vmem_shared>> -> memref<10240x128xf32, #tpu.memory_space<vmem_shared>>
          tpu.wait_indirect_dma semaphore(%run_scoped3A_140 : memref<!tpu.dma_semaphore, #tpu.memory_space<semaphore_mem>>) src(%arg10 : memref<128x128xf32, #tpu.memory_space<vmem>>) dst(%dma_wait3A_152 : memref<10240x128xf32, #tpu.memory_space<vmem_shared>>)
          tpu.yield
        }) : () -> ()
      }
      %scan3A_15 = arith.constant 5 : i32
    } else {
    }
    %barrier3A_8 = arith.constant 0 : index
    tpu.barrier barrier_id(%barrier3A_8)
    "tpu.region"() ({
      %run_scoped3A = tpu.sem_alloc : memref<!tpu.dma_semaphore, #tpu.memory_space<semaphore_mem>>
      %dma_start3A = arith.constant 0 : i32
      %dma_start3A_9 = tpu.memref_slice %arg6[%arg0, %multiple_of3A, %dma_start3A] : memref<2x10240x128xf32, #tpu.memory_space<hbm>> -> memref<1x640x128xf32, #tpu.memory_space<hbm>>
      %dma_start3A_10 = tpu.memref_squeeze %dma_start3A_9 : memref<1x640x128xf32, #tpu.memory_space<hbm>> -> memref<640x128xf32, #tpu.memory_space<hbm>>
      %dma_start3A_11 = arith.constant 0 : i32
      %dma_start3A_12 = tpu.memref_slice %arg11[%multiple_of3A, %dma_start3A_11] : memref<10240x128xf32, #tpu.memory_space<vmem_shared>> -> memref<640x128xf32, #tpu.memory_space<vmem_shared>>
      tpu.enqueue_dma source(%dma_start3A_12 : memref<640x128xf32, #tpu.memory_space<vmem_shared>>) target(%dma_start3A_10 : memref<640x128xf32, #tpu.memory_space<hbm>>) target_semaphore(%run_scoped3A : memref<!tpu.dma_semaphore, #tpu.memory_space<semaphore_mem>>)
      %dma_wait3A = arith.constant 0 : i32
      %dma_wait3A_13 = tpu.memref_slice %arg6[%arg0, %multiple_of3A, %dma_wait3A] : memref<2x10240x128xf32, #tpu.memory_space<hbm>> -> memref<1x640x128xf32, #tpu.memory_space<hbm>>
      %dma_wait3A_14 = tpu.memref_squeeze %dma_wait3A_13 : memref<1x640x128xf32, #tpu.memory_space<hbm>> -> memref<640x128xf32, #tpu.memory_space<hbm>>
      %dma_wait3A_15 = arith.constant 0 : i32
      %dma_wait3A_16 = tpu.memref_slice %arg11[%multiple_of3A, %dma_wait3A_15] : memref<10240x128xf32, #tpu.memory_space<vmem_shared>> -> memref<640x128xf32, #tpu.memory_space<vmem_shared>>
      tpu.wait_dma2 semaphore(%run_scoped3A : memref<!tpu.dma_semaphore, #tpu.memory_space<semaphore_mem>>) src(%dma_wait3A_16 : memref<640x128xf32, #tpu.memory_space<vmem_shared>>) dst(%dma_wait3A_14 : memref<640x128xf32, #tpu.memory_space<hbm>>)
      tpu.yield
    }) : () -> ()
    return
  }
}

#map = affine_map<(d0, d1) -> (0, 0)>
#map1 = affine_map<(d0, d1) -> (0, 0, 0)>
module attributes {stable_mosaic.version = 14 : i64} {
  func.func @k(%arg0: i32, %arg1: i32, %arg2: memref<10000x128xf32, #tpu.memory_space<hbm>>, %arg3: memref<2560x128xi32, #tpu.memory_space<hbm>>, %arg4: memref<2560x128xi32, #tpu.memory_space<hbm>>, %arg5: memref<10240x128xf32, #tpu.memory_space<hbm>>, %arg6: memref<2x10240x128xf32, #tpu.memory_space<hbm>>, %arg7: memref<8x128xi32, #tpu.memory_space<vmem>>, %arg8: memref<8x128xi32, #tpu.memory_space<vmem>>, %arg9: memref<128x128xf32, #tpu.memory_space<vmem>>, %arg10: memref<128x128xf32, #tpu.memory_space<vmem>>, %arg11: memref<10240x128xf32, #tpu.memory_space<vmem_shared>>, %arg12: memref<!tpu.dma_semaphore, #tpu.memory_space<semaphore_mem>>, %arg13: memref<!tpu.dma_semaphore, #tpu.memory_space<semaphore_mem>>) attributes {dimension_semantics = [#tpu.dimension_semantics<core_parallel>, #tpu.dimension_semantics<subcore_parallel>], iteration_bounds = array<i64: 2, 16>, scalar_prefetch = 0 : i64, scratch_operands = 7 : i64, tpu.core_type = #tpu.core_type<sc_vector_subcore>, window_params = [{transform_indices = #map}, {transform_indices = #map}, {transform_indices = #map}, {transform_indices = #map}, {transform_indices = #map1}]} {
    %mul3A = arith.constant 640 : i32
    %mul3A_0 = arith.muli %arg1, %mul3A : i32
    %multiple_of3A = tpu.assume_multiple %mul3A_0, 8 : i32
    "tpu.region"() ({
      %run_scoped3A = tpu.sem_alloc : memref<!tpu.dma_semaphore, #tpu.memory_space<semaphore_mem>>
      %dma_start3A = arith.constant 0 : i32
      %dma_start3A_9 = tpu.memref_slice %arg11[%multiple_of3A, %dma_start3A] : memref<10240x128xf32, #tpu.memory_space<vmem_shared>> -> memref<640x128xf32, #tpu.memory_space<vmem_shared>>
      %dma_start3A_10 = arith.constant 0 : i32
      %dma_start3A_11 = tpu.memref_slice %arg5[%multiple_of3A, %dma_start3A_10] : memref<10240x128xf32, #tpu.memory_space<hbm>> -> memref<640x128xf32, #tpu.memory_space<hbm>>
      tpu.enqueue_dma source(%dma_start3A_11 : memref<640x128xf32, #tpu.memory_space<hbm>>) target(%dma_start3A_9 : memref<640x128xf32, #tpu.memory_space<vmem_shared>>) target_semaphore(%run_scoped3A : memref<!tpu.dma_semaphore, #tpu.memory_space<semaphore_mem>>)
      %dma_wait3A = arith.constant 0 : i32
      %dma_wait3A_12 = tpu.memref_slice %arg11[%multiple_of3A, %dma_wait3A] : memref<10240x128xf32, #tpu.memory_space<vmem_shared>> -> memref<640x128xf32, #tpu.memory_space<vmem_shared>>
      %dma_wait3A_13 = arith.constant 0 : i32
      %dma_wait3A_14 = tpu.memref_slice %arg5[%multiple_of3A, %dma_wait3A_13] : memref<10240x128xf32, #tpu.memory_space<hbm>> -> memref<640x128xf32, #tpu.memory_space<hbm>>
      tpu.wait_dma2 semaphore(%run_scoped3A : memref<!tpu.dma_semaphore, #tpu.memory_space<semaphore_mem>>) src(%dma_wait3A_14 : memref<640x128xf32, #tpu.memory_space<hbm>>) dst(%dma_wait3A_12 : memref<640x128xf32, #tpu.memory_space<vmem_shared>>)
      tpu.yield
    }) : () -> ()
    %barrier3A = arith.constant 0 : index
    tpu.barrier barrier_id(%barrier3A)
    %eq3A = arith.constant 0 : i32
    %eq3A_1 = arith.cmpi eq, %arg0, %eq3A : i32
    %convert_element_type3A = arith.extui %eq3A_1 : i1 to i32
    %cond3A = arith.constant 0 : i32
    %cond3A_2 = arith.cmpi ne, %convert_element_type3A, %cond3A : i32
    scf.if %cond3A_2 {
      %mul3A_9 = arith.constant 120 : i32
      %mul3A_10 = arith.muli %arg1, %mul3A_9 : i32
      %scan3A = arith.constant 0 : i32
      %scan3A_11 = arith.constant 15 : i32
      %scan3A_12 = arith.addi %scan3A, %scan3A_11 : i32
      %scan3A_13 = arith.constant 1 : i32
      scf.for %scan3A_15 = %scan3A to %scan3A_12 step %scan3A_13  : i32 {
        %mul3A_16 = arith.constant 8 : i32
        %mul3A_17 = arith.muli %scan3A_15, %mul3A_16 : i32
        %add3A = arith.constant 0 : i32
        %add3A_18 = arith.addi %add3A, %mul3A_17 : i32
        %add3A_19 = arith.addi %mul3A_10, %add3A_18 : i32
        %multiple_of3A_20 = tpu.assume_multiple %add3A_19, 8 : i32
        "tpu.region"() ({
          %run_scoped3A_138 = tpu.sem_alloc : memref<!tpu.dma_semaphore, #tpu.memory_space<semaphore_mem>>
          %dma_start3A_139 = arith.constant 0 : i32
          %dma_start3A_140 = tpu.memref_slice %arg3[%multiple_of3A_20, %dma_start3A_139] : memref<2560x128xi32, #tpu.memory_space<hbm>> -> memref<8x128xi32, #tpu.memory_space<hbm>>
          %dma_start3A_141 = arith.constant 0 : i32
          %dma_start3A_142 = tpu.memref_slice %arg3[%multiple_of3A_20, %dma_start3A_141] : memref<2560x128xi32, #tpu.memory_space<hbm>> -> memref<8x128xi32, #tpu.memory_space<hbm>>
          tpu.enqueue_dma source(%dma_start3A_142 : memref<8x128xi32, #tpu.memory_space<hbm>>) target(%arg7 : memref<8x128xi32, #tpu.memory_space<vmem>>) target_semaphore(%run_scoped3A_138 : memref<!tpu.dma_semaphore, #tpu.memory_space<semaphore_mem>>)
          %dma_wait3A_143 = arith.constant 0 : i32
          %dma_wait3A_144 = tpu.memref_slice %arg3[%multiple_of3A_20, %dma_wait3A_143] : memref<2560x128xi32, #tpu.memory_space<hbm>> -> memref<8x128xi32, #tpu.memory_space<hbm>>
          %dma_wait3A_145 = arith.constant 0 : i32
          %dma_wait3A_146 = tpu.memref_slice %arg3[%multiple_of3A_20, %dma_wait3A_145] : memref<2560x128xi32, #tpu.memory_space<hbm>> -> memref<8x128xi32, #tpu.memory_space<hbm>>
          tpu.wait_dma2 semaphore(%run_scoped3A_138 : memref<!tpu.dma_semaphore, #tpu.memory_space<semaphore_mem>>) src(%dma_wait3A_146 : memref<8x128xi32, #tpu.memory_space<hbm>>) dst(%arg7 : memref<8x128xi32, #tpu.memory_space<vmem>>)
          tpu.yield
        }) : () -> ()
        "tpu.region"() ({
          %run_scoped3A_138 = tpu.sem_alloc : memref<!tpu.dma_semaphore, #tpu.memory_space<semaphore_mem>>
          %dma_start3A_139 = arith.constant 0 : i32
          %dma_start3A_140 = tpu.memref_slice %arg4[%multiple_of3A_20, %dma_start3A_139] : memref<2560x128xi32, #tpu.memory_space<hbm>> -> memref<8x128xi32, #tpu.memory_space<hbm>>
          %dma_start3A_141 = arith.constant 0 : i32
          %dma_start3A_142 = tpu.memref_slice %arg4[%multiple_of3A_20, %dma_start3A_141] : memref<2560x128xi32, #tpu.memory_space<hbm>> -> memref<8x128xi32, #tpu.memory_space<hbm>>
          tpu.enqueue_dma source(%dma_start3A_142 : memref<8x128xi32, #tpu.memory_space<hbm>>) target(%arg8 : memref<8x128xi32, #tpu.memory_space<vmem>>) target_semaphore(%run_scoped3A_138 : memref<!tpu.dma_semaphore, #tpu.memory_space<semaphore_mem>>)
          %dma_wait3A_143 = arith.constant 0 : i32
          %dma_wait3A_144 = tpu.memref_slice %arg4[%multiple_of3A_20, %dma_wait3A_143] : memref<2560x128xi32, #tpu.memory_space<hbm>> -> memref<8x128xi32, #tpu.memory_space<hbm>>
          %dma_wait3A_145 = arith.constant 0 : i32
          %dma_wait3A_146 = tpu.memref_slice %arg4[%multiple_of3A_20, %dma_wait3A_145] : memref<2560x128xi32, #tpu.memory_space<hbm>> -> memref<8x128xi32, #tpu.memory_space<hbm>>
          tpu.wait_dma2 semaphore(%run_scoped3A_138 : memref<!tpu.dma_semaphore, #tpu.memory_space<semaphore_mem>>) src(%dma_wait3A_146 : memref<8x128xi32, #tpu.memory_space<hbm>>) dst(%arg8 : memref<8x128xi32, #tpu.memory_space<vmem>>)
          tpu.yield
        }) : () -> ()
        %dma_start3A = arith.constant 0 : i32
        %dma_start3A_21 = arith.constant 0 : i32
        %dma_start3A_22 = tpu.memref_slice %arg7[%dma_start3A, %dma_start3A_21] : memref<8x128xi32, #tpu.memory_space<vmem>> -> memref<1x128xi32, #tpu.memory_space<vmem>>
        %dma_start3A_23 = tpu.memref_squeeze %dma_start3A_22 : memref<1x128xi32, #tpu.memory_space<vmem>> -> memref<128xi32, #tpu.memory_space<vmem>>
        %dma_start3A_24 = arith.constant 0 : i32
        %dma_start3A_25 = arith.constant 0 : i32
        %dma_start3A_26 = tpu.memref_slice %arg2[%dma_start3A_24, %dma_start3A_25] : memref<10000x128xf32, #tpu.memory_space<hbm>> -> memref<10000x128xf32, #tpu.memory_space<hbm>>
        tpu.enqueue_indirect_dma source(%dma_start3A_26 : memref<10000x128xf32, #tpu.memory_space<hbm>>) target(%arg9 : memref<128x128xf32, #tpu.memory_space<vmem>>) offsets(%dma_start3A_23 : memref<128xi32, #tpu.memory_space<vmem>>) semaphore(%arg12 : memref<!tpu.dma_semaphore, #tpu.memory_space<semaphore_mem>>)
        %dma_start3A_27 = arith.constant 1 : i32
        %dma_start3A_28 = arith.constant 0 : i32
        %dma_start3A_29 = tpu.memref_slice %arg7[%dma_start3A_27, %dma_start3A_28] : memref<8x128xi32, #tpu.memory_space<vmem>> -> memref<1x128xi32, #tpu.memory_space<vmem>>
        %dma_start3A_30 = tpu.memref_squeeze %dma_start3A_29 : memref<1x128xi32, #tpu.memory_space<vmem>> -> memref<128xi32, #tpu.memory_space<vmem>>
        %dma_start3A_31 = arith.constant 0 : i32
        %dma_start3A_32 = arith.constant 0 : i32
        %dma_start3A_33 = tpu.memref_slice %arg2[%dma_start3A_31, %dma_start3A_32] : memref<10000x128xf32, #tpu.memory_space<hbm>> -> memref<10000x128xf32, #tpu.memory_space<hbm>>
        tpu.enqueue_indirect_dma source(%dma_start3A_33 : memref<10000x128xf32, #tpu.memory_space<hbm>>) target(%arg10 : memref<128x128xf32, #tpu.memory_space<vmem>>) offsets(%dma_start3A_30 : memref<128xi32, #tpu.memory_space<vmem>>) semaphore(%arg13 : memref<!tpu.dma_semaphore, #tpu.memory_space<semaphore_mem>>)
        %dma_wait3A = arith.constant 0 : i32
        %dma_wait3A_34 = arith.constant 0 : i32
        %dma_wait3A_35 = tpu.memref_slice %arg7[%dma_wait3A, %dma_wait3A_34] : memref<8x128xi32, #tpu.memory_space<vmem>> -> memref<1x128xi32, #tpu.memory_space<vmem>>
        %dma_wait3A_36 = tpu.memref_squeeze %dma_wait3A_35 : memref<1x128xi32, #tpu.memory_space<vmem>> -> memref<128xi32, #tpu.memory_space<vmem>>
        %dma_wait3A_37 = arith.constant 0 : i32
        %dma_wait3A_38 = arith.constant 0 : i32
        %dma_wait3A_39 = tpu.memref_slice %arg2[%dma_wait3A_37, %dma_wait3A_38] : memref<10000x128xf32, #tpu.memory_space<hbm>> -> memref<10000x128xf32, #tpu.memory_space<hbm>>
        tpu.wait_indirect_dma semaphore(%arg12 : memref<!tpu.dma_semaphore, #tpu.memory_space<semaphore_mem>>) src(%dma_wait3A_39 : memref<10000x128xf32, #tpu.memory_space<hbm>>) dst(%arg9 : memref<128x128xf32, #tpu.memory_space<vmem>>)
        %run_scoped3A = arith.constant 0 : i32
        "tpu.region"() ({
          %run_scoped3A_138 = tpu.sem_alloc : memref<!tpu.dma_semaphore, #tpu.memory_space<semaphore_mem>>
          %dma_start3A_139 = arith.constant 0 : i32
          %dma_start3A_140 = tpu.memref_slice %arg8[%run_scoped3A, %dma_start3A_139] : memref<8x128xi32, #tpu.memory_space<vmem>> -> memref<1x128xi32, #tpu.memory_space<vmem>>
          %dma_start3A_141 = tpu.memref_squeeze %dma_start3A_140 : memref<1x128xi32, #tpu.memory_space<vmem>> -> memref<128xi32, #tpu.memory_space<vmem>>
          %dma_start3A_142 = arith.constant 0 : i32
          %dma_start3A_143 = arith.constant 0 : i32
          %dma_start3A_144 = tpu.memref_slice %arg11[%dma_start3A_142, %dma_start3A_143] : memref<10240x128xf32, #tpu.memory_space<vmem_shared>> -> memref<10240x128xf32, #tpu.memory_space<vmem_shared>>
          tpu.enqueue_indirect_dma source(%arg9 : memref<128x128xf32, #tpu.memory_space<vmem>>) target(%dma_start3A_144 : memref<10240x128xf32, #tpu.memory_space<vmem_shared>>) offsets(%dma_start3A_141 : memref<128xi32, #tpu.memory_space<vmem>>) semaphore(%run_scoped3A_138 : memref<!tpu.dma_semaphore, #tpu.memory_space<semaphore_mem>>) {add = true}
          %dma_wait3A_145 = arith.constant 0 : i32
          %dma_wait3A_146 = tpu.memref_slice %arg8[%run_scoped3A, %dma_wait3A_145] : memref<8x128xi32, #tpu.memory_space<vmem>> -> memref<1x128xi32, #tpu.memory_space<vmem>>
          %dma_wait3A_147 = tpu.memref_squeeze %dma_wait3A_146 : memref<1x128xi32, #tpu.memory_space<vmem>> -> memref<128xi32, #tpu.memory_space<vmem>>
          %dma_wait3A_148 = arith.constant 0 : i32
          %dma_wait3A_149 = arith.constant 0 : i32
          %dma_wait3A_150 = tpu.memref_slice %arg11[%dma_wait3A_148, %dma_wait3A_149] : memref<10240x128xf32, #tpu.memory_space<vmem_shared>> -> memref<10240x128xf32, #tpu.memory_space<vmem_shared>>
          tpu.wait_indirect_dma semaphore(%run_scoped3A_138 : memref<!tpu.dma_semaphore, #tpu.memory_space<semaphore_mem>>) src(%arg9 : memref<128x128xf32, #tpu.memory_space<vmem>>) dst(%dma_wait3A_150 : memref<10240x128xf32, #tpu.memory_space<vmem_shared>>)
          tpu.yield
        }) : () -> ()
        %dma_start3A_40 = arith.constant 2 : i32
        %dma_start3A_41 = arith.constant 0 : i32
        %dma_start3A_42 = tpu.memref_slice %arg7[%dma_start3A_40, %dma_start3A_41] : memref<8x128xi32, #tpu.memory_space<vmem>> -> memref<1x128xi32, #tpu.memory_space<vmem>>
        %dma_start3A_43 = tpu.memref_squeeze %dma_start3A_42 : memref<1x128xi32, #tpu.memory_space<vmem>> -> memref<128xi32, #tpu.memory_space<vmem>>
        %dma_start3A_44 = arith.constant 0 : i32
        %dma_start3A_45 = arith.constant 0 : i32
        %dma_start3A_46 = tpu.memref_slice %arg2[%dma_start3A_44, %dma_start3A_45] : memref<10000x128xf32, #tpu.memory_space<hbm>> -> memref<10000x128xf32, #tpu.memory_space<hbm>>
        tpu.enqueue_indirect_dma source(%dma_start3A_46 : memref<10000x128xf32, #tpu.memory_space<hbm>>) target(%arg9 : memref<128x128xf32, #tpu.memory_space<vmem>>) offsets(%dma_start3A_43 : memref<128xi32, #tpu.memory_space<vmem>>) semaphore(%arg12 : memref<!tpu.dma_semaphore, #tpu.memory_space<semaphore_mem>>)
        %dma_wait3A_47 = arith.constant 1 : i32
        %dma_wait3A_48 = arith.constant 0 : i32
        %dma_wait3A_49 = tpu.memref_slice %arg7[%dma_wait3A_47, %dma_wait3A_48] : memref<8x128xi32, #tpu.memory_space<vmem>> -> memref<1x128xi32, #tpu.memory_space<vmem>>
        %dma_wait3A_50 = tpu.memref_squeeze %dma_wait3A_49 : memref<1x128xi32, #tpu.memory_space<vmem>> -> memref<128xi32, #tpu.memory_space<vmem>>
        %dma_wait3A_51 = arith.constant 0 : i32
        %dma_wait3A_52 = arith.constant 0 : i32
        %dma_wait3A_53 = tpu.memref_slice %arg2[%dma_wait3A_51, %dma_wait3A_52] : memref<10000x128xf32, #tpu.memory_space<hbm>> -> memref<10000x128xf32, #tpu.memory_space<hbm>>
        tpu.wait_indirect_dma semaphore(%arg13 : memref<!tpu.dma_semaphore, #tpu.memory_space<semaphore_mem>>) src(%dma_wait3A_53 : memref<10000x128xf32, #tpu.memory_space<hbm>>) dst(%arg10 : memref<128x128xf32, #tpu.memory_space<vmem>>)
        %run_scoped3A_54 = arith.constant 1 : i32
        "tpu.region"() ({
          %run_scoped3A_138 = tpu.sem_alloc : memref<!tpu.dma_semaphore, #tpu.memory_space<semaphore_mem>>
          %dma_start3A_139 = arith.constant 0 : i32
          %dma_start3A_140 = tpu.memref_slice %arg8[%run_scoped3A_54, %dma_start3A_139] : memref<8x128xi32, #tpu.memory_space<vmem>> -> memref<1x128xi32, #tpu.memory_space<vmem>>
          %dma_start3A_141 = tpu.memref_squeeze %dma_start3A_140 : memref<1x128xi32, #tpu.memory_space<vmem>> -> memref<128xi32, #tpu.memory_space<vmem>>
          %dma_start3A_142 = arith.constant 0 : i32
          %dma_start3A_143 = arith.constant 0 : i32
          %dma_start3A_144 = tpu.memref_slice %arg11[%dma_start3A_142, %dma_start3A_143] : memref<10240x128xf32, #tpu.memory_space<vmem_shared>> -> memref<10240x128xf32, #tpu.memory_space<vmem_shared>>
          tpu.enqueue_indirect_dma source(%arg10 : memref<128x128xf32, #tpu.memory_space<vmem>>) target(%dma_start3A_144 : memref<10240x128xf32, #tpu.memory_space<vmem_shared>>) offsets(%dma_start3A_141 : memref<128xi32, #tpu.memory_space<vmem>>) semaphore(%run_scoped3A_138 : memref<!tpu.dma_semaphore, #tpu.memory_space<semaphore_mem>>) {add = true}
          %dma_wait3A_145 = arith.constant 0 : i32
          %dma_wait3A_146 = tpu.memref_slice %arg8[%run_scoped3A_54, %dma_wait3A_145] : memref<8x128xi32, #tpu.memory_space<vmem>> -> memref<1x128xi32, #tpu.memory_space<vmem>>
          %dma_wait3A_147 = tpu.memref_squeeze %dma_wait3A_146 : memref<1x128xi32, #tpu.memory_space<vmem>> -> memref<128xi32, #tpu.memory_space<vmem>>
          %dma_wait3A_148 = arith.constant 0 : i32
          %dma_wait3A_149 = arith.constant 0 : i32
          %dma_wait3A_150 = tpu.memref_slice %arg11[%dma_wait3A_148, %dma_wait3A_149] : memref<10240x128xf32, #tpu.memory_space<vmem_shared>> -> memref<10240x128xf32, #tpu.memory_space<vmem_shared>>
          tpu.wait_indirect_dma semaphore(%run_scoped3A_138 : memref<!tpu.dma_semaphore, #tpu.memory_space<semaphore_mem>>) src(%arg10 : memref<128x128xf32, #tpu.memory_space<vmem>>) dst(%dma_wait3A_150 : memref<10240x128xf32, #tpu.memory_space<vmem_shared>>)
          tpu.yield
        }) : () -> ()
        %dma_start3A_55 = arith.constant 3 : i32
        %dma_start3A_56 = arith.constant 0 : i32
        %dma_start3A_57 = tpu.memref_slice %arg7[%dma_start3A_55, %dma_start3A_56] : memref<8x128xi32, #tpu.memory_space<vmem>> -> memref<1x128xi32, #tpu.memory_space<vmem>>
        %dma_start3A_58 = tpu.memref_squeeze %dma_start3A_57 : memref<1x128xi32, #tpu.memory_space<vmem>> -> memref<128xi32, #tpu.memory_space<vmem>>
        %dma_start3A_59 = arith.constant 0 : i32
        %dma_start3A_60 = arith.constant 0 : i32
        %dma_start3A_61 = tpu.memref_slice %arg2[%dma_start3A_59, %dma_start3A_60] : memref<10000x128xf32, #tpu.memory_space<hbm>> -> memref<10000x128xf32, #tpu.memory_space<hbm>>
        tpu.enqueue_indirect_dma source(%dma_start3A_61 : memref<10000x128xf32, #tpu.memory_space<hbm>>) target(%arg10 : memref<128x128xf32, #tpu.memory_space<vmem>>) offsets(%dma_start3A_58 : memref<128xi32, #tpu.memory_space<vmem>>) semaphore(%arg13 : memref<!tpu.dma_semaphore, #tpu.memory_space<semaphore_mem>>)
        %dma_wait3A_62 = arith.constant 2 : i32
        %dma_wait3A_63 = arith.constant 0 : i32
        %dma_wait3A_64 = tpu.memref_slice %arg7[%dma_wait3A_62, %dma_wait3A_63] : memref<8x128xi32, #tpu.memory_space<vmem>> -> memref<1x128xi32, #tpu.memory_space<vmem>>
        %dma_wait3A_65 = tpu.memref_squeeze %dma_wait3A_64 : memref<1x128xi32, #tpu.memory_space<vmem>> -> memref<128xi32, #tpu.memory_space<vmem>>
        %dma_wait3A_66 = arith.constant 0 : i32
        %dma_wait3A_67 = arith.constant 0 : i32
        %dma_wait3A_68 = tpu.memref_slice %arg2[%dma_wait3A_66, %dma_wait3A_67] : memref<10000x128xf32, #tpu.memory_space<hbm>> -> memref<10000x128xf32, #tpu.memory_space<hbm>>
        tpu.wait_indirect_dma semaphore(%arg12 : memref<!tpu.dma_semaphore, #tpu.memory_space<semaphore_mem>>) src(%dma_wait3A_68 : memref<10000x128xf32, #tpu.memory_space<hbm>>) dst(%arg9 : memref<128x128xf32, #tpu.memory_space<vmem>>)
        %run_scoped3A_69 = arith.constant 2 : i32
        "tpu.region"() ({
          %run_scoped3A_138 = tpu.sem_alloc : memref<!tpu.dma_semaphore, #tpu.memory_space<semaphore_mem>>
          %dma_start3A_139 = arith.constant 0 : i32
          %dma_start3A_140 = tpu.memref_slice %arg8[%run_scoped3A_69, %dma_start3A_139] : memref<8x128xi32, #tpu.memory_space<vmem>> -> memref<1x128xi32, #tpu.memory_space<vmem>>
          %dma_start3A_141 = tpu.memref_squeeze %dma_start3A_140 : memref<1x128xi32, #tpu.memory_space<vmem>> -> memref<128xi32, #tpu.memory_space<vmem>>
          %dma_start3A_142 = arith.constant 0 : i32
          %dma_start3A_143 = arith.constant 0 : i32
          %dma_start3A_144 = tpu.memref_slice %arg11[%dma_start3A_142, %dma_start3A_143] : memref<10240x128xf32, #tpu.memory_space<vmem_shared>> -> memref<10240x128xf32, #tpu.memory_space<vmem_shared>>
          tpu.enqueue_indirect_dma source(%arg9 : memref<128x128xf32, #tpu.memory_space<vmem>>) target(%dma_start3A_144 : memref<10240x128xf32, #tpu.memory_space<vmem_shared>>) offsets(%dma_start3A_141 : memref<128xi32, #tpu.memory_space<vmem>>) semaphore(%run_scoped3A_138 : memref<!tpu.dma_semaphore, #tpu.memory_space<semaphore_mem>>) {add = true}
          %dma_wait3A_145 = arith.constant 0 : i32
          %dma_wait3A_146 = tpu.memref_slice %arg8[%run_scoped3A_69, %dma_wait3A_145] : memref<8x128xi32, #tpu.memory_space<vmem>> -> memref<1x128xi32, #tpu.memory_space<vmem>>
          %dma_wait3A_147 = tpu.memref_squeeze %dma_wait3A_146 : memref<1x128xi32, #tpu.memory_space<vmem>> -> memref<128xi32, #tpu.memory_space<vmem>>
          %dma_wait3A_148 = arith.constant 0 : i32
          %dma_wait3A_149 = arith.constant 0 : i32
          %dma_wait3A_150 = tpu.memref_slice %arg11[%dma_wait3A_148, %dma_wait3A_149] : memref<10240x128xf32, #tpu.memory_space<vmem_shared>> -> memref<10240x128xf32, #tpu.memory_space<vmem_shared>>
          tpu.wait_indirect_dma semaphore(%run_scoped3A_138 : memref<!tpu.dma_semaphore, #tpu.memory_space<semaphore_mem>>) src(%arg9 : memref<128x128xf32, #tpu.memory_space<vmem>>) dst(%dma_wait3A_150 : memref<10240x128xf32, #tpu.memory_space<vmem_shared>>)
          tpu.yield
        }) : () -> ()
        %dma_start3A_70 = arith.constant 4 : i32
        %dma_start3A_71 = arith.constant 0 : i32
        %dma_start3A_72 = tpu.memref_slice %arg7[%dma_start3A_70, %dma_start3A_71] : memref<8x128xi32, #tpu.memory_space<vmem>> -> memref<1x128xi32, #tpu.memory_space<vmem>>
        %dma_start3A_73 = tpu.memref_squeeze %dma_start3A_72 : memref<1x128xi32, #tpu.memory_space<vmem>> -> memref<128xi32, #tpu.memory_space<vmem>>
        %dma_start3A_74 = arith.constant 0 : i32
        %dma_start3A_75 = arith.constant 0 : i32
        %dma_start3A_76 = tpu.memref_slice %arg2[%dma_start3A_74, %dma_start3A_75] : memref<10000x128xf32, #tpu.memory_space<hbm>> -> memref<10000x128xf32, #tpu.memory_space<hbm>>
        tpu.enqueue_indirect_dma source(%dma_start3A_76 : memref<10000x128xf32, #tpu.memory_space<hbm>>) target(%arg9 : memref<128x128xf32, #tpu.memory_space<vmem>>) offsets(%dma_start3A_73 : memref<128xi32, #tpu.memory_space<vmem>>) semaphore(%arg12 : memref<!tpu.dma_semaphore, #tpu.memory_space<semaphore_mem>>)
        %dma_wait3A_77 = arith.constant 3 : i32
        %dma_wait3A_78 = arith.constant 0 : i32
        %dma_wait3A_79 = tpu.memref_slice %arg7[%dma_wait3A_77, %dma_wait3A_78] : memref<8x128xi32, #tpu.memory_space<vmem>> -> memref<1x128xi32, #tpu.memory_space<vmem>>
        %dma_wait3A_80 = tpu.memref_squeeze %dma_wait3A_79 : memref<1x128xi32, #tpu.memory_space<vmem>> -> memref<128xi32, #tpu.memory_space<vmem>>
        %dma_wait3A_81 = arith.constant 0 : i32
        %dma_wait3A_82 = arith.constant 0 : i32
        %dma_wait3A_83 = tpu.memref_slice %arg2[%dma_wait3A_81, %dma_wait3A_82] : memref<10000x128xf32, #tpu.memory_space<hbm>> -> memref<10000x128xf32, #tpu.memory_space<hbm>>
        tpu.wait_indirect_dma semaphore(%arg13 : memref<!tpu.dma_semaphore, #tpu.memory_space<semaphore_mem>>) src(%dma_wait3A_83 : memref<10000x128xf32, #tpu.memory_space<hbm>>) dst(%arg10 : memref<128x128xf32, #tpu.memory_space<vmem>>)
        %run_scoped3A_84 = arith.constant 3 : i32
        "tpu.region"() ({
          %run_scoped3A_138 = tpu.sem_alloc : memref<!tpu.dma_semaphore, #tpu.memory_space<semaphore_mem>>
          %dma_start3A_139 = arith.constant 0 : i32
          %dma_start3A_140 = tpu.memref_slice %arg8[%run_scoped3A_84, %dma_start3A_139] : memref<8x128xi32, #tpu.memory_space<vmem>> -> memref<1x128xi32, #tpu.memory_space<vmem>>
          %dma_start3A_141 = tpu.memref_squeeze %dma_start3A_140 : memref<1x128xi32, #tpu.memory_space<vmem>> -> memref<128xi32, #tpu.memory_space<vmem>>
          %dma_start3A_142 = arith.constant 0 : i32
          %dma_start3A_143 = arith.constant 0 : i32
          %dma_start3A_144 = tpu.memref_slice %arg11[%dma_start3A_142, %dma_start3A_143] : memref<10240x128xf32, #tpu.memory_space<vmem_shared>> -> memref<10240x128xf32, #tpu.memory_space<vmem_shared>>
          tpu.enqueue_indirect_dma source(%arg10 : memref<128x128xf32, #tpu.memory_space<vmem>>) target(%dma_start3A_144 : memref<10240x128xf32, #tpu.memory_space<vmem_shared>>) offsets(%dma_start3A_141 : memref<128xi32, #tpu.memory_space<vmem>>) semaphore(%run_scoped3A_138 : memref<!tpu.dma_semaphore, #tpu.memory_space<semaphore_mem>>) {add = true}
          %dma_wait3A_145 = arith.constant 0 : i32
          %dma_wait3A_146 = tpu.memref_slice %arg8[%run_scoped3A_84, %dma_wait3A_145] : memref<8x128xi32, #tpu.memory_space<vmem>> -> memref<1x128xi32, #tpu.memory_space<vmem>>
          %dma_wait3A_147 = tpu.memref_squeeze %dma_wait3A_146 : memref<1x128xi32, #tpu.memory_space<vmem>> -> memref<128xi32, #tpu.memory_space<vmem>>
          %dma_wait3A_148 = arith.constant 0 : i32
          %dma_wait3A_149 = arith.constant 0 : i32
          %dma_wait3A_150 = tpu.memref_slice %arg11[%dma_wait3A_148, %dma_wait3A_149] : memref<10240x128xf32, #tpu.memory_space<vmem_shared>> -> memref<10240x128xf32, #tpu.memory_space<vmem_shared>>
          tpu.wait_indirect_dma semaphore(%run_scoped3A_138 : memref<!tpu.dma_semaphore, #tpu.memory_space<semaphore_mem>>) src(%arg10 : memref<128x128xf32, #tpu.memory_space<vmem>>) dst(%dma_wait3A_150 : memref<10240x128xf32, #tpu.memory_space<vmem_shared>>)
          tpu.yield
        }) : () -> ()
        %dma_start3A_85 = arith.constant 5 : i32
        %dma_start3A_86 = arith.constant 0 : i32
        %dma_start3A_87 = tpu.memref_slice %arg7[%dma_start3A_85, %dma_start3A_86] : memref<8x128xi32, #tpu.memory_space<vmem>> -> memref<1x128xi32, #tpu.memory_space<vmem>>
        %dma_start3A_88 = tpu.memref_squeeze %dma_start3A_87 : memref<1x128xi32, #tpu.memory_space<vmem>> -> memref<128xi32, #tpu.memory_space<vmem>>
        %dma_start3A_89 = arith.constant 0 : i32
        %dma_start3A_90 = arith.constant 0 : i32
        %dma_start3A_91 = tpu.memref_slice %arg2[%dma_start3A_89, %dma_start3A_90] : memref<10000x128xf32, #tpu.memory_space<hbm>> -> memref<10000x128xf32, #tpu.memory_space<hbm>>
        tpu.enqueue_indirect_dma source(%dma_start3A_91 : memref<10000x128xf32, #tpu.memory_space<hbm>>) target(%arg10 : memref<128x128xf32, #tpu.memory_space<vmem>>) offsets(%dma_start3A_88 : memref<128xi32, #tpu.memory_space<vmem>>) semaphore(%arg13 : memref<!tpu.dma_semaphore, #tpu.memory_space<semaphore_mem>>)
        %dma_wait3A_92 = arith.constant 4 : i32
        %dma_wait3A_93 = arith.constant 0 : i32
        %dma_wait3A_94 = tpu.memref_slice %arg7[%dma_wait3A_92, %dma_wait3A_93] : memref<8x128xi32, #tpu.memory_space<vmem>> -> memref<1x128xi32, #tpu.memory_space<vmem>>
        %dma_wait3A_95 = tpu.memref_squeeze %dma_wait3A_94 : memref<1x128xi32, #tpu.memory_space<vmem>> -> memref<128xi32, #tpu.memory_space<vmem>>
        %dma_wait3A_96 = arith.constant 0 : i32
        %dma_wait3A_97 = arith.constant 0 : i32
        %dma_wait3A_98 = tpu.memref_slice %arg2[%dma_wait3A_96, %dma_wait3A_97] : memref<10000x128xf32, #tpu.memory_space<hbm>> -> memref<10000x128xf32, #tpu.memory_space<hbm>>
        tpu.wait_indirect_dma semaphore(%arg12 : memref<!tpu.dma_semaphore, #tpu.memory_space<semaphore_mem>>) src(%dma_wait3A_98 : memref<10000x128xf32, #tpu.memory_space<hbm>>) dst(%arg9 : memref<128x128xf32, #tpu.memory_space<vmem>>)
        %run_scoped3A_99 = arith.constant 4 : i32
        "tpu.region"() ({
          %run_scoped3A_138 = tpu.sem_alloc : memref<!tpu.dma_semaphore, #tpu.memory_space<semaphore_mem>>
          %dma_start3A_139 = arith.constant 0 : i32
          %dma_start3A_140 = tpu.memref_slice %arg8[%run_scoped3A_99, %dma_start3A_139] : memref<8x128xi32, #tpu.memory_space<vmem>> -> memref<1x128xi32, #tpu.memory_space<vmem>>
          %dma_start3A_141 = tpu.memref_squeeze %dma_start3A_140 : memref<1x128xi32, #tpu.memory_space<vmem>> -> memref<128xi32, #tpu.memory_space<vmem>>
          %dma_start3A_142 = arith.constant 0 : i32
          %dma_start3A_143 = arith.constant 0 : i32
          %dma_start3A_144 = tpu.memref_slice %arg11[%dma_start3A_142, %dma_start3A_143] : memref<10240x128xf32, #tpu.memory_space<vmem_shared>> -> memref<10240x128xf32, #tpu.memory_space<vmem_shared>>
          tpu.enqueue_indirect_dma source(%arg9 : memref<128x128xf32, #tpu.memory_space<vmem>>) target(%dma_start3A_144 : memref<10240x128xf32, #tpu.memory_space<vmem_shared>>) offsets(%dma_start3A_141 : memref<128xi32, #tpu.memory_space<vmem>>) semaphore(%run_scoped3A_138 : memref<!tpu.dma_semaphore, #tpu.memory_space<semaphore_mem>>) {add = true}
          %dma_wait3A_145 = arith.constant 0 : i32
          %dma_wait3A_146 = tpu.memref_slice %arg8[%run_scoped3A_99, %dma_wait3A_145] : memref<8x128xi32, #tpu.memory_space<vmem>> -> memref<1x128xi32, #tpu.memory_space<vmem>>
          %dma_wait3A_147 = tpu.memref_squeeze %dma_wait3A_146 : memref<1x128xi32, #tpu.memory_space<vmem>> -> memref<128xi32, #tpu.memory_space<vmem>>
          %dma_wait3A_148 = arith.constant 0 : i32
          %dma_wait3A_149 = arith.constant 0 : i32
          %dma_wait3A_150 = tpu.memref_slice %arg11[%dma_wait3A_148, %dma_wait3A_149] : memref<10240x128xf32, #tpu.memory_space<vmem_shared>> -> memref<10240x128xf32, #tpu.memory_space<vmem_shared>>
          tpu.wait_indirect_dma semaphore(%run_scoped3A_138 : memref<!tpu.dma_semaphore, #tpu.memory_space<semaphore_mem>>) src(%arg9 : memref<128x128xf32, #tpu.memory_space<vmem>>) dst(%dma_wait3A_150 : memref<10240x128xf32, #tpu.memory_space<vmem_shared>>)
          tpu.yield
        }) : () -> ()
        %dma_start3A_100 = arith.constant 6 : i32
        %dma_start3A_101 = arith.constant 0 : i32
        %dma_start3A_102 = tpu.memref_slice %arg7[%dma_start3A_100, %dma_start3A_101] : memref<8x128xi32, #tpu.memory_space<vmem>> -> memref<1x128xi32, #tpu.memory_space<vmem>>
        %dma_start3A_103 = tpu.memref_squeeze %dma_start3A_102 : memref<1x128xi32, #tpu.memory_space<vmem>> -> memref<128xi32, #tpu.memory_space<vmem>>
        %dma_start3A_104 = arith.constant 0 : i32
        %dma_start3A_105 = arith.constant 0 : i32
        %dma_start3A_106 = tpu.memref_slice %arg2[%dma_start3A_104, %dma_start3A_105] : memref<10000x128xf32, #tpu.memory_space<hbm>> -> memref<10000x128xf32, #tpu.memory_space<hbm>>
        tpu.enqueue_indirect_dma source(%dma_start3A_106 : memref<10000x128xf32, #tpu.memory_space<hbm>>) target(%arg9 : memref<128x128xf32, #tpu.memory_space<vmem>>) offsets(%dma_start3A_103 : memref<128xi32, #tpu.memory_space<vmem>>) semaphore(%arg12 : memref<!tpu.dma_semaphore, #tpu.memory_space<semaphore_mem>>)
        %dma_wait3A_107 = arith.constant 5 : i32
        %dma_wait3A_108 = arith.constant 0 : i32
        %dma_wait3A_109 = tpu.memref_slice %arg7[%dma_wait3A_107, %dma_wait3A_108] : memref<8x128xi32, #tpu.memory_space<vmem>> -> memref<1x128xi32, #tpu.memory_space<vmem>>
        %dma_wait3A_110 = tpu.memref_squeeze %dma_wait3A_109 : memref<1x128xi32, #tpu.memory_space<vmem>> -> memref<128xi32, #tpu.memory_space<vmem>>
        %dma_wait3A_111 = arith.constant 0 : i32
        %dma_wait3A_112 = arith.constant 0 : i32
        %dma_wait3A_113 = tpu.memref_slice %arg2[%dma_wait3A_111, %dma_wait3A_112] : memref<10000x128xf32, #tpu.memory_space<hbm>> -> memref<10000x128xf32, #tpu.memory_space<hbm>>
        tpu.wait_indirect_dma semaphore(%arg13 : memref<!tpu.dma_semaphore, #tpu.memory_space<semaphore_mem>>) src(%dma_wait3A_113 : memref<10000x128xf32, #tpu.memory_space<hbm>>) dst(%arg10 : memref<128x128xf32, #tpu.memory_space<vmem>>)
        %run_scoped3A_114 = arith.constant 5 : i32
        "tpu.region"() ({
          %run_scoped3A_138 = tpu.sem_alloc : memref<!tpu.dma_semaphore, #tpu.memory_space<semaphore_mem>>
          %dma_start3A_139 = arith.constant 0 : i32
          %dma_start3A_140 = tpu.memref_slice %arg8[%run_scoped3A_114, %dma_start3A_139] : memref<8x128xi32, #tpu.memory_space<vmem>> -> memref<1x128xi32, #tpu.memory_space<vmem>>
          %dma_start3A_141 = tpu.memref_squeeze %dma_start3A_140 : memref<1x128xi32, #tpu.memory_space<vmem>> -> memref<128xi32, #tpu.memory_space<vmem>>
          %dma_start3A_142 = arith.constant 0 : i32
          %dma_start3A_143 = arith.constant 0 : i32
          %dma_start3A_144 = tpu.memref_slice %arg11[%dma_start3A_142, %dma_start3A_143] : memref<10240x128xf32, #tpu.memory_space<vmem_shared>> -> memref<10240x128xf32, #tpu.memory_space<vmem_shared>>
          tpu.enqueue_indirect_dma source(%arg10 : memref<128x128xf32, #tpu.memory_space<vmem>>) target(%dma_start3A_144 : memref<10240x128xf32, #tpu.memory_space<vmem_shared>>) offsets(%dma_start3A_141 : memref<128xi32, #tpu.memory_space<vmem>>) semaphore(%run_scoped3A_138 : memref<!tpu.dma_semaphore, #tpu.memory_space<semaphore_mem>>) {add = true}
          %dma_wait3A_145 = arith.constant 0 : i32
          %dma_wait3A_146 = tpu.memref_slice %arg8[%run_scoped3A_114, %dma_wait3A_145] : memref<8x128xi32, #tpu.memory_space<vmem>> -> memref<1x128xi32, #tpu.memory_space<vmem>>
          %dma_wait3A_147 = tpu.memref_squeeze %dma_wait3A_146 : memref<1x128xi32, #tpu.memory_space<vmem>> -> memref<128xi32, #tpu.memory_space<vmem>>
          %dma_wait3A_148 = arith.constant 0 : i32
          %dma_wait3A_149 = arith.constant 0 : i32
          %dma_wait3A_150 = tpu.memref_slice %arg11[%dma_wait3A_148, %dma_wait3A_149] : memref<10240x128xf32, #tpu.memory_space<vmem_shared>> -> memref<10240x128xf32, #tpu.memory_space<vmem_shared>>
          tpu.wait_indirect_dma semaphore(%run_scoped3A_138 : memref<!tpu.dma_semaphore, #tpu.memory_space<semaphore_mem>>) src(%arg10 : memref<128x128xf32, #tpu.memory_space<vmem>>) dst(%dma_wait3A_150 : memref<10240x128xf32, #tpu.memory_space<vmem_shared>>)
          tpu.yield
        }) : () -> ()
        %dma_start3A_115 = arith.constant 7 : i32
        %dma_start3A_116 = arith.constant 0 : i32
        %dma_start3A_117 = tpu.memref_slice %arg7[%dma_start3A_115, %dma_start3A_116] : memref<8x128xi32, #tpu.memory_space<vmem>> -> memref<1x128xi32, #tpu.memory_space<vmem>>
        %dma_start3A_118 = tpu.memref_squeeze %dma_start3A_117 : memref<1x128xi32, #tpu.memory_space<vmem>> -> memref<128xi32, #tpu.memory_space<vmem>>
        %dma_start3A_119 = arith.constant 0 : i32
        %dma_start3A_120 = arith.constant 0 : i32
        %dma_start3A_121 = tpu.memref_slice %arg2[%dma_start3A_119, %dma_start3A_120] : memref<10000x128xf32, #tpu.memory_space<hbm>> -> memref<10000x128xf32, #tpu.memory_space<hbm>>
        tpu.enqueue_indirect_dma source(%dma_start3A_121 : memref<10000x128xf32, #tpu.memory_space<hbm>>) target(%arg10 : memref<128x128xf32, #tpu.memory_space<vmem>>) offsets(%dma_start3A_118 : memref<128xi32, #tpu.memory_space<vmem>>) semaphore(%arg13 : memref<!tpu.dma_semaphore, #tpu.memory_space<semaphore_mem>>)
        %dma_wait3A_122 = arith.constant 6 : i32
        %dma_wait3A_123 = arith.constant 0 : i32
        %dma_wait3A_124 = tpu.memref_slice %arg7[%dma_wait3A_122, %dma_wait3A_123] : memref<8x128xi32, #tpu.memory_space<vmem>> -> memref<1x128xi32, #tpu.memory_space<vmem>>
        %dma_wait3A_125 = tpu.memref_squeeze %dma_wait3A_124 : memref<1x128xi32, #tpu.memory_space<vmem>> -> memref<128xi32, #tpu.memory_space<vmem>>
        %dma_wait3A_126 = arith.constant 0 : i32
        %dma_wait3A_127 = arith.constant 0 : i32
        %dma_wait3A_128 = tpu.memref_slice %arg2[%dma_wait3A_126, %dma_wait3A_127] : memref<10000x128xf32, #tpu.memory_space<hbm>> -> memref<10000x128xf32, #tpu.memory_space<hbm>>
        tpu.wait_indirect_dma semaphore(%arg12 : memref<!tpu.dma_semaphore, #tpu.memory_space<semaphore_mem>>) src(%dma_wait3A_128 : memref<10000x128xf32, #tpu.memory_space<hbm>>) dst(%arg9 : memref<128x128xf32, #tpu.memory_space<vmem>>)
        %run_scoped3A_129 = arith.constant 6 : i32
        "tpu.region"() ({
          %run_scoped3A_138 = tpu.sem_alloc : memref<!tpu.dma_semaphore, #tpu.memory_space<semaphore_mem>>
          %dma_start3A_139 = arith.constant 0 : i32
          %dma_start3A_140 = tpu.memref_slice %arg8[%run_scoped3A_129, %dma_start3A_139] : memref<8x128xi32, #tpu.memory_space<vmem>> -> memref<1x128xi32, #tpu.memory_space<vmem>>
          %dma_start3A_141 = tpu.memref_squeeze %dma_start3A_140 : memref<1x128xi32, #tpu.memory_space<vmem>> -> memref<128xi32, #tpu.memory_space<vmem>>
          %dma_start3A_142 = arith.constant 0 : i32
          %dma_start3A_143 = arith.constant 0 : i32
          %dma_start3A_144 = tpu.memref_slice %arg11[%dma_start3A_142, %dma_start3A_143] : memref<10240x128xf32, #tpu.memory_space<vmem_shared>> -> memref<10240x128xf32, #tpu.memory_space<vmem_shared>>
          tpu.enqueue_indirect_dma source(%arg9 : memref<128x128xf32, #tpu.memory_space<vmem>>) target(%dma_start3A_144 : memref<10240x128xf32, #tpu.memory_space<vmem_shared>>) offsets(%dma_start3A_141 : memref<128xi32, #tpu.memory_space<vmem>>) semaphore(%run_scoped3A_138 : memref<!tpu.dma_semaphore, #tpu.memory_space<semaphore_mem>>) {add = true}
          %dma_wait3A_145 = arith.constant 0 : i32
          %dma_wait3A_146 = tpu.memref_slice %arg8[%run_scoped3A_129, %dma_wait3A_145] : memref<8x128xi32, #tpu.memory_space<vmem>> -> memref<1x128xi32, #tpu.memory_space<vmem>>
          %dma_wait3A_147 = tpu.memref_squeeze %dma_wait3A_146 : memref<1x128xi32, #tpu.memory_space<vmem>> -> memref<128xi32, #tpu.memory_space<vmem>>
          %dma_wait3A_148 = arith.constant 0 : i32
          %dma_wait3A_149 = arith.constant 0 : i32
          %dma_wait3A_150 = tpu.memref_slice %arg11[%dma_wait3A_148, %dma_wait3A_149] : memref<10240x128xf32, #tpu.memory_space<vmem_shared>> -> memref<10240x128xf32, #tpu.memory_space<vmem_shared>>
          tpu.wait_indirect_dma semaphore(%run_scoped3A_138 : memref<!tpu.dma_semaphore, #tpu.memory_space<semaphore_mem>>) src(%arg9 : memref<128x128xf32, #tpu.memory_space<vmem>>) dst(%dma_wait3A_150 : memref<10240x128xf32, #tpu.memory_space<vmem_shared>>)
          tpu.yield
        }) : () -> ()
        %dma_wait3A_130 = arith.constant 7 : i32
        %dma_wait3A_131 = arith.constant 0 : i32
        %dma_wait3A_132 = tpu.memref_slice %arg7[%dma_wait3A_130, %dma_wait3A_131] : memref<8x128xi32, #tpu.memory_space<vmem>> -> memref<1x128xi32, #tpu.memory_space<vmem>>
        %dma_wait3A_133 = tpu.memref_squeeze %dma_wait3A_132 : memref<1x128xi32, #tpu.memory_space<vmem>> -> memref<128xi32, #tpu.memory_space<vmem>>
        %dma_wait3A_134 = arith.constant 0 : i32
        %dma_wait3A_135 = arith.constant 0 : i32
        %dma_wait3A_136 = tpu.memref_slice %arg2[%dma_wait3A_134, %dma_wait3A_135] : memref<10000x128xf32, #tpu.memory_space<hbm>> -> memref<10000x128xf32, #tpu.memory_space<hbm>>
        tpu.wait_indirect_dma semaphore(%arg13 : memref<!tpu.dma_semaphore, #tpu.memory_space<semaphore_mem>>) src(%dma_wait3A_136 : memref<10000x128xf32, #tpu.memory_space<hbm>>) dst(%arg10 : memref<128x128xf32, #tpu.memory_space<vmem>>)
        %run_scoped3A_137 = arith.constant 7 : i32
        "tpu.region"() ({
          %run_scoped3A_138 = tpu.sem_alloc : memref<!tpu.dma_semaphore, #tpu.memory_space<semaphore_mem>>
          %dma_start3A_139 = arith.constant 0 : i32
          %dma_start3A_140 = tpu.memref_slice %arg8[%run_scoped3A_137, %dma_start3A_139] : memref<8x128xi32, #tpu.memory_space<vmem>> -> memref<1x128xi32, #tpu.memory_space<vmem>>
          %dma_start3A_141 = tpu.memref_squeeze %dma_start3A_140 : memref<1x128xi32, #tpu.memory_space<vmem>> -> memref<128xi32, #tpu.memory_space<vmem>>
          %dma_start3A_142 = arith.constant 0 : i32
          %dma_start3A_143 = arith.constant 0 : i32
          %dma_start3A_144 = tpu.memref_slice %arg11[%dma_start3A_142, %dma_start3A_143] : memref<10240x128xf32, #tpu.memory_space<vmem_shared>> -> memref<10240x128xf32, #tpu.memory_space<vmem_shared>>
          tpu.enqueue_indirect_dma source(%arg10 : memref<128x128xf32, #tpu.memory_space<vmem>>) target(%dma_start3A_144 : memref<10240x128xf32, #tpu.memory_space<vmem_shared>>) offsets(%dma_start3A_141 : memref<128xi32, #tpu.memory_space<vmem>>) semaphore(%run_scoped3A_138 : memref<!tpu.dma_semaphore, #tpu.memory_space<semaphore_mem>>) {add = true}
          %dma_wait3A_145 = arith.constant 0 : i32
          %dma_wait3A_146 = tpu.memref_slice %arg8[%run_scoped3A_137, %dma_wait3A_145] : memref<8x128xi32, #tpu.memory_space<vmem>> -> memref<1x128xi32, #tpu.memory_space<vmem>>
          %dma_wait3A_147 = tpu.memref_squeeze %dma_wait3A_146 : memref<1x128xi32, #tpu.memory_space<vmem>> -> memref<128xi32, #tpu.memory_space<vmem>>
          %dma_wait3A_148 = arith.constant 0 : i32
          %dma_wait3A_149 = arith.constant 0 : i32
          %dma_wait3A_150 = tpu.memref_slice %arg11[%dma_wait3A_148, %dma_wait3A_149] : memref<10240x128xf32, #tpu.memory_space<vmem_shared>> -> memref<10240x128xf32, #tpu.memory_space<vmem_shared>>
          tpu.wait_indirect_dma semaphore(%run_scoped3A_138 : memref<!tpu.dma_semaphore, #tpu.memory_space<semaphore_mem>>) src(%arg10 : memref<128x128xf32, #tpu.memory_space<vmem>>) dst(%dma_wait3A_150 : memref<10240x128xf32, #tpu.memory_space<vmem_shared>>)
          tpu.yield
        }) : () -> ()
      }
      %scan3A_14 = arith.constant 15 : i32
    } else {
    }
    %eq3A_3 = arith.constant 1 : i32
    %eq3A_4 = arith.cmpi eq, %arg0, %eq3A_3 : i32
    %convert_element_type3A_5 = arith.extui %eq3A_4 : i1 to i32
    %cond3A_6 = arith.constant 0 : i32
    %cond3A_7 = arith.cmpi ne, %convert_element_type3A_5, %cond3A_6 : i32
    scf.if %cond3A_7 {
      %mul3A_9 = arith.constant 40 : i32
      %mul3A_10 = arith.muli %arg1, %mul3A_9 : i32
      %add3A = arith.constant 1920 : i32
      %add3A_11 = arith.addi %add3A, %mul3A_10 : i32
      %scan3A = arith.constant 0 : i32
      %scan3A_12 = arith.constant 5 : i32
      %scan3A_13 = arith.addi %scan3A, %scan3A_12 : i32
      %scan3A_14 = arith.constant 1 : i32
      scf.for %scan3A_16 = %scan3A to %scan3A_13 step %scan3A_14  : i32 {
        %mul3A_17 = arith.constant 8 : i32
        %mul3A_18 = arith.muli %scan3A_16, %mul3A_17 : i32
        %add3A_19 = arith.constant 0 : i32
        %add3A_20 = arith.addi %add3A_19, %mul3A_18 : i32
        %add3A_21 = arith.addi %add3A_11, %add3A_20 : i32
        %multiple_of3A_22 = tpu.assume_multiple %add3A_21, 8 : i32
        "tpu.region"() ({
          %run_scoped3A_140 = tpu.sem_alloc : memref<!tpu.dma_semaphore, #tpu.memory_space<semaphore_mem>>
          %dma_start3A_141 = arith.constant 0 : i32
          %dma_start3A_142 = tpu.memref_slice %arg3[%multiple_of3A_22, %dma_start3A_141] : memref<2560x128xi32, #tpu.memory_space<hbm>> -> memref<8x128xi32, #tpu.memory_space<hbm>>
          %dma_start3A_143 = arith.constant 0 : i32
          %dma_start3A_144 = tpu.memref_slice %arg3[%multiple_of3A_22, %dma_start3A_143] : memref<2560x128xi32, #tpu.memory_space<hbm>> -> memref<8x128xi32, #tpu.memory_space<hbm>>
          tpu.enqueue_dma source(%dma_start3A_144 : memref<8x128xi32, #tpu.memory_space<hbm>>) target(%arg7 : memref<8x128xi32, #tpu.memory_space<vmem>>) target_semaphore(%run_scoped3A_140 : memref<!tpu.dma_semaphore, #tpu.memory_space<semaphore_mem>>)
          %dma_wait3A_145 = arith.constant 0 : i32
          %dma_wait3A_146 = tpu.memref_slice %arg3[%multiple_of3A_22, %dma_wait3A_145] : memref<2560x128xi32, #tpu.memory_space<hbm>> -> memref<8x128xi32, #tpu.memory_space<hbm>>
          %dma_wait3A_147 = arith.constant 0 : i32
          %dma_wait3A_148 = tpu.memref_slice %arg3[%multiple_of3A_22, %dma_wait3A_147] : memref<2560x128xi32, #tpu.memory_space<hbm>> -> memref<8x128xi32, #tpu.memory_space<hbm>>
          tpu.wait_dma2 semaphore(%run_scoped3A_140 : memref<!tpu.dma_semaphore, #tpu.memory_space<semaphore_mem>>) src(%dma_wait3A_148 : memref<8x128xi32, #tpu.memory_space<hbm>>) dst(%arg7 : memref<8x128xi32, #tpu.memory_space<vmem>>)
          tpu.yield
        }) : () -> ()
        "tpu.region"() ({
          %run_scoped3A_140 = tpu.sem_alloc : memref<!tpu.dma_semaphore, #tpu.memory_space<semaphore_mem>>
          %dma_start3A_141 = arith.constant 0 : i32
          %dma_start3A_142 = tpu.memref_slice %arg4[%multiple_of3A_22, %dma_start3A_141] : memref<2560x128xi32, #tpu.memory_space<hbm>> -> memref<8x128xi32, #tpu.memory_space<hbm>>
          %dma_start3A_143 = arith.constant 0 : i32
          %dma_start3A_144 = tpu.memref_slice %arg4[%multiple_of3A_22, %dma_start3A_143] : memref<2560x128xi32, #tpu.memory_space<hbm>> -> memref<8x128xi32, #tpu.memory_space<hbm>>
          tpu.enqueue_dma source(%dma_start3A_144 : memref<8x128xi32, #tpu.memory_space<hbm>>) target(%arg8 : memref<8x128xi32, #tpu.memory_space<vmem>>) target_semaphore(%run_scoped3A_140 : memref<!tpu.dma_semaphore, #tpu.memory_space<semaphore_mem>>)
          %dma_wait3A_145 = arith.constant 0 : i32
          %dma_wait3A_146 = tpu.memref_slice %arg4[%multiple_of3A_22, %dma_wait3A_145] : memref<2560x128xi32, #tpu.memory_space<hbm>> -> memref<8x128xi32, #tpu.memory_space<hbm>>
          %dma_wait3A_147 = arith.constant 0 : i32
          %dma_wait3A_148 = tpu.memref_slice %arg4[%multiple_of3A_22, %dma_wait3A_147] : memref<2560x128xi32, #tpu.memory_space<hbm>> -> memref<8x128xi32, #tpu.memory_space<hbm>>
          tpu.wait_dma2 semaphore(%run_scoped3A_140 : memref<!tpu.dma_semaphore, #tpu.memory_space<semaphore_mem>>) src(%dma_wait3A_148 : memref<8x128xi32, #tpu.memory_space<hbm>>) dst(%arg8 : memref<8x128xi32, #tpu.memory_space<vmem>>)
          tpu.yield
        }) : () -> ()
        %dma_start3A = arith.constant 0 : i32
        %dma_start3A_23 = arith.constant 0 : i32
        %dma_start3A_24 = tpu.memref_slice %arg7[%dma_start3A, %dma_start3A_23] : memref<8x128xi32, #tpu.memory_space<vmem>> -> memref<1x128xi32, #tpu.memory_space<vmem>>
        %dma_start3A_25 = tpu.memref_squeeze %dma_start3A_24 : memref<1x128xi32, #tpu.memory_space<vmem>> -> memref<128xi32, #tpu.memory_space<vmem>>
        %dma_start3A_26 = arith.constant 0 : i32
        %dma_start3A_27 = arith.constant 0 : i32
        %dma_start3A_28 = tpu.memref_slice %arg2[%dma_start3A_26, %dma_start3A_27] : memref<10000x128xf32, #tpu.memory_space<hbm>> -> memref<10000x128xf32, #tpu.memory_space<hbm>>
        tpu.enqueue_indirect_dma source(%dma_start3A_28 : memref<10000x128xf32, #tpu.memory_space<hbm>>) target(%arg9 : memref<128x128xf32, #tpu.memory_space<vmem>>) offsets(%dma_start3A_25 : memref<128xi32, #tpu.memory_space<vmem>>) semaphore(%arg12 : memref<!tpu.dma_semaphore, #tpu.memory_space<semaphore_mem>>)
        %dma_start3A_29 = arith.constant 1 : i32
        %dma_start3A_30 = arith.constant 0 : i32
        %dma_start3A_31 = tpu.memref_slice %arg7[%dma_start3A_29, %dma_start3A_30] : memref<8x128xi32, #tpu.memory_space<vmem>> -> memref<1x128xi32, #tpu.memory_space<vmem>>
        %dma_start3A_32 = tpu.memref_squeeze %dma_start3A_31 : memref<1x128xi32, #tpu.memory_space<vmem>> -> memref<128xi32, #tpu.memory_space<vmem>>
        %dma_start3A_33 = arith.constant 0 : i32
        %dma_start3A_34 = arith.constant 0 : i32
        %dma_start3A_35 = tpu.memref_slice %arg2[%dma_start3A_33, %dma_start3A_34] : memref<10000x128xf32, #tpu.memory_space<hbm>> -> memref<10000x128xf32, #tpu.memory_space<hbm>>
        tpu.enqueue_indirect_dma source(%dma_start3A_35 : memref<10000x128xf32, #tpu.memory_space<hbm>>) target(%arg10 : memref<128x128xf32, #tpu.memory_space<vmem>>) offsets(%dma_start3A_32 : memref<128xi32, #tpu.memory_space<vmem>>) semaphore(%arg13 : memref<!tpu.dma_semaphore, #tpu.memory_space<semaphore_mem>>)
        %dma_wait3A = arith.constant 0 : i32
        %dma_wait3A_36 = arith.constant 0 : i32
        %dma_wait3A_37 = tpu.memref_slice %arg7[%dma_wait3A, %dma_wait3A_36] : memref<8x128xi32, #tpu.memory_space<vmem>> -> memref<1x128xi32, #tpu.memory_space<vmem>>
        %dma_wait3A_38 = tpu.memref_squeeze %dma_wait3A_37 : memref<1x128xi32, #tpu.memory_space<vmem>> -> memref<128xi32, #tpu.memory_space<vmem>>
        %dma_wait3A_39 = arith.constant 0 : i32
        %dma_wait3A_40 = arith.constant 0 : i32
        %dma_wait3A_41 = tpu.memref_slice %arg2[%dma_wait3A_39, %dma_wait3A_40] : memref<10000x128xf32, #tpu.memory_space<hbm>> -> memref<10000x128xf32, #tpu.memory_space<hbm>>
        tpu.wait_indirect_dma semaphore(%arg12 : memref<!tpu.dma_semaphore, #tpu.memory_space<semaphore_mem>>) src(%dma_wait3A_41 : memref<10000x128xf32, #tpu.memory_space<hbm>>) dst(%arg9 : memref<128x128xf32, #tpu.memory_space<vmem>>)
        %run_scoped3A = arith.constant 0 : i32
        "tpu.region"() ({
          %run_scoped3A_140 = tpu.sem_alloc : memref<!tpu.dma_semaphore, #tpu.memory_space<semaphore_mem>>
          %dma_start3A_141 = arith.constant 0 : i32
          %dma_start3A_142 = tpu.memref_slice %arg8[%run_scoped3A, %dma_start3A_141] : memref<8x128xi32, #tpu.memory_space<vmem>> -> memref<1x128xi32, #tpu.memory_space<vmem>>
          %dma_start3A_143 = tpu.memref_squeeze %dma_start3A_142 : memref<1x128xi32, #tpu.memory_space<vmem>> -> memref<128xi32, #tpu.memory_space<vmem>>
          %dma_start3A_144 = arith.constant 0 : i32
          %dma_start3A_145 = arith.constant 0 : i32
          %dma_start3A_146 = tpu.memref_slice %arg11[%dma_start3A_144, %dma_start3A_145] : memref<10240x128xf32, #tpu.memory_space<vmem_shared>> -> memref<10240x128xf32, #tpu.memory_space<vmem_shared>>
          tpu.enqueue_indirect_dma source(%arg9 : memref<128x128xf32, #tpu.memory_space<vmem>>) target(%dma_start3A_146 : memref<10240x128xf32, #tpu.memory_space<vmem_shared>>) offsets(%dma_start3A_143 : memref<128xi32, #tpu.memory_space<vmem>>) semaphore(%run_scoped3A_140 : memref<!tpu.dma_semaphore, #tpu.memory_space<semaphore_mem>>) {add = true}
          %dma_wait3A_147 = arith.constant 0 : i32
          %dma_wait3A_148 = tpu.memref_slice %arg8[%run_scoped3A, %dma_wait3A_147] : memref<8x128xi32, #tpu.memory_space<vmem>> -> memref<1x128xi32, #tpu.memory_space<vmem>>
          %dma_wait3A_149 = tpu.memref_squeeze %dma_wait3A_148 : memref<1x128xi32, #tpu.memory_space<vmem>> -> memref<128xi32, #tpu.memory_space<vmem>>
          %dma_wait3A_150 = arith.constant 0 : i32
          %dma_wait3A_151 = arith.constant 0 : i32
          %dma_wait3A_152 = tpu.memref_slice %arg11[%dma_wait3A_150, %dma_wait3A_151] : memref<10240x128xf32, #tpu.memory_space<vmem_shared>> -> memref<10240x128xf32, #tpu.memory_space<vmem_shared>>
          tpu.wait_indirect_dma semaphore(%run_scoped3A_140 : memref<!tpu.dma_semaphore, #tpu.memory_space<semaphore_mem>>) src(%arg9 : memref<128x128xf32, #tpu.memory_space<vmem>>) dst(%dma_wait3A_152 : memref<10240x128xf32, #tpu.memory_space<vmem_shared>>)
          tpu.yield
        }) : () -> ()
        %dma_start3A_42 = arith.constant 2 : i32
        %dma_start3A_43 = arith.constant 0 : i32
        %dma_start3A_44 = tpu.memref_slice %arg7[%dma_start3A_42, %dma_start3A_43] : memref<8x128xi32, #tpu.memory_space<vmem>> -> memref<1x128xi32, #tpu.memory_space<vmem>>
        %dma_start3A_45 = tpu.memref_squeeze %dma_start3A_44 : memref<1x128xi32, #tpu.memory_space<vmem>> -> memref<128xi32, #tpu.memory_space<vmem>>
        %dma_start3A_46 = arith.constant 0 : i32
        %dma_start3A_47 = arith.constant 0 : i32
        %dma_start3A_48 = tpu.memref_slice %arg2[%dma_start3A_46, %dma_start3A_47] : memref<10000x128xf32, #tpu.memory_space<hbm>> -> memref<10000x128xf32, #tpu.memory_space<hbm>>
        tpu.enqueue_indirect_dma source(%dma_start3A_48 : memref<10000x128xf32, #tpu.memory_space<hbm>>) target(%arg9 : memref<128x128xf32, #tpu.memory_space<vmem>>) offsets(%dma_start3A_45 : memref<128xi32, #tpu.memory_space<vmem>>) semaphore(%arg12 : memref<!tpu.dma_semaphore, #tpu.memory_space<semaphore_mem>>)
        %dma_wait3A_49 = arith.constant 1 : i32
        %dma_wait3A_50 = arith.constant 0 : i32
        %dma_wait3A_51 = tpu.memref_slice %arg7[%dma_wait3A_49, %dma_wait3A_50] : memref<8x128xi32, #tpu.memory_space<vmem>> -> memref<1x128xi32, #tpu.memory_space<vmem>>
        %dma_wait3A_52 = tpu.memref_squeeze %dma_wait3A_51 : memref<1x128xi32, #tpu.memory_space<vmem>> -> memref<128xi32, #tpu.memory_space<vmem>>
        %dma_wait3A_53 = arith.constant 0 : i32
        %dma_wait3A_54 = arith.constant 0 : i32
        %dma_wait3A_55 = tpu.memref_slice %arg2[%dma_wait3A_53, %dma_wait3A_54] : memref<10000x128xf32, #tpu.memory_space<hbm>> -> memref<10000x128xf32, #tpu.memory_space<hbm>>
        tpu.wait_indirect_dma semaphore(%arg13 : memref<!tpu.dma_semaphore, #tpu.memory_space<semaphore_mem>>) src(%dma_wait3A_55 : memref<10000x128xf32, #tpu.memory_space<hbm>>) dst(%arg10 : memref<128x128xf32, #tpu.memory_space<vmem>>)
        %run_scoped3A_56 = arith.constant 1 : i32
        "tpu.region"() ({
          %run_scoped3A_140 = tpu.sem_alloc : memref<!tpu.dma_semaphore, #tpu.memory_space<semaphore_mem>>
          %dma_start3A_141 = arith.constant 0 : i32
          %dma_start3A_142 = tpu.memref_slice %arg8[%run_scoped3A_56, %dma_start3A_141] : memref<8x128xi32, #tpu.memory_space<vmem>> -> memref<1x128xi32, #tpu.memory_space<vmem>>
          %dma_start3A_143 = tpu.memref_squeeze %dma_start3A_142 : memref<1x128xi32, #tpu.memory_space<vmem>> -> memref<128xi32, #tpu.memory_space<vmem>>
          %dma_start3A_144 = arith.constant 0 : i32
          %dma_start3A_145 = arith.constant 0 : i32
          %dma_start3A_146 = tpu.memref_slice %arg11[%dma_start3A_144, %dma_start3A_145] : memref<10240x128xf32, #tpu.memory_space<vmem_shared>> -> memref<10240x128xf32, #tpu.memory_space<vmem_shared>>
          tpu.enqueue_indirect_dma source(%arg10 : memref<128x128xf32, #tpu.memory_space<vmem>>) target(%dma_start3A_146 : memref<10240x128xf32, #tpu.memory_space<vmem_shared>>) offsets(%dma_start3A_143 : memref<128xi32, #tpu.memory_space<vmem>>) semaphore(%run_scoped3A_140 : memref<!tpu.dma_semaphore, #tpu.memory_space<semaphore_mem>>) {add = true}
          %dma_wait3A_147 = arith.constant 0 : i32
          %dma_wait3A_148 = tpu.memref_slice %arg8[%run_scoped3A_56, %dma_wait3A_147] : memref<8x128xi32, #tpu.memory_space<vmem>> -> memref<1x128xi32, #tpu.memory_space<vmem>>
          %dma_wait3A_149 = tpu.memref_squeeze %dma_wait3A_148 : memref<1x128xi32, #tpu.memory_space<vmem>> -> memref<128xi32, #tpu.memory_space<vmem>>
          %dma_wait3A_150 = arith.constant 0 : i32
          %dma_wait3A_151 = arith.constant 0 : i32
          %dma_wait3A_152 = tpu.memref_slice %arg11[%dma_wait3A_150, %dma_wait3A_151] : memref<10240x128xf32, #tpu.memory_space<vmem_shared>> -> memref<10240x128xf32, #tpu.memory_space<vmem_shared>>
          tpu.wait_indirect_dma semaphore(%run_scoped3A_140 : memref<!tpu.dma_semaphore, #tpu.memory_space<semaphore_mem>>) src(%arg10 : memref<128x128xf32, #tpu.memory_space<vmem>>) dst(%dma_wait3A_152 : memref<10240x128xf32, #tpu.memory_space<vmem_shared>>)
          tpu.yield
        }) : () -> ()
        %dma_start3A_57 = arith.constant 3 : i32
        %dma_start3A_58 = arith.constant 0 : i32
        %dma_start3A_59 = tpu.memref_slice %arg7[%dma_start3A_57, %dma_start3A_58] : memref<8x128xi32, #tpu.memory_space<vmem>> -> memref<1x128xi32, #tpu.memory_space<vmem>>
        %dma_start3A_60 = tpu.memref_squeeze %dma_start3A_59 : memref<1x128xi32, #tpu.memory_space<vmem>> -> memref<128xi32, #tpu.memory_space<vmem>>
        %dma_start3A_61 = arith.constant 0 : i32
        %dma_start3A_62 = arith.constant 0 : i32
        %dma_start3A_63 = tpu.memref_slice %arg2[%dma_start3A_61, %dma_start3A_62] : memref<10000x128xf32, #tpu.memory_space<hbm>> -> memref<10000x128xf32, #tpu.memory_space<hbm>>
        tpu.enqueue_indirect_dma source(%dma_start3A_63 : memref<10000x128xf32, #tpu.memory_space<hbm>>) target(%arg10 : memref<128x128xf32, #tpu.memory_space<vmem>>) offsets(%dma_start3A_60 : memref<128xi32, #tpu.memory_space<vmem>>) semaphore(%arg13 : memref<!tpu.dma_semaphore, #tpu.memory_space<semaphore_mem>>)
        %dma_wait3A_64 = arith.constant 2 : i32
        %dma_wait3A_65 = arith.constant 0 : i32
        %dma_wait3A_66 = tpu.memref_slice %arg7[%dma_wait3A_64, %dma_wait3A_65] : memref<8x128xi32, #tpu.memory_space<vmem>> -> memref<1x128xi32, #tpu.memory_space<vmem>>
        %dma_wait3A_67 = tpu.memref_squeeze %dma_wait3A_66 : memref<1x128xi32, #tpu.memory_space<vmem>> -> memref<128xi32, #tpu.memory_space<vmem>>
        %dma_wait3A_68 = arith.constant 0 : i32
        %dma_wait3A_69 = arith.constant 0 : i32
        %dma_wait3A_70 = tpu.memref_slice %arg2[%dma_wait3A_68, %dma_wait3A_69] : memref<10000x128xf32, #tpu.memory_space<hbm>> -> memref<10000x128xf32, #tpu.memory_space<hbm>>
        tpu.wait_indirect_dma semaphore(%arg12 : memref<!tpu.dma_semaphore, #tpu.memory_space<semaphore_mem>>) src(%dma_wait3A_70 : memref<10000x128xf32, #tpu.memory_space<hbm>>) dst(%arg9 : memref<128x128xf32, #tpu.memory_space<vmem>>)
        %run_scoped3A_71 = arith.constant 2 : i32
        "tpu.region"() ({
          %run_scoped3A_140 = tpu.sem_alloc : memref<!tpu.dma_semaphore, #tpu.memory_space<semaphore_mem>>
          %dma_start3A_141 = arith.constant 0 : i32
          %dma_start3A_142 = tpu.memref_slice %arg8[%run_scoped3A_71, %dma_start3A_141] : memref<8x128xi32, #tpu.memory_space<vmem>> -> memref<1x128xi32, #tpu.memory_space<vmem>>
          %dma_start3A_143 = tpu.memref_squeeze %dma_start3A_142 : memref<1x128xi32, #tpu.memory_space<vmem>> -> memref<128xi32, #tpu.memory_space<vmem>>
          %dma_start3A_144 = arith.constant 0 : i32
          %dma_start3A_145 = arith.constant 0 : i32
          %dma_start3A_146 = tpu.memref_slice %arg11[%dma_start3A_144, %dma_start3A_145] : memref<10240x128xf32, #tpu.memory_space<vmem_shared>> -> memref<10240x128xf32, #tpu.memory_space<vmem_shared>>
          tpu.enqueue_indirect_dma source(%arg9 : memref<128x128xf32, #tpu.memory_space<vmem>>) target(%dma_start3A_146 : memref<10240x128xf32, #tpu.memory_space<vmem_shared>>) offsets(%dma_start3A_143 : memref<128xi32, #tpu.memory_space<vmem>>) semaphore(%run_scoped3A_140 : memref<!tpu.dma_semaphore, #tpu.memory_space<semaphore_mem>>) {add = true}
          %dma_wait3A_147 = arith.constant 0 : i32
          %dma_wait3A_148 = tpu.memref_slice %arg8[%run_scoped3A_71, %dma_wait3A_147] : memref<8x128xi32, #tpu.memory_space<vmem>> -> memref<1x128xi32, #tpu.memory_space<vmem>>
          %dma_wait3A_149 = tpu.memref_squeeze %dma_wait3A_148 : memref<1x128xi32, #tpu.memory_space<vmem>> -> memref<128xi32, #tpu.memory_space<vmem>>
          %dma_wait3A_150 = arith.constant 0 : i32
          %dma_wait3A_151 = arith.constant 0 : i32
          %dma_wait3A_152 = tpu.memref_slice %arg11[%dma_wait3A_150, %dma_wait3A_151] : memref<10240x128xf32, #tpu.memory_space<vmem_shared>> -> memref<10240x128xf32, #tpu.memory_space<vmem_shared>>
          tpu.wait_indirect_dma semaphore(%run_scoped3A_140 : memref<!tpu.dma_semaphore, #tpu.memory_space<semaphore_mem>>) src(%arg9 : memref<128x128xf32, #tpu.memory_space<vmem>>) dst(%dma_wait3A_152 : memref<10240x128xf32, #tpu.memory_space<vmem_shared>>)
          tpu.yield
        }) : () -> ()
        %dma_start3A_72 = arith.constant 4 : i32
        %dma_start3A_73 = arith.constant 0 : i32
        %dma_start3A_74 = tpu.memref_slice %arg7[%dma_start3A_72, %dma_start3A_73] : memref<8x128xi32, #tpu.memory_space<vmem>> -> memref<1x128xi32, #tpu.memory_space<vmem>>
        %dma_start3A_75 = tpu.memref_squeeze %dma_start3A_74 : memref<1x128xi32, #tpu.memory_space<vmem>> -> memref<128xi32, #tpu.memory_space<vmem>>
        %dma_start3A_76 = arith.constant 0 : i32
        %dma_start3A_77 = arith.constant 0 : i32
        %dma_start3A_78 = tpu.memref_slice %arg2[%dma_start3A_76, %dma_start3A_77] : memref<10000x128xf32, #tpu.memory_space<hbm>> -> memref<10000x128xf32, #tpu.memory_space<hbm>>
        tpu.enqueue_indirect_dma source(%dma_start3A_78 : memref<10000x128xf32, #tpu.memory_space<hbm>>) target(%arg9 : memref<128x128xf32, #tpu.memory_space<vmem>>) offsets(%dma_start3A_75 : memref<128xi32, #tpu.memory_space<vmem>>) semaphore(%arg12 : memref<!tpu.dma_semaphore, #tpu.memory_space<semaphore_mem>>)
        %dma_wait3A_79 = arith.constant 3 : i32
        %dma_wait3A_80 = arith.constant 0 : i32
        %dma_wait3A_81 = tpu.memref_slice %arg7[%dma_wait3A_79, %dma_wait3A_80] : memref<8x128xi32, #tpu.memory_space<vmem>> -> memref<1x128xi32, #tpu.memory_space<vmem>>
        %dma_wait3A_82 = tpu.memref_squeeze %dma_wait3A_81 : memref<1x128xi32, #tpu.memory_space<vmem>> -> memref<128xi32, #tpu.memory_space<vmem>>
        %dma_wait3A_83 = arith.constant 0 : i32
        %dma_wait3A_84 = arith.constant 0 : i32
        %dma_wait3A_85 = tpu.memref_slice %arg2[%dma_wait3A_83, %dma_wait3A_84] : memref<10000x128xf32, #tpu.memory_space<hbm>> -> memref<10000x128xf32, #tpu.memory_space<hbm>>
        tpu.wait_indirect_dma semaphore(%arg13 : memref<!tpu.dma_semaphore, #tpu.memory_space<semaphore_mem>>) src(%dma_wait3A_85 : memref<10000x128xf32, #tpu.memory_space<hbm>>) dst(%arg10 : memref<128x128xf32, #tpu.memory_space<vmem>>)
        %run_scoped3A_86 = arith.constant 3 : i32
        "tpu.region"() ({
          %run_scoped3A_140 = tpu.sem_alloc : memref<!tpu.dma_semaphore, #tpu.memory_space<semaphore_mem>>
          %dma_start3A_141 = arith.constant 0 : i32
          %dma_start3A_142 = tpu.memref_slice %arg8[%run_scoped3A_86, %dma_start3A_141] : memref<8x128xi32, #tpu.memory_space<vmem>> -> memref<1x128xi32, #tpu.memory_space<vmem>>
          %dma_start3A_143 = tpu.memref_squeeze %dma_start3A_142 : memref<1x128xi32, #tpu.memory_space<vmem>> -> memref<128xi32, #tpu.memory_space<vmem>>
          %dma_start3A_144 = arith.constant 0 : i32
          %dma_start3A_145 = arith.constant 0 : i32
          %dma_start3A_146 = tpu.memref_slice %arg11[%dma_start3A_144, %dma_start3A_145] : memref<10240x128xf32, #tpu.memory_space<vmem_shared>> -> memref<10240x128xf32, #tpu.memory_space<vmem_shared>>
          tpu.enqueue_indirect_dma source(%arg10 : memref<128x128xf32, #tpu.memory_space<vmem>>) target(%dma_start3A_146 : memref<10240x128xf32, #tpu.memory_space<vmem_shared>>) offsets(%dma_start3A_143 : memref<128xi32, #tpu.memory_space<vmem>>) semaphore(%run_scoped3A_140 : memref<!tpu.dma_semaphore, #tpu.memory_space<semaphore_mem>>) {add = true}
          %dma_wait3A_147 = arith.constant 0 : i32
          %dma_wait3A_148 = tpu.memref_slice %arg8[%run_scoped3A_86, %dma_wait3A_147] : memref<8x128xi32, #tpu.memory_space<vmem>> -> memref<1x128xi32, #tpu.memory_space<vmem>>
          %dma_wait3A_149 = tpu.memref_squeeze %dma_wait3A_148 : memref<1x128xi32, #tpu.memory_space<vmem>> -> memref<128xi32, #tpu.memory_space<vmem>>
          %dma_wait3A_150 = arith.constant 0 : i32
          %dma_wait3A_151 = arith.constant 0 : i32
          %dma_wait3A_152 = tpu.memref_slice %arg11[%dma_wait3A_150, %dma_wait3A_151] : memref<10240x128xf32, #tpu.memory_space<vmem_shared>> -> memref<10240x128xf32, #tpu.memory_space<vmem_shared>>
          tpu.wait_indirect_dma semaphore(%run_scoped3A_140 : memref<!tpu.dma_semaphore, #tpu.memory_space<semaphore_mem>>) src(%arg10 : memref<128x128xf32, #tpu.memory_space<vmem>>) dst(%dma_wait3A_152 : memref<10240x128xf32, #tpu.memory_space<vmem_shared>>)
          tpu.yield
        }) : () -> ()
        %dma_start3A_87 = arith.constant 5 : i32
        %dma_start3A_88 = arith.constant 0 : i32
        %dma_start3A_89 = tpu.memref_slice %arg7[%dma_start3A_87, %dma_start3A_88] : memref<8x128xi32, #tpu.memory_space<vmem>> -> memref<1x128xi32, #tpu.memory_space<vmem>>
        %dma_start3A_90 = tpu.memref_squeeze %dma_start3A_89 : memref<1x128xi32, #tpu.memory_space<vmem>> -> memref<128xi32, #tpu.memory_space<vmem>>
        %dma_start3A_91 = arith.constant 0 : i32
        %dma_start3A_92 = arith.constant 0 : i32
        %dma_start3A_93 = tpu.memref_slice %arg2[%dma_start3A_91, %dma_start3A_92] : memref<10000x128xf32, #tpu.memory_space<hbm>> -> memref<10000x128xf32, #tpu.memory_space<hbm>>
        tpu.enqueue_indirect_dma source(%dma_start3A_93 : memref<10000x128xf32, #tpu.memory_space<hbm>>) target(%arg10 : memref<128x128xf32, #tpu.memory_space<vmem>>) offsets(%dma_start3A_90 : memref<128xi32, #tpu.memory_space<vmem>>) semaphore(%arg13 : memref<!tpu.dma_semaphore, #tpu.memory_space<semaphore_mem>>)
        %dma_wait3A_94 = arith.constant 4 : i32
        %dma_wait3A_95 = arith.constant 0 : i32
        %dma_wait3A_96 = tpu.memref_slice %arg7[%dma_wait3A_94, %dma_wait3A_95] : memref<8x128xi32, #tpu.memory_space<vmem>> -> memref<1x128xi32, #tpu.memory_space<vmem>>
        %dma_wait3A_97 = tpu.memref_squeeze %dma_wait3A_96 : memref<1x128xi32, #tpu.memory_space<vmem>> -> memref<128xi32, #tpu.memory_space<vmem>>
        %dma_wait3A_98 = arith.constant 0 : i32
        %dma_wait3A_99 = arith.constant 0 : i32
        %dma_wait3A_100 = tpu.memref_slice %arg2[%dma_wait3A_98, %dma_wait3A_99] : memref<10000x128xf32, #tpu.memory_space<hbm>> -> memref<10000x128xf32, #tpu.memory_space<hbm>>
        tpu.wait_indirect_dma semaphore(%arg12 : memref<!tpu.dma_semaphore, #tpu.memory_space<semaphore_mem>>) src(%dma_wait3A_100 : memref<10000x128xf32, #tpu.memory_space<hbm>>) dst(%arg9 : memref<128x128xf32, #tpu.memory_space<vmem>>)
        %run_scoped3A_101 = arith.constant 4 : i32
        "tpu.region"() ({
          %run_scoped3A_140 = tpu.sem_alloc : memref<!tpu.dma_semaphore, #tpu.memory_space<semaphore_mem>>
          %dma_start3A_141 = arith.constant 0 : i32
          %dma_start3A_142 = tpu.memref_slice %arg8[%run_scoped3A_101, %dma_start3A_141] : memref<8x128xi32, #tpu.memory_space<vmem>> -> memref<1x128xi32, #tpu.memory_space<vmem>>
          %dma_start3A_143 = tpu.memref_squeeze %dma_start3A_142 : memref<1x128xi32, #tpu.memory_space<vmem>> -> memref<128xi32, #tpu.memory_space<vmem>>
          %dma_start3A_144 = arith.constant 0 : i32
          %dma_start3A_145 = arith.constant 0 : i32
          %dma_start3A_146 = tpu.memref_slice %arg11[%dma_start3A_144, %dma_start3A_145] : memref<10240x128xf32, #tpu.memory_space<vmem_shared>> -> memref<10240x128xf32, #tpu.memory_space<vmem_shared>>
          tpu.enqueue_indirect_dma source(%arg9 : memref<128x128xf32, #tpu.memory_space<vmem>>) target(%dma_start3A_146 : memref<10240x128xf32, #tpu.memory_space<vmem_shared>>) offsets(%dma_start3A_143 : memref<128xi32, #tpu.memory_space<vmem>>) semaphore(%run_scoped3A_140 : memref<!tpu.dma_semaphore, #tpu.memory_space<semaphore_mem>>) {add = true}
          %dma_wait3A_147 = arith.constant 0 : i32
          %dma_wait3A_148 = tpu.memref_slice %arg8[%run_scoped3A_101, %dma_wait3A_147] : memref<8x128xi32, #tpu.memory_space<vmem>> -> memref<1x128xi32, #tpu.memory_space<vmem>>
          %dma_wait3A_149 = tpu.memref_squeeze %dma_wait3A_148 : memref<1x128xi32, #tpu.memory_space<vmem>> -> memref<128xi32, #tpu.memory_space<vmem>>
          %dma_wait3A_150 = arith.constant 0 : i32
          %dma_wait3A_151 = arith.constant 0 : i32
          %dma_wait3A_152 = tpu.memref_slice %arg11[%dma_wait3A_150, %dma_wait3A_151] : memref<10240x128xf32, #tpu.memory_space<vmem_shared>> -> memref<10240x128xf32, #tpu.memory_space<vmem_shared>>
          tpu.wait_indirect_dma semaphore(%run_scoped3A_140 : memref<!tpu.dma_semaphore, #tpu.memory_space<semaphore_mem>>) src(%arg9 : memref<128x128xf32, #tpu.memory_space<vmem>>) dst(%dma_wait3A_152 : memref<10240x128xf32, #tpu.memory_space<vmem_shared>>)
          tpu.yield
        }) : () -> ()
        %dma_start3A_102 = arith.constant 6 : i32
        %dma_start3A_103 = arith.constant 0 : i32
        %dma_start3A_104 = tpu.memref_slice %arg7[%dma_start3A_102, %dma_start3A_103] : memref<8x128xi32, #tpu.memory_space<vmem>> -> memref<1x128xi32, #tpu.memory_space<vmem>>
        %dma_start3A_105 = tpu.memref_squeeze %dma_start3A_104 : memref<1x128xi32, #tpu.memory_space<vmem>> -> memref<128xi32, #tpu.memory_space<vmem>>
        %dma_start3A_106 = arith.constant 0 : i32
        %dma_start3A_107 = arith.constant 0 : i32
        %dma_start3A_108 = tpu.memref_slice %arg2[%dma_start3A_106, %dma_start3A_107] : memref<10000x128xf32, #tpu.memory_space<hbm>> -> memref<10000x128xf32, #tpu.memory_space<hbm>>
        tpu.enqueue_indirect_dma source(%dma_start3A_108 : memref<10000x128xf32, #tpu.memory_space<hbm>>) target(%arg9 : memref<128x128xf32, #tpu.memory_space<vmem>>) offsets(%dma_start3A_105 : memref<128xi32, #tpu.memory_space<vmem>>) semaphore(%arg12 : memref<!tpu.dma_semaphore, #tpu.memory_space<semaphore_mem>>)
        %dma_wait3A_109 = arith.constant 5 : i32
        %dma_wait3A_110 = arith.constant 0 : i32
        %dma_wait3A_111 = tpu.memref_slice %arg7[%dma_wait3A_109, %dma_wait3A_110] : memref<8x128xi32, #tpu.memory_space<vmem>> -> memref<1x128xi32, #tpu.memory_space<vmem>>
        %dma_wait3A_112 = tpu.memref_squeeze %dma_wait3A_111 : memref<1x128xi32, #tpu.memory_space<vmem>> -> memref<128xi32, #tpu.memory_space<vmem>>
        %dma_wait3A_113 = arith.constant 0 : i32
        %dma_wait3A_114 = arith.constant 0 : i32
        %dma_wait3A_115 = tpu.memref_slice %arg2[%dma_wait3A_113, %dma_wait3A_114] : memref<10000x128xf32, #tpu.memory_space<hbm>> -> memref<10000x128xf32, #tpu.memory_space<hbm>>
        tpu.wait_indirect_dma semaphore(%arg13 : memref<!tpu.dma_semaphore, #tpu.memory_space<semaphore_mem>>) src(%dma_wait3A_115 : memref<10000x128xf32, #tpu.memory_space<hbm>>) dst(%arg10 : memref<128x128xf32, #tpu.memory_space<vmem>>)
        %run_scoped3A_116 = arith.constant 5 : i32
        "tpu.region"() ({
          %run_scoped3A_140 = tpu.sem_alloc : memref<!tpu.dma_semaphore, #tpu.memory_space<semaphore_mem>>
          %dma_start3A_141 = arith.constant 0 : i32
          %dma_start3A_142 = tpu.memref_slice %arg8[%run_scoped3A_116, %dma_start3A_141] : memref<8x128xi32, #tpu.memory_space<vmem>> -> memref<1x128xi32, #tpu.memory_space<vmem>>
          %dma_start3A_143 = tpu.memref_squeeze %dma_start3A_142 : memref<1x128xi32, #tpu.memory_space<vmem>> -> memref<128xi32, #tpu.memory_space<vmem>>
          %dma_start3A_144 = arith.constant 0 : i32
          %dma_start3A_145 = arith.constant 0 : i32
          %dma_start3A_146 = tpu.memref_slice %arg11[%dma_start3A_144, %dma_start3A_145] : memref<10240x128xf32, #tpu.memory_space<vmem_shared>> -> memref<10240x128xf32, #tpu.memory_space<vmem_shared>>
          tpu.enqueue_indirect_dma source(%arg10 : memref<128x128xf32, #tpu.memory_space<vmem>>) target(%dma_start3A_146 : memref<10240x128xf32, #tpu.memory_space<vmem_shared>>) offsets(%dma_start3A_143 : memref<128xi32, #tpu.memory_space<vmem>>) semaphore(%run_scoped3A_140 : memref<!tpu.dma_semaphore, #tpu.memory_space<semaphore_mem>>) {add = true}
          %dma_wait3A_147 = arith.constant 0 : i32
          %dma_wait3A_148 = tpu.memref_slice %arg8[%run_scoped3A_116, %dma_wait3A_147] : memref<8x128xi32, #tpu.memory_space<vmem>> -> memref<1x128xi32, #tpu.memory_space<vmem>>
          %dma_wait3A_149 = tpu.memref_squeeze %dma_wait3A_148 : memref<1x128xi32, #tpu.memory_space<vmem>> -> memref<128xi32, #tpu.memory_space<vmem>>
          %dma_wait3A_150 = arith.constant 0 : i32
          %dma_wait3A_151 = arith.constant 0 : i32
          %dma_wait3A_152 = tpu.memref_slice %arg11[%dma_wait3A_150, %dma_wait3A_151] : memref<10240x128xf32, #tpu.memory_space<vmem_shared>> -> memref<10240x128xf32, #tpu.memory_space<vmem_shared>>
          tpu.wait_indirect_dma semaphore(%run_scoped3A_140 : memref<!tpu.dma_semaphore, #tpu.memory_space<semaphore_mem>>) src(%arg10 : memref<128x128xf32, #tpu.memory_space<vmem>>) dst(%dma_wait3A_152 : memref<10240x128xf32, #tpu.memory_space<vmem_shared>>)
          tpu.yield
        }) : () -> ()
        %dma_start3A_117 = arith.constant 7 : i32
        %dma_start3A_118 = arith.constant 0 : i32
        %dma_start3A_119 = tpu.memref_slice %arg7[%dma_start3A_117, %dma_start3A_118] : memref<8x128xi32, #tpu.memory_space<vmem>> -> memref<1x128xi32, #tpu.memory_space<vmem>>
        %dma_start3A_120 = tpu.memref_squeeze %dma_start3A_119 : memref<1x128xi32, #tpu.memory_space<vmem>> -> memref<128xi32, #tpu.memory_space<vmem>>
        %dma_start3A_121 = arith.constant 0 : i32
        %dma_start3A_122 = arith.constant 0 : i32
        %dma_start3A_123 = tpu.memref_slice %arg2[%dma_start3A_121, %dma_start3A_122] : memref<10000x128xf32, #tpu.memory_space<hbm>> -> memref<10000x128xf32, #tpu.memory_space<hbm>>
        tpu.enqueue_indirect_dma source(%dma_start3A_123 : memref<10000x128xf32, #tpu.memory_space<hbm>>) target(%arg10 : memref<128x128xf32, #tpu.memory_space<vmem>>) offsets(%dma_start3A_120 : memref<128xi32, #tpu.memory_space<vmem>>) semaphore(%arg13 : memref<!tpu.dma_semaphore, #tpu.memory_space<semaphore_mem>>)
        %dma_wait3A_124 = arith.constant 6 : i32
        %dma_wait3A_125 = arith.constant 0 : i32
        %dma_wait3A_126 = tpu.memref_slice %arg7[%dma_wait3A_124, %dma_wait3A_125] : memref<8x128xi32, #tpu.memory_space<vmem>> -> memref<1x128xi32, #tpu.memory_space<vmem>>
        %dma_wait3A_127 = tpu.memref_squeeze %dma_wait3A_126 : memref<1x128xi32, #tpu.memory_space<vmem>> -> memref<128xi32, #tpu.memory_space<vmem>>
        %dma_wait3A_128 = arith.constant 0 : i32
        %dma_wait3A_129 = arith.constant 0 : i32
        %dma_wait3A_130 = tpu.memref_slice %arg2[%dma_wait3A_128, %dma_wait3A_129] : memref<10000x128xf32, #tpu.memory_space<hbm>> -> memref<10000x128xf32, #tpu.memory_space<hbm>>
        tpu.wait_indirect_dma semaphore(%arg12 : memref<!tpu.dma_semaphore, #tpu.memory_space<semaphore_mem>>) src(%dma_wait3A_130 : memref<10000x128xf32, #tpu.memory_space<hbm>>) dst(%arg9 : memref<128x128xf32, #tpu.memory_space<vmem>>)
        %run_scoped3A_131 = arith.constant 6 : i32
        "tpu.region"() ({
          %run_scoped3A_140 = tpu.sem_alloc : memref<!tpu.dma_semaphore, #tpu.memory_space<semaphore_mem>>
          %dma_start3A_141 = arith.constant 0 : i32
          %dma_start3A_142 = tpu.memref_slice %arg8[%run_scoped3A_131, %dma_start3A_141] : memref<8x128xi32, #tpu.memory_space<vmem>> -> memref<1x128xi32, #tpu.memory_space<vmem>>
          %dma_start3A_143 = tpu.memref_squeeze %dma_start3A_142 : memref<1x128xi32, #tpu.memory_space<vmem>> -> memref<128xi32, #tpu.memory_space<vmem>>
          %dma_start3A_144 = arith.constant 0 : i32
          %dma_start3A_145 = arith.constant 0 : i32
          %dma_start3A_146 = tpu.memref_slice %arg11[%dma_start3A_144, %dma_start3A_145] : memref<10240x128xf32, #tpu.memory_space<vmem_shared>> -> memref<10240x128xf32, #tpu.memory_space<vmem_shared>>
          tpu.enqueue_indirect_dma source(%arg9 : memref<128x128xf32, #tpu.memory_space<vmem>>) target(%dma_start3A_146 : memref<10240x128xf32, #tpu.memory_space<vmem_shared>>) offsets(%dma_start3A_143 : memref<128xi32, #tpu.memory_space<vmem>>) semaphore(%run_scoped3A_140 : memref<!tpu.dma_semaphore, #tpu.memory_space<semaphore_mem>>) {add = true}
          %dma_wait3A_147 = arith.constant 0 : i32
          %dma_wait3A_148 = tpu.memref_slice %arg8[%run_scoped3A_131, %dma_wait3A_147] : memref<8x128xi32, #tpu.memory_space<vmem>> -> memref<1x128xi32, #tpu.memory_space<vmem>>
          %dma_wait3A_149 = tpu.memref_squeeze %dma_wait3A_148 : memref<1x128xi32, #tpu.memory_space<vmem>> -> memref<128xi32, #tpu.memory_space<vmem>>
          %dma_wait3A_150 = arith.constant 0 : i32
          %dma_wait3A_151 = arith.constant 0 : i32
          %dma_wait3A_152 = tpu.memref_slice %arg11[%dma_wait3A_150, %dma_wait3A_151] : memref<10240x128xf32, #tpu.memory_space<vmem_shared>> -> memref<10240x128xf32, #tpu.memory_space<vmem_shared>>
          tpu.wait_indirect_dma semaphore(%run_scoped3A_140 : memref<!tpu.dma_semaphore, #tpu.memory_space<semaphore_mem>>) src(%arg9 : memref<128x128xf32, #tpu.memory_space<vmem>>) dst(%dma_wait3A_152 : memref<10240x128xf32, #tpu.memory_space<vmem_shared>>)
          tpu.yield
        }) : () -> ()
        %dma_wait3A_132 = arith.constant 7 : i32
        %dma_wait3A_133 = arith.constant 0 : i32
        %dma_wait3A_134 = tpu.memref_slice %arg7[%dma_wait3A_132, %dma_wait3A_133] : memref<8x128xi32, #tpu.memory_space<vmem>> -> memref<1x128xi32, #tpu.memory_space<vmem>>
        %dma_wait3A_135 = tpu.memref_squeeze %dma_wait3A_134 : memref<1x128xi32, #tpu.memory_space<vmem>> -> memref<128xi32, #tpu.memory_space<vmem>>
        %dma_wait3A_136 = arith.constant 0 : i32
        %dma_wait3A_137 = arith.constant 0 : i32
        %dma_wait3A_138 = tpu.memref_slice %arg2[%dma_wait3A_136, %dma_wait3A_137] : memref<10000x128xf32, #tpu.memory_space<hbm>> -> memref<10000x128xf32, #tpu.memory_space<hbm>>
        tpu.wait_indirect_dma semaphore(%arg13 : memref<!tpu.dma_semaphore, #tpu.memory_space<semaphore_mem>>) src(%dma_wait3A_138 : memref<10000x128xf32, #tpu.memory_space<hbm>>) dst(%arg10 : memref<128x128xf32, #tpu.memory_space<vmem>>)
        %run_scoped3A_139 = arith.constant 7 : i32
        "tpu.region"() ({
          %run_scoped3A_140 = tpu.sem_alloc : memref<!tpu.dma_semaphore, #tpu.memory_space<semaphore_mem>>
          %dma_start3A_141 = arith.constant 0 : i32
          %dma_start3A_142 = tpu.memref_slice %arg8[%run_scoped3A_139, %dma_start3A_141] : memref<8x128xi32, #tpu.memory_space<vmem>> -> memref<1x128xi32, #tpu.memory_space<vmem>>
          %dma_start3A_143 = tpu.memref_squeeze %dma_start3A_142 : memref<1x128xi32, #tpu.memory_space<vmem>> -> memref<128xi32, #tpu.memory_space<vmem>>
          %dma_start3A_144 = arith.constant 0 : i32
          %dma_start3A_145 = arith.constant 0 : i32
          %dma_start3A_146 = tpu.memref_slice %arg11[%dma_start3A_144, %dma_start3A_145] : memref<10240x128xf32, #tpu.memory_space<vmem_shared>> -> memref<10240x128xf32, #tpu.memory_space<vmem_shared>>
          tpu.enqueue_indirect_dma source(%arg10 : memref<128x128xf32, #tpu.memory_space<vmem>>) target(%dma_start3A_146 : memref<10240x128xf32, #tpu.memory_space<vmem_shared>>) offsets(%dma_start3A_143 : memref<128xi32, #tpu.memory_space<vmem>>) semaphore(%run_scoped3A_140 : memref<!tpu.dma_semaphore, #tpu.memory_space<semaphore_mem>>) {add = true}
          %dma_wait3A_147 = arith.constant 0 : i32
          %dma_wait3A_148 = tpu.memref_slice %arg8[%run_scoped3A_139, %dma_wait3A_147] : memref<8x128xi32, #tpu.memory_space<vmem>> -> memref<1x128xi32, #tpu.memory_space<vmem>>
          %dma_wait3A_149 = tpu.memref_squeeze %dma_wait3A_148 : memref<1x128xi32, #tpu.memory_space<vmem>> -> memref<128xi32, #tpu.memory_space<vmem>>
          %dma_wait3A_150 = arith.constant 0 : i32
          %dma_wait3A_151 = arith.constant 0 : i32
          %dma_wait3A_152 = tpu.memref_slice %arg11[%dma_wait3A_150, %dma_wait3A_151] : memref<10240x128xf32, #tpu.memory_space<vmem_shared>> -> memref<10240x128xf32, #tpu.memory_space<vmem_shared>>
          tpu.wait_indirect_dma semaphore(%run_scoped3A_140 : memref<!tpu.dma_semaphore, #tpu.memory_space<semaphore_mem>>) src(%arg10 : memref<128x128xf32, #tpu.memory_space<vmem>>) dst(%dma_wait3A_152 : memref<10240x128xf32, #tpu.memory_space<vmem_shared>>)
          tpu.yield
        }) : () -> ()
      }
      %scan3A_15 = arith.constant 5 : i32
    } else {
    }
    %barrier3A_8 = arith.constant 0 : index
    tpu.barrier barrier_id(%barrier3A_8)
    "tpu.region"() ({
      %run_scoped3A = tpu.sem_alloc : memref<!tpu.dma_semaphore, #tpu.memory_space<semaphore_mem>>
      %dma_start3A = arith.constant 0 : i32
      %dma_start3A_9 = tpu.memref_slice %arg6[%arg0, %multiple_of3A, %dma_start3A] : memref<2x10240x128xf32, #tpu.memory_space<hbm>> -> memref<1x640x128xf32, #tpu.memory_space<hbm>>
      %dma_start3A_10 = tpu.memref_squeeze %dma_start3A_9 : memref<1x640x128xf32, #tpu.memory_space<hbm>> -> memref<640x128xf32, #tpu.memory_space<hbm>>
      %dma_start3A_11 = arith.constant 0 : i32
      %dma_start3A_12 = tpu.memref_slice %arg11[%multiple_of3A, %dma_start3A_11] : memref<10240x128xf32, #tpu.memory_space<vmem_shared>> -> memref<640x128xf32, #tpu.memory_space<vmem_shared>>
      tpu.enqueue_dma source(%dma_start3A_12 : memref<640x128xf32, #tpu.memory_space<vmem_shared>>) target(%dma_start3A_10 : memref<640x128xf32, #tpu.memory_space<hbm>>) target_semaphore(%run_scoped3A : memref<!tpu.dma_semaphore, #tpu.memory_space<semaphore_mem>>)
      %dma_wait3A = arith.constant 0 : i32
      %dma_wait3A_13 = tpu.memref_slice %arg6[%arg0, %multiple_of3A, %dma_wait3A] : memref<2x10240x128xf32, #tpu.memory_space<hbm>> -> memref<1x640x128xf32, #tpu.memory_space<hbm>>
      %dma_wait3A_14 = tpu.memref_squeeze %dma_wait3A_13 : memref<1x640x128xf32, #tpu.memory_space<hbm>> -> memref<640x128xf32, #tpu.memory_space<hbm>>
      %dma_wait3A_15 = arith.constant 0 : i32
      %dma_wait3A_16 = tpu.memref_slice %arg11[%multiple_of3A, %dma_wait3A_15] : memref<10240x128xf32, #tpu.memory_space<vmem_shared>> -> memref<640x128xf32, #tpu.memory_space<vmem_shared>>
      tpu.wait_dma2 semaphore(%run_scoped3A : memref<!tpu.dma_semaphore, #tpu.memory_space<semaphore_mem>>) src(%dma_wait3A_16 : memref<640x128xf32, #tpu.memory_space<vmem_shared>>) dst(%dma_wait3A_14 : memref<640x128xf32, #tpu.memory_space<hbm>>)
      tpu.yield
    }) : () -> ()
    return
  }
}

module attributes {stable_mosaic.version = 14 : i64} {
  func.func @_mask_body(%arg0: memref<10000x128xf32, #tpu.memory_space<vmem>>, %arg1: memref<128x128xf32, #tpu.memory_space<vmem>>, %arg2: memref<128x4xf32, #tpu.memory_space<vmem>>, %arg3: memref<10000x4xf32, #tpu.memory_space<vmem>>) attributes {dimension_semantics = [], scalar_prefetch = 0 : i64, scratch_operands = 0 : i64, tpu.core_type = #tpu.core_type<tc>} {
    %get3A = arith.constant 0 : index
    %get3A_0 = arith.constant 0 : index
    %get3A_1 = vector.load %arg0[%get3A, %get3A_0] : memref<10000x128xf32, #tpu.memory_space<vmem>>, vector<10000x128xf32>
    %get3A_2 = arith.constant 0 : index
    %get3A_3 = arith.constant 0 : index
    %get3A_4 = vector.load %arg1[%get3A_2, %get3A_3] : memref<128x128xf32, #tpu.memory_space<vmem>>, vector<128x128xf32>
    %dot_general3A = arith.constant dense<0.000000e+00> : vector<10000x128xf32>
    %dot_general3A_5 = tpu.matmul %get3A_1, %get3A_4, %dot_general3A {dimension_numbers = #tpu.dot_dimension_numbers<[1], [0], [0], [1], [0, 0, 1, 1], [], []>, precision = #tpu.contract_precision<fp32>, transpose_lhs_hint = false} : vector<10000x128xf32>, vector<128x128xf32>, vector<10000x128xf32> -> vector<10000x128xf32>
    %max3A = arith.constant 0.000000e+00 : f32
    %max3A_6 = vector.broadcast %max3A : f32 to vector<10000x128xf32>
    %max3A_7 = arith.maximumf %dot_general3A_5, %max3A_6 : vector<10000x128xf32>
    %get3A_8 = arith.constant 0 : index
    %get3A_9 = arith.constant 0 : index
    %get3A_10 = vector.load %arg2[%get3A_8, %get3A_9] : memref<128x4xf32, #tpu.memory_space<vmem>>, vector<128x4xf32>
    %dot_general3A_11 = arith.constant dense<0.000000e+00> : vector<10000x4xf32>
    %dot_general3A_12 = tpu.matmul %max3A_7, %get3A_10, %dot_general3A_11 {dimension_numbers = #tpu.dot_dimension_numbers<[1], [0], [0], [1], [0, 0, 1, 1], [], []>, precision = #tpu.contract_precision<fp32>, transpose_lhs_hint = false} : vector<10000x128xf32>, vector<128x4xf32>, vector<10000x4xf32> -> vector<10000x4xf32>
    %reduce_max3A = arith.constant dense<0xFF800000> : vector<10000xf32>
    %reduce_max3A_13 = vector.multi_reduction <maximumf>, %dot_general3A_12, %reduce_max3A [1] : vector<10000x4xf32> to vector<10000xf32>
    %broadcast_in_dim3A = vector.shape_cast %reduce_max3A_13 : vector<10000xf32> to vector<10000x1xf32>
    %sub3A = vector.broadcast %broadcast_in_dim3A : vector<10000x1xf32> to vector<10000x4xf32>
    %sub3A_14 = arith.subf %dot_general3A_12, %sub3A : vector<10000x4xf32>
    %exp3A = math.exp %sub3A_14 : vector<10000x4xf32>
    %reduce_sum3A = arith.constant dense<0.000000e+00> : vector<10000xf32>
    %reduce_sum3A_15 = vector.multi_reduction <add>, %exp3A, %reduce_sum3A [1] : vector<10000x4xf32> to vector<10000xf32>
    %broadcast_in_dim3A_16 = vector.shape_cast %reduce_sum3A_15 : vector<10000xf32> to vector<10000x1xf32>
    %div3A = vector.broadcast %broadcast_in_dim3A_16 : vector<10000x1xf32> to vector<10000x4xf32>
    %div3A_17 = arith.divf %exp3A, %div3A : vector<10000x4xf32>
    %swap3A = arith.constant 0 : index
    %swap3A_18 = arith.constant 0 : index
    %swap3A_19 = vector.load %arg3[%swap3A, %swap3A_18] : memref<10000x4xf32, #tpu.memory_space<vmem>>, vector<10000x4xf32>
    tpu.vector_store %arg3[%swap3A, %swap3A_18], %div3A_17 {strides = array<i32>} : memref<10000x4xf32, #tpu.memory_space<vmem>>, vector<10000x4xf32>,
    return
  }
}

module attributes {stable_mosaic.version = 14 : i64} {
  func.func @_pre_body(%arg0: i32, %arg1: memref<2000x128xf32, #tpu.memory_space<vmem>>, %arg2: memref<2000x128xf32, #tpu.memory_space<vmem>>, %arg3: memref<2000x128xf32, #tpu.memory_space<vmem>>, %arg4: memref<2000x4xf32, #tpu.memory_space<vmem>>, %arg5: memref<128x128xf32, #tpu.memory_space<vmem>>, %arg6: memref<4x128x128xf32, #tpu.memory_space<vmem>>, %arg7: memref<2000x128xf32, #tpu.memory_space<vmem>>, %arg8: memref<8x128xf32, #tpu.memory_space<vmem>>) attributes {dimension_semantics = [#tpu.dimension_semantics<arbitrary>], iteration_bounds = array<i64: 5>, scalar_prefetch = 0 : i64, scratch_operands = 0 : i64, tpu.core_type = #tpu.core_type<tc>, window_params = [{transform_indices = @transform_0, window_bounds = array<i64: 2000, 128>}, {transform_indices = @transform_1, window_bounds = array<i64: 2000, 128>}, {transform_indices = @transform_2, window_bounds = array<i64: 2000, 128>}, {transform_indices = @transform_3, window_bounds = array<i64: 2000, 4>}, {pipeline_mode = #tpu.pipeline_mode<synchronous>, transform_indices = @transform_4, window_bounds = array<i64: 128, 128>}, {pipeline_mode = #tpu.pipeline_mode<synchronous>, transform_indices = @transform_5, window_bounds = array<i64: 4, 128, 128>}, {transform_indices = @transform_6, window_bounds = array<i64: 2000, 128>}, {pipeline_mode = #tpu.pipeline_mode<synchronous>, transform_indices = @transform_7, window_bounds = array<i64: 8, 128>}]} {
    %get3A = arith.constant 0 : index
    %get3A_0 = arith.constant 0 : index
    %get3A_1 = vector.load %arg2[%get3A, %get3A_0] : memref<2000x128xf32, #tpu.memory_space<vmem>>, vector<2000x128xf32>
    %get3A_2 = arith.constant 0 : index
    %get3A_3 = arith.constant 0 : index
    %get3A_4 = vector.load %arg3[%get3A_2, %get3A_3] : memref<2000x128xf32, #tpu.memory_space<vmem>>, vector<2000x128xf32>
    %add3A = arith.addf %get3A_1, %get3A_4 : vector<2000x128xf32>
    %get3A_5 = arith.constant 0 : index
    %get3A_6 = arith.constant 0 : index
    %get3A_7 = vector.load %arg1[%get3A_5, %get3A_6] : memref<2000x128xf32, #tpu.memory_space<vmem>>, vector<2000x128xf32>
    %get3A_8 = arith.constant 0 : index
    %get3A_9 = arith.constant 0 : index
    %get3A_10 = vector.load %arg5[%get3A_8, %get3A_9] : memref<128x128xf32, #tpu.memory_space<vmem>>, vector<128x128xf32>
    %dot_general3A = arith.constant dense<0.000000e+00> : vector<2000x128xf32>
    %dot_general3A_11 = tpu.matmul %get3A_7, %get3A_10, %dot_general3A {dimension_numbers = #tpu.dot_dimension_numbers<[1], [0], [0], [1], [0, 0, 1, 1], [], []>, precision = #tpu.contract_precision<fp32>, transpose_lhs_hint = false} : vector<2000x128xf32>, vector<128x128xf32>, vector<2000x128xf32> -> vector<2000x128xf32>
    %get3A_12 = arith.constant 0 : index
    %get3A_13 = arith.constant 0 : index
    %get3A_14 = arith.constant 0 : index
    %get3A_15 = vector.load %arg6[%get3A_12, %get3A_13, %get3A_14] : memref<4x128x128xf32, #tpu.memory_space<vmem>>, vector<1x128x128xf32>
    %get3A_16 = vector.shape_cast %get3A_15 : vector<1x128x128xf32> to vector<128x128xf32>
    %dot_general3A_17 = arith.constant dense<0.000000e+00> : vector<2000x128xf32>
    %dot_general3A_18 = tpu.matmul %add3A, %get3A_16, %dot_general3A_17 {dimension_numbers = #tpu.dot_dimension_numbers<[1], [0], [0], [1], [0, 0, 1, 1], [], []>, precision = #tpu.contract_precision<fp32>, transpose_lhs_hint = false} : vector<2000x128xf32>, vector<128x128xf32>, vector<2000x128xf32> -> vector<2000x128xf32>
    %get3A_19 = arith.constant 0 : index
    %get3A_20 = arith.constant 0 : index
    %get3A_21 = vector.load %arg4[%get3A_19, %get3A_20] : memref<2000x4xf32, #tpu.memory_space<vmem>>, vector<2000x1xf32>
    %mul3A = vector.broadcast %get3A_21 : vector<2000x1xf32> to vector<2000x128xf32>
    %mul3A_22 = arith.mulf %mul3A, %dot_general3A_18 : vector<2000x128xf32>
    %add3A_23 = arith.addf %dot_general3A_11, %mul3A_22 : vector<2000x128xf32>
    %get3A_24 = arith.constant 1 : index
    %get3A_25 = arith.constant 0 : index
    %get3A_26 = arith.constant 0 : index
    %get3A_27 = vector.load %arg6[%get3A_24, %get3A_25, %get3A_26] : memref<4x128x128xf32, #tpu.memory_space<vmem>>, vector<1x128x128xf32>
    %get3A_28 = vector.shape_cast %get3A_27 : vector<1x128x128xf32> to vector<128x128xf32>
    %dot_general3A_29 = arith.constant dense<0.000000e+00> : vector<2000x128xf32>
    %dot_general3A_30 = tpu.matmul %add3A, %get3A_28, %dot_general3A_29 {dimension_numbers = #tpu.dot_dimension_numbers<[1], [0], [0], [1], [0, 0, 1, 1], [], []>, precision = #tpu.contract_precision<fp32>, transpose_lhs_hint = false} : vector<2000x128xf32>, vector<128x128xf32>, vector<2000x128xf32> -> vector<2000x128xf32>
    %get3A_31 = arith.constant 0 : index
    %get3A_32 = arith.constant 1 : index
    %get3A_33 = vector.load %arg4[%get3A_31, %get3A_32] : memref<2000x4xf32, #tpu.memory_space<vmem>>, vector<2000x1xf32>
    %mul3A_34 = vector.broadcast %get3A_33 : vector<2000x1xf32> to vector<2000x128xf32>
    %mul3A_35 = arith.mulf %mul3A_34, %dot_general3A_30 : vector<2000x128xf32>
    %add3A_36 = arith.addf %add3A_23, %mul3A_35 : vector<2000x128xf32>
    %get3A_37 = arith.constant 2 : index
    %get3A_38 = arith.constant 0 : index
    %get3A_39 = arith.constant 0 : index
    %get3A_40 = vector.load %arg6[%get3A_37, %get3A_38, %get3A_39] : memref<4x128x128xf32, #tpu.memory_space<vmem>>, vector<1x128x128xf32>
    %get3A_41 = vector.shape_cast %get3A_40 : vector<1x128x128xf32> to vector<128x128xf32>
    %dot_general3A_42 = arith.constant dense<0.000000e+00> : vector<2000x128xf32>
    %dot_general3A_43 = tpu.matmul %add3A, %get3A_41, %dot_general3A_42 {dimension_numbers = #tpu.dot_dimension_numbers<[1], [0], [0], [1], [0, 0, 1, 1], [], []>, precision = #tpu.contract_precision<fp32>, transpose_lhs_hint = false} : vector<2000x128xf32>, vector<128x128xf32>, vector<2000x128xf32> -> vector<2000x128xf32>
    %get3A_44 = arith.constant 0 : index
    %get3A_45 = arith.constant 2 : index
    %get3A_46 = vector.load %arg4[%get3A_44, %get3A_45] : memref<2000x4xf32, #tpu.memory_space<vmem>>, vector<2000x1xf32>
    %mul3A_47 = vector.broadcast %get3A_46 : vector<2000x1xf32> to vector<2000x128xf32>
    %mul3A_48 = arith.mulf %mul3A_47, %dot_general3A_43 : vector<2000x128xf32>
    %add3A_49 = arith.addf %add3A_36, %mul3A_48 : vector<2000x128xf32>
    %get3A_50 = arith.constant 3 : index
    %get3A_51 = arith.constant 0 : index
    %get3A_52 = arith.constant 0 : index
    %get3A_53 = vector.load %arg6[%get3A_50, %get3A_51, %get3A_52] : memref<4x128x128xf32, #tpu.memory_space<vmem>>, vector<1x128x128xf32>
    %get3A_54 = vector.shape_cast %get3A_53 : vector<1x128x128xf32> to vector<128x128xf32>
    %dot_general3A_55 = arith.constant dense<0.000000e+00> : vector<2000x128xf32>
    %dot_general3A_56 = tpu.matmul %add3A, %get3A_54, %dot_general3A_55 {dimension_numbers = #tpu.dot_dimension_numbers<[1], [0], [0], [1], [0, 0, 1, 1], [], []>, precision = #tpu.contract_precision<fp32>, transpose_lhs_hint = false} : vector<2000x128xf32>, vector<128x128xf32>, vector<2000x128xf32> -> vector<2000x128xf32>
    %get3A_57 = arith.constant 0 : index
    %get3A_58 = arith.constant 3 : index
    %get3A_59 = vector.load %arg4[%get3A_57, %get3A_58] : memref<2000x4xf32, #tpu.memory_space<vmem>>, vector<2000x1xf32>
    %mul3A_60 = vector.broadcast %get3A_59 : vector<2000x1xf32> to vector<2000x128xf32>
    %mul3A_61 = arith.mulf %mul3A_60, %dot_general3A_56 : vector<2000x128xf32>
    %add3A_62 = arith.addf %add3A_49, %mul3A_61 : vector<2000x128xf32>
    %swap3A = arith.constant 0 : index
    %swap3A_63 = arith.constant 0 : index
    %swap3A_64 = vector.load %arg7[%swap3A, %swap3A_63] : memref<2000x128xf32, #tpu.memory_space<vmem>>, vector<2000x128xf32>
    tpu.vector_store %arg7[%swap3A, %swap3A_63], %add3A_62 {strides = array<i32>} : memref<2000x128xf32, #tpu.memory_space<vmem>>, vector<2000x128xf32>,
    %eq3A = arith.constant 0 : i32
    %eq3A_65 = arith.cmpi eq, %arg0, %eq3A : i32
    %convert_element_type3A = arith.extui %eq3A_65 : i1 to i32
    %cond3A = arith.constant 0 : i32
    %cond3A_66 = arith.cmpi ne, %convert_element_type3A, %cond3A : i32
    scf.if %cond3A_66 {
      %broadcast_in_dim3A_86 = arith.constant 0.000000e+00 : f32
      %broadcast_in_dim3A_87 = vector.broadcast %broadcast_in_dim3A_86 : f32 to vector<8x128xf32>
      %swap3A_88 = arith.constant 0 : index
      %swap3A_89 = arith.constant 0 : index
      %swap3A_90 = vector.load %arg8[%swap3A_88, %swap3A_89] : memref<8x128xf32, #tpu.memory_space<vmem>>, vector<8x128xf32>
      tpu.vector_store %arg8[%swap3A_88, %swap3A_89], %broadcast_in_dim3A_87 {strides = array<i32>} : memref<8x128xf32, #tpu.memory_space<vmem>>, vector<8x128xf32>,
    } else {
    }
    %get3A_67 = arith.constant 0 : index
    %get3A_68 = arith.constant 0 : index
    %get3A_69 = vector.load %arg8[%get3A_67, %get3A_68] : memref<8x128xf32, #tpu.memory_space<vmem>>, vector<1x128xf32>
    %reduce_sum3A = arith.constant dense<0.000000e+00> : vector<128xf32>
    %reduce_sum3A_70 = vector.multi_reduction <add>, %add3A_62, %reduce_sum3A [0] : vector<2000x128xf32> to vector<128xf32>
    %broadcast_in_dim3A = vector.shape_cast %reduce_sum3A_70 : vector<128xf32> to vector<1x128xf32>
    %add3A_71 = arith.addf %get3A_69, %broadcast_in_dim3A : vector<1x128xf32>
    %swap3A_72 = arith.constant 0 : index
    %swap3A_73 = arith.constant 0 : index
    %swap3A_74 = vector.load %arg8[%swap3A_72, %swap3A_73] : memref<8x128xf32, #tpu.memory_space<vmem>>, vector<1x128xf32>
    tpu.vector_store %arg8[%swap3A_72, %swap3A_73], %add3A_71 {strides = array<i32>} : memref<8x128xf32, #tpu.memory_space<vmem>>, vector<1x128xf32>,
    %get3A_75 = arith.constant 1 : index
    %get3A_76 = arith.constant 0 : index
    %get3A_77 = vector.load %arg8[%get3A_75, %get3A_76] : memref<8x128xf32, #tpu.memory_space<vmem>>, vector<1x128xf32>
    %mul3A_78 = arith.mulf %add3A_62, %add3A_62 : vector<2000x128xf32>
    %reduce_sum3A_79 = arith.constant dense<0.000000e+00> : vector<128xf32>
    %reduce_sum3A_80 = vector.multi_reduction <add>, %mul3A_78, %reduce_sum3A_79 [0] : vector<2000x128xf32> to vector<128xf32>
    %broadcast_in_dim3A_81 = vector.shape_cast %reduce_sum3A_80 : vector<128xf32> to vector<1x128xf32>
    %add3A_82 = arith.addf %get3A_77, %broadcast_in_dim3A_81 : vector<1x128xf32>
    %swap3A_83 = arith.constant 1 : index
    %swap3A_84 = arith.constant 0 : index
    %swap3A_85 = vector.load %arg8[%swap3A_83, %swap3A_84] : memref<8x128xf32, #tpu.memory_space<vmem>>, vector<1x128xf32>
    tpu.vector_store %arg8[%swap3A_83, %swap3A_84], %add3A_82 {strides = array<i32>} : memref<8x128xf32, #tpu.memory_space<vmem>>, vector<1x128xf32>,
    return
  }
  func.func @transform_0(%arg0: i32) -> (i32, i32) {
    %c0_i32 = arith.constant 0 : i32
    %c0_i32_0 = arith.constant 0 : i32
    return %arg0, %c0_i32 : i32, i32
  }
  func.func @transform_1(%arg0: i32) -> (i32, i32) {
    %c0_i32 = arith.constant 0 : i32
    %c0_i32_0 = arith.constant 0 : i32
    return %arg0, %c0_i32 : i32, i32
  }
  func.func @transform_2(%arg0: i32) -> (i32, i32) {
    %c0_i32 = arith.constant 0 : i32
    %c0_i32_0 = arith.constant 0 : i32
    return %arg0, %c0_i32 : i32, i32
  }
  func.func @transform_3(%arg0: i32) -> (i32, i32) {
    %c0_i32 = arith.constant 0 : i32
    %c0_i32_0 = arith.constant 0 : i32
    return %arg0, %c0_i32 : i32, i32
  }
  func.func @transform_4(%arg0: i32) -> (i32, i32) {
    %c0_i32 = arith.constant 0 : i32
    %c0_i32_0 = arith.constant 0 : i32
    %c0_i32_1 = arith.constant 0 : i32
    return %c0_i32, %c0_i32_0 : i32, i32
  }
  func.func @transform_5(%arg0: i32) -> (i32, i32, i32) {
    %c0_i32 = arith.constant 0 : i32
    %c0_i32_0 = arith.constant 0 : i32
    %c0_i32_1 = arith.constant 0 : i32
    %c0_i32_2 = arith.constant 0 : i32
    return %c0_i32, %c0_i32_0, %c0_i32_1 : i32, i32, i32
  }
  func.func @transform_6(%arg0: i32) -> (i32, i32) {
    %c0_i32 = arith.constant 0 : i32
    %c0_i32_0 = arith.constant 0 : i32
    return %arg0, %c0_i32 : i32, i32
  }
  func.func @transform_7(%arg0: i32) -> (i32, i32) {
    %c0_i32 = arith.constant 0 : i32
    %c0_i32_0 = arith.constant 0 : i32
    %c0_i32_1 = arith.constant 0 : i32
    return %c0_i32, %c0_i32_0 : i32, i32
  }
}

module attributes {stable_mosaic.version = 14 : i64} {
  func.func @_norm_body(%arg0: i32, %arg1: memref<2000x128xf32, #tpu.memory_space<vmem>>, %arg2: memref<8x128xf32, #tpu.memory_space<vmem>>, %arg3: memref<2x128xf32, #tpu.memory_space<vmem>>, %arg4: memref<2000x128xf32, #tpu.memory_space<vmem>>) attributes {dimension_semantics = [#tpu.dimension_semantics<arbitrary>], iteration_bounds = array<i64: 5>, scalar_prefetch = 0 : i64, scratch_operands = 0 : i64, tpu.core_type = #tpu.core_type<tc>, window_params = [{transform_indices = @transform_0, window_bounds = array<i64: 2000, 128>}, {pipeline_mode = #tpu.pipeline_mode<synchronous>, transform_indices = @transform_1, window_bounds = array<i64: 8, 128>}, {pipeline_mode = #tpu.pipeline_mode<synchronous>, transform_indices = @transform_2, window_bounds = array<i64: 2, 128>}, {transform_indices = @transform_3, window_bounds = array<i64: 2000, 128>}]} {
    %get3A = arith.constant 0 : index
    %get3A_0 = arith.constant 0 : index
    %get3A_1 = vector.load %arg2[%get3A, %get3A_0] : memref<8x128xf32, #tpu.memory_space<vmem>>, vector<1x128xf32>
    %mul3A = arith.constant 9.99999974E-5 : f32
    %mul3A_2 = vector.broadcast %mul3A : f32 to vector<1x128xf32>
    %mul3A_3 = arith.mulf %get3A_1, %mul3A_2 : vector<1x128xf32>
    %get3A_4 = arith.constant 1 : index
    %get3A_5 = arith.constant 0 : index
    %get3A_6 = vector.load %arg2[%get3A_4, %get3A_5] : memref<8x128xf32, #tpu.memory_space<vmem>>, vector<1x128xf32>
    %mul3A_7 = arith.constant 9.99999974E-5 : f32
    %mul3A_8 = vector.broadcast %mul3A_7 : f32 to vector<1x128xf32>
    %mul3A_9 = arith.mulf %get3A_6, %mul3A_8 : vector<1x128xf32>
    %mul3A_10 = arith.mulf %mul3A_3, %mul3A_3 : vector<1x128xf32>
    %sub3A = arith.subf %mul3A_9, %mul3A_10 : vector<1x128xf32>
    %add3A = arith.constant 9.99999974E-6 : f32
    %add3A_11 = vector.broadcast %add3A : f32 to vector<1x128xf32>
    %add3A_12 = arith.addf %sub3A, %add3A_11 : vector<1x128xf32>
    %rsqrt3A = math.rsqrt %add3A_12 : vector<1x128xf32>
    %get3A_13 = arith.constant 0 : index
    %get3A_14 = arith.constant 0 : index
    %get3A_15 = vector.load %arg1[%get3A_13, %get3A_14] : memref<2000x128xf32, #tpu.memory_space<vmem>>, vector<2000x128xf32>
    %sub3A_16 = vector.broadcast %mul3A_3 : vector<1x128xf32> to vector<2000x128xf32>
    %sub3A_17 = arith.subf %get3A_15, %sub3A_16 : vector<2000x128xf32>
    %mul3A_18 = vector.broadcast %rsqrt3A : vector<1x128xf32> to vector<2000x128xf32>
    %mul3A_19 = arith.mulf %sub3A_17, %mul3A_18 : vector<2000x128xf32>
    %get3A_20 = arith.constant 0 : index
    %get3A_21 = arith.constant 0 : index
    %get3A_22 = vector.load %arg3[%get3A_20, %get3A_21] : memref<2x128xf32, #tpu.memory_space<vmem>>, vector<1x128xf32>
    %mul3A_23 = vector.broadcast %get3A_22 : vector<1x128xf32> to vector<2000x128xf32>
    %mul3A_24 = arith.mulf %mul3A_19, %mul3A_23 : vector<2000x128xf32>
    %get3A_25 = arith.constant 1 : index
    %get3A_26 = arith.constant 0 : index
    %get3A_27 = vector.load %arg3[%get3A_25, %get3A_26] : memref<2x128xf32, #tpu.memory_space<vmem>>, vector<1x128xf32>
    %add3A_28 = vector.broadcast %get3A_27 : vector<1x128xf32> to vector<2000x128xf32>
    %add3A_29 = arith.addf %mul3A_24, %add3A_28 : vector<2000x128xf32>
    %max3A = arith.constant 0.000000e+00 : f32
    %max3A_30 = vector.broadcast %max3A : f32 to vector<2000x128xf32>
    %max3A_31 = arith.maximumf %add3A_29, %max3A_30 : vector<2000x128xf32>
    %swap3A = arith.constant 0 : index
    %swap3A_32 = arith.constant 0 : index
    %swap3A_33 = vector.load %arg4[%swap3A, %swap3A_32] : memref<2000x128xf32, #tpu.memory_space<vmem>>, vector<2000x128xf32>
    tpu.vector_store %arg4[%swap3A, %swap3A_32], %max3A_31 {strides = array<i32>} : memref<2000x128xf32, #tpu.memory_space<vmem>>, vector<2000x128xf32>,
    return
  }
  func.func @transform_0(%arg0: i32) -> (i32, i32) {
    %c0_i32 = arith.constant 0 : i32
    %c0_i32_0 = arith.constant 0 : i32
    return %arg0, %c0_i32 : i32, i32
  }
  func.func @transform_1(%arg0: i32) -> (i32, i32) {
    %c0_i32 = arith.constant 0 : i32
    %c0_i32_0 = arith.constant 0 : i32
    %c0_i32_1 = arith.constant 0 : i32
    return %c0_i32, %c0_i32_0 : i32, i32
  }
  func.func @transform_2(%arg0: i32) -> (i32, i32) {
    %c0_i32 = arith.constant 0 : i32
    %c0_i32_0 = arith.constant 0 : i32
    %c0_i32_1 = arith.constant 0 : i32
    return %c0_i32, %c0_i32_0 : i32, i32
  }
  func.func @transform_3(%arg0: i32) -> (i32, i32) {
    %c0_i32 = arith.constant 0 : i32
    %c0_i32_0 = arith.constant 0 : i32
    return %arg0, %c0_i32 : i32, i32
  }
}

module attributes {stable_mosaic.version = 14 : i64} {
  func.func @_norm_body(%arg0: i32, %arg1: memref<2000x128xf32, #tpu.memory_space<vmem>>, %arg2: memref<8x128xf32, #tpu.memory_space<vmem>>, %arg3: memref<2x128xf32, #tpu.memory_space<vmem>>, %arg4: memref<2000x128xf32, #tpu.memory_space<vmem>>) attributes {dimension_semantics = [#tpu.dimension_semantics<arbitrary>], iteration_bounds = array<i64: 5>, scalar_prefetch = 0 : i64, scratch_operands = 0 : i64, tpu.core_type = #tpu.core_type<tc>, window_params = [{transform_indices = @transform_0, window_bounds = array<i64: 2000, 128>}, {pipeline_mode = #tpu.pipeline_mode<synchronous>, transform_indices = @transform_1, window_bounds = array<i64: 8, 128>}, {pipeline_mode = #tpu.pipeline_mode<synchronous>, transform_indices = @transform_2, window_bounds = array<i64: 2, 128>}, {transform_indices = @transform_3, window_bounds = array<i64: 2000, 128>}]} {
    %get3A = arith.constant 0 : index
    %get3A_0 = arith.constant 0 : index
    %get3A_1 = vector.load %arg2[%get3A, %get3A_0] : memref<8x128xf32, #tpu.memory_space<vmem>>, vector<1x128xf32>
    %mul3A = arith.constant 9.99999974E-5 : f32
    %mul3A_2 = vector.broadcast %mul3A : f32 to vector<1x128xf32>
    %mul3A_3 = arith.mulf %get3A_1, %mul3A_2 : vector<1x128xf32>
    %get3A_4 = arith.constant 1 : index
    %get3A_5 = arith.constant 0 : index
    %get3A_6 = vector.load %arg2[%get3A_4, %get3A_5] : memref<8x128xf32, #tpu.memory_space<vmem>>, vector<1x128xf32>
    %mul3A_7 = arith.constant 9.99999974E-5 : f32
    %mul3A_8 = vector.broadcast %mul3A_7 : f32 to vector<1x128xf32>
    %mul3A_9 = arith.mulf %get3A_6, %mul3A_8 : vector<1x128xf32>
    %mul3A_10 = arith.mulf %mul3A_3, %mul3A_3 : vector<1x128xf32>
    %sub3A = arith.subf %mul3A_9, %mul3A_10 : vector<1x128xf32>
    %add3A = arith.constant 9.99999974E-6 : f32
    %add3A_11 = vector.broadcast %add3A : f32 to vector<1x128xf32>
    %add3A_12 = arith.addf %sub3A, %add3A_11 : vector<1x128xf32>
    %rsqrt3A = math.rsqrt %add3A_12 : vector<1x128xf32>
    %get3A_13 = arith.constant 0 : index
    %get3A_14 = arith.constant 0 : index
    %get3A_15 = vector.load %arg1[%get3A_13, %get3A_14] : memref<2000x128xf32, #tpu.memory_space<vmem>>, vector<2000x128xf32>
    %sub3A_16 = vector.broadcast %mul3A_3 : vector<1x128xf32> to vector<2000x128xf32>
    %sub3A_17 = arith.subf %get3A_15, %sub3A_16 : vector<2000x128xf32>
    %mul3A_18 = vector.broadcast %rsqrt3A : vector<1x128xf32> to vector<2000x128xf32>
    %mul3A_19 = arith.mulf %sub3A_17, %mul3A_18 : vector<2000x128xf32>
    %get3A_20 = arith.constant 0 : index
    %get3A_21 = arith.constant 0 : index
    %get3A_22 = vector.load %arg3[%get3A_20, %get3A_21] : memref<2x128xf32, #tpu.memory_space<vmem>>, vector<1x128xf32>
    %mul3A_23 = vector.broadcast %get3A_22 : vector<1x128xf32> to vector<2000x128xf32>
    %mul3A_24 = arith.mulf %mul3A_19, %mul3A_23 : vector<2000x128xf32>
    %get3A_25 = arith.constant 1 : index
    %get3A_26 = arith.constant 0 : index
    %get3A_27 = vector.load %arg3[%get3A_25, %get3A_26] : memref<2x128xf32, #tpu.memory_space<vmem>>, vector<1x128xf32>
    %add3A_28 = vector.broadcast %get3A_27 : vector<1x128xf32> to vector<2000x128xf32>
    %add3A_29 = arith.addf %mul3A_24, %add3A_28 : vector<2000x128xf32>
    %max3A = arith.constant 0.000000e+00 : f32
    %max3A_30 = vector.broadcast %max3A : f32 to vector<2000x128xf32>
    %max3A_31 = arith.maximumf %add3A_29, %max3A_30 : vector<2000x128xf32>
    %swap3A = arith.constant 0 : index
    %swap3A_32 = arith.constant 0 : index
    %swap3A_33 = vector.load %arg4[%swap3A, %swap3A_32] : memref<2000x128xf32, #tpu.memory_space<vmem>>, vector<2000x128xf32>
    tpu.vector_store %arg4[%swap3A, %swap3A_32], %max3A_31 {strides = array<i32>} : memref<2000x128xf32, #tpu.memory_space<vmem>>, vector<2000x128xf32>,
    return
  }
  func.func @transform_0(%arg0: i32) -> (i32, i32) {
    %c0_i32 = arith.constant 0 : i32
    %c0_i32_0 = arith.constant 0 : i32
    return %arg0, %c0_i32 : i32, i32
  }
  func.func @transform_1(%arg0: i32) -> (i32, i32) {
    %c0_i32 = arith.constant 0 : i32
    %c0_i32_0 = arith.constant 0 : i32
    %c0_i32_1 = arith.constant 0 : i32
    return %c0_i32, %c0_i32_0 : i32, i32
  }
  func.func @transform_2(%arg0: i32) -> (i32, i32) {
    %c0_i32 = arith.constant 0 : i32
    %c0_i32_0 = arith.constant 0 : i32
    %c0_i32_1 = arith.constant 0 : i32
    return %c0_i32, %c0_i32_0 : i32, i32
  }
  func.func @transform_3(%arg0: i32) -> (i32, i32) {
    %c0_i32 = arith.constant 0 : i32
    %c0_i32_0 = arith.constant 0 : i32
    return %arg0, %c0_i32 : i32, i32
  }
}

</mosaic_0001>

<sc_bundles>
// kernel: kernel.12.cloned.1.call-start
scs
__scs_entry_jumppad:
0x0: {  	(pc) =	sbr.rel $0x88, $3  }
0x1: {  	(tag) =	ssettag $0x0;
	lr =	simm.s32 $0x1  }
0x2: {  	[smem:$0x3F98] =	sst lr;
	_ =	strace $0xD0000000  }
0x3: {  	_ = 	snop  }
0x4: {  	_ = 	snop  }
0x5: {  	_ = 	snop  }
0x6: {  	_ = 	snop  }
0x7: {  	_ = 	snop  }
__scs_overlays_trampoline_lowered:
0x8: {  	[smem:$0x3FA7] =	sst s0  }
0x9: {  	[smem:$0x3FA8] =	sst s1  }
0xa: {  	[smem:$0x3FA9] =	sst s2  }
0xb: {  	[smem:$0x3FAA] =	sst s3  }
0xc: {  	[smem:$0x3FAB] =	sst s4  }
0xd: {  	[smem:$0x3FAC] =	sst s5  }
0xe: {  	[smem:$0x3FAD] =	sst s6  }
0xf: {  	[smem:$0x3FAE] =	sst s7  }
0x10: {  	[smem:$0x3FAF] =	sst s8  }
0x11: {  	[smem:$0x3FB0] =	sst s9;
	s0 =	simm.s32 @!p0 $0x0  }
0x12: {  	s1 =	sld [smem:$0x3F96];
	s0 =	simm.s32 @p0 $0x1  }
0x13: {  	[smem:$0x3FB1] =	sst s0;
	s0 =	simm.s32 @!p1 $0x0  }
0x14: {  	s2 =	sld [smem:$0x3F95];
	s0 =	simm.s32 @p1 $0x1  }
0x15: {  	[smem:$0x3FB2] =	sst s0;
	s0 =	simm.s32 @!p2 $0x0  }
0x16: {  	s3 =	sld [smem:$0x3FDB];
	s0 =	simm.s32 @p2 $0x1  }
0x17: {  	s4 =	simm.s32 $0x1BF5;
	[smem:$0x3FB4] =	sst s0  }
0x18: {  	s0 =	sld [smem:$0x3F97];
	_ =	swait.ge [sflag:s4], $0x0  }
0x19: {  	s7 =	sld [smem:$0x3F98]  }
0x1a: {  	s8 =	sadd.s32 $0xFFFFE003, lr  }
0x1b: {  	s9 =	sadd.s32 $0xFFFFFEF7, lr;
	s5 =	simm.s32 $0xFFFFFFFF;
	p2 =	slt.u32 s8, $0xFFFFF086  }
0x1c: {  	p1 =	slt.u32 s9, $0xF7A;
	s5 =	simm.s32 @!p2 $0x0  }
0x1d: {  	s5 =	simm.s32 @p1 $0x1;
	p0 =	seq.s32 s7, s2  }
0x1e: {  	s7 =	smul.u32 @!p0 $0xF7A, s2;
	p2 =	seq.s32 @!p0 s5, $0x0  }
0x1f: {  	s9 =	smul.u32 $0xF7A, s1;
	s8 =	simm.s32 @!p0 $0x1BF5;
	p2 =	por !p2, p0  }
0x20: {  	[sflag:s8] =	ssyncset.s32 @!p0 $0xFFFFF086;
	s6 =	sadd.s32 @!p0 s3, s7;
	s7 =	simm.s32 @!p0 $0x108  }
0x21: {  	s3 =	sadd.s32 s3, s9;
	s6 =	sadd.s32 @!p0 $0x88, s6;
	s7 =	simm.s32 @p2 $0x1082  }
0x22: {  	[simem:s7], [sflag:s8] =	dma.local @!p0 [hbm:s6], $0xF7A  }
0x23: {  	s9 =	sor.u32 $0xD0000000, s2;
	s6 =	simm.s32 $0x108;
	_ =	swait.ge @!p0 [sflag:s8], $0x0  }
0x24: {  	s3 =	sadd.s32 $0x88, s3;
	s6 =	simm.s32 @!p1 $0x1082;
	[sflag:s4] =	ssyncset.s32 $0xFFFFF086  }
0x25: {  	[simem:s6], [sflag:s4] =	dma.local [hbm:s3], $0xF7A  }
0x26: {  	[smem:$0x3F98] =	sst s1;
	(tag) =	ssettag s2;
	_ =	strace s9  }
0x27: {  	s1 =	sld [smem:$0x3FA8]  }
0x28: {  	s2 =	sld [smem:$0x3FA9]  }
0x29: {  	s4 =	sld [smem:$0x3FAB]  }
0x2a: {  	p0 =	seq.s32 s5, $0x0;
	s5 =	sld [smem:$0x3FAC]  }
0x2b: {  	s6 =	sld [smem:$0x3FAD]  }
0x2c: {  	s7 =	sld [smem:$0x3FAE]  }
0x2d: {  	s3 =	simm.s32 $0x108;
	s8 =	sld [smem:$0x3FAF]  }
0x2e: {  	s3 =	simm.s32 @!p0 $0x1082;
	s9 =	sld [smem:$0x3FB0]  }
0x2f: {  	lr =	sadd.s32 s0, s3;
	s0 =	sld [smem:$0x3FA7]  }
0x30: {  	s3 =	sld [smem:$0x3FAA]  }
0x31: {  	[smem:$0x3FB3] =	sst s10  }
0x32: {  	s10 =	sld [smem:$0x3FB1];
	_ =	sdelay $0x3  }
0x33: {  	p0 =	seq.s32 s10, $0x1;
	s10 =	sld [smem:$0x3FB3];
	_ =	sdelay $0x3  }
0x34: {  	[smem:$0x3FB3] =	sst s10  }
0x35: {  	s10 =	sld [smem:$0x3FB2];
	_ =	sdelay $0x3  }
0x36: {  	p1 =	seq.s32 s10, $0x1;
	s10 =	sld [smem:$0x3FB3];
	_ =	sdelay $0x3  }
0x37: {  	[smem:$0x3FB3] =	sst s10  }
0x38: {  	s10 =	sld [smem:$0x3FB4]  }
0x39: {  	_ = 	snop;
	(pc) =	sbr.ind lr, $3  }
0x3a: {  	_ = 	snop  }
0x3b: {  	_ = 	snop  }
0x3c: {  	p2 =	seq.s32 s10, $0x1;
	s10 =	sld [smem:$0x3FB3]  }
0x3d: {  	_ =	shalt  }
0x3e: {  	_ =	shalt  }
0x3f: {  	_ =	shalt  }
0x40: {  	_ =	shalt  }
0x41: {  	_ =	shalt  }
0x42: {  	_ =	shalt  }
0x43: {  	_ =	shalt  }
0x44: {  	_ =	shalt  }
0x45: {  	_ =	shalt  }
0x46: {  	_ =	shalt  }
0x47: {  	_ =	shalt  }
0x48: {  	_ =	shalt  }
0x49: {  	_ =	shalt  }
0x4a: {  	_ =	shalt  }
0x4b: {  	_ =	shalt  }
0x4c: {  	_ =	shalt  }
0x4d: {  	_ =	shalt  }
0x4e: {  	_ =	shalt  }
0x4f: {  	_ =	shalt  }
0x50: {  	_ =	shalt  }
0x51: {  	_ =	shalt  }
0x52: {  	_ =	shalt  }
0x53: {  	_ =	shalt  }
0x54: {  	_ =	shalt  }
0x55: {  	_ =	shalt  }
0x56: {  	_ =	shalt  }
0x57: {  	_ =	shalt  }
0x58: {  	_ =	shalt  }
0x59: {  	_ =	shalt  }
0x5a: {  	_ =	shalt  }
0x5b: {  	_ =	shalt  }
0x5c: {  	_ =	shalt  }
0x5d: {  	_ =	shalt  }
0x5e: {  	_ =	shalt  }
0x5f: {  	_ =	shalt  }
0x60: {  	_ =	shalt  }
0x61: {  	_ =	shalt  }
0x62: {  	_ =	shalt  }
0x63: {  	_ =	shalt  }
0x64: {  	_ =	shalt  }
0x65: {  	_ =	shalt  }
0x66: {  	_ =	shalt  }
0x67: {  	_ =	shalt  }
0x68: {  	_ =	shalt  }
0x69: {  	_ =	shalt  }
0x6a: {  	_ =	shalt  }
0x6b: {  	_ =	shalt  }
0x6c: {  	_ =	shalt  }
0x6d: {  	_ =	shalt  }
0x6e: {  	_ =	shalt  }
0x6f: {  	_ =	shalt  }
0x70: {  	_ =	shalt  }
0x71: {  	_ =	shalt  }
0x72: {  	_ =	shalt  }
0x73: {  	_ =	shalt  }
0x74: {  	_ =	shalt  }
0x75: {  	_ =	shalt  }
0x76: {  	_ =	shalt  }
0x77: {  	_ =	shalt  }
0x78: {  	_ =	shalt  }
0x79: {  	_ =	shalt  }
0x7a: {  	_ =	shalt  }
0x7b: {  	_ =	shalt  }
0x7c: {  	_ =	shalt  }
0x7d: {  	_ =	shalt  }
0x7e: {  	_ =	shalt  }
0x7f: {  	_ =	shalt  }
0x80: {  	_ =	shalt  }
0x81: {  	_ =	shalt  }
0x82: {  	_ =	shalt  }
0x83: {  	_ =	shalt  }
0x84: {  	_ =	shalt  }
0x85: {  	_ =	shalt  }
0x86: {  	_ =	shalt  }
0x87: {  	_ =	shalt  }
.Lfunc_end0:
.L_simem_size_0:
called_computation_lowered:
.L_overlay_start_0:
0x88: {  	s2 =	sld [smem:$0x3FD9]  }
0x89: {  	s3 =	sld [smem:$0x3FFE];
	_ =	sdelay $0x1  }
0x8a: {  	s1 =	srdreg.scid  }
0x8b: {  	s0 =	sand.u32 $0x1, s1  }
0x8c: {  	s17 =	sshll.u32 s0, $0xA;
	s2 =	sadd.s32 s3, s2  }
0x8d: {  	s2 =	sadd.s32 s2, s17  }
0x8e: {  	[smem:$0x3FBF] =	sst s2  }
0x8f: {  	_ = 	snop  }
0x90: {  	s2 =	sld [smem:$0x3FC9];
	(tm) =	ssettm $0x1  }
0x91: {  	s18 =	sld [smem:$0x3FFB];
	_ =	sdelay $0x3  }
0x92: {  	_ =	strace s18  }
0x93: {  	s3 =	sld [smem:$0x3FFC];
	_ =	sdelay $0x3  }
0x94: {  	_ =	strace s3  }
0x95: {  	s3 =	sld [smem:$0x3FFD];
	_ =	sdelay $0x3  }
0x96: {  	_ =	strace s3  }
0x97: {  	_ =	strace $0x8FFFFFFF  }
0x98: {  	s19 =	sld [smem:$0x3FDB];
	_ =	sdelay $0x1  }
0x99: {  	s4 =	simm.s32 $_scs_section_size  }
0x9a: {  	s5 =	simm.s32 $_size__tile_overlayer_lowered;
	s6 =	simm.s32 $_tile_overlayer_lowered  }
0x9b: {  	s22 =	simm.s32 $0x1BFF;
	s21 =	sshll.u32 s6, $0x1;
	s3 =	sadd.s32 s4, s19  }
0x9c: {  	s7 =	simm.s32 $0x0;
	s20 =	sshll.u32 s5, $0x1;
	s5 =	sadd.s32 s21, s3  }
0x9d: {  	[timem:s7], [sflag:s22] =	dma.local [hbm:s5], s20  }
0x9e: {  	_ =	swait.ge [sflag:s22], s20  }
0x9f: {  	s4 =	ssub.s32 $0x0, s20;
	[sflag:s22] =	ssyncset.done $0x0  }
0xa0: {  	[sflag:s22] =	ssyncadd.s32 s4;
	_ =	sdelay $0x1  }
0xa1: {  	s23 =	simm.s32 $0x1B8B  }
0xa2: {  	_ =	swait.ge [sflag:s23], $0x1  }
0xa3: {  	[sflag:s23] =	ssyncset.done $0x0  }
0xa4: {  	s25 =	simm.s32 $0x1B8E;
	s24 =	sld [smem:$0x3FFE];
	[sflag:s23] =	ssyncadd.s32 $0xFFFFFFFF  }
0xa5: {  	s26 =	simm.s32 $execute0_lowered;
	[smem:$0x3FD2] =	sst s25  }
0xa6: {  	s5 =	sshll.u32 s26, $0x1;
	_ =	strace $0x80000046;
	[dreg:$0x1] =	wrdreg $0xFFFFFFFF  }
0xa7: {  	s28 =	simm.s32 $_size_execute0_lowered;
	s3 =	sadd.s32 s3, s5;
	[dreg:$0x0] =	wrdreg $0x0  }
0xa8: {  	s5 =	sshll.u32 s28, $0x1;
	[dreg:$0x2] =	wrdreg s3  }
0xa9: {  	[dreg:$0x3] =	wrdreg s5  }
0xaa: {  	[dreg:$0x4] =	wrdreg $0xC0  }
0xab: {  	_ =	task [dreg:s7], $0x5FFFF  }
0xac: {  	[dreg:$0x1] =	wrdreg $0xFFFFFFFF  }
0xad: {  	[dreg:$0x0] =	wrdreg $0x60  }
0xae: {  	[dreg:$0x2] =	wrdreg s2  }
0xaf: {  	[dreg:$0x3] =	wrdreg s24  }
0xb0: {  	[dreg:$0x4] =	wrdreg $0x88000  }
0xb1: {  	[dreg:$0x5] =	wrdreg $0x9  }
0xb2: {  	_ =	task.clear_ibuf [dreg:s7], $0x6FFFF;
	_ =	strace $0x90000046  }
0xb3: {  	s29 =	simm.s32 $0x9;
	_ =	strace $0x80000048  }
0xb4: {  	_ =	swait.ge [sflag:s29], $0x1  }
0xb5: {  	[sflag:s29] =	ssyncadd.s32 $0xFFFFFFFF  }
0xb6: {  	_ =	strace $0x90000048  }
0xb7: {  	_ =	sfence  }
0xb8: {  	s30 =	sld [smem:$0x0];
	_ =	sdelay $0x2  }
0xb9: {  	s31 =	sshll.u32 s1, $0xD;
	s1 =	sshrl.u32 s1, $0x2  }
0xba: {  	s3 =	sand.u32 $0x4000, s31;
	s1 =	sadd.s32 s1, s30  }
0xbb: {  	s0 =	sor.u32 s3, s0;
	s1 =	sshll.u32 s1, $0x11  }
0xbc: {  	s0 =	sor.u32 s1, s0  }
0xbd: {  	s0 =	sadd.s32 $0x8F2B, s0  }
0xbe: {  	[sflag:s0] =	ssyncadd.remote.s32 $0x1  }
0xbf: {  	_ =	sfence.sel $0xFFFF  }
0xc0: {  	[dreg:$0x0] =	wrdreg $0xFFFFFFFF;
	(pc) =	sbr.abs _section_cstart, $3  }
0xc1: {  	[dreg:$0x1] =	wrdreg $0xFFFFFFFF  }
0xc2: {  	_ =	task.clear_ibuf [dreg:s7], $0x2FFFF;
	_ =	strace $0x9FFFFFFF  }
0xc3: {  	(tm) =	ssettm $0x7FFFFFFF  }
tec
execute0_lowered:
.L_overlay_start_1:
0x0: {  	(tag) =	ssettag $0x1  }
0x1: {  	s1 =	rddreg [dreg:$0x0]  }
0x2: {  	s0 =	rddreg [dreg:$0x1]  }
0x3: {  	s3 =	rddreg [dreg:$0x2]  }
0x4: {  	s4 =	simm.s32 $0x0;
	s12 =	stileid.u32;
	s2 =	srdreg.scid  }
0x5: {  	s14 =	simm.s32 $0x3;
	s15 =	simm.s32 $0x400;
	s16 =	simm.s32 $0x80  }
0x6: {  	s17 =	simm.s32 $0x800;
	s28 =	simm.s32 $0x280;
	s29 =	simm.s32 $0x600  }
0x7: {  	s30 =	simm.s32 $0x300;
	s31 =	simm.s32 $0x680;
	s5 =	smul.u32 $0x14000, s12  }
0x8: {  	[smem:$0x7FF] =	sst s4;
	s2 =	sand.u32 $0x1, s2;
	s10 =	smul.u32 $0x50000, s12  }
0x9: {  	s6 =	sadd.s32 $0xE800, s0;
	s8 =	sadd.s32 $0x4800, s0;
	s22 =	smul.u32 $0x780, s12  }
0xa: {  	s21 =	sshll.u32 s12, $0x6;
	s23 =	smul.u32 $0x280, s12;
	_ =	strace $0x80000047  }
0xb: {  	s7 =	smul.u32 $0x140000, s2;
	s18 =	ssub.s32 $0x2, s2;
	p0 =	seq.s32 s2, $0x1  }
0xc: {  	s9 =	sshrl.u32 s5, $0x3;
	s11 =	sshrl.u32 s18, $0x1;
	s10 =	sshrl.u32 s10, $0x2  }
0xd: {  	s25 =	sadd.s32 s22, s8;
	s13 =	sadd.s32 s22, s6;
	s26 =	sadd.s32 s23, s8  }
0xe: {  	s2 =	sadd.s32 s23, s6;
	s22 =	simm.s32 $0x480;
	s23 =	simm.s32 $0x180  }
0xf: {  	s8 =	simm.s32 $0x0;
	s9 =	sadd.s32 s9, s0;
	s5 =	sadd.s32 s5, s7  }
0x10: {  	s19 =	ssub.s32 s18, s11;
	s20 =	sadd.s32 s10, s3;
	[dreg:$0x4] =	wrdreg s25  }
0x11: {  	s12 =	sadd.s32 $0x7800, s26;
	s10 =	sadd.s32 $0x7800, s2;
	s18 =	simm.s32 $0x4800  }
0x12: {  	s25 =	simm.s32 $0x200;
	s26 =	simm.s32 $0x580;
	s2 =	simm.s32 $0x700  }
0x13: {  	s11 =	smov.u32 s13;
	s5 =	sshrl.u32 s5, $0x3;
	s9 =	sadd.s32 $0x18800, s9  }
0x14: {  	s24 =	smax.u32 s19, $0x1;
	s7 =	sshrl.u32 s20, $0x3;
	[dreg:$0x9] =	wrdreg s12  }
.Ltmp0:
0x15: {  	s19 =	simm.s32 $0x1;
	[dreg:$0x5] =	wrdreg s9;
	(pc) =	sbr.rel .LBB2_1-.Ltmp0, $4  }
0x16: {  	s20 =	simm.s32 $0x100;
	s0 =	sadd.s32 s5, s0;
	[dreg:$0x8] =	wrdreg s24  }
0x17: {  	s9 =	sor.u32 $0x1C03, s21;
	s21 =	simm.s32 $0x2;
	[dreg:$0xa] =	wrdreg s7  }
0x18: {  	s24 =	simm.s32 $0x500;
	s0 =	sadd.s32 $0x40800, s0;
	[dreg:$0x6] =	wrdreg s9  }
0x19: {  	s5 =	simm.s32 $0x780;
	[dreg:$0x7] =	wrdreg s0;
	s0 =	simm.s32 $0x380  }
.LBB2_7:
0x1a: {  	s6 =	sadd.s32 s8, s10;
	[sflag:s14] =	ssyncadd.s32 $0xFFFFC000  }
0x1b: {  	[tilespmem:s4], [sflag:$0x3] =	stream.linear.gather [hbm4b:s6+s4], $0x400, $0x38;
	[tilespmem:$0x1C800] =	vst v63  }
0x1c: {  	_ =	swait.ge [sflag:s14], $0x400  }
0x1d: {  	[sflag:s14] =	ssyncset.done $0x0  }
0x1e: {  	s13 =	sadd.s32 s8, s12;
	[sflag:s14] =	ssyncadd.s32 $0xFFFFFC00  }
0x1f: {  	[tilespmem:s15], [sflag:$0x3] =	stream.linear.gather [hbm4b:s13+s4], $0x400, $0x38;
	[tilespmem:$0x1C800] =	vst v63  }
0x20: {  	_ =	swait.ge [sflag:s14], $0x400  }
0x21: {  	[sflag:s14] =	ssyncset.done $0x0  }
0x22: {  	[sflag:s14] =	ssyncadd.s32 $0xFFFFFC00  }
0x23: {  	[tilespmem:s17], [sflag:$0x1] =	stream.indirect.gather [hbm4b:s1+s16], $0x80, s4, s16, $0xb8;
	[tilespmem:$0x1C800] =	vst v63  }
0x24: {  	_ = 	snop  }
0x25: {  	[tilespmem:s18], [sflag:$0x2] =	stream.indirect.gather [hbm4b:s1+s16], $0x80, s16, s16, $0xb8;
	[tilespmem:$0x1C800] =	vst v63  }
0x26: {  	_ =	swait.ge [sflag:s19], $0x4000  }
0x27: {  	[sflag:s19] =	ssyncset.done $0x0  }
0x28: {  	[sflag:s19] =	ssyncadd.s32 $0xFFFFC000  }
0x29: {  	[spmem:s3] =	stream.indirect.scatter.add.f32 [tilespmem:s17], [sflag:$0x3], $0x80, s15, s16, $0xb8;
	[tilespmem:$0x1C800] =	vst v63  }
0x2a: {  	_ =	swait.ge [sflag:s14], $0x4000  }
0x2b: {  	[sflag:s14] =	ssyncset.done $0x0  }
0x2c: {  	[sflag:s14] =	ssyncadd.s32 $0xFFFFC000  }
0x2d: {  	[tilespmem:s17], [sflag:$0x1] =	stream.indirect.gather [hbm4b:s1+s16], $0x80, s20, s16, $0xb8;
	[tilespmem:$0x1C800] =	vst v63  }
0x2e: {  	_ =	swait.ge [sflag:s21], $0x4000  }
0x2f: {  	[sflag:s21] =	ssyncset.done $0x0  }
0x30: {  	[sflag:s21] =	ssyncadd.s32 $0xFFFFC000  }
0x31: {  	[spmem:s3] =	stream.indirect.scatter.add.f32 [tilespmem:s18], [sflag:$0x3], $0x80, s22, s16, $0xb8;
	[tilespmem:$0x1C800] =	vst v63  }
0x32: {  	_ =	swait.ge [sflag:s14], $0x4000  }
0x33: {  	[sflag:s14] =	ssyncset.done $0x0  }
0x34: {  	[sflag:s14] =	ssyncadd.s32 $0xFFFFC000  }
0x35: {  	[tilespmem:s18], [sflag:$0x2] =	stream.indirect.gather [hbm4b:s1+s16], $0x80, s23, s16, $0xb8;
	[tilespmem:$0x1C800] =	vst v63  }
0x36: {  	_ =	swait.ge [sflag:s19], $0x4000  }
0x37: {  	[sflag:s19] =	ssyncset.done $0x0  }
0x38: {  	[sflag:s19] =	ssyncadd.s32 $0xFFFFC000  }
0x39: {  	[spmem:s3] =	stream.indirect.scatter.add.f32 [tilespmem:s17], [sflag:$0x3], $0x80, s24, s16, $0xb8;
	[tilespmem:$0x1C800] =	vst v63  }
0x3a: {  	_ =	swait.ge [sflag:s14], $0x4000  }
0x3b: {  	[sflag:s14] =	ssyncset.done $0x0  }
0x3c: {  	[sflag:s14] =	ssyncadd.s32 $0xFFFFC000  }
0x3d: {  	[tilespmem:s17], [sflag:$0x1] =	stream.indirect.gather [hbm4b:s1+s16], $0x80, s25, s16, $0xb8;
	[tilespmem:$0x1C800] =	vst v63  }
0x3e: {  	_ =	swait.ge [sflag:s21], $0x4000  }
0x3f: {  	[sflag:s21] =	ssyncset.done $0x0  }
0x40: {  	[sflag:s21] =	ssyncadd.s32 $0xFFFFC000  }
0x41: {  	[spmem:s3] =	stream.indirect.scatter.add.f32 [tilespmem:s18], [sflag:$0x3], $0x80, s26, s16, $0xb8;
	[tilespmem:$0x1C800] =	vst v63  }
0x42: {  	_ =	swait.ge [sflag:s14], $0x4000  }
0x43: {  	[sflag:s14] =	ssyncset.done $0x0  }
0x44: {  	[sflag:s14] =	ssyncadd.s32 $0xFFFFC000  }
0x45: {  	[tilespmem:s18], [sflag:$0x2] =	stream.indirect.gather [hbm4b:s1+s16], $0x80, s28, s16, $0xb8;
	[tilespmem:$0x1C800] =	vst v63  }
0x46: {  	_ =	swait.ge [sflag:s19], $0x4000  }
0x47: {  	[sflag:s19] =	ssyncset.done $0x0  }
0x48: {  	[sflag:s19] =	ssyncadd.s32 $0xFFFFC000  }
0x49: {  	[spmem:s3] =	stream.indirect.scatter.add.f32 [tilespmem:s17], [sflag:$0x3], $0x80, s29, s16, $0xb8;
	[tilespmem:$0x1C800] =	vst v63  }
0x4a: {  	_ =	swait.ge [sflag:s14], $0x4000  }
0x4b: {  	[sflag:s14] =	ssyncset.done $0x0  }
0x4c: {  	[sflag:s14] =	ssyncadd.s32 $0xFFFFC000  }
0x4d: {  	[tilespmem:s17], [sflag:$0x1] =	stream.indirect.gather [hbm4b:s1+s16], $0x80, s30, s16, $0xb8;
	[tilespmem:$0x1C800] =	vst v63  }
0x4e: {  	_ =	swait.ge [sflag:s21], $0x4000  }
0x4f: {  	[sflag:s21] =	ssyncset.done $0x0  }
0x50: {  	[sflag:s21] =	ssyncadd.s32 $0xFFFFC000  }
0x51: {  	[spmem:s3] =	stream.indirect.scatter.add.f32 [tilespmem:s18], [sflag:$0x3], $0x80, s31, s16, $0xb8;
	[tilespmem:$0x1C800] =	vst v63  }
0x52: {  	_ =	swait.ge [sflag:s14], $0x4000  }
0x53: {  	[sflag:s14] =	ssyncset.done $0x0  }
0x54: {  	[sflag:s14] =	ssyncadd.s32 $0xFFFFC000  }
0x55: {  	[tilespmem:s18], [sflag:$0x2] =	stream.indirect.gather [hbm4b:s1+s16], $0x80, s0, s16, $0xb8;
	[tilespmem:$0x1C800] =	vst v63  }
0x56: {  	_ =	swait.ge [sflag:s19], $0x4000  }
0x57: {  	[sflag:s19] =	ssyncset.done $0x0  }
0x58: {  	[sflag:s19] =	ssyncadd.s32 $0xFFFFC000  }
0x59: {  	[spmem:s3] =	stream.indirect.scatter.add.f32 [tilespmem:s17], [sflag:$0x3], $0x80, s2, s16, $0xb8;
	[tilespmem:$0x1C800] =	vst v63  }
0x5a: {  	_ =	swait.ge [sflag:s14], $0x4000  }
0x5b: {  	[sflag:s14] =	ssyncset.done $0x0  }
0x5c: {  	[sflag:s14] =	ssyncadd.s32 $0xFFFFC000  }
0x5d: {  	_ =	swait.ge [sflag:s21], $0x4000  }
0x5e: {  	[sflag:s21] =	ssyncset.done $0x0  }
0x5f: {  	[sflag:s21] =	ssyncadd.s32 $0xFFFFC000  }
0x60: {  	[spmem:s3] =	stream.indirect.scatter.add.f32 [tilespmem:s18], [sflag:$0x3], $0x80, s5, s16, $0xb8;
	[tilespmem:$0x1C800] =	vst v63  }
0x61: {  	_ =	swait.ge [sflag:s14], $0x4000  }
0x62: {  	[sflag:s14] =	ssyncset.done $0x0  }
0x63: {  	s13 =	smov.u32 s11;
	s8 =	rddreg [dreg:$0xb];
	[sflag:s14] =	ssyncadd.s32 $0xFFFFC000  }
.LBB2_8:
0x64: {  	[bflag:$0x0] =	sbarrier.arrive $0xFFFF  }
0x65: {  	s9 =	rddreg [dreg:$0x6]  }
0x66: {  	s6 =	rddreg [dreg:$0x7]  }
0x67: {  	s7 =	rddreg [dreg:$0xa]  }
0x68: {  	[hbm:s6], [sflag:s9] =	dma.local [spmem:s7], $0x2800  }
0x69: {  	_ =	swait.ge [sflag:s14], $0x2800  }
0x6a: {  	s8 =	sadd.s32 $0x1, s8;
	s6 =	rddreg [dreg:$0x8]  }
0x6b: {  	p1 =	sne.s32 s8, s6  }
.Ltmp1:
0x6c: {  	_ = 	snop;
	(pc) =	sbr.rel @!p1 .LBB2_9-.Ltmp1, $3  }
0x6d: {  	_ =	sdelay $0x1  }
0x6e: {  	[sflag:s14] =	ssyncset.done $0x0  }
0x6f: {  	[sflag:s14] =	ssyncadd.s32 $0xFFFFD800  }
.LBB2_1:
0x70: {  	[dreg:$0xb] =	wrdreg s8  }
0x71: {  	s6 =	rddreg [dreg:$0x5]  }
0x72: {  	[spmem:s7], [sflag:s9] =	dma.local [hbm:s6], $0x2800  }
.Ltmp2:
0x73: {  	_ =	swait.ge [sflag:s14], $0x2800;
	(pc) =	sbr.rel @!p0 .LBB2_2-.Ltmp2, $3  }
0x74: {  	[sflag:s14] =	ssyncset.done $0x0  }
0x75: {  	[sflag:s14] =	ssyncadd.s32 $0xFFFFD800  }
0x76: {  	[bflag:$0x0] =	sbarrier.arrive $0xFFFF;
	_ =	sdelay $0x1  }
0x77: {  	s6 =	sadd.s32 $0x0, s10  }
0x78: {  	[tilespmem:s4], [sflag:$0x3] =	stream.linear.gather [hbm4b:s6+s4], $0x400, $0x38;
	[tilespmem:$0x1C800] =	vst v63  }
0x79: {  	_ =	swait.ge [sflag:s14], $0x400  }
0x7a: {  	[sflag:s14] =	ssyncset.done $0x0  }
0x7b: {  	s13 =	sadd.s32 $0x0, s12;
	[sflag:s14] =	ssyncadd.s32 $0xFFFFFC00  }
0x7c: {  	[tilespmem:s15], [sflag:$0x3] =	stream.linear.gather [hbm4b:s13+s4], $0x400, $0x38;
	[tilespmem:$0x1C800] =	vst v63  }
0x7d: {  	_ =	swait.ge [sflag:s14], $0x400  }
0x7e: {  	[sflag:s14] =	ssyncset.done $0x0  }
0x7f: {  	[sflag:s14] =	ssyncadd.s32 $0xFFFFFC00  }
0x80: {  	[tilespmem:s17], [sflag:$0x1] =	stream.indirect.gather [hbm4b:s1+s16], $0x80, s4, s16, $0xb8;
	[tilespmem:$0x1C800] =	vst v63  }
0x81: {  	_ = 	snop  }
0x82: {  	[tilespmem:s18], [sflag:$0x2] =	stream.indirect.gather [hbm4b:s1+s16], $0x80, s16, s16, $0xb8;
	[tilespmem:$0x1C800] =	vst v63  }
0x83: {  	_ =	swait.ge [sflag:s19], $0x4000  }
0x84: {  	[sflag:s19] =	ssyncset.done $0x0  }
0x85: {  	[sflag:s19] =	ssyncadd.s32 $0xFFFFC000  }
0x86: {  	[spmem:s3] =	stream.indirect.scatter.add.f32 [tilespmem:s17], [sflag:$0x3], $0x80, s15, s16, $0xb8;
	[tilespmem:$0x1C800] =	vst v63  }
0x87: {  	_ =	swait.ge [sflag:s14], $0x4000  }
0x88: {  	[sflag:s14] =	ssyncset.done $0x0  }
0x89: {  	[sflag:s14] =	ssyncadd.s32 $0xFFFFC000  }
0x8a: {  	[tilespmem:s17], [sflag:$0x1] =	stream.indirect.gather [hbm4b:s1+s16], $0x80, s20, s16, $0xb8;
	[tilespmem:$0x1C800] =	vst v63  }
0x8b: {  	_ =	swait.ge [sflag:s21], $0x4000  }
0x8c: {  	[sflag:s21] =	ssyncset.done $0x0  }
0x8d: {  	[sflag:s21] =	ssyncadd.s32 $0xFFFFC000  }
0x8e: {  	[spmem:s3] =	stream.indirect.scatter.add.f32 [tilespmem:s18], [sflag:$0x3], $0x80, s22, s16, $0xb8;
	[tilespmem:$0x1C800] =	vst v63  }
0x8f: {  	_ =	swait.ge [sflag:s14], $0x4000  }
0x90: {  	[sflag:s14] =	ssyncset.done $0x0  }
0x91: {  	[sflag:s14] =	ssyncadd.s32 $0xFFFFC000  }
0x92: {  	[tilespmem:s18], [sflag:$0x2] =	stream.indirect.gather [hbm4b:s1+s16], $0x80, s23, s16, $0xb8;
	[tilespmem:$0x1C800] =	vst v63  }
0x93: {  	_ =	swait.ge [sflag:s19], $0x4000  }
0x94: {  	[sflag:s19] =	ssyncset.done $0x0  }
0x95: {  	[sflag:s19] =	ssyncadd.s32 $0xFFFFC000  }
0x96: {  	[spmem:s3] =	stream.indirect.scatter.add.f32 [tilespmem:s17], [sflag:$0x3], $0x80, s24, s16, $0xb8;
	[tilespmem:$0x1C800] =	vst v63  }
0x97: {  	_ =	swait.ge [sflag:s14], $0x4000  }
0x98: {  	[sflag:s14] =	ssyncset.done $0x0  }
0x99: {  	[sflag:s14] =	ssyncadd.s32 $0xFFFFC000  }
0x9a: {  	[tilespmem:s17], [sflag:$0x1] =	stream.indirect.gather [hbm4b:s1+s16], $0x80, s25, s16, $0xb8;
	[tilespmem:$0x1C800] =	vst v63  }
0x9b: {  	_ =	swait.ge [sflag:s21], $0x4000  }
0x9c: {  	[sflag:s21] =	ssyncset.done $0x0  }
0x9d: {  	[sflag:s21] =	ssyncadd.s32 $0xFFFFC000  }
0x9e: {  	[spmem:s3] =	stream.indirect.scatter.add.f32 [tilespmem:s18], [sflag:$0x3], $0x80, s26, s16, $0xb8;
	[tilespmem:$0x1C800] =	vst v63  }
0x9f: {  	_ =	swait.ge [sflag:s14], $0x4000  }
0xa0: {  	[sflag:s14] =	ssyncset.done $0x0  }
0xa1: {  	[sflag:s14] =	ssyncadd.s32 $0xFFFFC000  }
0xa2: {  	[tilespmem:s18], [sflag:$0x2] =	stream.indirect.gather [hbm4b:s1+s16], $0x80, s28, s16, $0xb8;
	[tilespmem:$0x1C800] =	vst v63  }
0xa3: {  	_ =	swait.ge [sflag:s19], $0x4000  }
0xa4: {  	[sflag:s19] =	ssyncset.done $0x0  }
0xa5: {  	[sflag:s19] =	ssyncadd.s32 $0xFFFFC000  }
0xa6: {  	[spmem:s3] =	stream.indirect.scatter.add.f32 [tilespmem:s17], [sflag:$0x3], $0x80, s29, s16, $0xb8;
	[tilespmem:$0x1C800] =	vst v63  }
0xa7: {  	_ =	swait.ge [sflag:s14], $0x4000  }
0xa8: {  	[sflag:s14] =	ssyncset.done $0x0  }
0xa9: {  	[sflag:s14] =	ssyncadd.s32 $0xFFFFC000  }
0xaa: {  	[tilespmem:s17], [sflag:$0x1] =	stream.indirect.gather [hbm4b:s1+s16], $0x80, s30, s16, $0xb8;
	[tilespmem:$0x1C800] =	vst v63  }
0xab: {  	_ =	swait.ge [sflag:s21], $0x4000  }
0xac: {  	[sflag:s21] =	ssyncset.done $0x0  }
0xad: {  	[sflag:s21] =	ssyncadd.s32 $0xFFFFC000  }
0xae: {  	[spmem:s3] =	stream.indirect.scatter.add.f32 [tilespmem:s18], [sflag:$0x3], $0x80, s31, s16, $0xb8;
	[tilespmem:$0x1C800] =	vst v63  }
0xaf: {  	_ =	swait.ge [sflag:s14], $0x4000  }
0xb0: {  	[sflag:s14] =	ssyncset.done $0x0  }
0xb1: {  	[sflag:s14] =	ssyncadd.s32 $0xFFFFC000  }
0xb2: {  	[tilespmem:s18], [sflag:$0x2] =	stream.indirect.gather [hbm4b:s1+s16], $0x80, s0, s16, $0xb8;
	[tilespmem:$0x1C800] =	vst v63  }
0xb3: {  	_ =	swait.ge [sflag:s19], $0x4000  }
0xb4: {  	[sflag:s19] =	ssyncset.done $0x0  }
0xb5: {  	[sflag:s19] =	ssyncadd.s32 $0xFFFFC000  }
0xb6: {  	[spmem:s3] =	stream.indirect.scatter.add.f32 [tilespmem:s17], [sflag:$0x3], $0x80, s2, s16, $0xb8;
	[tilespmem:$0x1C800] =	vst v63  }
0xb7: {  	_ =	swait.ge [sflag:s14], $0x4000  }
0xb8: {  	[sflag:s14] =	ssyncset.done $0x0  }
0xb9: {  	[sflag:s14] =	ssyncadd.s32 $0xFFFFC000  }
0xba: {  	_ =	swait.ge [sflag:s21], $0x4000  }
0xbb: {  	[sflag:s21] =	ssyncset.done $0x0  }
0xbc: {  	[sflag:s21] =	ssyncadd.s32 $0xFFFFC000  }
0xbd: {  	[spmem:s3] =	stream.indirect.scatter.add.f32 [tilespmem:s18], [sflag:$0x3], $0x80, s5, s16, $0xb8;
	[tilespmem:$0x1C800] =	vst v63  }
0xbe: {  	_ =	swait.ge [sflag:s14], $0x4000  }
0xbf: {  	s8 =	simm.s32 $0x80;
	s13 =	simm.s32 $0x100;
	[sflag:s14] =	ssyncset.done $0x0  }
.LBB2_6:
0xc0: {  	s7 =	sadd.s32 s8, s10  }
0xc1: {  	[sflag:s14] =	ssyncadd.s32 $0xFFFFC000;
	s9 =	smov.u32 s13;
	s6 =	sadd.s32 $0x80, s13  }
0xc2: {  	[tilespmem:s4], [sflag:$0x3] =	stream.linear.gather [hbm4b:s7+s4], $0x400, $0x38;
	[tilespmem:$0x1C800] =	vst v63  }
0xc3: {  	p1 =	sne.s32 s13, $0x200;
	_ =	swait.ge [sflag:s14], $0x400  }
0xc4: {  	[sflag:s14] =	ssyncset.done $0x0  }
0xc5: {  	s7 =	sadd.s32 s8, s12;
	s8 =	smov.u32 s9;
	[sflag:s14] =	ssyncadd.s32 $0xFFFFFC00  }
0xc6: {  	[tilespmem:s15], [sflag:$0x3] =	stream.linear.gather [hbm4b:s7+s4], $0x400, $0x38;
	[tilespmem:$0x1C800] =	vst v63  }
0xc7: {  	_ =	swait.ge [sflag:s14], $0x400  }
0xc8: {  	[sflag:s14] =	ssyncset.done $0x0  }
0xc9: {  	[sflag:s14] =	ssyncadd.s32 $0xFFFFFC00  }
0xca: {  	[tilespmem:s17], [sflag:$0x1] =	stream.indirect.gather [hbm4b:s1+s16], $0x80, s4, s16, $0xb8;
	[tilespmem:$0x1C800] =	vst v63  }
0xcb: {  	_ = 	snop  }
0xcc: {  	[tilespmem:s18], [sflag:$0x2] =	stream.indirect.gather [hbm4b:s1+s16], $0x80, s16, s16, $0xb8;
	[tilespmem:$0x1C800] =	vst v63  }
0xcd: {  	_ =	swait.ge [sflag:s19], $0x4000  }
0xce: {  	[sflag:s19] =	ssyncset.done $0x0  }
0xcf: {  	[sflag:s19] =	ssyncadd.s32 $0xFFFFC000  }
0xd0: {  	[spmem:s3] =	stream.indirect.scatter.add.f32 [tilespmem:s17], [sflag:$0x3], $0x80, s15, s16, $0xb8;
	[tilespmem:$0x1C800] =	vst v63  }
0xd1: {  	_ =	swait.ge [sflag:s14], $0x4000  }
0xd2: {  	[sflag:s14] =	ssyncset.done $0x0  }
0xd3: {  	[sflag:s14] =	ssyncadd.s32 $0xFFFFC000  }
0xd4: {  	[tilespmem:s17], [sflag:$0x1] =	stream.indirect.gather [hbm4b:s1+s16], $0x80, s20, s16, $0xb8;
	[tilespmem:$0x1C800] =	vst v63  }
0xd5: {  	_ =	swait.ge [sflag:s21], $0x4000  }
0xd6: {  	[sflag:s21] =	ssyncset.done $0x0  }
0xd7: {  	[sflag:s21] =	ssyncadd.s32 $0xFFFFC000  }
0xd8: {  	[spmem:s3] =	stream.indirect.scatter.add.f32 [tilespmem:s18], [sflag:$0x3], $0x80, s22, s16, $0xb8;
	[tilespmem:$0x1C800] =	vst v63  }
0xd9: {  	_ =	swait.ge [sflag:s14], $0x4000  }
0xda: {  	[sflag:s14] =	ssyncset.done $0x0  }
0xdb: {  	[sflag:s14] =	ssyncadd.s32 $0xFFFFC000  }
0xdc: {  	[tilespmem:s18], [sflag:$0x2] =	stream.indirect.gather [hbm4b:s1+s16], $0x80, s23, s16, $0xb8;
	[tilespmem:$0x1C800] =	vst v63  }
0xdd: {  	_ =	swait.ge [sflag:s19], $0x4000  }
0xde: {  	[sflag:s19] =	ssyncset.done $0x0  }
0xdf: {  	[sflag:s19] =	ssyncadd.s32 $0xFFFFC000  }
0xe0: {  	[spmem:s3] =	stream.indirect.scatter.add.f32 [tilespmem:s17], [sflag:$0x3], $0x80, s24, s16, $0xb8;
	[tilespmem:$0x1C800] =	vst v63  }
0xe1: {  	_ =	swait.ge [sflag:s14], $0x4000  }
0xe2: {  	[sflag:s14] =	ssyncset.done $0x0  }
0xe3: {  	[sflag:s14] =	ssyncadd.s32 $0xFFFFC000  }
0xe4: {  	[tilespmem:s17], [sflag:$0x1] =	stream.indirect.gather [hbm4b:s1+s16], $0x80, s25, s16, $0xb8;
	[tilespmem:$0x1C800] =	vst v63  }
0xe5: {  	_ =	swait.ge [sflag:s21], $0x4000  }
0xe6: {  	[sflag:s21] =	ssyncset.done $0x0  }
0xe7: {  	[sflag:s21] =	ssyncadd.s32 $0xFFFFC000  }
0xe8: {  	[spmem:s3] =	stream.indirect.scatter.add.f32 [tilespmem:s18], [sflag:$0x3], $0x80, s26, s16, $0xb8;
	[tilespmem:$0x1C800] =	vst v63  }
0xe9: {  	_ =	swait.ge [sflag:s14], $0x4000  }
0xea: {  	[sflag:s14] =	ssyncset.done $0x0  }
0xeb: {  	[sflag:s14] =	ssyncadd.s32 $0xFFFFC000  }
0xec: {  	[tilespmem:s18], [sflag:$0x2] =	stream.indirect.gather [hbm4b:s1+s16], $0x80, s28, s16, $0xb8;
	[tilespmem:$0x1C800] =	vst v63  }
0xed: {  	_ =	swait.ge [sflag:s19], $0x4000  }
0xee: {  	[sflag:s19] =	ssyncset.done $0x0  }
0xef: {  	[sflag:s19] =	ssyncadd.s32 $0xFFFFC000  }
0xf0: {  	[spmem:s3] =	stream.indirect.scatter.add.f32 [tilespmem:s17], [sflag:$0x3], $0x80, s29, s16, $0xb8;
	[tilespmem:$0x1C800] =	vst v63  }
0xf1: {  	_ =	swait.ge [sflag:s14], $0x4000  }
0xf2: {  	[sflag:s14] =	ssyncset.done $0x0  }
0xf3: {  	[sflag:s14] =	ssyncadd.s32 $0xFFFFC000  }
0xf4: {  	[tilespmem:s17], [sflag:$0x1] =	stream.indirect.gather [hbm4b:s1+s16], $0x80, s30, s16, $0xb8;
	[tilespmem:$0x1C800] =	vst v63  }
0xf5: {  	_ =	swait.ge [sflag:s21], $0x4000  }
0xf6: {  	[sflag:s21] =	ssyncset.done $0x0  }
0xf7: {  	[sflag:s21] =	ssyncadd.s32 $0xFFFFC000  }
0xf8: {  	[spmem:s3] =	stream.indirect.scatter.add.f32 [tilespmem:s18], [sflag:$0x3], $0x80, s31, s16, $0xb8;
	[tilespmem:$0x1C800] =	vst v63  }
0xf9: {  	_ =	swait.ge [sflag:s14], $0x4000  }
0xfa: {  	[sflag:s14] =	ssyncset.done $0x0  }
0xfb: {  	[sflag:s14] =	ssyncadd.s32 $0xFFFFC000  }
0xfc: {  	[tilespmem:s18], [sflag:$0x2] =	stream.indirect.gather [hbm4b:s1+s16], $0x80, s0, s16, $0xb8;
	[tilespmem:$0x1C800] =	vst v63  }
0xfd: {  	_ =	swait.ge [sflag:s19], $0x4000  }
0xfe: {  	[sflag:s19] =	ssyncset.done $0x0  }
0xff: {  	[sflag:s19] =	ssyncadd.s32 $0xFFFFC000  }
0x100: {  	[spmem:s3] =	stream.indirect.scatter.add.f32 [tilespmem:s17], [sflag:$0x3], $0x80, s2, s16, $0xb8;
	[tilespmem:$0x1C800] =	vst v63  }
0x101: {  	_ =	swait.ge [sflag:s14], $0x4000  }
0x102: {  	[sflag:s14] =	ssyncset.done $0x0  }
0x103: {  	[sflag:s14] =	ssyncadd.s32 $0xFFFFC000  }
0x104: {  	_ =	swait.ge [sflag:s21], $0x4000  }
.Ltmp3:
0x105: {  	[sflag:s21] =	ssyncset.done $0x0;
	(pc) =	sbr.rel @p1 .LBB2_6-.Ltmp3, $4  }
0x106: {  	[sflag:s21] =	ssyncadd.s32 $0xFFFFC000  }
0x107: {  	[spmem:s3] =	stream.indirect.scatter.add.f32 [tilespmem:s18], [sflag:$0x3], $0x80, s5, s16, $0xb8;
	[tilespmem:$0x1C800] =	vst v63  }
0x108: {  	_ =	swait.ge [sflag:s14], $0x4000  }
0x109: {  	s13 =	smov.u32 s6;
	[sflag:s14] =	ssyncset.done $0x0  }
.Ltmp4:
0x10a: {  	_ = 	snop;
	(pc) =	sbr.rel .LBB2_7-.Ltmp4, $1  }
0x10b: {  	_ =	sdelay $0x3  }
.LBB2_2:
0x10c: {  	s6 =	sadd.s32 $0x0, s13  }
0x10d: {  	[tilespmem:s4], [sflag:$0x3] =	stream.linear.gather [hbm4b:s6+s4], $0x400, $0x38;
	[tilespmem:$0x1C800] =	vst v63  }
0x10e: {  	_ =	swait.ge [sflag:s14], $0x400  }
0x10f: {  	[sflag:s14] =	ssyncset.done $0x0;
	s12 =	rddreg [dreg:$0x4]  }
0x110: {  	[sflag:s14] =	ssyncadd.s32 $0xFFFFFC00;
	s6 =	sadd.s32 $0x0, s12  }
0x111: {  	[tilespmem:s15], [sflag:$0x3] =	stream.linear.gather [hbm4b:s6+s4], $0x400, $0x38;
	[tilespmem:$0x1C800] =	vst v63  }
0x112: {  	_ =	swait.ge [sflag:s14], $0x400  }
0x113: {  	[sflag:s14] =	ssyncset.done $0x0  }
0x114: {  	[sflag:s14] =	ssyncadd.s32 $0xFFFFFC00  }
0x115: {  	[tilespmem:s17], [sflag:$0x1] =	stream.indirect.gather [hbm4b:s1+s16], $0x80, s4, s16, $0xb8;
	[tilespmem:$0x1C800] =	vst v63  }
0x116: {  	_ = 	snop  }
0x117: {  	[tilespmem:s18], [sflag:$0x2] =	stream.indirect.gather [hbm4b:s1+s16], $0x80, s16, s16, $0xb8;
	[tilespmem:$0x1C800] =	vst v63  }
0x118: {  	_ =	swait.ge [sflag:s19], $0x4000  }
0x119: {  	[sflag:s19] =	ssyncset.done $0x0  }
0x11a: {  	[sflag:s19] =	ssyncadd.s32 $0xFFFFC000  }
0x11b: {  	[spmem:s3] =	stream.indirect.scatter.add.f32 [tilespmem:s17], [sflag:$0x3], $0x80, s15, s16, $0xb8;
	[tilespmem:$0x1C800] =	vst v63  }
0x11c: {  	_ =	swait.ge [sflag:s14], $0x4000  }
0x11d: {  	[sflag:s14] =	ssyncset.done $0x0  }
0x11e: {  	[sflag:s14] =	ssyncadd.s32 $0xFFFFC000  }
0x11f: {  	[tilespmem:s17], [sflag:$0x1] =	stream.indirect.gather [hbm4b:s1+s16], $0x80, s20, s16, $0xb8;
	[tilespmem:$0x1C800] =	vst v63  }
0x120: {  	_ =	swait.ge [sflag:s21], $0x4000  }
0x121: {  	[sflag:s21] =	ssyncset.done $0x0  }
0x122: {  	[sflag:s21] =	ssyncadd.s32 $0xFFFFC000  }
0x123: {  	[spmem:s3] =	stream.indirect.scatter.add.f32 [tilespmem:s18], [sflag:$0x3], $0x80, s22, s16, $0xb8;
	[tilespmem:$0x1C800] =	vst v63  }
0x124: {  	_ =	swait.ge [sflag:s14], $0x4000  }
0x125: {  	[sflag:s14] =	ssyncset.done $0x0  }
0x126: {  	[sflag:s14] =	ssyncadd.s32 $0xFFFFC000  }
0x127: {  	[tilespmem:s18], [sflag:$0x2] =	stream.indirect.gather [hbm4b:s1+s16], $0x80, s23, s16, $0xb8;
	[tilespmem:$0x1C800] =	vst v63  }
0x128: {  	_ =	swait.ge [sflag:s19], $0x4000  }
0x129: {  	[sflag:s19] =	ssyncset.done $0x0  }
0x12a: {  	[sflag:s19] =	ssyncadd.s32 $0xFFFFC000  }
0x12b: {  	[spmem:s3] =	stream.indirect.scatter.add.f32 [tilespmem:s17], [sflag:$0x3], $0x80, s24, s16, $0xb8;
	[tilespmem:$0x1C800] =	vst v63  }
0x12c: {  	_ =	swait.ge [sflag:s14], $0x4000  }
0x12d: {  	[sflag:s14] =	ssyncset.done $0x0  }
0x12e: {  	[sflag:s14] =	ssyncadd.s32 $0xFFFFC000  }
0x12f: {  	[tilespmem:s17], [sflag:$0x1] =	stream.indirect.gather [hbm4b:s1+s16], $0x80, s25, s16, $0xb8;
	[tilespmem:$0x1C800] =	vst v63  }
0x130: {  	_ =	swait.ge [sflag:s21], $0x4000  }
0x131: {  	[sflag:s21] =	ssyncset.done $0x0  }
0x132: {  	[sflag:s21] =	ssyncadd.s32 $0xFFFFC000  }
0x133: {  	[spmem:s3] =	stream.indirect.scatter.add.f32 [tilespmem:s18], [sflag:$0x3], $0x80, s26, s16, $0xb8;
	[tilespmem:$0x1C800] =	vst v63  }
0x134: {  	_ =	swait.ge [sflag:s14], $0x4000  }
0x135: {  	[sflag:s14] =	ssyncset.done $0x0  }
0x136: {  	[sflag:s14] =	ssyncadd.s32 $0xFFFFC000  }
0x137: {  	[tilespmem:s18], [sflag:$0x2] =	stream.indirect.gather [hbm4b:s1+s16], $0x80, s28, s16, $0xb8;
	[tilespmem:$0x1C800] =	vst v63  }
0x138: {  	_ =	swait.ge [sflag:s19], $0x4000  }
0x139: {  	[sflag:s19] =	ssyncset.done $0x0  }
0x13a: {  	[sflag:s19] =	ssyncadd.s32 $0xFFFFC000  }
0x13b: {  	[spmem:s3] =	stream.indirect.scatter.add.f32 [tilespmem:s17], [sflag:$0x3], $0x80, s29, s16, $0xb8;
	[tilespmem:$0x1C800] =	vst v63  }
0x13c: {  	_ =	swait.ge [sflag:s14], $0x4000  }
0x13d: {  	[sflag:s14] =	ssyncset.done $0x0  }
0x13e: {  	[sflag:s14] =	ssyncadd.s32 $0xFFFFC000  }
0x13f: {  	[tilespmem:s17], [sflag:$0x1] =	stream.indirect.gather [hbm4b:s1+s16], $0x80, s30, s16, $0xb8;
	[tilespmem:$0x1C800] =	vst v63  }
0x140: {  	_ =	swait.ge [sflag:s21], $0x4000  }
0x141: {  	[sflag:s21] =	ssyncset.done $0x0  }
0x142: {  	[sflag:s21] =	ssyncadd.s32 $0xFFFFC000  }
0x143: {  	[spmem:s3] =	stream.indirect.scatter.add.f32 [tilespmem:s18], [sflag:$0x3], $0x80, s31, s16, $0xb8;
	[tilespmem:$0x1C800] =	vst v63  }
0x144: {  	_ =	swait.ge [sflag:s14], $0x4000  }
0x145: {  	[sflag:s14] =	ssyncset.done $0x0  }
0x146: {  	[sflag:s14] =	ssyncadd.s32 $0xFFFFC000  }
0x147: {  	[tilespmem:s18], [sflag:$0x2] =	stream.indirect.gather [hbm4b:s1+s16], $0x80, s0, s16, $0xb8;
	[tilespmem:$0x1C800] =	vst v63  }
0x148: {  	_ =	swait.ge [sflag:s19], $0x4000  }
0x149: {  	[sflag:s19] =	ssyncset.done $0x0  }
0x14a: {  	[sflag:s19] =	ssyncadd.s32 $0xFFFFC000  }
0x14b: {  	[spmem:s3] =	stream.indirect.scatter.add.f32 [tilespmem:s17], [sflag:$0x3], $0x80, s2, s16, $0xb8;
	[tilespmem:$0x1C800] =	vst v63  }
0x14c: {  	_ =	swait.ge [sflag:s14], $0x4000  }
0x14d: {  	[sflag:s14] =	ssyncset.done $0x0  }
0x14e: {  	[sflag:s14] =	ssyncadd.s32 $0xFFFFC000  }
0x14f: {  	_ =	swait.ge [sflag:s21], $0x4000  }
0x150: {  	[sflag:s21] =	ssyncset.done $0x0  }
0x151: {  	[sflag:s21] =	ssyncadd.s32 $0xFFFFC000  }
0x152: {  	[spmem:s3] =	stream.indirect.scatter.add.f32 [tilespmem:s18], [sflag:$0x3], $0x80, s5, s16, $0xb8;
	[tilespmem:$0x1C800] =	vst v63  }
0x153: {  	_ =	swait.ge [sflag:s14], $0x4000  }
0x154: {  	s8 =	simm.s32 $0x80;
	s6 =	simm.s32 $0x100;
	[sflag:s14] =	ssyncset.done $0x0  }
.LBB2_3:
0x155: {  	s7 =	sadd.s32 s8, s13;
	[sflag:s14] =	ssyncadd.s32 $0xFFFFC000  }
0x156: {  	[tilespmem:s4], [sflag:$0x3] =	stream.linear.gather [hbm4b:s7+s4], $0x400, $0x38;
	[tilespmem:$0x1C800] =	vst v63  }
0x157: {  	s7 =	rddreg [dreg:$0x4];
	_ =	swait.ge [sflag:s14], $0x400  }
0x158: {  	[sflag:s14] =	ssyncset.done $0x0  }
0x159: {  	s12 =	sadd.s32 s8, s7;
	[sflag:s14] =	ssyncadd.s32 $0xFFFFFC00  }
0x15a: {  	[tilespmem:s15], [sflag:$0x3] =	stream.linear.gather [hbm4b:s12+s4], $0x400, $0x38;
	[tilespmem:$0x1C800] =	vst v63  }
0x15b: {  	_ =	swait.ge [sflag:s14], $0x400  }
0x15c: {  	[sflag:s14] =	ssyncset.done $0x0  }
0x15d: {  	[sflag:s14] =	ssyncadd.s32 $0xFFFFFC00  }
0x15e: {  	[tilespmem:s17], [sflag:$0x1] =	stream.indirect.gather [hbm4b:s1+s16], $0x80, s4, s16, $0xb8;
	[tilespmem:$0x1C800] =	vst v63  }
0x15f: {  	_ = 	snop  }
0x160: {  	[tilespmem:s18], [sflag:$0x2] =	stream.indirect.gather [hbm4b:s1+s16], $0x80, s16, s16, $0xb8;
	[tilespmem:$0x1C800] =	vst v63  }
0x161: {  	_ =	swait.ge [sflag:s19], $0x4000  }
0x162: {  	[sflag:s19] =	ssyncset.done $0x0  }
0x163: {  	[sflag:s19] =	ssyncadd.s32 $0xFFFFC000  }
0x164: {  	[spmem:s3] =	stream.indirect.scatter.add.f32 [tilespmem:s17], [sflag:$0x3], $0x80, s15, s16, $0xb8;
	[tilespmem:$0x1C800] =	vst v63  }
0x165: {  	_ =	swait.ge [sflag:s14], $0x4000  }
0x166: {  	[sflag:s14] =	ssyncset.done $0x0  }
0x167: {  	[sflag:s14] =	ssyncadd.s32 $0xFFFFC000  }
0x168: {  	[tilespmem:s17], [sflag:$0x1] =	stream.indirect.gather [hbm4b:s1+s16], $0x80, s20, s16, $0xb8;
	[tilespmem:$0x1C800] =	vst v63  }
0x169: {  	_ =	swait.ge [sflag:s21], $0x4000  }
0x16a: {  	[sflag:s21] =	ssyncset.done $0x0  }
0x16b: {  	[sflag:s21] =	ssyncadd.s32 $0xFFFFC000  }
0x16c: {  	[spmem:s3] =	stream.indirect.scatter.add.f32 [tilespmem:s18], [sflag:$0x3], $0x80, s22, s16, $0xb8;
	[tilespmem:$0x1C800] =	vst v63  }
0x16d: {  	_ =	swait.ge [sflag:s14], $0x4000  }
0x16e: {  	[sflag:s14] =	ssyncset.done $0x0  }
0x16f: {  	[sflag:s14] =	ssyncadd.s32 $0xFFFFC000  }
0x170: {  	[tilespmem:s18], [sflag:$0x2] =	stream.indirect.gather [hbm4b:s1+s16], $0x80, s23, s16, $0xb8;
	[tilespmem:$0x1C800] =	vst v63  }
0x171: {  	_ =	swait.ge [sflag:s19], $0x4000  }
0x172: {  	[sflag:s19] =	ssyncset.done $0x0  }
0x173: {  	[sflag:s19] =	ssyncadd.s32 $0xFFFFC000  }
0x174: {  	[spmem:s3] =	stream.indirect.scatter.add.f32 [tilespmem:s17], [sflag:$0x3], $0x80, s24, s16, $0xb8;
	[tilespmem:$0x1C800] =	vst v63  }
0x175: {  	_ =	swait.ge [sflag:s14], $0x4000  }
0x176: {  	[sflag:s14] =	ssyncset.done $0x0  }
0x177: {  	[sflag:s14] =	ssyncadd.s32 $0xFFFFC000  }
0x178: {  	[tilespmem:s17], [sflag:$0x1] =	stream.indirect.gather [hbm4b:s1+s16], $0x80, s25, s16, $0xb8;
	[tilespmem:$0x1C800] =	vst v63  }
0x179: {  	_ =	swait.ge [sflag:s21], $0x4000  }
0x17a: {  	[sflag:s21] =	ssyncset.done $0x0  }
0x17b: {  	[sflag:s21] =	ssyncadd.s32 $0xFFFFC000  }
0x17c: {  	[spmem:s3] =	stream.indirect.scatter.add.f32 [tilespmem:s18], [sflag:$0x3], $0x80, s26, s16, $0xb8;
	[tilespmem:$0x1C800] =	vst v63  }
0x17d: {  	_ =	swait.ge [sflag:s14], $0x4000  }
0x17e: {  	[sflag:s14] =	ssyncset.done $0x0  }
0x17f: {  	[sflag:s14] =	ssyncadd.s32 $0xFFFFC000  }
0x180: {  	[tilespmem:s18], [sflag:$0x2] =	stream.indirect.gather [hbm4b:s1+s16], $0x80, s28, s16, $0xb8;
	[tilespmem:$0x1C800] =	vst v63  }
0x181: {  	_ =	swait.ge [sflag:s19], $0x4000  }
0x182: {  	[sflag:s19] =	ssyncset.done $0x0  }
0x183: {  	[sflag:s19] =	ssyncadd.s32 $0xFFFFC000  }
0x184: {  	[spmem:s3] =	stream.indirect.scatter.add.f32 [tilespmem:s17], [sflag:$0x3], $0x80, s29, s16, $0xb8;
	[tilespmem:$0x1C800] =	vst v63  }
0x185: {  	_ =	swait.ge [sflag:s14], $0x4000  }
0x186: {  	[sflag:s14] =	ssyncset.done $0x0  }
0x187: {  	[sflag:s14] =	ssyncadd.s32 $0xFFFFC000  }
0x188: {  	[tilespmem:s17], [sflag:$0x1] =	stream.indirect.gather [hbm4b:s1+s16], $0x80, s30, s16, $0xb8;
	[tilespmem:$0x1C800] =	vst v63  }
0x189: {  	_ =	swait.ge [sflag:s21], $0x4000  }
0x18a: {  	[sflag:s21] =	ssyncset.done $0x0  }
0x18b: {  	[sflag:s21] =	ssyncadd.s32 $0xFFFFC000  }
0x18c: {  	[spmem:s3] =	stream.indirect.scatter.add.f32 [tilespmem:s18], [sflag:$0x3], $0x80, s31, s16, $0xb8;
	[tilespmem:$0x1C800] =	vst v63  }
0x18d: {  	_ =	swait.ge [sflag:s14], $0x4000  }
0x18e: {  	[sflag:s14] =	ssyncset.done $0x0  }
0x18f: {  	[sflag:s14] =	ssyncadd.s32 $0xFFFFC000  }
0x190: {  	[tilespmem:s18], [sflag:$0x2] =	stream.indirect.gather [hbm4b:s1+s16], $0x80, s0, s16, $0xb8;
	[tilespmem:$0x1C800] =	vst v63  }
0x191: {  	_ =	swait.ge [sflag:s19], $0x4000  }
0x192: {  	[sflag:s19] =	ssyncset.done $0x0  }
0x193: {  	[sflag:s19] =	ssyncadd.s32 $0xFFFFC000  }
0x194: {  	[spmem:s3] =	stream.indirect.scatter.add.f32 [tilespmem:s17], [sflag:$0x3], $0x80, s2, s16, $0xb8;
	[tilespmem:$0x1C800] =	vst v63  }
0x195: {  	_ =	swait.ge [sflag:s14], $0x4000  }
0x196: {  	[sflag:s14] =	ssyncset.done $0x0  }
0x197: {  	[sflag:s14] =	ssyncadd.s32 $0xFFFFC000  }
0x198: {  	p1 =	seq.s32 s6, $0x700;
	_ =	swait.ge [sflag:s21], $0x4000  }
.Ltmp5:
0x199: {  	[sflag:s21] =	ssyncset.done $0x0;
	(pc) =	sbr.rel @!p1 .LBB2_3-.Ltmp5, $4  }
0x19a: {  	s13 =	sadd.s32 $0x80, s6;
	[sflag:s21] =	ssyncadd.s32 $0xFFFFC000  }
0x19b: {  	[spmem:s3] =	stream.indirect.scatter.add.f32 [tilespmem:s18], [sflag:$0x3], $0x80, s5, s16, $0xb8;
	[tilespmem:$0x1C800] =	vst v63  }
0x19c: {  	s9 =	smov.u32 s6;
	s6 =	smov.u32 s13;
	_ =	swait.ge [sflag:s14], $0x4000  }
0x19d: {  	s13 =	smov.u32 s11;
	s8 =	smov.u32 s9;
	[sflag:s14] =	ssyncset.done $0x0  }
0x19e: {  	s6 =	sadd.s32 s8, s13;
	[sflag:s14] =	ssyncadd.s32 $0xFFFFC000  }
0x19f: {  	[tilespmem:s4], [sflag:$0x3] =	stream.linear.gather [hbm4b:s6+s4], $0x400, $0x38;
	[tilespmem:$0x1C800] =	vst v63  }
0x1a0: {  	_ =	swait.ge [sflag:s14], $0x400  }
0x1a1: {  	[sflag:s14] =	ssyncset.done $0x0  }
0x1a2: {  	s12 =	sadd.s32 s8, s7;
	[sflag:s14] =	ssyncadd.s32 $0xFFFFFC00  }
0x1a3: {  	[tilespmem:s15], [sflag:$0x3] =	stream.linear.gather [hbm4b:s12+s4], $0x400, $0x38;
	[tilespmem:$0x1C800] =	vst v63  }
0x1a4: {  	_ =	swait.ge [sflag:s14], $0x400  }
0x1a5: {  	[sflag:s14] =	ssyncset.done $0x0  }
0x1a6: {  	[sflag:s14] =	ssyncadd.s32 $0xFFFFFC00  }
0x1a7: {  	[tilespmem:s17], [sflag:$0x1] =	stream.indirect.gather [hbm4b:s1+s16], $0x80, s4, s16, $0xb8;
	[tilespmem:$0x1C800] =	vst v63  }
0x1a8: {  	_ = 	snop  }
0x1a9: {  	[tilespmem:s18], [sflag:$0x2] =	stream.indirect.gather [hbm4b:s1+s16], $0x80, s16, s16, $0xb8;
	[tilespmem:$0x1C800] =	vst v63  }
0x1aa: {  	_ =	swait.ge [sflag:s19], $0x4000  }
0x1ab: {  	[sflag:s19] =	ssyncset.done $0x0  }
0x1ac: {  	[sflag:s19] =	ssyncadd.s32 $0xFFFFC000  }
0x1ad: {  	[spmem:s3] =	stream.indirect.scatter.add.f32 [tilespmem:s17], [sflag:$0x3], $0x80, s15, s16, $0xb8;
	[tilespmem:$0x1C800] =	vst v63  }
0x1ae: {  	_ =	swait.ge [sflag:s14], $0x4000  }
0x1af: {  	[sflag:s14] =	ssyncset.done $0x0  }
0x1b0: {  	[sflag:s14] =	ssyncadd.s32 $0xFFFFC000  }
0x1b1: {  	[tilespmem:s17], [sflag:$0x1] =	stream.indirect.gather [hbm4b:s1+s16], $0x80, s20, s16, $0xb8;
	[tilespmem:$0x1C800] =	vst v63  }
0x1b2: {  	_ =	swait.ge [sflag:s21], $0x4000  }
0x1b3: {  	[sflag:s21] =	ssyncset.done $0x0  }
0x1b4: {  	[sflag:s21] =	ssyncadd.s32 $0xFFFFC000  }
0x1b5: {  	[spmem:s3] =	stream.indirect.scatter.add.f32 [tilespmem:s18], [sflag:$0x3], $0x80, s22, s16, $0xb8;
	[tilespmem:$0x1C800] =	vst v63  }
0x1b6: {  	_ =	swait.ge [sflag:s14], $0x4000  }
0x1b7: {  	[sflag:s14] =	ssyncset.done $0x0  }
0x1b8: {  	[sflag:s14] =	ssyncadd.s32 $0xFFFFC000  }
0x1b9: {  	[tilespmem:s18], [sflag:$0x2] =	stream.indirect.gather [hbm4b:s1+s16], $0x80, s23, s16, $0xb8;
	[tilespmem:$0x1C800] =	vst v63  }
0x1ba: {  	_ =	swait.ge [sflag:s19], $0x4000  }
0x1bb: {  	[sflag:s19] =	ssyncset.done $0x0  }
0x1bc: {  	[sflag:s19] =	ssyncadd.s32 $0xFFFFC000  }
0x1bd: {  	[spmem:s3] =	stream.indirect.scatter.add.f32 [tilespmem:s17], [sflag:$0x3], $0x80, s24, s16, $0xb8;
	[tilespmem:$0x1C800] =	vst v63  }
0x1be: {  	_ =	swait.ge [sflag:s14], $0x4000  }
0x1bf: {  	[sflag:s14] =	ssyncset.done $0x0  }
0x1c0: {  	[sflag:s14] =	ssyncadd.s32 $0xFFFFC000  }
0x1c1: {  	[tilespmem:s17], [sflag:$0x1] =	stream.indirect.gather [hbm4b:s1+s16], $0x80, s25, s16, $0xb8;
	[tilespmem:$0x1C800] =	vst v63  }
0x1c2: {  	_ =	swait.ge [sflag:s21], $0x4000  }
0x1c3: {  	[sflag:s21] =	ssyncset.done $0x0  }
0x1c4: {  	[sflag:s21] =	ssyncadd.s32 $0xFFFFC000  }
0x1c5: {  	[spmem:s3] =	stream.indirect.scatter.add.f32 [tilespmem:s18], [sflag:$0x3], $0x80, s26, s16, $0xb8;
	[tilespmem:$0x1C800] =	vst v63  }
0x1c6: {  	_ =	swait.ge [sflag:s14], $0x4000  }
0x1c7: {  	[sflag:s14] =	ssyncset.done $0x0  }
0x1c8: {  	[sflag:s14] =	ssyncadd.s32 $0xFFFFC000  }
0x1c9: {  	[tilespmem:s18], [sflag:$0x2] =	stream.indirect.gather [hbm4b:s1+s16], $0x80, s28, s16, $0xb8;
	[tilespmem:$0x1C800] =	vst v63  }
0x1ca: {  	_ =	swait.ge [sflag:s19], $0x4000  }
0x1cb: {  	[sflag:s19] =	ssyncset.done $0x0  }
0x1cc: {  	[sflag:s19] =	ssyncadd.s32 $0xFFFFC000  }
0x1cd: {  	[spmem:s3] =	stream.indirect.scatter.add.f32 [tilespmem:s17], [sflag:$0x3], $0x80, s29, s16, $0xb8;
	[tilespmem:$0x1C800] =	vst v63  }
0x1ce: {  	_ =	swait.ge [sflag:s14], $0x4000  }
0x1cf: {  	[sflag:s14] =	ssyncset.done $0x0  }
0x1d0: {  	[sflag:s14] =	ssyncadd.s32 $0xFFFFC000  }
0x1d1: {  	[tilespmem:s17], [sflag:$0x1] =	stream.indirect.gather [hbm4b:s1+s16], $0x80, s30, s16, $0xb8;
	[tilespmem:$0x1C800] =	vst v63  }
0x1d2: {  	_ =	swait.ge [sflag:s21], $0x4000  }
0x1d3: {  	[sflag:s21] =	ssyncset.done $0x0  }
0x1d4: {  	[sflag:s21] =	ssyncadd.s32 $0xFFFFC000  }
0x1d5: {  	[spmem:s3] =	stream.indirect.scatter.add.f32 [tilespmem:s18], [sflag:$0x3], $0x80, s31, s16, $0xb8;
	[tilespmem:$0x1C800] =	vst v63  }
0x1d6: {  	_ =	swait.ge [sflag:s14], $0x4000  }
0x1d7: {  	[sflag:s14] =	ssyncset.done $0x0  }
0x1d8: {  	[sflag:s14] =	ssyncadd.s32 $0xFFFFC000  }
0x1d9: {  	[tilespmem:s18], [sflag:$0x2] =	stream.indirect.gather [hbm4b:s1+s16], $0x80, s0, s16, $0xb8;
	[tilespmem:$0x1C800] =	vst v63  }
0x1da: {  	_ =	swait.ge [sflag:s19], $0x4000  }
0x1db: {  	[sflag:s19] =	ssyncset.done $0x0  }
0x1dc: {  	[sflag:s19] =	ssyncadd.s32 $0xFFFFC000  }
0x1dd: {  	[spmem:s3] =	stream.indirect.scatter.add.f32 [tilespmem:s17], [sflag:$0x3], $0x80, s2, s16, $0xb8;
	[tilespmem:$0x1C800] =	vst v63  }
0x1de: {  	_ =	swait.ge [sflag:s14], $0x4000  }
0x1df: {  	[sflag:s14] =	ssyncset.done $0x0  }
0x1e0: {  	[sflag:s14] =	ssyncadd.s32 $0xFFFFC000  }
0x1e1: {  	_ =	swait.ge [sflag:s21], $0x4000  }
0x1e2: {  	[sflag:s21] =	ssyncset.done $0x0  }
.Ltmp6:
0x1e3: {  	[sflag:s21] =	ssyncadd.s32 $0xFFFFC000;
	(pc) =	sbr.rel .LBB2_8-.Ltmp6, $4  }
0x1e4: {  	[spmem:s3] =	stream.indirect.scatter.add.f32 [tilespmem:s18], [sflag:$0x3], $0x80, s5, s16, $0xb8;
	[tilespmem:$0x1C800] =	vst v63  }
0x1e5: {  	_ =	swait.ge [sflag:s14], $0x4000  }
0x1e6: {  	[sflag:s14] =	ssyncset.done $0x0;
	s12 =	rddreg [dreg:$0x9]  }
0x1e7: {  	s8 =	rddreg [dreg:$0xb];
	[sflag:s14] =	ssyncadd.s32 $0xFFFFC000  }
.LBB2_9:
0x1e8: {  	_ =	sfence.sel $0x180000  }
0x1e9: {  	[bflag:$0x0] =	sbarrier.arrive $0xFFFF  }
0x1ea: {  	_ =	strace $0x90000047  }
0x1eb: {  	s0 =	stileid.u32;
	[bflag:$0x2] =	sbarrier.arrive $0xFFFF  }
0x1ec: {  	p0 =	sne.s32 s0, $0x0;
	s0 =	rddreg [dreg:$0x3]  }
0x1ed: {  	s0 =	sadd.s32 @!p0 $0x100000, s0  }
0x1ee: {  	[sflag:s0] =	ssyncadd.tile.s32 @!p0 $0x1;
	_ =	shalt  }
.Lfunc_end2:
_tile_overlayer_lowered:
.L_overlay_start_2:
0x1ef: {  	(tag) =	ssettag $0x2  }
0x1f0: {  	s0 =	rddreg [dreg:$0x0];
	s2 =	stileid.u32  }
0x1f1: {  	s1 =	rddreg [dreg:$0x1];
	p0 =	sne.s32 s2, $0x0  }
0x1f2: {  	s3 =	rddreg [dreg:$0x2];
	[bflag:$0x3] =	sbarrier.arrive $0xFFFF;
	s2 =	simm.s32 @!p0 $0x1C03  }
0x1f3: {  	[timem:s3], [sflag:s2] =	dma.local @!p0 [hbm:s0], s1  }
0x1f4: {  	s0 =	simm.s32 @!p0 $0x3  }
0x1f5: {  	_ =	swait.ge @!p0 [sflag:s0], s1  }
0x1f6: {  	s1 =	ssub.s32 @!p0 $0x0, s1;
	[sflag:s0] =	ssyncset.done @!p0 $0x0  }
0x1f7: {  	[sflag:s0] =	ssyncadd.s32 @!p0 s1  }
0x1f8: {  	[bflag:$0x3] =	sbarrier.arrive $0xFFFF  }
0x1f9: {  	_ =	shalt  }

// kernel: kernel.15.cloned.1.call-start
scs
__scs_entry_jumppad:
0x0: {  	(pc) =	sbr.rel $0x88, $3  }
0x1: {  	(tag) =	ssettag $0x0;
	lr =	simm.s32 $0x1  }
0x2: {  	[smem:$0x3F98] =	sst lr;
	_ =	strace $0xD0000000  }
0x3: {  	_ = 	snop  }
0x4: {  	_ = 	snop  }
0x5: {  	_ = 	snop  }
0x6: {  	_ = 	snop  }
0x7: {  	_ = 	snop  }
__scs_overlays_trampoline_lowered:
0x8: {  	[smem:$0x3FA7] =	sst s0  }
0x9: {  	[smem:$0x3FA8] =	sst s1  }
0xa: {  	[smem:$0x3FA9] =	sst s2  }
0xb: {  	[smem:$0x3FAA] =	sst s3  }
0xc: {  	[smem:$0x3FAB] =	sst s4  }
0xd: {  	[smem:$0x3FAC] =	sst s5  }
0xe: {  	[smem:$0x3FAD] =	sst s6  }
0xf: {  	[smem:$0x3FAE] =	sst s7  }
0x10: {  	[smem:$0x3FAF] =	sst s8  }
0x11: {  	[smem:$0x3FB0] =	sst s9;
	s0 =	simm.s32 @!p0 $0x0  }
0x12: {  	s1 =	sld [smem:$0x3F96];
	s0 =	simm.s32 @p0 $0x1  }
0x13: {  	[smem:$0x3FB1] =	sst s0;
	s0 =	simm.s32 @!p1 $0x0  }
0x14: {  	s2 =	sld [smem:$0x3F95];
	s0 =	simm.s32 @p1 $0x1  }
0x15: {  	[smem:$0x3FB2] =	sst s0;
	s0 =	simm.s32 @!p2 $0x0  }
0x16: {  	s3 =	sld [smem:$0x3FDB];
	s0 =	simm.s32 @p2 $0x1  }
0x17: {  	s4 =	simm.s32 $0x1BF5;
	[smem:$0x3FB4] =	sst s0  }
0x18: {  	s0 =	sld [smem:$0x3F97];
	_ =	swait.ge [sflag:s4], $0x0  }
0x19: {  	s7 =	sld [smem:$0x3F98]  }
0x1a: {  	s8 =	sadd.s32 $0xFFFFE003, lr  }
0x1b: {  	s9 =	sadd.s32 $0xFFFFFEF7, lr;
	s5 =	simm.s32 $0xFFFFFFFF;
	p2 =	slt.u32 s8, $0xFFFFF086  }
0x1c: {  	p1 =	slt.u32 s9, $0xF7A;
	s5 =	simm.s32 @!p2 $0x0  }
0x1d: {  	s5 =	simm.s32 @p1 $0x1;
	p0 =	seq.s32 s7, s2  }
0x1e: {  	s7 =	smul.u32 @!p0 $0xF7A, s2;
	p2 =	seq.s32 @!p0 s5, $0x0  }
0x1f: {  	s9 =	smul.u32 $0xF7A, s1;
	s8 =	simm.s32 @!p0 $0x1BF5;
	p2 =	por !p2, p0  }
0x20: {  	[sflag:s8] =	ssyncset.s32 @!p0 $0xFFFFF086;
	s6 =	sadd.s32 @!p0 s3, s7;
	s7 =	simm.s32 @!p0 $0x108  }
0x21: {  	s3 =	sadd.s32 s3, s9;
	s6 =	sadd.s32 @!p0 $0x88, s6;
	s7 =	simm.s32 @p2 $0x1082  }
0x22: {  	[simem:s7], [sflag:s8] =	dma.local @!p0 [hbm:s6], $0xF7A  }
0x23: {  	s9 =	sor.u32 $0xD0000000, s2;
	s6 =	simm.s32 $0x108;
	_ =	swait.ge @!p0 [sflag:s8], $0x0  }
0x24: {  	s3 =	sadd.s32 $0x88, s3;
	s6 =	simm.s32 @!p1 $0x1082;
	[sflag:s4] =	ssyncset.s32 $0xFFFFF086  }
0x25: {  	[simem:s6], [sflag:s4] =	dma.local [hbm:s3], $0xF7A  }
0x26: {  	[smem:$0x3F98] =	sst s1;
	(tag) =	ssettag s2;
	_ =	strace s9  }
0x27: {  	s1 =	sld [smem:$0x3FA8]  }
0x28: {  	s2 =	sld [smem:$0x3FA9]  }
0x29: {  	s4 =	sld [smem:$0x3FAB]  }
0x2a: {  	p0 =	seq.s32 s5, $0x0;
	s5 =	sld [smem:$0x3FAC]  }
0x2b: {  	s6 =	sld [smem:$0x3FAD]  }
0x2c: {  	s7 =	sld [smem:$0x3FAE]  }
0x2d: {  	s3 =	simm.s32 $0x108;
	s8 =	sld [smem:$0x3FAF]  }
0x2e: {  	s3 =	simm.s32 @!p0 $0x1082;
	s9 =	sld [smem:$0x3FB0]  }
0x2f: {  	lr =	sadd.s32 s0, s3;
	s0 =	sld [smem:$0x3FA7]  }
0x30: {  	s3 =	sld [smem:$0x3FAA]  }
0x31: {  	[smem:$0x3FB3] =	sst s10  }
0x32: {  	s10 =	sld [smem:$0x3FB1];
	_ =	sdelay $0x3  }
0x33: {  	p0 =	seq.s32 s10, $0x1;
	s10 =	sld [smem:$0x3FB3];
	_ =	sdelay $0x3  }
0x34: {  	[smem:$0x3FB3] =	sst s10  }
0x35: {  	s10 =	sld [smem:$0x3FB2];
	_ =	sdelay $0x3  }
0x36: {  	p1 =	seq.s32 s10, $0x1;
	s10 =	sld [smem:$0x3FB3];
	_ =	sdelay $0x3  }
0x37: {  	[smem:$0x3FB3] =	sst s10  }
0x38: {  	s10 =	sld [smem:$0x3FB4]  }
0x39: {  	_ = 	snop;
	(pc) =	sbr.ind lr, $3  }
0x3a: {  	_ = 	snop  }
0x3b: {  	_ = 	snop  }
0x3c: {  	p2 =	seq.s32 s10, $0x1;
	s10 =	sld [smem:$0x3FB3]  }
0x3d: {  	_ =	shalt  }
0x3e: {  	_ =	shalt  }
0x3f: {  	_ =	shalt  }
0x40: {  	_ =	shalt  }
0x41: {  	_ =	shalt  }
0x42: {  	_ =	shalt  }
0x43: {  	_ =	shalt  }
0x44: {  	_ =	shalt  }
0x45: {  	_ =	shalt  }
0x46: {  	_ =	shalt  }
0x47: {  	_ =	shalt  }
0x48: {  	_ =	shalt  }
0x49: {  	_ =	shalt  }
0x4a: {  	_ =	shalt  }
0x4b: {  	_ =	shalt  }
0x4c: {  	_ =	shalt  }
0x4d: {  	_ =	shalt  }
0x4e: {  	_ =	shalt  }
0x4f: {  	_ =	shalt  }
0x50: {  	_ =	shalt  }
0x51: {  	_ =	shalt  }
0x52: {  	_ =	shalt  }
0x53: {  	_ =	shalt  }
0x54: {  	_ =	shalt  }
0x55: {  	_ =	shalt  }
0x56: {  	_ =	shalt  }
0x57: {  	_ =	shalt  }
0x58: {  	_ =	shalt  }
0x59: {  	_ =	shalt  }
0x5a: {  	_ =	shalt  }
0x5b: {  	_ =	shalt  }
0x5c: {  	_ =	shalt  }
0x5d: {  	_ =	shalt  }
0x5e: {  	_ =	shalt  }
0x5f: {  	_ =	shalt  }
0x60: {  	_ =	shalt  }
0x61: {  	_ =	shalt  }
0x62: {  	_ =	shalt  }
0x63: {  	_ =	shalt  }
0x64: {  	_ =	shalt  }
0x65: {  	_ =	shalt  }
0x66: {  	_ =	shalt  }
0x67: {  	_ =	shalt  }
0x68: {  	_ =	shalt  }
0x69: {  	_ =	shalt  }
0x6a: {  	_ =	shalt  }
0x6b: {  	_ =	shalt  }
0x6c: {  	_ =	shalt  }
0x6d: {  	_ =	shalt  }
0x6e: {  	_ =	shalt  }
0x6f: {  	_ =	shalt  }
0x70: {  	_ =	shalt  }
0x71: {  	_ =	shalt  }
0x72: {  	_ =	shalt  }
0x73: {  	_ =	shalt  }
0x74: {  	_ =	shalt  }
0x75: {  	_ =	shalt  }
0x76: {  	_ =	shalt  }
0x77: {  	_ =	shalt  }
0x78: {  	_ =	shalt  }
0x79: {  	_ =	shalt  }
0x7a: {  	_ =	shalt  }
0x7b: {  	_ =	shalt  }
0x7c: {  	_ =	shalt  }
0x7d: {  	_ =	shalt  }
0x7e: {  	_ =	shalt  }
0x7f: {  	_ =	shalt  }
0x80: {  	_ =	shalt  }
0x81: {  	_ =	shalt  }
0x82: {  	_ =	shalt  }
0x83: {  	_ =	shalt  }
0x84: {  	_ =	shalt  }
0x85: {  	_ =	shalt  }
0x86: {  	_ =	shalt  }
0x87: {  	_ =	shalt  }
.Lfunc_end0:
.L_simem_size_0:
called_computation.1_lowered:
.L_overlay_start_0:
0x88: {  	s2 =	sld [smem:$0x3FD9]  }
0x89: {  	s3 =	sld [smem:$0x3FFE];
	_ =	sdelay $0x1  }
0x8a: {  	s1 =	srdreg.scid  }
0x8b: {  	s0 =	sand.u32 $0x1, s1  }
0x8c: {  	s16 =	sshll.u32 s0, $0xA;
	s2 =	sadd.s32 s3, s2  }
0x8d: {  	s2 =	sadd.s32 s2, s16  }
0x8e: {  	[smem:$0x3FBF] =	sst s2  }
0x8f: {  	_ = 	snop  }
0x90: {  	(tm) =	ssettm $0x1  }
0x91: {  	s17 =	sld [smem:$0x3FFB];
	_ =	sdelay $0x3  }
0x92: {  	_ =	strace s17  }
0x93: {  	s2 =	sld [smem:$0x3FFC];
	_ =	sdelay $0x3  }
0x94: {  	_ =	strace s2  }
0x95: {  	s2 =	sld [smem:$0x3FFD];
	_ =	sdelay $0x3  }
0x96: {  	_ =	strace s2  }
0x97: {  	_ =	strace $0x8FFFFFFF  }
0x98: {  	s18 =	sld [smem:$0x3FDB];
	_ =	sdelay $0x1  }
0x99: {  	s19 =	simm.s32 $_scs_section_size  }
0x9a: {  	s4 =	simm.s32 $_size__tile_overlayer_lowered;
	s5 =	simm.s32 $_tile_overlayer_lowered  }
0x9b: {  	s22 =	simm.s32 $0x1BFF;
	s21 =	sshll.u32 s5, $0x1;
	s2 =	sadd.s32 s19, s18  }
0x9c: {  	s6 =	simm.s32 $0x0;
	s20 =	sshll.u32 s4, $0x1;
	s4 =	sadd.s32 s21, s2  }
0x9d: {  	[timem:s6], [sflag:s22] =	dma.local [hbm:s4], s20  }
0x9e: {  	_ =	swait.ge [sflag:s22], s20  }
0x9f: {  	s3 =	ssub.s32 $0x0, s20;
	[sflag:s22] =	ssyncset.done $0x0  }
0xa0: {  	[sflag:s22] =	ssyncadd.s32 s3;
	_ =	sdelay $0x1  }
0xa1: {  	s23 =	simm.s32 $0x1B8B  }
0xa2: {  	_ =	swait.ge [sflag:s23], $0x1  }
0xa3: {  	[sflag:s23] =	ssyncset.done $0x0  }
0xa4: {  	s25 =	simm.s32 $0x1B8E;
	s24 =	sld [smem:$0x3FFE];
	[sflag:s23] =	ssyncadd.s32 $0xFFFFFFFF  }
0xa5: {  	s26 =	simm.s32 $execute0_lowered;
	[smem:$0x3FD2] =	sst s25  }
0xa6: {  	s4 =	sshll.u32 s26, $0x1;
	_ =	strace $0x80000049;
	[dreg:$0x1] =	wrdreg $0xFFFFFFFF  }
0xa7: {  	s28 =	simm.s32 $_size_execute0_lowered;
	s2 =	sadd.s32 s2, s4;
	[dreg:$0x0] =	wrdreg $0x0  }
0xa8: {  	s4 =	sshll.u32 s28, $0x1;
	[dreg:$0x2] =	wrdreg s2  }
0xa9: {  	[dreg:$0x3] =	wrdreg s4  }
0xaa: {  	[dreg:$0x4] =	wrdreg $0xC0  }
0xab: {  	_ =	task [dreg:s6], $0x5FFFF  }
0xac: {  	[dreg:$0x1] =	wrdreg $0xFFFFFFFF  }
0xad: {  	[dreg:$0x0] =	wrdreg $0x60  }
0xae: {  	[dreg:$0x2] =	wrdreg s24  }
0xaf: {  	[dreg:$0x3] =	wrdreg $0x88000  }
0xb0: {  	[dreg:$0x4] =	wrdreg $0x9  }
0xb1: {  	_ =	task.clear_ibuf [dreg:s6], $0x5FFFF;
	_ =	strace $0x90000049  }
0xb2: {  	s29 =	simm.s32 $0x9;
	_ =	strace $0x8000004B  }
0xb3: {  	_ =	swait.ge [sflag:s29], $0x1  }
0xb4: {  	[sflag:s29] =	ssyncadd.s32 $0xFFFFFFFF  }
0xb5: {  	_ =	strace $0x9000004B  }
0xb6: {  	_ =	sfence  }
0xb7: {  	s30 =	sld [smem:$0x0];
	_ =	sdelay $0x2  }
0xb8: {  	s31 =	sshll.u32 s1, $0xD;
	s1 =	sshrl.u32 s1, $0x2  }
0xb9: {  	s3 =	sand.u32 $0x4000, s31;
	s1 =	sadd.s32 s1, s30  }
0xba: {  	s0 =	sor.u32 s3, s0;
	s1 =	sshll.u32 s1, $0x11  }
0xbb: {  	s0 =	sor.u32 s1, s0  }
0xbc: {  	s0 =	sadd.s32 $0x8F2B, s0  }
0xbd: {  	[sflag:s0] =	ssyncadd.remote.s32 $0x1  }
0xbe: {  	_ =	sfence.sel $0xFFFF  }
0xbf: {  	[dreg:$0x0] =	wrdreg $0xFFFFFFFF;
	(pc) =	sbr.abs _section_cstart, $3  }
0xc0: {  	[dreg:$0x1] =	wrdreg $0xFFFFFFFF  }
0xc1: {  	_ =	task.clear_ibuf [dreg:s6], $0x2FFFF;
	_ =	strace $0x9FFFFFFF  }
0xc2: {  	(tm) =	ssettm $0x7FFFFFFF  }
0xc3: {  	_ =	shalt  }
tec
execute0_lowered:
.L_overlay_start_1:
0x0: {  	(tag) =	ssettag $0x1  }
0x1: {  	s0 =	rddreg [dreg:$0x0]  }
0x2: {  	s2 =	rddreg [dreg:$0x1];
	s3 =	simm.s32 $0x0  }
0x3: {  	s12 =	stileid.u32;
	s1 =	srdreg.scid;
	s14 =	simm.s32 $0x3  }
0x4: {  	s15 =	simm.s32 $0x400;
	s16 =	simm.s32 $0x80;
	s17 =	simm.s32 $0x800  }
0x5: {  	s28 =	simm.s32 $0x280;
	s29 =	simm.s32 $0x600;
	s30 =	simm.s32 $0x300  }
0x6: {  	s31 =	simm.s32 $0x680;
	[smem:$0x7FF] =	sst s3;
	s5 =	smul.u32 $0x14000, s12  }
0x7: {  	s1 =	sand.u32 $0x1, s1;
	s4 =	sadd.s32 $0x40800, s0;
	s10 =	smul.u32 $0x50000, s12  }
0x8: {  	s6 =	sadd.s32 $0xE800, s0;
	s8 =	sadd.s32 $0x4800, s0;
	s22 =	smul.u32 $0x780, s12  }
0x9: {  	s21 =	sshll.u32 s12, $0x6;
	s23 =	smul.u32 $0x280, s12;
	_ =	strace $0x8000004A  }
0xa: {  	s7 =	smul.u32 $0x140000, s1;
	s18 =	ssub.s32 $0x2, s1;
	p0 =	seq.s32 s1, $0x1  }
0xb: {  	s9 =	sshrl.u32 s5, $0x3;
	s11 =	sshrl.u32 s18, $0x1;
	s10 =	sshrl.u32 s10, $0x2  }
0xc: {  	s25 =	sadd.s32 s22, s8;
	s13 =	sadd.s32 s22, s6;
	s26 =	sadd.s32 s23, s8  }
0xd: {  	s1 =	sadd.s32 s23, s6;
	s22 =	simm.s32 $0x480;
	s23 =	simm.s32 $0x180  }
0xe: {  	s8 =	simm.s32 $0x0;
	s9 =	sadd.s32 s9, s0;
	s5 =	sadd.s32 s5, s7  }
0xf: {  	s19 =	ssub.s32 s18, s11;
	s20 =	sadd.s32 s10, s2;
	[dreg:$0x3] =	wrdreg s25  }
0x10: {  	s12 =	sadd.s32 $0x7800, s26;
	s10 =	sadd.s32 $0x7800, s1;
	s18 =	simm.s32 $0x4800  }
0x11: {  	s25 =	simm.s32 $0x200;
	s26 =	simm.s32 $0x580;
	s1 =	simm.s32 $0x700  }
0x12: {  	s11 =	smov.u32 s13;
	s5 =	sshrl.u32 s5, $0x3;
	s9 =	sadd.s32 $0x18800, s9  }
0x13: {  	s24 =	smax.u32 s19, $0x1;
	s7 =	sshrl.u32 s20, $0x3;
	[dreg:$0x8] =	wrdreg s12  }
.Ltmp0:
0x14: {  	s19 =	simm.s32 $0x1;
	[dreg:$0x4] =	wrdreg s9;
	(pc) =	sbr.rel .LBB2_1-.Ltmp0, $4  }
0x15: {  	s20 =	simm.s32 $0x100;
	s0 =	sadd.s32 s5, s0;
	[dreg:$0x7] =	wrdreg s24  }
0x16: {  	s9 =	sor.u32 $0x1C03, s21;
	s21 =	simm.s32 $0x2;
	[dreg:$0x9] =	wrdreg s7  }
0x17: {  	s24 =	simm.s32 $0x500;
	s0 =	sadd.s32 $0x67A00, s0;
	[dreg:$0x5] =	wrdreg s9  }
0x18: {  	s5 =	simm.s32 $0x780;
	[dreg:$0x6] =	wrdreg s0;
	s0 =	simm.s32 $0x380  }
.LBB2_7:
0x19: {  	s6 =	sadd.s32 s8, s10;
	[sflag:s14] =	ssyncadd.s32 $0xFFFFC000  }
0x1a: {  	[tilespmem:s3], [sflag:$0x3] =	stream.linear.gather [hbm4b:s6+s3], $0x400, $0x38;
	[tilespmem:$0x1C800] =	vst v63  }
0x1b: {  	_ =	swait.ge [sflag:s14], $0x400  }
0x1c: {  	[sflag:s14] =	ssyncset.done $0x0  }
0x1d: {  	s13 =	sadd.s32 s8, s12;
	[sflag:s14] =	ssyncadd.s32 $0xFFFFFC00  }
0x1e: {  	[tilespmem:s15], [sflag:$0x3] =	stream.linear.gather [hbm4b:s13+s3], $0x400, $0x38;
	[tilespmem:$0x1C800] =	vst v63  }
0x1f: {  	_ =	swait.ge [sflag:s14], $0x400  }
0x20: {  	[sflag:s14] =	ssyncset.done $0x0  }
0x21: {  	[sflag:s14] =	ssyncadd.s32 $0xFFFFFC00  }
0x22: {  	[tilespmem:s17], [sflag:$0x1] =	stream.indirect.gather [hbm4b:s4+s16], $0x80, s3, s16, $0xb8;
	[tilespmem:$0x1C800] =	vst v63  }
0x23: {  	_ = 	snop  }
0x24: {  	[tilespmem:s18], [sflag:$0x2] =	stream.indirect.gather [hbm4b:s4+s16], $0x80, s16, s16, $0xb8;
	[tilespmem:$0x1C800] =	vst v63  }
0x25: {  	_ =	swait.ge [sflag:s19], $0x4000  }
0x26: {  	[sflag:s19] =	ssyncset.done $0x0  }
0x27: {  	[sflag:s19] =	ssyncadd.s32 $0xFFFFC000  }
0x28: {  	[spmem:s2] =	stream.indirect.scatter.add.f32 [tilespmem:s17], [sflag:$0x3], $0x80, s15, s16, $0xb8;
	[tilespmem:$0x1C800] =	vst v63  }
0x29: {  	_ =	swait.ge [sflag:s14], $0x4000  }
0x2a: {  	[sflag:s14] =	ssyncset.done $0x0  }
0x2b: {  	[sflag:s14] =	ssyncadd.s32 $0xFFFFC000  }
0x2c: {  	[tilespmem:s17], [sflag:$0x1] =	stream.indirect.gather [hbm4b:s4+s16], $0x80, s20, s16, $0xb8;
	[tilespmem:$0x1C800] =	vst v63  }
0x2d: {  	_ =	swait.ge [sflag:s21], $0x4000  }
0x2e: {  	[sflag:s21] =	ssyncset.done $0x0  }
0x2f: {  	[sflag:s21] =	ssyncadd.s32 $0xFFFFC000  }
0x30: {  	[spmem:s2] =	stream.indirect.scatter.add.f32 [tilespmem:s18], [sflag:$0x3], $0x80, s22, s16, $0xb8;
	[tilespmem:$0x1C800] =	vst v63  }
0x31: {  	_ =	swait.ge [sflag:s14], $0x4000  }
0x32: {  	[sflag:s14] =	ssyncset.done $0x0  }
0x33: {  	[sflag:s14] =	ssyncadd.s32 $0xFFFFC000  }
0x34: {  	[tilespmem:s18], [sflag:$0x2] =	stream.indirect.gather [hbm4b:s4+s16], $0x80, s23, s16, $0xb8;
	[tilespmem:$0x1C800] =	vst v63  }
0x35: {  	_ =	swait.ge [sflag:s19], $0x4000  }
0x36: {  	[sflag:s19] =	ssyncset.done $0x0  }
0x37: {  	[sflag:s19] =	ssyncadd.s32 $0xFFFFC000  }
0x38: {  	[spmem:s2] =	stream.indirect.scatter.add.f32 [tilespmem:s17], [sflag:$0x3], $0x80, s24, s16, $0xb8;
	[tilespmem:$0x1C800] =	vst v63  }
0x39: {  	_ =	swait.ge [sflag:s14], $0x4000  }
0x3a: {  	[sflag:s14] =	ssyncset.done $0x0  }
0x3b: {  	[sflag:s14] =	ssyncadd.s32 $0xFFFFC000  }
0x3c: {  	[tilespmem:s17], [sflag:$0x1] =	stream.indirect.gather [hbm4b:s4+s16], $0x80, s25, s16, $0xb8;
	[tilespmem:$0x1C800] =	vst v63  }
0x3d: {  	_ =	swait.ge [sflag:s21], $0x4000  }
0x3e: {  	[sflag:s21] =	ssyncset.done $0x0  }
0x3f: {  	[sflag:s21] =	ssyncadd.s32 $0xFFFFC000  }
0x40: {  	[spmem:s2] =	stream.indirect.scatter.add.f32 [tilespmem:s18], [sflag:$0x3], $0x80, s26, s16, $0xb8;
	[tilespmem:$0x1C800] =	vst v63  }
0x41: {  	_ =	swait.ge [sflag:s14], $0x4000  }
0x42: {  	[sflag:s14] =	ssyncset.done $0x0  }
0x43: {  	[sflag:s14] =	ssyncadd.s32 $0xFFFFC000  }
0x44: {  	[tilespmem:s18], [sflag:$0x2] =	stream.indirect.gather [hbm4b:s4+s16], $0x80, s28, s16, $0xb8;
	[tilespmem:$0x1C800] =	vst v63  }
0x45: {  	_ =	swait.ge [sflag:s19], $0x4000  }
0x46: {  	[sflag:s19] =	ssyncset.done $0x0  }
0x47: {  	[sflag:s19] =	ssyncadd.s32 $0xFFFFC000  }
0x48: {  	[spmem:s2] =	stream.indirect.scatter.add.f32 [tilespmem:s17], [sflag:$0x3], $0x80, s29, s16, $0xb8;
	[tilespmem:$0x1C800] =	vst v63  }
0x49: {  	_ =	swait.ge [sflag:s14], $0x4000  }
0x4a: {  	[sflag:s14] =	ssyncset.done $0x0  }
0x4b: {  	[sflag:s14] =	ssyncadd.s32 $0xFFFFC000  }
0x4c: {  	[tilespmem:s17], [sflag:$0x1] =	stream.indirect.gather [hbm4b:s4+s16], $0x80, s30, s16, $0xb8;
	[tilespmem:$0x1C800] =	vst v63  }
0x4d: {  	_ =	swait.ge [sflag:s21], $0x4000  }
0x4e: {  	[sflag:s21] =	ssyncset.done $0x0  }
0x4f: {  	[sflag:s21] =	ssyncadd.s32 $0xFFFFC000  }
0x50: {  	[spmem:s2] =	stream.indirect.scatter.add.f32 [tilespmem:s18], [sflag:$0x3], $0x80, s31, s16, $0xb8;
	[tilespmem:$0x1C800] =	vst v63  }
0x51: {  	_ =	swait.ge [sflag:s14], $0x4000  }
0x52: {  	[sflag:s14] =	ssyncset.done $0x0  }
0x53: {  	[sflag:s14] =	ssyncadd.s32 $0xFFFFC000  }
0x54: {  	[tilespmem:s18], [sflag:$0x2] =	stream.indirect.gather [hbm4b:s4+s16], $0x80, s0, s16, $0xb8;
	[tilespmem:$0x1C800] =	vst v63  }
0x55: {  	_ =	swait.ge [sflag:s19], $0x4000  }
0x56: {  	[sflag:s19] =	ssyncset.done $0x0  }
0x57: {  	[sflag:s19] =	ssyncadd.s32 $0xFFFFC000  }
0x58: {  	[spmem:s2] =	stream.indirect.scatter.add.f32 [tilespmem:s17], [sflag:$0x3], $0x80, s1, s16, $0xb8;
	[tilespmem:$0x1C800] =	vst v63  }
0x59: {  	_ =	swait.ge [sflag:s14], $0x4000  }
0x5a: {  	[sflag:s14] =	ssyncset.done $0x0  }
0x5b: {  	[sflag:s14] =	ssyncadd.s32 $0xFFFFC000  }
0x5c: {  	_ =	swait.ge [sflag:s21], $0x4000  }
0x5d: {  	[sflag:s21] =	ssyncset.done $0x0  }
0x5e: {  	[sflag:s21] =	ssyncadd.s32 $0xFFFFC000  }
0x5f: {  	[spmem:s2] =	stream.indirect.scatter.add.f32 [tilespmem:s18], [sflag:$0x3], $0x80, s5, s16, $0xb8;
	[tilespmem:$0x1C800] =	vst v63  }
0x60: {  	_ =	swait.ge [sflag:s14], $0x4000  }
0x61: {  	[sflag:s14] =	ssyncset.done $0x0  }
0x62: {  	s13 =	smov.u32 s11;
	s8 =	rddreg [dreg:$0xa];
	[sflag:s14] =	ssyncadd.s32 $0xFFFFC000  }
.LBB2_8:
0x63: {  	[bflag:$0x0] =	sbarrier.arrive $0xFFFF  }
0x64: {  	s9 =	rddreg [dreg:$0x5]  }
0x65: {  	s6 =	rddreg [dreg:$0x6]  }
0x66: {  	s7 =	rddreg [dreg:$0x9]  }
0x67: {  	[hbm:s6], [sflag:s9] =	dma.local [spmem:s7], $0x2800  }
0x68: {  	_ =	swait.ge [sflag:s14], $0x2800  }
0x69: {  	s8 =	sadd.s32 $0x1, s8;
	s6 =	rddreg [dreg:$0x7]  }
0x6a: {  	p1 =	sne.s32 s8, s6  }
.Ltmp1:
0x6b: {  	_ = 	snop;
	(pc) =	sbr.rel @!p1 .LBB2_9-.Ltmp1, $3  }
0x6c: {  	_ =	sdelay $0x1  }
0x6d: {  	[sflag:s14] =	ssyncset.done $0x0  }
0x6e: {  	[sflag:s14] =	ssyncadd.s32 $0xFFFFD800  }
.LBB2_1:
0x6f: {  	[dreg:$0xa] =	wrdreg s8  }
0x70: {  	s6 =	rddreg [dreg:$0x4]  }
0x71: {  	[spmem:s7], [sflag:s9] =	dma.local [hbm:s6], $0x2800  }
.Ltmp2:
0x72: {  	_ =	swait.ge [sflag:s14], $0x2800;
	(pc) =	sbr.rel @!p0 .LBB2_2-.Ltmp2, $3  }
0x73: {  	[sflag:s14] =	ssyncset.done $0x0  }
0x74: {  	[sflag:s14] =	ssyncadd.s32 $0xFFFFD800  }
0x75: {  	[bflag:$0x0] =	sbarrier.arrive $0xFFFF;
	_ =	sdelay $0x1  }
0x76: {  	s6 =	sadd.s32 $0x0, s10  }
0x77: {  	[tilespmem:s3], [sflag:$0x3] =	stream.linear.gather [hbm4b:s6+s3], $0x400, $0x38;
	[tilespmem:$0x1C800] =	vst v63  }
0x78: {  	_ =	swait.ge [sflag:s14], $0x400  }
0x79: {  	[sflag:s14] =	ssyncset.done $0x0  }
0x7a: {  	s13 =	sadd.s32 $0x0, s12;
	[sflag:s14] =	ssyncadd.s32 $0xFFFFFC00  }
0x7b: {  	[tilespmem:s15], [sflag:$0x3] =	stream.linear.gather [hbm4b:s13+s3], $0x400, $0x38;
	[tilespmem:$0x1C800] =	vst v63  }
0x7c: {  	_ =	swait.ge [sflag:s14], $0x400  }
0x7d: {  	[sflag:s14] =	ssyncset.done $0x0  }
0x7e: {  	[sflag:s14] =	ssyncadd.s32 $0xFFFFFC00  }
0x7f: {  	[tilespmem:s17], [sflag:$0x1] =	stream.indirect.gather [hbm4b:s4+s16], $0x80, s3, s16, $0xb8;
	[tilespmem:$0x1C800] =	vst v63  }
0x80: {  	_ = 	snop  }
0x81: {  	[tilespmem:s18], [sflag:$0x2] =	stream.indirect.gather [hbm4b:s4+s16], $0x80, s16, s16, $0xb8;
	[tilespmem:$0x1C800] =	vst v63  }
0x82: {  	_ =	swait.ge [sflag:s19], $0x4000  }
0x83: {  	[sflag:s19] =	ssyncset.done $0x0  }
0x84: {  	[sflag:s19] =	ssyncadd.s32 $0xFFFFC000  }
0x85: {  	[spmem:s2] =	stream.indirect.scatter.add.f32 [tilespmem:s17], [sflag:$0x3], $0x80, s15, s16, $0xb8;
	[tilespmem:$0x1C800] =	vst v63  }
0x86: {  	_ =	swait.ge [sflag:s14], $0x4000  }
0x87: {  	[sflag:s14] =	ssyncset.done $0x0  }
0x88: {  	[sflag:s14] =	ssyncadd.s32 $0xFFFFC000  }
0x89: {  	[tilespmem:s17], [sflag:$0x1] =	stream.indirect.gather [hbm4b:s4+s16], $0x80, s20, s16, $0xb8;
	[tilespmem:$0x1C800] =	vst v63  }
0x8a: {  	_ =	swait.ge [sflag:s21], $0x4000  }
0x8b: {  	[sflag:s21] =	ssyncset.done $0x0  }
0x8c: {  	[sflag:s21] =	ssyncadd.s32 $0xFFFFC000  }
0x8d: {  	[spmem:s2] =	stream.indirect.scatter.add.f32 [tilespmem:s18], [sflag:$0x3], $0x80, s22, s16, $0xb8;
	[tilespmem:$0x1C800] =	vst v63  }
0x8e: {  	_ =	swait.ge [sflag:s14], $0x4000  }
0x8f: {  	[sflag:s14] =	ssyncset.done $0x0  }
0x90: {  	[sflag:s14] =	ssyncadd.s32 $0xFFFFC000  }
0x91: {  	[tilespmem:s18], [sflag:$0x2] =	stream.indirect.gather [hbm4b:s4+s16], $0x80, s23, s16, $0xb8;
	[tilespmem:$0x1C800] =	vst v63  }
0x92: {  	_ =	swait.ge [sflag:s19], $0x4000  }
0x93: {  	[sflag:s19] =	ssyncset.done $0x0  }
0x94: {  	[sflag:s19] =	ssyncadd.s32 $0xFFFFC000  }
0x95: {  	[spmem:s2] =	stream.indirect.scatter.add.f32 [tilespmem:s17], [sflag:$0x3], $0x80, s24, s16, $0xb8;
	[tilespmem:$0x1C800] =	vst v63  }
0x96: {  	_ =	swait.ge [sflag:s14], $0x4000  }
0x97: {  	[sflag:s14] =	ssyncset.done $0x0  }
0x98: {  	[sflag:s14] =	ssyncadd.s32 $0xFFFFC000  }
0x99: {  	[tilespmem:s17], [sflag:$0x1] =	stream.indirect.gather [hbm4b:s4+s16], $0x80, s25, s16, $0xb8;
	[tilespmem:$0x1C800] =	vst v63  }
0x9a: {  	_ =	swait.ge [sflag:s21], $0x4000  }
0x9b: {  	[sflag:s21] =	ssyncset.done $0x0  }
0x9c: {  	[sflag:s21] =	ssyncadd.s32 $0xFFFFC000  }
0x9d: {  	[spmem:s2] =	stream.indirect.scatter.add.f32 [tilespmem:s18], [sflag:$0x3], $0x80, s26, s16, $0xb8;
	[tilespmem:$0x1C800] =	vst v63  }
0x9e: {  	_ =	swait.ge [sflag:s14], $0x4000  }
0x9f: {  	[sflag:s14] =	ssyncset.done $0x0  }
0xa0: {  	[sflag:s14] =	ssyncadd.s32 $0xFFFFC000  }
0xa1: {  	[tilespmem:s18], [sflag:$0x2] =	stream.indirect.gather [hbm4b:s4+s16], $0x80, s28, s16, $0xb8;
	[tilespmem:$0x1C800] =	vst v63  }
0xa2: {  	_ =	swait.ge [sflag:s19], $0x4000  }
0xa3: {  	[sflag:s19] =	ssyncset.done $0x0  }
0xa4: {  	[sflag:s19] =	ssyncadd.s32 $0xFFFFC000  }
0xa5: {  	[spmem:s2] =	stream.indirect.scatter.add.f32 [tilespmem:s17], [sflag:$0x3], $0x80, s29, s16, $0xb8;
	[tilespmem:$0x1C800] =	vst v63  }
0xa6: {  	_ =	swait.ge [sflag:s14], $0x4000  }
0xa7: {  	[sflag:s14] =	ssyncset.done $0x0  }
0xa8: {  	[sflag:s14] =	ssyncadd.s32 $0xFFFFC000  }
0xa9: {  	[tilespmem:s17], [sflag:$0x1] =	stream.indirect.gather [hbm4b:s4+s16], $0x80, s30, s16, $0xb8;
	[tilespmem:$0x1C800] =	vst v63  }
0xaa: {  	_ =	swait.ge [sflag:s21], $0x4000  }
0xab: {  	[sflag:s21] =	ssyncset.done $0x0  }
0xac: {  	[sflag:s21] =	ssyncadd.s32 $0xFFFFC000  }
0xad: {  	[spmem:s2] =	stream.indirect.scatter.add.f32 [tilespmem:s18], [sflag:$0x3], $0x80, s31, s16, $0xb8;
	[tilespmem:$0x1C800] =	vst v63  }
0xae: {  	_ =	swait.ge [sflag:s14], $0x4000  }
0xaf: {  	[sflag:s14] =	ssyncset.done $0x0  }
0xb0: {  	[sflag:s14] =	ssyncadd.s32 $0xFFFFC000  }
0xb1: {  	[tilespmem:s18], [sflag:$0x2] =	stream.indirect.gather [hbm4b:s4+s16], $0x80, s0, s16, $0xb8;
	[tilespmem:$0x1C800] =	vst v63  }
0xb2: {  	_ =	swait.ge [sflag:s19], $0x4000  }
0xb3: {  	[sflag:s19] =	ssyncset.done $0x0  }
0xb4: {  	[sflag:s19] =	ssyncadd.s32 $0xFFFFC000  }
0xb5: {  	[spmem:s2] =	stream.indirect.scatter.add.f32 [tilespmem:s17], [sflag:$0x3], $0x80, s1, s16, $0xb8;
	[tilespmem:$0x1C800] =	vst v63  }
0xb6: {  	_ =	swait.ge [sflag:s14], $0x4000  }
0xb7: {  	[sflag:s14] =	ssyncset.done $0x0  }
0xb8: {  	[sflag:s14] =	ssyncadd.s32 $0xFFFFC000  }
0xb9: {  	_ =	swait.ge [sflag:s21], $0x4000  }
0xba: {  	[sflag:s21] =	ssyncset.done $0x0  }
0xbb: {  	[sflag:s21] =	ssyncadd.s32 $0xFFFFC000  }
0xbc: {  	[spmem:s2] =	stream.indirect.scatter.add.f32 [tilespmem:s18], [sflag:$0x3], $0x80, s5, s16, $0xb8;
	[tilespmem:$0x1C800] =	vst v63  }
0xbd: {  	_ =	swait.ge [sflag:s14], $0x4000  }
0xbe: {  	s8 =	simm.s32 $0x80;
	s13 =	simm.s32 $0x100;
	[sflag:s14] =	ssyncset.done $0x0  }
.LBB2_6:
0xbf: {  	s7 =	sadd.s32 s8, s10  }
0xc0: {  	[sflag:s14] =	ssyncadd.s32 $0xFFFFC000;
	s9 =	smov.u32 s13;
	s6 =	sadd.s32 $0x80, s13  }
0xc1: {  	[tilespmem:s3], [sflag:$0x3] =	stream.linear.gather [hbm4b:s7+s3], $0x400, $0x38;
	[tilespmem:$0x1C800] =	vst v63  }
0xc2: {  	p1 =	sne.s32 s13, $0x200;
	_ =	swait.ge [sflag:s14], $0x400  }
0xc3: {  	[sflag:s14] =	ssyncset.done $0x0  }
0xc4: {  	s7 =	sadd.s32 s8, s12;
	s8 =	smov.u32 s9;
	[sflag:s14] =	ssyncadd.s32 $0xFFFFFC00  }
0xc5: {  	[tilespmem:s15], [sflag:$0x3] =	stream.linear.gather [hbm4b:s7+s3], $0x400, $0x38;
	[tilespmem:$0x1C800] =	vst v63  }
0xc6: {  	_ =	swait.ge [sflag:s14], $0x400  }
0xc7: {  	[sflag:s14] =	ssyncset.done $0x0  }
0xc8: {  	[sflag:s14] =	ssyncadd.s32 $0xFFFFFC00  }
0xc9: {  	[tilespmem:s17], [sflag:$0x1] =	stream.indirect.gather [hbm4b:s4+s16], $0x80, s3, s16, $0xb8;
	[tilespmem:$0x1C800] =	vst v63  }
0xca: {  	_ = 	snop  }
0xcb: {  	[tilespmem:s18], [sflag:$0x2] =	stream.indirect.gather [hbm4b:s4+s16], $0x80, s16, s16, $0xb8;
	[tilespmem:$0x1C800] =	vst v63  }
0xcc: {  	_ =	swait.ge [sflag:s19], $0x4000  }
0xcd: {  	[sflag:s19] =	ssyncset.done $0x0  }
0xce: {  	[sflag:s19] =	ssyncadd.s32 $0xFFFFC000  }
0xcf: {  	[spmem:s2] =	stream.indirect.scatter.add.f32 [tilespmem:s17], [sflag:$0x3], $0x80, s15, s16, $0xb8;
	[tilespmem:$0x1C800] =	vst v63  }
0xd0: {  	_ =	swait.ge [sflag:s14], $0x4000  }
0xd1: {  	[sflag:s14] =	ssyncset.done $0x0  }
0xd2: {  	[sflag:s14] =	ssyncadd.s32 $0xFFFFC000  }
0xd3: {  	[tilespmem:s17], [sflag:$0x1] =	stream.indirect.gather [hbm4b:s4+s16], $0x80, s20, s16, $0xb8;
	[tilespmem:$0x1C800] =	vst v63  }
0xd4: {  	_ =	swait.ge [sflag:s21], $0x4000  }
0xd5: {  	[sflag:s21] =	ssyncset.done $0x0  }
0xd6: {  	[sflag:s21] =	ssyncadd.s32 $0xFFFFC000  }
0xd7: {  	[spmem:s2] =	stream.indirect.scatter.add.f32 [tilespmem:s18], [sflag:$0x3], $0x80, s22, s16, $0xb8;
	[tilespmem:$0x1C800] =	vst v63  }
0xd8: {  	_ =	swait.ge [sflag:s14], $0x4000  }
0xd9: {  	[sflag:s14] =	ssyncset.done $0x0  }
0xda: {  	[sflag:s14] =	ssyncadd.s32 $0xFFFFC000  }
0xdb: {  	[tilespmem:s18], [sflag:$0x2] =	stream.indirect.gather [hbm4b:s4+s16], $0x80, s23, s16, $0xb8;
	[tilespmem:$0x1C800] =	vst v63  }
0xdc: {  	_ =	swait.ge [sflag:s19], $0x4000  }
0xdd: {  	[sflag:s19] =	ssyncset.done $0x0  }
0xde: {  	[sflag:s19] =	ssyncadd.s32 $0xFFFFC000  }
0xdf: {  	[spmem:s2] =	stream.indirect.scatter.add.f32 [tilespmem:s17], [sflag:$0x3], $0x80, s24, s16, $0xb8;
	[tilespmem:$0x1C800] =	vst v63  }
0xe0: {  	_ =	swait.ge [sflag:s14], $0x4000  }
0xe1: {  	[sflag:s14] =	ssyncset.done $0x0  }
0xe2: {  	[sflag:s14] =	ssyncadd.s32 $0xFFFFC000  }
0xe3: {  	[tilespmem:s17], [sflag:$0x1] =	stream.indirect.gather [hbm4b:s4+s16], $0x80, s25, s16, $0xb8;
	[tilespmem:$0x1C800] =	vst v63  }
0xe4: {  	_ =	swait.ge [sflag:s21], $0x4000  }
0xe5: {  	[sflag:s21] =	ssyncset.done $0x0  }
0xe6: {  	[sflag:s21] =	ssyncadd.s32 $0xFFFFC000  }
0xe7: {  	[spmem:s2] =	stream.indirect.scatter.add.f32 [tilespmem:s18], [sflag:$0x3], $0x80, s26, s16, $0xb8;
	[tilespmem:$0x1C800] =	vst v63  }
0xe8: {  	_ =	swait.ge [sflag:s14], $0x4000  }
0xe9: {  	[sflag:s14] =	ssyncset.done $0x0  }
0xea: {  	[sflag:s14] =	ssyncadd.s32 $0xFFFFC000  }
0xeb: {  	[tilespmem:s18], [sflag:$0x2] =	stream.indirect.gather [hbm4b:s4+s16], $0x80, s28, s16, $0xb8;
	[tilespmem:$0x1C800] =	vst v63  }
0xec: {  	_ =	swait.ge [sflag:s19], $0x4000  }
0xed: {  	[sflag:s19] =	ssyncset.done $0x0  }
0xee: {  	[sflag:s19] =	ssyncadd.s32 $0xFFFFC000  }
0xef: {  	[spmem:s2] =	stream.indirect.scatter.add.f32 [tilespmem:s17], [sflag:$0x3], $0x80, s29, s16, $0xb8;
	[tilespmem:$0x1C800] =	vst v63  }
0xf0: {  	_ =	swait.ge [sflag:s14], $0x4000  }
0xf1: {  	[sflag:s14] =	ssyncset.done $0x0  }
0xf2: {  	[sflag:s14] =	ssyncadd.s32 $0xFFFFC000  }
0xf3: {  	[tilespmem:s17], [sflag:$0x1] =	stream.indirect.gather [hbm4b:s4+s16], $0x80, s30, s16, $0xb8;
	[tilespmem:$0x1C800] =	vst v63  }
0xf4: {  	_ =	swait.ge [sflag:s21], $0x4000  }
0xf5: {  	[sflag:s21] =	ssyncset.done $0x0  }
0xf6: {  	[sflag:s21] =	ssyncadd.s32 $0xFFFFC000  }
0xf7: {  	[spmem:s2] =	stream.indirect.scatter.add.f32 [tilespmem:s18], [sflag:$0x3], $0x80, s31, s16, $0xb8;
	[tilespmem:$0x1C800] =	vst v63  }
0xf8: {  	_ =	swait.ge [sflag:s14], $0x4000  }
0xf9: {  	[sflag:s14] =	ssyncset.done $0x0  }
0xfa: {  	[sflag:s14] =	ssyncadd.s32 $0xFFFFC000  }
0xfb: {  	[tilespmem:s18], [sflag:$0x2] =	stream.indirect.gather [hbm4b:s4+s16], $0x80, s0, s16, $0xb8;
	[tilespmem:$0x1C800] =	vst v63  }
0xfc: {  	_ =	swait.ge [sflag:s19], $0x4000  }
0xfd: {  	[sflag:s19] =	ssyncset.done $0x0  }
0xfe: {  	[sflag:s19] =	ssyncadd.s32 $0xFFFFC000  }
0xff: {  	[spmem:s2] =	stream.indirect.scatter.add.f32 [tilespmem:s17], [sflag:$0x3], $0x80, s1, s16, $0xb8;
	[tilespmem:$0x1C800] =	vst v63  }
0x100: {  	_ =	swait.ge [sflag:s14], $0x4000  }
0x101: {  	[sflag:s14] =	ssyncset.done $0x0  }
0x102: {  	[sflag:s14] =	ssyncadd.s32 $0xFFFFC000  }
0x103: {  	_ =	swait.ge [sflag:s21], $0x4000  }
.Ltmp3:
0x104: {  	[sflag:s21] =	ssyncset.done $0x0;
	(pc) =	sbr.rel @p1 .LBB2_6-.Ltmp3, $4  }
0x105: {  	[sflag:s21] =	ssyncadd.s32 $0xFFFFC000  }
0x106: {  	[spmem:s2] =	stream.indirect.scatter.add.f32 [tilespmem:s18], [sflag:$0x3], $0x80, s5, s16, $0xb8;
	[tilespmem:$0x1C800] =	vst v63  }
0x107: {  	_ =	swait.ge [sflag:s14], $0x4000  }
0x108: {  	s13 =	smov.u32 s6;
	[sflag:s14] =	ssyncset.done $0x0  }
.Ltmp4:
0x109: {  	_ = 	snop;
	(pc) =	sbr.rel .LBB2_7-.Ltmp4, $1  }
0x10a: {  	_ =	sdelay $0x3  }
.LBB2_2:
0x10b: {  	s6 =	sadd.s32 $0x0, s13  }
0x10c: {  	[tilespmem:s3], [sflag:$0x3] =	stream.linear.gather [hbm4b:s6+s3], $0x400, $0x38;
	[tilespmem:$0x1C800] =	vst v63  }
0x10d: {  	_ =	swait.ge [sflag:s14], $0x400  }
0x10e: {  	[sflag:s14] =	ssyncset.done $0x0;
	s12 =	rddreg [dreg:$0x3]  }
0x10f: {  	[sflag:s14] =	ssyncadd.s32 $0xFFFFFC00;
	s6 =	sadd.s32 $0x0, s12  }
0x110: {  	[tilespmem:s15], [sflag:$0x3] =	stream.linear.gather [hbm4b:s6+s3], $0x400, $0x38;
	[tilespmem:$0x1C800] =	vst v63  }
0x111: {  	_ =	swait.ge [sflag:s14], $0x400  }
0x112: {  	[sflag:s14] =	ssyncset.done $0x0  }
0x113: {  	[sflag:s14] =	ssyncadd.s32 $0xFFFFFC00  }
0x114: {  	[tilespmem:s17], [sflag:$0x1] =	stream.indirect.gather [hbm4b:s4+s16], $0x80, s3, s16, $0xb8;
	[tilespmem:$0x1C800] =	vst v63  }
0x115: {  	_ = 	snop  }
0x116: {  	[tilespmem:s18], [sflag:$0x2] =	stream.indirect.gather [hbm4b:s4+s16], $0x80, s16, s16, $0xb8;
	[tilespmem:$0x1C800] =	vst v63  }
0x117: {  	_ =	swait.ge [sflag:s19], $0x4000  }
0x118: {  	[sflag:s19] =	ssyncset.done $0x0  }
0x119: {  	[sflag:s19] =	ssyncadd.s32 $0xFFFFC000  }
0x11a: {  	[spmem:s2] =	stream.indirect.scatter.add.f32 [tilespmem:s17], [sflag:$0x3], $0x80, s15, s16, $0xb8;
	[tilespmem:$0x1C800] =	vst v63  }
0x11b: {  	_ =	swait.ge [sflag:s14], $0x4000  }
0x11c: {  	[sflag:s14] =	ssyncset.done $0x0  }
0x11d: {  	[sflag:s14] =	ssyncadd.s32 $0xFFFFC000  }
0x11e: {  	[tilespmem:s17], [sflag:$0x1] =	stream.indirect.gather [hbm4b:s4+s16], $0x80, s20, s16, $0xb8;
	[tilespmem:$0x1C800] =	vst v63  }
0x11f: {  	_ =	swait.ge [sflag:s21], $0x4000  }
0x120: {  	[sflag:s21] =	ssyncset.done $0x0  }
0x121: {  	[sflag:s21] =	ssyncadd.s32 $0xFFFFC000  }
0x122: {  	[spmem:s2] =	stream.indirect.scatter.add.f32 [tilespmem:s18], [sflag:$0x3], $0x80, s22, s16, $0xb8;
	[tilespmem:$0x1C800] =	vst v63  }
0x123: {  	_ =	swait.ge [sflag:s14], $0x4000  }
0x124: {  	[sflag:s14] =	ssyncset.done $0x0  }
0x125: {  	[sflag:s14] =	ssyncadd.s32 $0xFFFFC000  }
0x126: {  	[tilespmem:s18], [sflag:$0x2] =	stream.indirect.gather [hbm4b:s4+s16], $0x80, s23, s16, $0xb8;
	[tilespmem:$0x1C800] =	vst v63  }
0x127: {  	_ =	swait.ge [sflag:s19], $0x4000  }
0x128: {  	[sflag:s19] =	ssyncset.done $0x0  }
0x129: {  	[sflag:s19] =	ssyncadd.s32 $0xFFFFC000  }
0x12a: {  	[spmem:s2] =	stream.indirect.scatter.add.f32 [tilespmem:s17], [sflag:$0x3], $0x80, s24, s16, $0xb8;
	[tilespmem:$0x1C800] =	vst v63  }
0x12b: {  	_ =	swait.ge [sflag:s14], $0x4000  }
0x12c: {  	[sflag:s14] =	ssyncset.done $0x0  }
0x12d: {  	[sflag:s14] =	ssyncadd.s32 $0xFFFFC000  }
0x12e: {  	[tilespmem:s17], [sflag:$0x1] =	stream.indirect.gather [hbm4b:s4+s16], $0x80, s25, s16, $0xb8;
	[tilespmem:$0x1C800] =	vst v63  }
0x12f: {  	_ =	swait.ge [sflag:s21], $0x4000  }
0x130: {  	[sflag:s21] =	ssyncset.done $0x0  }
0x131: {  	[sflag:s21] =	ssyncadd.s32 $0xFFFFC000  }
0x132: {  	[spmem:s2] =	stream.indirect.scatter.add.f32 [tilespmem:s18], [sflag:$0x3], $0x80, s26, s16, $0xb8;
	[tilespmem:$0x1C800] =	vst v63  }
0x133: {  	_ =	swait.ge [sflag:s14], $0x4000  }
0x134: {  	[sflag:s14] =	ssyncset.done $0x0  }
0x135: {  	[sflag:s14] =	ssyncadd.s32 $0xFFFFC000  }
0x136: {  	[tilespmem:s18], [sflag:$0x2] =	stream.indirect.gather [hbm4b:s4+s16], $0x80, s28, s16, $0xb8;
	[tilespmem:$0x1C800] =	vst v63  }
0x137: {  	_ =	swait.ge [sflag:s19], $0x4000  }
0x138: {  	[sflag:s19] =	ssyncset.done $0x0  }
0x139: {  	[sflag:s19] =	ssyncadd.s32 $0xFFFFC000  }
0x13a: {  	[spmem:s2] =	stream.indirect.scatter.add.f32 [tilespmem:s17], [sflag:$0x3], $0x80, s29, s16, $0xb8;
	[tilespmem:$0x1C800] =	vst v63  }
0x13b: {  	_ =	swait.ge [sflag:s14], $0x4000  }
0x13c: {  	[sflag:s14] =	ssyncset.done $0x0  }
0x13d: {  	[sflag:s14] =	ssyncadd.s32 $0xFFFFC000  }
0x13e: {  	[tilespmem:s17], [sflag:$0x1] =	stream.indirect.gather [hbm4b:s4+s16], $0x80, s30, s16, $0xb8;
	[tilespmem:$0x1C800] =	vst v63  }
0x13f: {  	_ =	swait.ge [sflag:s21], $0x4000  }
0x140: {  	[sflag:s21] =	ssyncset.done $0x0  }
0x141: {  	[sflag:s21] =	ssyncadd.s32 $0xFFFFC000  }
0x142: {  	[spmem:s2] =	stream.indirect.scatter.add.f32 [tilespmem:s18], [sflag:$0x3], $0x80, s31, s16, $0xb8;
	[tilespmem:$0x1C800] =	vst v63  }
0x143: {  	_ =	swait.ge [sflag:s14], $0x4000  }
0x144: {  	[sflag:s14] =	ssyncset.done $0x0  }
0x145: {  	[sflag:s14] =	ssyncadd.s32 $0xFFFFC000  }
0x146: {  	[tilespmem:s18], [sflag:$0x2] =	stream.indirect.gather [hbm4b:s4+s16], $0x80, s0, s16, $0xb8;
	[tilespmem:$0x1C800] =	vst v63  }
0x147: {  	_ =	swait.ge [sflag:s19], $0x4000  }
0x148: {  	[sflag:s19] =	ssyncset.done $0x0  }
0x149: {  	[sflag:s19] =	ssyncadd.s32 $0xFFFFC000  }
0x14a: {  	[spmem:s2] =	stream.indirect.scatter.add.f32 [tilespmem:s17], [sflag:$0x3], $0x80, s1, s16, $0xb8;
	[tilespmem:$0x1C800] =	vst v63  }
0x14b: {  	_ =	swait.ge [sflag:s14], $0x4000  }
0x14c: {  	[sflag:s14] =	ssyncset.done $0x0  }
0x14d: {  	[sflag:s14] =	ssyncadd.s32 $0xFFFFC000  }
0x14e: {  	_ =	swait.ge [sflag:s21], $0x4000  }
0x14f: {  	[sflag:s21] =	ssyncset.done $0x0  }
0x150: {  	[sflag:s21] =	ssyncadd.s32 $0xFFFFC000  }
0x151: {  	[spmem:s2] =	stream.indirect.scatter.add.f32 [tilespmem:s18], [sflag:$0x3], $0x80, s5, s16, $0xb8;
	[tilespmem:$0x1C800] =	vst v63  }
0x152: {  	_ =	swait.ge [sflag:s14], $0x4000  }
0x153: {  	s8 =	simm.s32 $0x80;
	s6 =	simm.s32 $0x100;
	[sflag:s14] =	ssyncset.done $0x0  }
.LBB2_3:
0x154: {  	s7 =	sadd.s32 s8, s13;
	[sflag:s14] =	ssyncadd.s32 $0xFFFFC000  }
0x155: {  	[tilespmem:s3], [sflag:$0x3] =	stream.linear.gather [hbm4b:s7+s3], $0x400, $0x38;
	[tilespmem:$0x1C800] =	vst v63  }
0x156: {  	s7 =	rddreg [dreg:$0x3];
	_ =	swait.ge [sflag:s14], $0x400  }
0x157: {  	[sflag:s14] =	ssyncset.done $0x0  }
0x158: {  	s12 =	sadd.s32 s8, s7;
	[sflag:s14] =	ssyncadd.s32 $0xFFFFFC00  }
0x159: {  	[tilespmem:s15], [sflag:$0x3] =	stream.linear.gather [hbm4b:s12+s3], $0x400, $0x38;
	[tilespmem:$0x1C800] =	vst v63  }
0x15a: {  	_ =	swait.ge [sflag:s14], $0x400  }
0x15b: {  	[sflag:s14] =	ssyncset.done $0x0  }
0x15c: {  	[sflag:s14] =	ssyncadd.s32 $0xFFFFFC00  }
0x15d: {  	[tilespmem:s17], [sflag:$0x1] =	stream.indirect.gather [hbm4b:s4+s16], $0x80, s3, s16, $0xb8;
	[tilespmem:$0x1C800] =	vst v63  }
0x15e: {  	_ = 	snop  }
0x15f: {  	[tilespmem:s18], [sflag:$0x2] =	stream.indirect.gather [hbm4b:s4+s16], $0x80, s16, s16, $0xb8;
	[tilespmem:$0x1C800] =	vst v63  }
0x160: {  	_ =	swait.ge [sflag:s19], $0x4000  }
0x161: {  	[sflag:s19] =	ssyncset.done $0x0  }
0x162: {  	[sflag:s19] =	ssyncadd.s32 $0xFFFFC000  }
0x163: {  	[spmem:s2] =	stream.indirect.scatter.add.f32 [tilespmem:s17], [sflag:$0x3], $0x80, s15, s16, $0xb8;
	[tilespmem:$0x1C800] =	vst v63  }
0x164: {  	_ =	swait.ge [sflag:s14], $0x4000  }
0x165: {  	[sflag:s14] =	ssyncset.done $0x0  }
0x166: {  	[sflag:s14] =	ssyncadd.s32 $0xFFFFC000  }
0x167: {  	[tilespmem:s17], [sflag:$0x1] =	stream.indirect.gather [hbm4b:s4+s16], $0x80, s20, s16, $0xb8;
	[tilespmem:$0x1C800] =	vst v63  }
0x168: {  	_ =	swait.ge [sflag:s21], $0x4000  }
0x169: {  	[sflag:s21] =	ssyncset.done $0x0  }
0x16a: {  	[sflag:s21] =	ssyncadd.s32 $0xFFFFC000  }
0x16b: {  	[spmem:s2] =	stream.indirect.scatter.add.f32 [tilespmem:s18], [sflag:$0x3], $0x80, s22, s16, $0xb8;
	[tilespmem:$0x1C800] =	vst v63  }
0x16c: {  	_ =	swait.ge [sflag:s14], $0x4000  }
0x16d: {  	[sflag:s14] =	ssyncset.done $0x0  }
0x16e: {  	[sflag:s14] =	ssyncadd.s32 $0xFFFFC000  }
0x16f: {  	[tilespmem:s18], [sflag:$0x2] =	stream.indirect.gather [hbm4b:s4+s16], $0x80, s23, s16, $0xb8;
	[tilespmem:$0x1C800] =	vst v63  }
0x170: {  	_ =	swait.ge [sflag:s19], $0x4000  }
0x171: {  	[sflag:s19] =	ssyncset.done $0x0  }
0x172: {  	[sflag:s19] =	ssyncadd.s32 $0xFFFFC000  }
0x173: {  	[spmem:s2] =	stream.indirect.scatter.add.f32 [tilespmem:s17], [sflag:$0x3], $0x80, s24, s16, $0xb8;
	[tilespmem:$0x1C800] =	vst v63  }
0x174: {  	_ =	swait.ge [sflag:s14], $0x4000  }
0x175: {  	[sflag:s14] =	ssyncset.done $0x0  }
0x176: {  	[sflag:s14] =	ssyncadd.s32 $0xFFFFC000  }
0x177: {  	[tilespmem:s17], [sflag:$0x1] =	stream.indirect.gather [hbm4b:s4+s16], $0x80, s25, s16, $0xb8;
	[tilespmem:$0x1C800] =	vst v63  }
0x178: {  	_ =	swait.ge [sflag:s21], $0x4000  }
0x179: {  	[sflag:s21] =	ssyncset.done $0x0  }
0x17a: {  	[sflag:s21] =	ssyncadd.s32 $0xFFFFC000  }
0x17b: {  	[spmem:s2] =	stream.indirect.scatter.add.f32 [tilespmem:s18], [sflag:$0x3], $0x80, s26, s16, $0xb8;
	[tilespmem:$0x1C800] =	vst v63  }
0x17c: {  	_ =	swait.ge [sflag:s14], $0x4000  }
0x17d: {  	[sflag:s14] =	ssyncset.done $0x0  }
0x17e: {  	[sflag:s14] =	ssyncadd.s32 $0xFFFFC000  }
0x17f: {  	[tilespmem:s18], [sflag:$0x2] =	stream.indirect.gather [hbm4b:s4+s16], $0x80, s28, s16, $0xb8;
	[tilespmem:$0x1C800] =	vst v63  }
0x180: {  	_ =	swait.ge [sflag:s19], $0x4000  }
0x181: {  	[sflag:s19] =	ssyncset.done $0x0  }
0x182: {  	[sflag:s19] =	ssyncadd.s32 $0xFFFFC000  }
0x183: {  	[spmem:s2] =	stream.indirect.scatter.add.f32 [tilespmem:s17], [sflag:$0x3], $0x80, s29, s16, $0xb8;
	[tilespmem:$0x1C800] =	vst v63  }
0x184: {  	_ =	swait.ge [sflag:s14], $0x4000  }
0x185: {  	[sflag:s14] =	ssyncset.done $0x0  }
0x186: {  	[sflag:s14] =	ssyncadd.s32 $0xFFFFC000  }
0x187: {  	[tilespmem:s17], [sflag:$0x1] =	stream.indirect.gather [hbm4b:s4+s16], $0x80, s30, s16, $0xb8;
	[tilespmem:$0x1C800] =	vst v63  }
0x188: {  	_ =	swait.ge [sflag:s21], $0x4000  }
0x189: {  	[sflag:s21] =	ssyncset.done $0x0  }
0x18a: {  	[sflag:s21] =	ssyncadd.s32 $0xFFFFC000  }
0x18b: {  	[spmem:s2] =	stream.indirect.scatter.add.f32 [tilespmem:s18], [sflag:$0x3], $0x80, s31, s16, $0xb8;
	[tilespmem:$0x1C800] =	vst v63  }
0x18c: {  	_ =	swait.ge [sflag:s14], $0x4000  }
0x18d: {  	[sflag:s14] =	ssyncset.done $0x0  }
0x18e: {  	[sflag:s14] =	ssyncadd.s32 $0xFFFFC000  }
0x18f: {  	[tilespmem:s18], [sflag:$0x2] =	stream.indirect.gather [hbm4b:s4+s16], $0x80, s0, s16, $0xb8;
	[tilespmem:$0x1C800] =	vst v63  }
0x190: {  	_ =	swait.ge [sflag:s19], $0x4000  }
0x191: {  	[sflag:s19] =	ssyncset.done $0x0  }
0x192: {  	[sflag:s19] =	ssyncadd.s32 $0xFFFFC000  }
0x193: {  	[spmem:s2] =	stream.indirect.scatter.add.f32 [tilespmem:s17], [sflag:$0x3], $0x80, s1, s16, $0xb8;
	[tilespmem:$0x1C800] =	vst v63  }
0x194: {  	_ =	swait.ge [sflag:s14], $0x4000  }
0x195: {  	[sflag:s14] =	ssyncset.done $0x0  }
0x196: {  	[sflag:s14] =	ssyncadd.s32 $0xFFFFC000  }
0x197: {  	p1 =	seq.s32 s6, $0x700;
	_ =	swait.ge [sflag:s21], $0x4000  }
.Ltmp5:
0x198: {  	[sflag:s21] =	ssyncset.done $0x0;
	(pc) =	sbr.rel @!p1 .LBB2_3-.Ltmp5, $4  }
0x199: {  	s13 =	sadd.s32 $0x80, s6;
	[sflag:s21] =	ssyncadd.s32 $0xFFFFC000  }
0x19a: {  	[spmem:s2] =	stream.indirect.scatter.add.f32 [tilespmem:s18], [sflag:$0x3], $0x80, s5, s16, $0xb8;
	[tilespmem:$0x1C800] =	vst v63  }
0x19b: {  	s9 =	smov.u32 s6;
	s6 =	smov.u32 s13;
	_ =	swait.ge [sflag:s14], $0x4000  }
0x19c: {  	s13 =	smov.u32 s11;
	s8 =	smov.u32 s9;
	[sflag:s14] =	ssyncset.done $0x0  }
0x19d: {  	s6 =	sadd.s32 s8, s13;
	[sflag:s14] =	ssyncadd.s32 $0xFFFFC000  }
0x19e: {  	[tilespmem:s3], [sflag:$0x3] =	stream.linear.gather [hbm4b:s6+s3], $0x400, $0x38;
	[tilespmem:$0x1C800] =	vst v63  }
0x19f: {  	_ =	swait.ge [sflag:s14], $0x400  }
0x1a0: {  	[sflag:s14] =	ssyncset.done $0x0  }
0x1a1: {  	s12 =	sadd.s32 s8, s7;
	[sflag:s14] =	ssyncadd.s32 $0xFFFFFC00  }
0x1a2: {  	[tilespmem:s15], [sflag:$0x3] =	stream.linear.gather [hbm4b:s12+s3], $0x400, $0x38;
	[tilespmem:$0x1C800] =	vst v63  }
0x1a3: {  	_ =	swait.ge [sflag:s14], $0x400  }
0x1a4: {  	[sflag:s14] =	ssyncset.done $0x0  }
0x1a5: {  	[sflag:s14] =	ssyncadd.s32 $0xFFFFFC00  }
0x1a6: {  	[tilespmem:s17], [sflag:$0x1] =	stream.indirect.gather [hbm4b:s4+s16], $0x80, s3, s16, $0xb8;
	[tilespmem:$0x1C800] =	vst v63  }
0x1a7: {  	_ = 	snop  }
0x1a8: {  	[tilespmem:s18], [sflag:$0x2] =	stream.indirect.gather [hbm4b:s4+s16], $0x80, s16, s16, $0xb8;
	[tilespmem:$0x1C800] =	vst v63  }
0x1a9: {  	_ =	swait.ge [sflag:s19], $0x4000  }
0x1aa: {  	[sflag:s19] =	ssyncset.done $0x0  }
0x1ab: {  	[sflag:s19] =	ssyncadd.s32 $0xFFFFC000  }
0x1ac: {  	[spmem:s2] =	stream.indirect.scatter.add.f32 [tilespmem:s17], [sflag:$0x3], $0x80, s15, s16, $0xb8;
	[tilespmem:$0x1C800] =	vst v63  }
0x1ad: {  	_ =	swait.ge [sflag:s14], $0x4000  }
0x1ae: {  	[sflag:s14] =	ssyncset.done $0x0  }
0x1af: {  	[sflag:s14] =	ssyncadd.s32 $0xFFFFC000  }
0x1b0: {  	[tilespmem:s17], [sflag:$0x1] =	stream.indirect.gather [hbm4b:s4+s16], $0x80, s20, s16, $0xb8;
	[tilespmem:$0x1C800] =	vst v63  }
0x1b1: {  	_ =	swait.ge [sflag:s21], $0x4000  }
0x1b2: {  	[sflag:s21] =	ssyncset.done $0x0  }
0x1b3: {  	[sflag:s21] =	ssyncadd.s32 $0xFFFFC000  }
0x1b4: {  	[spmem:s2] =	stream.indirect.scatter.add.f32 [tilespmem:s18], [sflag:$0x3], $0x80, s22, s16, $0xb8;
	[tilespmem:$0x1C800] =	vst v63  }
0x1b5: {  	_ =	swait.ge [sflag:s14], $0x4000  }
0x1b6: {  	[sflag:s14] =	ssyncset.done $0x0  }
0x1b7: {  	[sflag:s14] =	ssyncadd.s32 $0xFFFFC000  }
0x1b8: {  	[tilespmem:s18], [sflag:$0x2] =	stream.indirect.gather [hbm4b:s4+s16], $0x80, s23, s16, $0xb8;
	[tilespmem:$0x1C800] =	vst v63  }
0x1b9: {  	_ =	swait.ge [sflag:s19], $0x4000  }
0x1ba: {  	[sflag:s19] =	ssyncset.done $0x0  }
0x1bb: {  	[sflag:s19] =	ssyncadd.s32 $0xFFFFC000  }
0x1bc: {  	[spmem:s2] =	stream.indirect.scatter.add.f32 [tilespmem:s17], [sflag:$0x3], $0x80, s24, s16, $0xb8;
	[tilespmem:$0x1C800] =	vst v63  }
0x1bd: {  	_ =	swait.ge [sflag:s14], $0x4000  }
0x1be: {  	[sflag:s14] =	ssyncset.done $0x0  }
0x1bf: {  	[sflag:s14] =	ssyncadd.s32 $0xFFFFC000  }
0x1c0: {  	[tilespmem:s17], [sflag:$0x1] =	stream.indirect.gather [hbm4b:s4+s16], $0x80, s25, s16, $0xb8;
	[tilespmem:$0x1C800] =	vst v63  }
0x1c1: {  	_ =	swait.ge [sflag:s21], $0x4000  }
0x1c2: {  	[sflag:s21] =	ssyncset.done $0x0  }
0x1c3: {  	[sflag:s21] =	ssyncadd.s32 $0xFFFFC000  }
0x1c4: {  	[spmem:s2] =	stream.indirect.scatter.add.f32 [tilespmem:s18], [sflag:$0x3], $0x80, s26, s16, $0xb8;
	[tilespmem:$0x1C800] =	vst v63  }
0x1c5: {  	_ =	swait.ge [sflag:s14], $0x4000  }
0x1c6: {  	[sflag:s14] =	ssyncset.done $0x0  }
0x1c7: {  	[sflag:s14] =	ssyncadd.s32 $0xFFFFC000  }
0x1c8: {  	[tilespmem:s18], [sflag:$0x2] =	stream.indirect.gather [hbm4b:s4+s16], $0x80, s28, s16, $0xb8;
	[tilespmem:$0x1C800] =	vst v63  }
0x1c9: {  	_ =	swait.ge [sflag:s19], $0x4000  }
0x1ca: {  	[sflag:s19] =	ssyncset.done $0x0  }
0x1cb: {  	[sflag:s19] =	ssyncadd.s32 $0xFFFFC000  }
0x1cc: {  	[spmem:s2] =	stream.indirect.scatter.add.f32 [tilespmem:s17], [sflag:$0x3], $0x80, s29, s16, $0xb8;
	[tilespmem:$0x1C800] =	vst v63  }
0x1cd: {  	_ =	swait.ge [sflag:s14], $0x4000  }
0x1ce: {  	[sflag:s14] =	ssyncset.done $0x0  }
0x1cf: {  	[sflag:s14] =	ssyncadd.s32 $0xFFFFC000  }
0x1d0: {  	[tilespmem:s17], [sflag:$0x1] =	stream.indirect.gather [hbm4b:s4+s16], $0x80, s30, s16, $0xb8;
	[tilespmem:$0x1C800] =	vst v63  }
0x1d1: {  	_ =	swait.ge [sflag:s21], $0x4000  }
0x1d2: {  	[sflag:s21] =	ssyncset.done $0x0  }
0x1d3: {  	[sflag:s21] =	ssyncadd.s32 $0xFFFFC000  }
0x1d4: {  	[spmem:s2] =	stream.indirect.scatter.add.f32 [tilespmem:s18], [sflag:$0x3], $0x80, s31, s16, $0xb8;
	[tilespmem:$0x1C800] =	vst v63  }
0x1d5: {  	_ =	swait.ge [sflag:s14], $0x4000  }
0x1d6: {  	[sflag:s14] =	ssyncset.done $0x0  }
0x1d7: {  	[sflag:s14] =	ssyncadd.s32 $0xFFFFC000  }
0x1d8: {  	[tilespmem:s18], [sflag:$0x2] =	stream.indirect.gather [hbm4b:s4+s16], $0x80, s0, s16, $0xb8;
	[tilespmem:$0x1C800] =	vst v63  }
0x1d9: {  	_ =	swait.ge [sflag:s19], $0x4000  }
0x1da: {  	[sflag:s19] =	ssyncset.done $0x0  }
0x1db: {  	[sflag:s19] =	ssyncadd.s32 $0xFFFFC000  }
0x1dc: {  	[spmem:s2] =	stream.indirect.scatter.add.f32 [tilespmem:s17], [sflag:$0x3], $0x80, s1, s16, $0xb8;
	[tilespmem:$0x1C800] =	vst v63  }
0x1dd: {  	_ =	swait.ge [sflag:s14], $0x4000  }
0x1de: {  	[sflag:s14] =	ssyncset.done $0x0  }
0x1df: {  	[sflag:s14] =	ssyncadd.s32 $0xFFFFC000  }
0x1e0: {  	_ =	swait.ge [sflag:s21], $0x4000  }
0x1e1: {  	[sflag:s21] =	ssyncset.done $0x0  }
.Ltmp6:
0x1e2: {  	[sflag:s21] =	ssyncadd.s32 $0xFFFFC000;
	(pc) =	sbr.rel .LBB2_8-.Ltmp6, $4  }
0x1e3: {  	[spmem:s2] =	stream.indirect.scatter.add.f32 [tilespmem:s18], [sflag:$0x3], $0x80, s5, s16, $0xb8;
	[tilespmem:$0x1C800] =	vst v63  }
0x1e4: {  	_ =	swait.ge [sflag:s14], $0x4000  }
0x1e5: {  	[sflag:s14] =	ssyncset.done $0x0;
	s12 =	rddreg [dreg:$0x8]  }
0x1e6: {  	s8 =	rddreg [dreg:$0xa];
	[sflag:s14] =	ssyncadd.s32 $0xFFFFC000  }
.LBB2_9:
0x1e7: {  	_ =	sfence.sel $0x180000  }
0x1e8: {  	[bflag:$0x0] =	sbarrier.arrive $0xFFFF  }
0x1e9: {  	_ =	strace $0x9000004A  }
0x1ea: {  	s0 =	stileid.u32;
	[bflag:$0x2] =	sbarrier.arrive $0xFFFF  }
0x1eb: {  	p0 =	sne.s32 s0, $0x0;
	s0 =	rddreg [dreg:$0x2]  }
0x1ec: {  	s0 =	sadd.s32 @!p0 $0x100000, s0  }
0x1ed: {  	[sflag:s0] =	ssyncadd.tile.s32 @!p0 $0x1;
	_ =	shalt  }
.Lfunc_end2:
_tile_overlayer_lowered:
.L_overlay_start_2:
0x1ee: {  	(tag) =	ssettag $0x2  }
0x1ef: {  	s0 =	rddreg [dreg:$0x0];
	s2 =	stileid.u32  }
0x1f0: {  	s1 =	rddreg [dreg:$0x1];
	p0 =	sne.s32 s2, $0x0  }
0x1f1: {  	s3 =	rddreg [dreg:$0x2];
	[bflag:$0x3] =	sbarrier.arrive $0xFFFF;
	s2 =	simm.s32 @!p0 $0x1C03  }
0x1f2: {  	[timem:s3], [sflag:s2] =	dma.local @!p0 [hbm:s0], s1  }
0x1f3: {  	s0 =	simm.s32 @!p0 $0x3  }
0x1f4: {  	_ =	swait.ge @!p0 [sflag:s0], s1  }
0x1f5: {  	s1 =	ssub.s32 @!p0 $0x0, s1;
	[sflag:s0] =	ssyncset.done @!p0 $0x0  }
0x1f6: {  	[sflag:s0] =	ssyncadd.s32 @!p0 s1  }
0x1f7: {  	[bflag:$0x3] =	sbarrier.arrive $0xFFFF  }
0x1f8: {  	_ =	shalt  }

// kernel: kernel.18.cloned.1.call-start
scs
__scs_entry_jumppad:
0x0: {  	(pc) =	sbr.rel $0x88, $3  }
0x1: {  	(tag) =	ssettag $0x0;
	lr =	simm.s32 $0x1  }
0x2: {  	[smem:$0x3F98] =	sst lr;
	_ =	strace $0xD0000000  }
0x3: {  	_ = 	snop  }
0x4: {  	_ = 	snop  }
0x5: {  	_ = 	snop  }
0x6: {  	_ = 	snop  }
0x7: {  	_ = 	snop  }
__scs_overlays_trampoline_lowered:
0x8: {  	[smem:$0x3FA7] =	sst s0  }
0x9: {  	[smem:$0x3FA8] =	sst s1  }
0xa: {  	[smem:$0x3FA9] =	sst s2  }
0xb: {  	[smem:$0x3FAA] =	sst s3  }
0xc: {  	[smem:$0x3FAB] =	sst s4  }
0xd: {  	[smem:$0x3FAC] =	sst s5  }
0xe: {  	[smem:$0x3FAD] =	sst s6  }
0xf: {  	[smem:$0x3FAE] =	sst s7  }
0x10: {  	[smem:$0x3FAF] =	sst s8  }
0x11: {  	[smem:$0x3FB0] =	sst s9;
	s0 =	simm.s32 @!p0 $0x0  }
0x12: {  	s1 =	sld [smem:$0x3F96];
	s0 =	simm.s32 @p0 $0x1  }
0x13: {  	[smem:$0x3FB1] =	sst s0;
	s0 =	simm.s32 @!p1 $0x0  }
0x14: {  	s2 =	sld [smem:$0x3F95];
	s0 =	simm.s32 @p1 $0x1  }
0x15: {  	[smem:$0x3FB2] =	sst s0;
	s0 =	simm.s32 @!p2 $0x0  }
0x16: {  	s3 =	sld [smem:$0x3FDB];
	s0 =	simm.s32 @p2 $0x1  }
0x17: {  	s4 =	simm.s32 $0x1BF5;
	[smem:$0x3FB4] =	sst s0  }
0x18: {  	s0 =	sld [smem:$0x3F97];
	_ =	swait.ge [sflag:s4], $0x0  }
0x19: {  	s7 =	sld [smem:$0x3F98]  }
0x1a: {  	s8 =	sadd.s32 $0xFFFFE003, lr  }
0x1b: {  	s9 =	sadd.s32 $0xFFFFFEF7, lr;
	s5 =	simm.s32 $0xFFFFFFFF;
	p2 =	slt.u32 s8, $0xFFFFF086  }
0x1c: {  	p1 =	slt.u32 s9, $0xF7A;
	s5 =	simm.s32 @!p2 $0x0  }
0x1d: {  	s5 =	simm.s32 @p1 $0x1;
	p0 =	seq.s32 s7, s2  }
0x1e: {  	s7 =	smul.u32 @!p0 $0xF7A, s2;
	p2 =	seq.s32 @!p0 s5, $0x0  }
0x1f: {  	s9 =	smul.u32 $0xF7A, s1;
	s8 =	simm.s32 @!p0 $0x1BF5;
	p2 =	por !p2, p0  }
0x20: {  	[sflag:s8] =	ssyncset.s32 @!p0 $0xFFFFF086;
	s6 =	sadd.s32 @!p0 s3, s7;
	s7 =	simm.s32 @!p0 $0x108  }
0x21: {  	s3 =	sadd.s32 s3, s9;
	s6 =	sadd.s32 @!p0 $0x88, s6;
	s7 =	simm.s32 @p2 $0x1082  }
0x22: {  	[simem:s7], [sflag:s8] =	dma.local @!p0 [hbm:s6], $0xF7A  }
0x23: {  	s9 =	sor.u32 $0xD0000000, s2;
	s6 =	simm.s32 $0x108;
	_ =	swait.ge @!p0 [sflag:s8], $0x0  }
0x24: {  	s3 =	sadd.s32 $0x88, s3;
	s6 =	simm.s32 @!p1 $0x1082;
	[sflag:s4] =	ssyncset.s32 $0xFFFFF086  }
0x25: {  	[simem:s6], [sflag:s4] =	dma.local [hbm:s3], $0xF7A  }
0x26: {  	[smem:$0x3F98] =	sst s1;
	(tag) =	ssettag s2;
	_ =	strace s9  }
0x27: {  	s1 =	sld [smem:$0x3FA8]  }
0x28: {  	s2 =	sld [smem:$0x3FA9]  }
0x29: {  	s4 =	sld [smem:$0x3FAB]  }
0x2a: {  	p0 =	seq.s32 s5, $0x0;
	s5 =	sld [smem:$0x3FAC]  }
0x2b: {  	s6 =	sld [smem:$0x3FAD]  }
0x2c: {  	s7 =	sld [smem:$0x3FAE]  }
0x2d: {  	s3 =	simm.s32 $0x108;
	s8 =	sld [smem:$0x3FAF]  }
0x2e: {  	s3 =	simm.s32 @!p0 $0x1082;
	s9 =	sld [smem:$0x3FB0]  }
0x2f: {  	lr =	sadd.s32 s0, s3;
	s0 =	sld [smem:$0x3FA7]  }
0x30: {  	s3 =	sld [smem:$0x3FAA]  }
0x31: {  	[smem:$0x3FB3] =	sst s10  }
0x32: {  	s10 =	sld [smem:$0x3FB1];
	_ =	sdelay $0x3  }
0x33: {  	p0 =	seq.s32 s10, $0x1;
	s10 =	sld [smem:$0x3FB3];
	_ =	sdelay $0x3  }
0x34: {  	[smem:$0x3FB3] =	sst s10  }
0x35: {  	s10 =	sld [smem:$0x3FB2];
	_ =	sdelay $0x3  }
0x36: {  	p1 =	seq.s32 s10, $0x1;
	s10 =	sld [smem:$0x3FB3];
	_ =	sdelay $0x3  }
0x37: {  	[smem:$0x3FB3] =	sst s10  }
0x38: {  	s10 =	sld [smem:$0x3FB4]  }
0x39: {  	_ = 	snop;
	(pc) =	sbr.ind lr, $3  }
0x3a: {  	_ = 	snop  }
0x3b: {  	_ = 	snop  }
0x3c: {  	p2 =	seq.s32 s10, $0x1;
	s10 =	sld [smem:$0x3FB3]  }
0x3d: {  	_ =	shalt  }
0x3e: {  	_ =	shalt  }
0x3f: {  	_ =	shalt  }
0x40: {  	_ =	shalt  }
0x41: {  	_ =	shalt  }
0x42: {  	_ =	shalt  }
0x43: {  	_ =	shalt  }
0x44: {  	_ =	shalt  }
0x45: {  	_ =	shalt  }
0x46: {  	_ =	shalt  }
0x47: {  	_ =	shalt  }
0x48: {  	_ =	shalt  }
0x49: {  	_ =	shalt  }
0x4a: {  	_ =	shalt  }
0x4b: {  	_ =	shalt  }
0x4c: {  	_ =	shalt  }
0x4d: {  	_ =	shalt  }
0x4e: {  	_ =	shalt  }
0x4f: {  	_ =	shalt  }
0x50: {  	_ =	shalt  }
0x51: {  	_ =	shalt  }
0x52: {  	_ =	shalt  }
0x53: {  	_ =	shalt  }
0x54: {  	_ =	shalt  }
0x55: {  	_ =	shalt  }
0x56: {  	_ =	shalt  }
0x57: {  	_ =	shalt  }
0x58: {  	_ =	shalt  }
0x59: {  	_ =	shalt  }
0x5a: {  	_ =	shalt  }
0x5b: {  	_ =	shalt  }
0x5c: {  	_ =	shalt  }
0x5d: {  	_ =	shalt  }
0x5e: {  	_ =	shalt  }
0x5f: {  	_ =	shalt  }
0x60: {  	_ =	shalt  }
0x61: {  	_ =	shalt  }
0x62: {  	_ =	shalt  }
0x63: {  	_ =	shalt  }
0x64: {  	_ =	shalt  }
0x65: {  	_ =	shalt  }
0x66: {  	_ =	shalt  }
0x67: {  	_ =	shalt  }
0x68: {  	_ =	shalt  }
0x69: {  	_ =	shalt  }
0x6a: {  	_ =	shalt  }
0x6b: {  	_ =	shalt  }
0x6c: {  	_ =	shalt  }
0x6d: {  	_ =	shalt  }
0x6e: {  	_ =	shalt  }
0x6f: {  	_ =	shalt  }
0x70: {  	_ =	shalt  }
0x71: {  	_ =	shalt  }
0x72: {  	_ =	shalt  }
0x73: {  	_ =	shalt  }
0x74: {  	_ =	shalt  }
0x75: {  	_ =	shalt  }
0x76: {  	_ =	shalt  }
0x77: {  	_ =	shalt  }
0x78: {  	_ =	shalt  }
0x79: {  	_ =	shalt  }
0x7a: {  	_ =	shalt  }
0x7b: {  	_ =	shalt  }
0x7c: {  	_ =	shalt  }
0x7d: {  	_ =	shalt  }
0x7e: {  	_ =	shalt  }
0x7f: {  	_ =	shalt  }
0x80: {  	_ =	shalt  }
0x81: {  	_ =	shalt  }
0x82: {  	_ =	shalt  }
0x83: {  	_ =	shalt  }
0x84: {  	_ =	shalt  }
0x85: {  	_ =	shalt  }
0x86: {  	_ =	shalt  }
0x87: {  	_ =	shalt  }
.Lfunc_end0:
.L_simem_size_0:
called_computation.2_lowered:
.L_overlay_start_0:
0x88: {  	s2 =	sld [smem:$0x3FD9]  }
0x89: {  	s3 =	sld [smem:$0x3FFE];
	_ =	sdelay $0x1  }
0x8a: {  	s1 =	srdreg.scid  }
0x8b: {  	s0 =	sand.u32 $0x1, s1  }
0x8c: {  	s16 =	sshll.u32 s0, $0xA;
	s2 =	sadd.s32 s3, s2  }
0x8d: {  	s2 =	sadd.s32 s2, s16  }
0x8e: {  	[smem:$0x3FBF] =	sst s2  }
0x8f: {  	_ = 	snop  }
0x90: {  	(tm) =	ssettm $0x1  }
0x91: {  	s17 =	sld [smem:$0x3FFB];
	_ =	sdelay $0x3  }
0x92: {  	_ =	strace s17  }
0x93: {  	s2 =	sld [smem:$0x3FFC];
	_ =	sdelay $0x3  }
0x94: {  	_ =	strace s2  }
0x95: {  	s2 =	sld [smem:$0x3FFD];
	_ =	sdelay $0x3  }
0x96: {  	_ =	strace s2  }
0x97: {  	_ =	strace $0x8FFFFFFF  }
0x98: {  	s18 =	sld [smem:$0x3FDB];
	_ =	sdelay $0x1  }
0x99: {  	s19 =	simm.s32 $_scs_section_size  }
0x9a: {  	s4 =	simm.s32 $_size__tile_overlayer_lowered;
	s5 =	simm.s32 $_tile_overlayer_lowered  }
0x9b: {  	s22 =	simm.s32 $0x1BFF;
	s21 =	sshll.u32 s5, $0x1;
	s2 =	sadd.s32 s19, s18  }
0x9c: {  	s6 =	simm.s32 $0x0;
	s20 =	sshll.u32 s4, $0x1;
	s4 =	sadd.s32 s21, s2  }
0x9d: {  	[timem:s6], [sflag:s22] =	dma.local [hbm:s4], s20  }
0x9e: {  	_ =	swait.ge [sflag:s22], s20  }
0x9f: {  	s3 =	ssub.s32 $0x0, s20;
	[sflag:s22] =	ssyncset.done $0x0  }
0xa0: {  	[sflag:s22] =	ssyncadd.s32 s3;
	_ =	sdelay $0x1  }
0xa1: {  	s23 =	simm.s32 $0x1B8B  }
0xa2: {  	_ =	swait.ge [sflag:s23], $0x1  }
0xa3: {  	[sflag:s23] =	ssyncset.done $0x0  }
0xa4: {  	s25 =	simm.s32 $0x1B8E;
	s24 =	sld [smem:$0x3FFE];
	[sflag:s23] =	ssyncadd.s32 $0xFFFFFFFF  }
0xa5: {  	s26 =	simm.s32 $execute0_lowered;
	[smem:$0x3FD2] =	sst s25  }
0xa6: {  	s4 =	sshll.u32 s26, $0x1;
	_ =	strace $0x8000004C;
	[dreg:$0x1] =	wrdreg $0xFFFFFFFF  }
0xa7: {  	s28 =	simm.s32 $_size_execute0_lowered;
	s2 =	sadd.s32 s2, s4;
	[dreg:$0x0] =	wrdreg $0x0  }
0xa8: {  	s4 =	sshll.u32 s28, $0x1;
	[dreg:$0x2] =	wrdreg s2  }
0xa9: {  	[dreg:$0x3] =	wrdreg s4  }
0xaa: {  	[dreg:$0x4] =	wrdreg $0xC0  }
0xab: {  	_ =	task [dreg:s6], $0x5FFFF  }
0xac: {  	[dreg:$0x1] =	wrdreg $0xFFFFFFFF  }
0xad: {  	[dreg:$0x0] =	wrdreg $0x60  }
0xae: {  	[dreg:$0x2] =	wrdreg s24  }
0xaf: {  	[dreg:$0x3] =	wrdreg $0x88000  }
0xb0: {  	[dreg:$0x4] =	wrdreg $0x9  }
0xb1: {  	_ =	task.clear_ibuf [dreg:s6], $0x5FFFF;
	_ =	strace $0x9000004C  }
0xb2: {  	s29 =	simm.s32 $0x9;
	_ =	strace $0x8000004E  }
0xb3: {  	_ =	swait.ge [sflag:s29], $0x1  }
0xb4: {  	[sflag:s29] =	ssyncadd.s32 $0xFFFFFFFF  }
0xb5: {  	_ =	strace $0x9000004E  }
0xb6: {  	_ =	sfence  }
0xb7: {  	s30 =	sld [smem:$0x0];
	_ =	sdelay $0x2  }
0xb8: {  	s31 =	sshll.u32 s1, $0xD;
	s1 =	sshrl.u32 s1, $0x2  }
0xb9: {  	s3 =	sand.u32 $0x4000, s31;
	s1 =	sadd.s32 s1, s30  }
0xba: {  	s0 =	sor.u32 s3, s0;
	s1 =	sshll.u32 s1, $0x11  }
0xbb: {  	s0 =	sor.u32 s1, s0  }
0xbc: {  	s0 =	sadd.s32 $0x8F2B, s0  }
0xbd: {  	[sflag:s0] =	ssyncadd.remote.s32 $0x1  }
0xbe: {  	_ =	sfence.sel $0xFFFF  }
0xbf: {  	[dreg:$0x0] =	wrdreg $0xFFFFFFFF;
	(pc) =	sbr.abs _section_cstart, $3  }
0xc0: {  	[dreg:$0x1] =	wrdreg $0xFFFFFFFF  }
0xc1: {  	_ =	task.clear_ibuf [dreg:s6], $0x2FFFF;
	_ =	strace $0x9FFFFFFF  }
0xc2: {  	(tm) =	ssettm $0x7FFFFFFF  }
0xc3: {  	_ =	shalt  }
tec
execute0_lowered:
.L_overlay_start_1:
0x0: {  	(tag) =	ssettag $0x1  }
0x1: {  	s0 =	rddreg [dreg:$0x0]  }
0x2: {  	s2 =	rddreg [dreg:$0x1];
	s3 =	simm.s32 $0x0  }
0x3: {  	s12 =	stileid.u32;
	s1 =	srdreg.scid;
	s14 =	simm.s32 $0x3  }
0x4: {  	s15 =	simm.s32 $0x400;
	s16 =	simm.s32 $0x80;
	s17 =	simm.s32 $0x800  }
0x5: {  	s28 =	simm.s32 $0x280;
	s29 =	simm.s32 $0x600;
	s30 =	simm.s32 $0x300  }
0x6: {  	s31 =	simm.s32 $0x680;
	[smem:$0x7FF] =	sst s3;
	s5 =	smul.u32 $0x14000, s12  }
0x7: {  	s1 =	sand.u32 $0x1, s1;
	s4 =	sadd.s32 $0x40800, s0;
	s10 =	smul.u32 $0x50000, s12  }
0x8: {  	s6 =	sadd.s32 $0xE800, s0;
	s8 =	sadd.s32 $0x4800, s0;
	s22 =	smul.u32 $0x780, s12  }
0x9: {  	s21 =	sshll.u32 s12, $0x6;
	s23 =	smul.u32 $0x280, s12;
	_ =	strace $0x8000004D  }
0xa: {  	s7 =	smul.u32 $0x140000, s1;
	s18 =	ssub.s32 $0x2, s1;
	p0 =	seq.s32 s1, $0x1  }
0xb: {  	s9 =	sshrl.u32 s5, $0x3;
	s11 =	sshrl.u32 s18, $0x1;
	s10 =	sshrl.u32 s10, $0x2  }
0xc: {  	s25 =	sadd.s32 s22, s8;
	s13 =	sadd.s32 s22, s6;
	s26 =	sadd.s32 s23, s8  }
0xd: {  	s1 =	sadd.s32 s23, s6;
	s22 =	simm.s32 $0x480;
	s23 =	simm.s32 $0x180  }
0xe: {  	s8 =	simm.s32 $0x0;
	s9 =	sadd.s32 s9, s0;
	s5 =	sadd.s32 s5, s7  }
0xf: {  	s19 =	ssub.s32 s18, s11;
	s20 =	sadd.s32 s10, s2;
	[dreg:$0x3] =	wrdreg s25  }
0x10: {  	s12 =	sadd.s32 $0x7800, s26;
	s10 =	sadd.s32 $0x7800, s1;
	s18 =	simm.s32 $0x4800  }
0x11: {  	s25 =	simm.s32 $0x200;
	s26 =	simm.s32 $0x580;
	s1 =	simm.s32 $0x700  }
0x12: {  	s11 =	smov.u32 s13;
	s5 =	sshrl.u32 s5, $0x3;
	s9 =	sadd.s32 $0x18800, s9  }
0x13: {  	s24 =	smax.u32 s19, $0x1;
	s7 =	sshrl.u32 s20, $0x3;
	[dreg:$0x8] =	wrdreg s12  }
.Ltmp0:
0x14: {  	s19 =	simm.s32 $0x1;
	[dreg:$0x4] =	wrdreg s9;
	(pc) =	sbr.rel .LBB2_1-.Ltmp0, $4  }
0x15: {  	s20 =	simm.s32 $0x100;
	s0 =	sadd.s32 s5, s0;
	[dreg:$0x7] =	wrdreg s24  }
0x16: {  	s9 =	sor.u32 $0x1C03, s21;
	s21 =	simm.s32 $0x2;
	[dreg:$0x9] =	wrdreg s7  }
0x17: {  	s24 =	simm.s32 $0x500;
	s0 =	sadd.s32 $0x67A00, s0;
	[dreg:$0x5] =	wrdreg s9  }
0x18: {  	s5 =	simm.s32 $0x780;
	[dreg:$0x6] =	wrdreg s0;
	s0 =	simm.s32 $0x380  }
.LBB2_7:
0x19: {  	s6 =	sadd.s32 s8, s10;
	[sflag:s14] =	ssyncadd.s32 $0xFFFFC000  }
0x1a: {  	[tilespmem:s3], [sflag:$0x3] =	stream.linear.gather [hbm4b:s6+s3], $0x400, $0x38;
	[tilespmem:$0x1C800] =	vst v63  }
0x1b: {  	_ =	swait.ge [sflag:s14], $0x400  }
0x1c: {  	[sflag:s14] =	ssyncset.done $0x0  }
0x1d: {  	s13 =	sadd.s32 s8, s12;
	[sflag:s14] =	ssyncadd.s32 $0xFFFFFC00  }
0x1e: {  	[tilespmem:s15], [sflag:$0x3] =	stream.linear.gather [hbm4b:s13+s3], $0x400, $0x38;
	[tilespmem:$0x1C800] =	vst v63  }
0x1f: {  	_ =	swait.ge [sflag:s14], $0x400  }
0x20: {  	[sflag:s14] =	ssyncset.done $0x0  }
0x21: {  	[sflag:s14] =	ssyncadd.s32 $0xFFFFFC00  }
0x22: {  	[tilespmem:s17], [sflag:$0x1] =	stream.indirect.gather [hbm4b:s4+s16], $0x80, s3, s16, $0xb8;
	[tilespmem:$0x1C800] =	vst v63  }
0x23: {  	_ = 	snop  }
0x24: {  	[tilespmem:s18], [sflag:$0x2] =	stream.indirect.gather [hbm4b:s4+s16], $0x80, s16, s16, $0xb8;
	[tilespmem:$0x1C800] =	vst v63  }
0x25: {  	_ =	swait.ge [sflag:s19], $0x4000  }
0x26: {  	[sflag:s19] =	ssyncset.done $0x0  }
0x27: {  	[sflag:s19] =	ssyncadd.s32 $0xFFFFC000  }
0x28: {  	[spmem:s2] =	stream.indirect.scatter.add.f32 [tilespmem:s17], [sflag:$0x3], $0x80, s15, s16, $0xb8;
	[tilespmem:$0x1C800] =	vst v63  }
0x29: {  	_ =	swait.ge [sflag:s14], $0x4000  }
0x2a: {  	[sflag:s14] =	ssyncset.done $0x0  }
0x2b: {  	[sflag:s14] =	ssyncadd.s32 $0xFFFFC000  }
0x2c: {  	[tilespmem:s17], [sflag:$0x1] =	stream.indirect.gather [hbm4b:s4+s16], $0x80, s20, s16, $0xb8;
	[tilespmem:$0x1C800] =	vst v63  }
0x2d: {  	_ =	swait.ge [sflag:s21], $0x4000  }
0x2e: {  	[sflag:s21] =	ssyncset.done $0x0  }
0x2f: {  	[sflag:s21] =	ssyncadd.s32 $0xFFFFC000  }
0x30: {  	[spmem:s2] =	stream.indirect.scatter.add.f32 [tilespmem:s18], [sflag:$0x3], $0x80, s22, s16, $0xb8;
	[tilespmem:$0x1C800] =	vst v63  }
0x31: {  	_ =	swait.ge [sflag:s14], $0x4000  }
0x32: {  	[sflag:s14] =	ssyncset.done $0x0  }
0x33: {  	[sflag:s14] =	ssyncadd.s32 $0xFFFFC000  }
0x34: {  	[tilespmem:s18], [sflag:$0x2] =	stream.indirect.gather [hbm4b:s4+s16], $0x80, s23, s16, $0xb8;
	[tilespmem:$0x1C800] =	vst v63  }
0x35: {  	_ =	swait.ge [sflag:s19], $0x4000  }
0x36: {  	[sflag:s19] =	ssyncset.done $0x0  }
0x37: {  	[sflag:s19] =	ssyncadd.s32 $0xFFFFC000  }
0x38: {  	[spmem:s2] =	stream.indirect.scatter.add.f32 [tilespmem:s17], [sflag:$0x3], $0x80, s24, s16, $0xb8;
	[tilespmem:$0x1C800] =	vst v63  }
0x39: {  	_ =	swait.ge [sflag:s14], $0x4000  }
0x3a: {  	[sflag:s14] =	ssyncset.done $0x0  }
0x3b: {  	[sflag:s14] =	ssyncadd.s32 $0xFFFFC000  }
0x3c: {  	[tilespmem:s17], [sflag:$0x1] =	stream.indirect.gather [hbm4b:s4+s16], $0x80, s25, s16, $0xb8;
	[tilespmem:$0x1C800] =	vst v63  }
0x3d: {  	_ =	swait.ge [sflag:s21], $0x4000  }
0x3e: {  	[sflag:s21] =	ssyncset.done $0x0  }
0x3f: {  	[sflag:s21] =	ssyncadd.s32 $0xFFFFC000  }
0x40: {  	[spmem:s2] =	stream.indirect.scatter.add.f32 [tilespmem:s18], [sflag:$0x3], $0x80, s26, s16, $0xb8;
	[tilespmem:$0x1C800] =	vst v63  }
0x41: {  	_ =	swait.ge [sflag:s14], $0x4000  }
0x42: {  	[sflag:s14] =	ssyncset.done $0x0  }
0x43: {  	[sflag:s14] =	ssyncadd.s32 $0xFFFFC000  }
0x44: {  	[tilespmem:s18], [sflag:$0x2] =	stream.indirect.gather [hbm4b:s4+s16], $0x80, s28, s16, $0xb8;
	[tilespmem:$0x1C800] =	vst v63  }
0x45: {  	_ =	swait.ge [sflag:s19], $0x4000  }
0x46: {  	[sflag:s19] =	ssyncset.done $0x0  }
0x47: {  	[sflag:s19] =	ssyncadd.s32 $0xFFFFC000  }
0x48: {  	[spmem:s2] =	stream.indirect.scatter.add.f32 [tilespmem:s17], [sflag:$0x3], $0x80, s29, s16, $0xb8;
	[tilespmem:$0x1C800] =	vst v63  }
0x49: {  	_ =	swait.ge [sflag:s14], $0x4000  }
0x4a: {  	[sflag:s14] =	ssyncset.done $0x0  }
0x4b: {  	[sflag:s14] =	ssyncadd.s32 $0xFFFFC000  }
0x4c: {  	[tilespmem:s17], [sflag:$0x1] =	stream.indirect.gather [hbm4b:s4+s16], $0x80, s30, s16, $0xb8;
	[tilespmem:$0x1C800] =	vst v63  }
0x4d: {  	_ =	swait.ge [sflag:s21], $0x4000  }
0x4e: {  	[sflag:s21] =	ssyncset.done $0x0  }
0x4f: {  	[sflag:s21] =	ssyncadd.s32 $0xFFFFC000  }
0x50: {  	[spmem:s2] =	stream.indirect.scatter.add.f32 [tilespmem:s18], [sflag:$0x3], $0x80, s31, s16, $0xb8;
	[tilespmem:$0x1C800] =	vst v63  }
0x51: {  	_ =	swait.ge [sflag:s14], $0x4000  }
0x52: {  	[sflag:s14] =	ssyncset.done $0x0  }
0x53: {  	[sflag:s14] =	ssyncadd.s32 $0xFFFFC000  }
0x54: {  	[tilespmem:s18], [sflag:$0x2] =	stream.indirect.gather [hbm4b:s4+s16], $0x80, s0, s16, $0xb8;
	[tilespmem:$0x1C800] =	vst v63  }
0x55: {  	_ =	swait.ge [sflag:s19], $0x4000  }
0x56: {  	[sflag:s19] =	ssyncset.done $0x0  }
0x57: {  	[sflag:s19] =	ssyncadd.s32 $0xFFFFC000  }
0x58: {  	[spmem:s2] =	stream.indirect.scatter.add.f32 [tilespmem:s17], [sflag:$0x3], $0x80, s1, s16, $0xb8;
	[tilespmem:$0x1C800] =	vst v63  }
0x59: {  	_ =	swait.ge [sflag:s14], $0x4000  }
0x5a: {  	[sflag:s14] =	ssyncset.done $0x0  }
0x5b: {  	[sflag:s14] =	ssyncadd.s32 $0xFFFFC000  }
0x5c: {  	_ =	swait.ge [sflag:s21], $0x4000  }
0x5d: {  	[sflag:s21] =	ssyncset.done $0x0  }
0x5e: {  	[sflag:s21] =	ssyncadd.s32 $0xFFFFC000  }
0x5f: {  	[spmem:s2] =	stream.indirect.scatter.add.f32 [tilespmem:s18], [sflag:$0x3], $0x80, s5, s16, $0xb8;
	[tilespmem:$0x1C800] =	vst v63  }
0x60: {  	_ =	swait.ge [sflag:s14], $0x4000  }
0x61: {  	[sflag:s14] =	ssyncset.done $0x0  }
0x62: {  	s13 =	smov.u32 s11;
	s8 =	rddreg [dreg:$0xa];
	[sflag:s14] =	ssyncadd.s32 $0xFFFFC000  }
.LBB2_8:
0x63: {  	[bflag:$0x0] =	sbarrier.arrive $0xFFFF  }
0x64: {  	s9 =	rddreg [dreg:$0x5]  }
0x65: {  	s6 =	rddreg [dreg:$0x6]  }
0x66: {  	s7 =	rddreg [dreg:$0x9]  }
0x67: {  	[hbm:s6], [sflag:s9] =	dma.local [spmem:s7], $0x2800  }
0x68: {  	_ =	swait.ge [sflag:s14], $0x2800  }
0x69: {  	s8 =	sadd.s32 $0x1, s8;
	s6 =	rddreg [dreg:$0x7]  }
0x6a: {  	p1 =	sne.s32 s8, s6  }
.Ltmp1:
0x6b: {  	_ = 	snop;
	(pc) =	sbr.rel @!p1 .LBB2_9-.Ltmp1, $3  }
0x6c: {  	_ =	sdelay $0x1  }
0x6d: {  	[sflag:s14] =	ssyncset.done $0x0  }
0x6e: {  	[sflag:s14] =	ssyncadd.s32 $0xFFFFD800  }
.LBB2_1:
0x6f: {  	[dreg:$0xa] =	wrdreg s8  }
0x70: {  	s6 =	rddreg [dreg:$0x4]  }
0x71: {  	[spmem:s7], [sflag:s9] =	dma.local [hbm:s6], $0x2800  }
.Ltmp2:
0x72: {  	_ =	swait.ge [sflag:s14], $0x2800;
	(pc) =	sbr.rel @!p0 .LBB2_2-.Ltmp2, $3  }
0x73: {  	[sflag:s14] =	ssyncset.done $0x0  }
0x74: {  	[sflag:s14] =	ssyncadd.s32 $0xFFFFD800  }
0x75: {  	[bflag:$0x0] =	sbarrier.arrive $0xFFFF;
	_ =	sdelay $0x1  }
0x76: {  	s6 =	sadd.s32 $0x0, s10  }
0x77: {  	[tilespmem:s3], [sflag:$0x3] =	stream.linear.gather [hbm4b:s6+s3], $0x400, $0x38;
	[tilespmem:$0x1C800] =	vst v63  }
0x78: {  	_ =	swait.ge [sflag:s14], $0x400  }
0x79: {  	[sflag:s14] =	ssyncset.done $0x0  }
0x7a: {  	s13 =	sadd.s32 $0x0, s12;
	[sflag:s14] =	ssyncadd.s32 $0xFFFFFC00  }
0x7b: {  	[tilespmem:s15], [sflag:$0x3] =	stream.linear.gather [hbm4b:s13+s3], $0x400, $0x38;
	[tilespmem:$0x1C800] =	vst v63  }
0x7c: {  	_ =	swait.ge [sflag:s14], $0x400  }
0x7d: {  	[sflag:s14] =	ssyncset.done $0x0  }
0x7e: {  	[sflag:s14] =	ssyncadd.s32 $0xFFFFFC00  }
0x7f: {  	[tilespmem:s17], [sflag:$0x1] =	stream.indirect.gather [hbm4b:s4+s16], $0x80, s3, s16, $0xb8;
	[tilespmem:$0x1C800] =	vst v63  }
0x80: {  	_ = 	snop  }
0x81: {  	[tilespmem:s18], [sflag:$0x2] =	stream.indirect.gather [hbm4b:s4+s16], $0x80, s16, s16, $0xb8;
	[tilespmem:$0x1C800] =	vst v63  }
0x82: {  	_ =	swait.ge [sflag:s19], $0x4000  }
0x83: {  	[sflag:s19] =	ssyncset.done $0x0  }
0x84: {  	[sflag:s19] =	ssyncadd.s32 $0xFFFFC000  }
0x85: {  	[spmem:s2] =	stream.indirect.scatter.add.f32 [tilespmem:s17], [sflag:$0x3], $0x80, s15, s16, $0xb8;
	[tilespmem:$0x1C800] =	vst v63  }
0x86: {  	_ =	swait.ge [sflag:s14], $0x4000  }
0x87: {  	[sflag:s14] =	ssyncset.done $0x0  }
0x88: {  	[sflag:s14] =	ssyncadd.s32 $0xFFFFC000  }
0x89: {  	[tilespmem:s17], [sflag:$0x1] =	stream.indirect.gather [hbm4b:s4+s16], $0x80, s20, s16, $0xb8;
	[tilespmem:$0x1C800] =	vst v63  }
0x8a: {  	_ =	swait.ge [sflag:s21], $0x4000  }
0x8b: {  	[sflag:s21] =	ssyncset.done $0x0  }
0x8c: {  	[sflag:s21] =	ssyncadd.s32 $0xFFFFC000  }
0x8d: {  	[spmem:s2] =	stream.indirect.scatter.add.f32 [tilespmem:s18], [sflag:$0x3], $0x80, s22, s16, $0xb8;
	[tilespmem:$0x1C800] =	vst v63  }
0x8e: {  	_ =	swait.ge [sflag:s14], $0x4000  }
0x8f: {  	[sflag:s14] =	ssyncset.done $0x0  }
0x90: {  	[sflag:s14] =	ssyncadd.s32 $0xFFFFC000  }
0x91: {  	[tilespmem:s18], [sflag:$0x2] =	stream.indirect.gather [hbm4b:s4+s16], $0x80, s23, s16, $0xb8;
	[tilespmem:$0x1C800] =	vst v63  }
0x92: {  	_ =	swait.ge [sflag:s19], $0x4000  }
0x93: {  	[sflag:s19] =	ssyncset.done $0x0  }
0x94: {  	[sflag:s19] =	ssyncadd.s32 $0xFFFFC000  }
0x95: {  	[spmem:s2] =	stream.indirect.scatter.add.f32 [tilespmem:s17], [sflag:$0x3], $0x80, s24, s16, $0xb8;
	[tilespmem:$0x1C800] =	vst v63  }
0x96: {  	_ =	swait.ge [sflag:s14], $0x4000  }
0x97: {  	[sflag:s14] =	ssyncset.done $0x0  }
0x98: {  	[sflag:s14] =	ssyncadd.s32 $0xFFFFC000  }
0x99: {  	[tilespmem:s17], [sflag:$0x1] =	stream.indirect.gather [hbm4b:s4+s16], $0x80, s25, s16, $0xb8;
	[tilespmem:$0x1C800] =	vst v63  }
0x9a: {  	_ =	swait.ge [sflag:s21], $0x4000  }
0x9b: {  	[sflag:s21] =	ssyncset.done $0x0  }
0x9c: {  	[sflag:s21] =	ssyncadd.s32 $0xFFFFC000  }
0x9d: {  	[spmem:s2] =	stream.indirect.scatter.add.f32 [tilespmem:s18], [sflag:$0x3], $0x80, s26, s16, $0xb8;
	[tilespmem:$0x1C800] =	vst v63  }
0x9e: {  	_ =	swait.ge [sflag:s14], $0x4000  }
0x9f: {  	[sflag:s14] =	ssyncset.done $0x0  }
0xa0: {  	[sflag:s14] =	ssyncadd.s32 $0xFFFFC000  }
0xa1: {  	[tilespmem:s18], [sflag:$0x2] =	stream.indirect.gather [hbm4b:s4+s16], $0x80, s28, s16, $0xb8;
	[tilespmem:$0x1C800] =	vst v63  }
0xa2: {  	_ =	swait.ge [sflag:s19], $0x4000  }
0xa3: {  	[sflag:s19] =	ssyncset.done $0x0  }
0xa4: {  	[sflag:s19] =	ssyncadd.s32 $0xFFFFC000  }
0xa5: {  	[spmem:s2] =	stream.indirect.scatter.add.f32 [tilespmem:s17], [sflag:$0x3], $0x80, s29, s16, $0xb8;
	[tilespmem:$0x1C800] =	vst v63  }
0xa6: {  	_ =	swait.ge [sflag:s14], $0x4000  }
0xa7: {  	[sflag:s14] =	ssyncset.done $0x0  }
0xa8: {  	[sflag:s14] =	ssyncadd.s32 $0xFFFFC000  }
0xa9: {  	[tilespmem:s17], [sflag:$0x1] =	stream.indirect.gather [hbm4b:s4+s16], $0x80, s30, s16, $0xb8;
	[tilespmem:$0x1C800] =	vst v63  }
0xaa: {  	_ =	swait.ge [sflag:s21], $0x4000  }
0xab: {  	[sflag:s21] =	ssyncset.done $0x0  }
0xac: {  	[sflag:s21] =	ssyncadd.s32 $0xFFFFC000  }
0xad: {  	[spmem:s2] =	stream.indirect.scatter.add.f32 [tilespmem:s18], [sflag:$0x3], $0x80, s31, s16, $0xb8;
	[tilespmem:$0x1C800] =	vst v63  }
0xae: {  	_ =	swait.ge [sflag:s14], $0x4000  }
0xaf: {  	[sflag:s14] =	ssyncset.done $0x0  }
0xb0: {  	[sflag:s14] =	ssyncadd.s32 $0xFFFFC000  }
0xb1: {  	[tilespmem:s18], [sflag:$0x2] =	stream.indirect.gather [hbm4b:s4+s16], $0x80, s0, s16, $0xb8;
	[tilespmem:$0x1C800] =	vst v63  }
0xb2: {  	_ =	swait.ge [sflag:s19], $0x4000  }
0xb3: {  	[sflag:s19] =	ssyncset.done $0x0  }
0xb4: {  	[sflag:s19] =	ssyncadd.s32 $0xFFFFC000  }
0xb5: {  	[spmem:s2] =	stream.indirect.scatter.add.f32 [tilespmem:s17], [sflag:$0x3], $0x80, s1, s16, $0xb8;
	[tilespmem:$0x1C800] =	vst v63  }
0xb6: {  	_ =	swait.ge [sflag:s14], $0x4000  }
0xb7: {  	[sflag:s14] =	ssyncset.done $0x0  }
0xb8: {  	[sflag:s14] =	ssyncadd.s32 $0xFFFFC000  }
0xb9: {  	_ =	swait.ge [sflag:s21], $0x4000  }
0xba: {  	[sflag:s21] =	ssyncset.done $0x0  }
0xbb: {  	[sflag:s21] =	ssyncadd.s32 $0xFFFFC000  }
0xbc: {  	[spmem:s2] =	stream.indirect.scatter.add.f32 [tilespmem:s18], [sflag:$0x3], $0x80, s5, s16, $0xb8;
	[tilespmem:$0x1C800] =	vst v63  }
0xbd: {  	_ =	swait.ge [sflag:s14], $0x4000  }
0xbe: {  	s8 =	simm.s32 $0x80;
	s13 =	simm.s32 $0x100;
	[sflag:s14] =	ssyncset.done $0x0  }
.LBB2_6:
0xbf: {  	s7 =	sadd.s32 s8, s10  }
0xc0: {  	[sflag:s14] =	ssyncadd.s32 $0xFFFFC000;
	s9 =	smov.u32 s13;
	s6 =	sadd.s32 $0x80, s13  }
0xc1: {  	[tilespmem:s3], [sflag:$0x3] =	stream.linear.gather [hbm4b:s7+s3], $0x400, $0x38;
	[tilespmem:$0x1C800] =	vst v63  }
0xc2: {  	p1 =	sne.s32 s13, $0x200;
	_ =	swait.ge [sflag:s14], $0x400  }
0xc3: {  	[sflag:s14] =	ssyncset.done $0x0  }
0xc4: {  	s7 =	sadd.s32 s8, s12;
	s8 =	smov.u32 s9;
	[sflag:s14] =	ssyncadd.s32 $0xFFFFFC00  }
0xc5: {  	[tilespmem:s15], [sflag:$0x3] =	stream.linear.gather [hbm4b:s7+s3], $0x400, $0x38;
	[tilespmem:$0x1C800] =	vst v63  }
0xc6: {  	_ =	swait.ge [sflag:s14], $0x400  }
0xc7: {  	[sflag:s14] =	ssyncset.done $0x0  }
0xc8: {  	[sflag:s14] =	ssyncadd.s32 $0xFFFFFC00  }
0xc9: {  	[tilespmem:s17], [sflag:$0x1] =	stream.indirect.gather [hbm4b:s4+s16], $0x80, s3, s16, $0xb8;
	[tilespmem:$0x1C800] =	vst v63  }
0xca: {  	_ = 	snop  }
0xcb: {  	[tilespmem:s18], [sflag:$0x2] =	stream.indirect.gather [hbm4b:s4+s16], $0x80, s16, s16, $0xb8;
	[tilespmem:$0x1C800] =	vst v63  }
0xcc: {  	_ =	swait.ge [sflag:s19], $0x4000  }
0xcd: {  	[sflag:s19] =	ssyncset.done $0x0  }
0xce: {  	[sflag:s19] =	ssyncadd.s32 $0xFFFFC000  }
0xcf: {  	[spmem:s2] =	stream.indirect.scatter.add.f32 [tilespmem:s17], [sflag:$0x3], $0x80, s15, s16, $0xb8;
	[tilespmem:$0x1C800] =	vst v63  }
0xd0: {  	_ =	swait.ge [sflag:s14], $0x4000  }
0xd1: {  	[sflag:s14] =	ssyncset.done $0x0  }
0xd2: {  	[sflag:s14] =	ssyncadd.s32 $0xFFFFC000  }
0xd3: {  	[tilespmem:s17], [sflag:$0x1] =	stream.indirect.gather [hbm4b:s4+s16], $0x80, s20, s16, $0xb8;
	[tilespmem:$0x1C800] =	vst v63  }
0xd4: {  	_ =	swait.ge [sflag:s21], $0x4000  }
0xd5: {  	[sflag:s21] =	ssyncset.done $0x0  }
0xd6: {  	[sflag:s21] =	ssyncadd.s32 $0xFFFFC000  }
0xd7: {  	[spmem:s2] =	stream.indirect.scatter.add.f32 [tilespmem:s18], [sflag:$0x3], $0x80, s22, s16, $0xb8;
	[tilespmem:$0x1C800] =	vst v63  }
0xd8: {  	_ =	swait.ge [sflag:s14], $0x4000  }
0xd9: {  	[sflag:s14] =	ssyncset.done $0x0  }
0xda: {  	[sflag:s14] =	ssyncadd.s32 $0xFFFFC000  }
0xdb: {  	[tilespmem:s18], [sflag:$0x2] =	stream.indirect.gather [hbm4b:s4+s16], $0x80, s23, s16, $0xb8;
	[tilespmem:$0x1C800] =	vst v63  }
0xdc: {  	_ =	swait.ge [sflag:s19], $0x4000  }
0xdd: {  	[sflag:s19] =	ssyncset.done $0x0  }
0xde: {  	[sflag:s19] =	ssyncadd.s32 $0xFFFFC000  }
0xdf: {  	[spmem:s2] =	stream.indirect.scatter.add.f32 [tilespmem:s17], [sflag:$0x3], $0x80, s24, s16, $0xb8;
	[tilespmem:$0x1C800] =	vst v63  }
0xe0: {  	_ =	swait.ge [sflag:s14], $0x4000  }
0xe1: {  	[sflag:s14] =	ssyncset.done $0x0  }
0xe2: {  	[sflag:s14] =	ssyncadd.s32 $0xFFFFC000  }
0xe3: {  	[tilespmem:s17], [sflag:$0x1] =	stream.indirect.gather [hbm4b:s4+s16], $0x80, s25, s16, $0xb8;
	[tilespmem:$0x1C800] =	vst v63  }
0xe4: {  	_ =	swait.ge [sflag:s21], $0x4000  }
0xe5: {  	[sflag:s21] =	ssyncset.done $0x0  }
0xe6: {  	[sflag:s21] =	ssyncadd.s32 $0xFFFFC000  }
0xe7: {  	[spmem:s2] =	stream.indirect.scatter.add.f32 [tilespmem:s18], [sflag:$0x3], $0x80, s26, s16, $0xb8;
	[tilespmem:$0x1C800] =	vst v63  }
0xe8: {  	_ =	swait.ge [sflag:s14], $0x4000  }
0xe9: {  	[sflag:s14] =	ssyncset.done $0x0  }
0xea: {  	[sflag:s14] =	ssyncadd.s32 $0xFFFFC000  }
0xeb: {  	[tilespmem:s18], [sflag:$0x2] =	stream.indirect.gather [hbm4b:s4+s16], $0x80, s28, s16, $0xb8;
	[tilespmem:$0x1C800] =	vst v63  }
0xec: {  	_ =	swait.ge [sflag:s19], $0x4000  }
0xed: {  	[sflag:s19] =	ssyncset.done $0x0  }
0xee: {  	[sflag:s19] =	ssyncadd.s32 $0xFFFFC000  }
0xef: {  	[spmem:s2] =	stream.indirect.scatter.add.f32 [tilespmem:s17], [sflag:$0x3], $0x80, s29, s16, $0xb8;
	[tilespmem:$0x1C800] =	vst v63  }
0xf0: {  	_ =	swait.ge [sflag:s14], $0x4000  }
0xf1: {  	[sflag:s14] =	ssyncset.done $0x0  }
0xf2: {  	[sflag:s14] =	ssyncadd.s32 $0xFFFFC000  }
0xf3: {  	[tilespmem:s17], [sflag:$0x1] =	stream.indirect.gather [hbm4b:s4+s16], $0x80, s30, s16, $0xb8;
	[tilespmem:$0x1C800] =	vst v63  }
0xf4: {  	_ =	swait.ge [sflag:s21], $0x4000  }
0xf5: {  	[sflag:s21] =	ssyncset.done $0x0  }
0xf6: {  	[sflag:s21] =	ssyncadd.s32 $0xFFFFC000  }
0xf7: {  	[spmem:s2] =	stream.indirect.scatter.add.f32 [tilespmem:s18], [sflag:$0x3], $0x80, s31, s16, $0xb8;
	[tilespmem:$0x1C800] =	vst v63  }
0xf8: {  	_ =	swait.ge [sflag:s14], $0x4000  }
0xf9: {  	[sflag:s14] =	ssyncset.done $0x0  }
0xfa: {  	[sflag:s14] =	ssyncadd.s32 $0xFFFFC000  }
0xfb: {  	[tilespmem:s18], [sflag:$0x2] =	stream.indirect.gather [hbm4b:s4+s16], $0x80, s0, s16, $0xb8;
	[tilespmem:$0x1C800] =	vst v63  }
0xfc: {  	_ =	swait.ge [sflag:s19], $0x4000  }
0xfd: {  	[sflag:s19] =	ssyncset.done $0x0  }
0xfe: {  	[sflag:s19] =	ssyncadd.s32 $0xFFFFC000  }
0xff: {  	[spmem:s2] =	stream.indirect.scatter.add.f32 [tilespmem:s17], [sflag:$0x3], $0x80, s1, s16, $0xb8;
	[tilespmem:$0x1C800] =	vst v63  }
0x100: {  	_ =	swait.ge [sflag:s14], $0x4000  }
0x101: {  	[sflag:s14] =	ssyncset.done $0x0  }
0x102: {  	[sflag:s14] =	ssyncadd.s32 $0xFFFFC000  }
0x103: {  	_ =	swait.ge [sflag:s21], $0x4000  }
.Ltmp3:
0x104: {  	[sflag:s21] =	ssyncset.done $0x0;
	(pc) =	sbr.rel @p1 .LBB2_6-.Ltmp3, $4  }
0x105: {  	[sflag:s21] =	ssyncadd.s32 $0xFFFFC000  }
0x106: {  	[spmem:s2] =	stream.indirect.scatter.add.f32 [tilespmem:s18], [sflag:$0x3], $0x80, s5, s16, $0xb8;
	[tilespmem:$0x1C800] =	vst v63  }
0x107: {  	_ =	swait.ge [sflag:s14], $0x4000  }
0x108: {  	s13 =	smov.u32 s6;
	[sflag:s14] =	ssyncset.done $0x0  }
.Ltmp4:
0x109: {  	_ = 	snop;
	(pc) =	sbr.rel .LBB2_7-.Ltmp4, $1  }
0x10a: {  	_ =	sdelay $0x3  }
.LBB2_2:
0x10b: {  	s6 =	sadd.s32 $0x0, s13  }
0x10c: {  	[tilespmem:s3], [sflag:$0x3] =	stream.linear.gather [hbm4b:s6+s3], $0x400, $0x38;
	[tilespmem:$0x1C800] =	vst v63  }
0x10d: {  	_ =	swait.ge [sflag:s14], $0x400  }
0x10e: {  	[sflag:s14] =	ssyncset.done $0x0;
	s12 =	rddreg [dreg:$0x3]  }
0x10f: {  	[sflag:s14] =	ssyncadd.s32 $0xFFFFFC00;
	s6 =	sadd.s32 $0x0, s12  }
0x110: {  	[tilespmem:s15], [sflag:$0x3] =	stream.linear.gather [hbm4b:s6+s3], $0x400, $0x38;
	[tilespmem:$0x1C800] =	vst v63  }
0x111: {  	_ =	swait.ge [sflag:s14], $0x400  }
0x112: {  	[sflag:s14] =	ssyncset.done $0x0  }
0x113: {  	[sflag:s14] =	ssyncadd.s32 $0xFFFFFC00  }
0x114: {  	[tilespmem:s17], [sflag:$0x1] =	stream.indirect.gather [hbm4b:s4+s16], $0x80, s3, s16, $0xb8;
	[tilespmem:$0x1C800] =	vst v63  }
0x115: {  	_ = 	snop  }
0x116: {  	[tilespmem:s18], [sflag:$0x2] =	stream.indirect.gather [hbm4b:s4+s16], $0x80, s16, s16, $0xb8;
	[tilespmem:$0x1C800] =	vst v63  }
0x117: {  	_ =	swait.ge [sflag:s19], $0x4000  }
0x118: {  	[sflag:s19] =	ssyncset.done $0x0  }
0x119: {  	[sflag:s19] =	ssyncadd.s32 $0xFFFFC000  }
0x11a: {  	[spmem:s2] =	stream.indirect.scatter.add.f32 [tilespmem:s17], [sflag:$0x3], $0x80, s15, s16, $0xb8;
	[tilespmem:$0x1C800] =	vst v63  }
0x11b: {  	_ =	swait.ge [sflag:s14], $0x4000  }
0x11c: {  	[sflag:s14] =	ssyncset.done $0x0  }
0x11d: {  	[sflag:s14] =	ssyncadd.s32 $0xFFFFC000  }
0x11e: {  	[tilespmem:s17], [sflag:$0x1] =	stream.indirect.gather [hbm4b:s4+s16], $0x80, s20, s16, $0xb8;
	[tilespmem:$0x1C800] =	vst v63  }
0x11f: {  	_ =	swait.ge [sflag:s21], $0x4000  }
0x120: {  	[sflag:s21] =	ssyncset.done $0x0  }
0x121: {  	[sflag:s21] =	ssyncadd.s32 $0xFFFFC000  }
0x122: {  	[spmem:s2] =	stream.indirect.scatter.add.f32 [tilespmem:s18], [sflag:$0x3], $0x80, s22, s16, $0xb8;
	[tilespmem:$0x1C800] =	vst v63  }
0x123: {  	_ =	swait.ge [sflag:s14], $0x4000  }
0x124: {  	[sflag:s14] =	ssyncset.done $0x0  }
0x125: {  	[sflag:s14] =	ssyncadd.s32 $0xFFFFC000  }
0x126: {  	[tilespmem:s18], [sflag:$0x2] =	stream.indirect.gather [hbm4b:s4+s16], $0x80, s23, s16, $0xb8;
	[tilespmem:$0x1C800] =	vst v63  }
0x127: {  	_ =	swait.ge [sflag:s19], $0x4000  }
0x128: {  	[sflag:s19] =	ssyncset.done $0x0  }
0x129: {  	[sflag:s19] =	ssyncadd.s32 $0xFFFFC000  }
0x12a: {  	[spmem:s2] =	stream.indirect.scatter.add.f32 [tilespmem:s17], [sflag:$0x3], $0x80, s24, s16, $0xb8;
	[tilespmem:$0x1C800] =	vst v63  }
0x12b: {  	_ =	swait.ge [sflag:s14], $0x4000  }
0x12c: {  	[sflag:s14] =	ssyncset.done $0x0  }
0x12d: {  	[sflag:s14] =	ssyncadd.s32 $0xFFFFC000  }
0x12e: {  	[tilespmem:s17], [sflag:$0x1] =	stream.indirect.gather [hbm4b:s4+s16], $0x80, s25, s16, $0xb8;
	[tilespmem:$0x1C800] =	vst v63  }
0x12f: {  	_ =	swait.ge [sflag:s21], $0x4000  }
0x130: {  	[sflag:s21] =	ssyncset.done $0x0  }
0x131: {  	[sflag:s21] =	ssyncadd.s32 $0xFFFFC000  }
0x132: {  	[spmem:s2] =	stream.indirect.scatter.add.f32 [tilespmem:s18], [sflag:$0x3], $0x80, s26, s16, $0xb8;
	[tilespmem:$0x1C800] =	vst v63  }
0x133: {  	_ =	swait.ge [sflag:s14], $0x4000  }
0x134: {  	[sflag:s14] =	ssyncset.done $0x0  }
0x135: {  	[sflag:s14] =	ssyncadd.s32 $0xFFFFC000  }
0x136: {  	[tilespmem:s18], [sflag:$0x2] =	stream.indirect.gather [hbm4b:s4+s16], $0x80, s28, s16, $0xb8;
	[tilespmem:$0x1C800] =	vst v63  }
0x137: {  	_ =	swait.ge [sflag:s19], $0x4000  }
0x138: {  	[sflag:s19] =	ssyncset.done $0x0  }
0x139: {  	[sflag:s19] =	ssyncadd.s32 $0xFFFFC000  }
0x13a: {  	[spmem:s2] =	stream.indirect.scatter.add.f32 [tilespmem:s17], [sflag:$0x3], $0x80, s29, s16, $0xb8;
	[tilespmem:$0x1C800] =	vst v63  }
0x13b: {  	_ =	swait.ge [sflag:s14], $0x4000  }
0x13c: {  	[sflag:s14] =	ssyncset.done $0x0  }
0x13d: {  	[sflag:s14] =	ssyncadd.s32 $0xFFFFC000  }
0x13e: {  	[tilespmem:s17], [sflag:$0x1] =	stream.indirect.gather [hbm4b:s4+s16], $0x80, s30, s16, $0xb8;
	[tilespmem:$0x1C800] =	vst v63  }
0x13f: {  	_ =	swait.ge [sflag:s21], $0x4000  }
0x140: {  	[sflag:s21] =	ssyncset.done $0x0  }
0x141: {  	[sflag:s21] =	ssyncadd.s32 $0xFFFFC000  }
0x142: {  	[spmem:s2] =	stream.indirect.scatter.add.f32 [tilespmem:s18], [sflag:$0x3], $0x80, s31, s16, $0xb8;
	[tilespmem:$0x1C800] =	vst v63  }
0x143: {  	_ =	swait.ge [sflag:s14], $0x4000  }
0x144: {  	[sflag:s14] =	ssyncset.done $0x0  }
0x145: {  	[sflag:s14] =	ssyncadd.s32 $0xFFFFC000  }
0x146: {  	[tilespmem:s18], [sflag:$0x2] =	stream.indirect.gather [hbm4b:s4+s16], $0x80, s0, s16, $0xb8;
	[tilespmem:$0x1C800] =	vst v63  }
0x147: {  	_ =	swait.ge [sflag:s19], $0x4000  }
0x148: {  	[sflag:s19] =	ssyncset.done $0x0  }
0x149: {  	[sflag:s19] =	ssyncadd.s32 $0xFFFFC000  }
0x14a: {  	[spmem:s2] =	stream.indirect.scatter.add.f32 [tilespmem:s17], [sflag:$0x3], $0x80, s1, s16, $0xb8;
	[tilespmem:$0x1C800] =	vst v63  }
0x14b: {  	_ =	swait.ge [sflag:s14], $0x4000  }
0x14c: {  	[sflag:s14] =	ssyncset.done $0x0  }
0x14d: {  	[sflag:s14] =	ssyncadd.s32 $0xFFFFC000  }
0x14e: {  	_ =	swait.ge [sflag:s21], $0x4000  }
0x14f: {  	[sflag:s21] =	ssyncset.done $0x0  }
0x150: {  	[sflag:s21] =	ssyncadd.s32 $0xFFFFC000  }
0x151: {  	[spmem:s2] =	stream.indirect.scatter.add.f32 [tilespmem:s18], [sflag:$0x3], $0x80, s5, s16, $0xb8;
	[tilespmem:$0x1C800] =	vst v63  }
0x152: {  	_ =	swait.ge [sflag:s14], $0x4000  }
0x153: {  	s8 =	simm.s32 $0x80;
	s6 =	simm.s32 $0x100;
	[sflag:s14] =	ssyncset.done $0x0  }
.LBB2_3:
0x154: {  	s7 =	sadd.s32 s8, s13;
	[sflag:s14] =	ssyncadd.s32 $0xFFFFC000  }
0x155: {  	[tilespmem:s3], [sflag:$0x3] =	stream.linear.gather [hbm4b:s7+s3], $0x400, $0x38;
	[tilespmem:$0x1C800] =	vst v63  }
0x156: {  	s7 =	rddreg [dreg:$0x3];
	_ =	swait.ge [sflag:s14], $0x400  }
0x157: {  	[sflag:s14] =	ssyncset.done $0x0  }
0x158: {  	s12 =	sadd.s32 s8, s7;
	[sflag:s14] =	ssyncadd.s32 $0xFFFFFC00  }
0x159: {  	[tilespmem:s15], [sflag:$0x3] =	stream.linear.gather [hbm4b:s12+s3], $0x400, $0x38;
	[tilespmem:$0x1C800] =	vst v63  }
0x15a: {  	_ =	swait.ge [sflag:s14], $0x400  }
0x15b: {  	[sflag:s14] =	ssyncset.done $0x0  }
0x15c: {  	[sflag:s14] =	ssyncadd.s32 $0xFFFFFC00  }
0x15d: {  	[tilespmem:s17], [sflag:$0x1] =	stream.indirect.gather [hbm4b:s4+s16], $0x80, s3, s16, $0xb8;
	[tilespmem:$0x1C800] =	vst v63  }
0x15e: {  	_ = 	snop  }
0x15f: {  	[tilespmem:s18], [sflag:$0x2] =	stream.indirect.gather [hbm4b:s4+s16], $0x80, s16, s16, $0xb8;
	[tilespmem:$0x1C800] =	vst v63  }
0x160: {  	_ =	swait.ge [sflag:s19], $0x4000  }
0x161: {  	[sflag:s19] =	ssyncset.done $0x0  }
0x162: {  	[sflag:s19] =	ssyncadd.s32 $0xFFFFC000  }
0x163: {  	[spmem:s2] =	stream.indirect.scatter.add.f32 [tilespmem:s17], [sflag:$0x3], $0x80, s15, s16, $0xb8;
	[tilespmem:$0x1C800] =	vst v63  }
0x164: {  	_ =	swait.ge [sflag:s14], $0x4000  }
0x165: {  	[sflag:s14] =	ssyncset.done $0x0  }
0x166: {  	[sflag:s14] =	ssyncadd.s32 $0xFFFFC000  }
0x167: {  	[tilespmem:s17], [sflag:$0x1] =	stream.indirect.gather [hbm4b:s4+s16], $0x80, s20, s16, $0xb8;
	[tilespmem:$0x1C800] =	vst v63  }
0x168: {  	_ =	swait.ge [sflag:s21], $0x4000  }
0x169: {  	[sflag:s21] =	ssyncset.done $0x0  }
0x16a: {  	[sflag:s21] =	ssyncadd.s32 $0xFFFFC000  }
0x16b: {  	[spmem:s2] =	stream.indirect.scatter.add.f32 [tilespmem:s18], [sflag:$0x3], $0x80, s22, s16, $0xb8;
	[tilespmem:$0x1C800] =	vst v63  }
0x16c: {  	_ =	swait.ge [sflag:s14], $0x4000  }
0x16d: {  	[sflag:s14] =	ssyncset.done $0x0  }
0x16e: {  	[sflag:s14] =	ssyncadd.s32 $0xFFFFC000  }
0x16f: {  	[tilespmem:s18], [sflag:$0x2] =	stream.indirect.gather [hbm4b:s4+s16], $0x80, s23, s16, $0xb8;
	[tilespmem:$0x1C800] =	vst v63  }
0x170: {  	_ =	swait.ge [sflag:s19], $0x4000  }
0x171: {  	[sflag:s19] =	ssyncset.done $0x0  }
0x172: {  	[sflag:s19] =	ssyncadd.s32 $0xFFFFC000  }
0x173: {  	[spmem:s2] =	stream.indirect.scatter.add.f32 [tilespmem:s17], [sflag:$0x3], $0x80, s24, s16, $0xb8;
	[tilespmem:$0x1C800] =	vst v63  }
0x174: {  	_ =	swait.ge [sflag:s14], $0x4000  }
0x175: {  	[sflag:s14] =	ssyncset.done $0x0  }
0x176: {  	[sflag:s14] =	ssyncadd.s32 $0xFFFFC000  }
0x177: {  	[tilespmem:s17], [sflag:$0x1] =	stream.indirect.gather [hbm4b:s4+s16], $0x80, s25, s16, $0xb8;
	[tilespmem:$0x1C800] =	vst v63  }
0x178: {  	_ =	swait.ge [sflag:s21], $0x4000  }
0x179: {  	[sflag:s21] =	ssyncset.done $0x0  }
0x17a: {  	[sflag:s21] =	ssyncadd.s32 $0xFFFFC000  }
0x17b: {  	[spmem:s2] =	stream.indirect.scatter.add.f32 [tilespmem:s18], [sflag:$0x3], $0x80, s26, s16, $0xb8;
	[tilespmem:$0x1C800] =	vst v63  }
0x17c: {  	_ =	swait.ge [sflag:s14], $0x4000  }
0x17d: {  	[sflag:s14] =	ssyncset.done $0x0  }
0x17e: {  	[sflag:s14] =	ssyncadd.s32 $0xFFFFC000  }
0x17f: {  	[tilespmem:s18], [sflag:$0x2] =	stream.indirect.gather [hbm4b:s4+s16], $0x80, s28, s16, $0xb8;
	[tilespmem:$0x1C800] =	vst v63  }
0x180: {  	_ =	swait.ge [sflag:s19], $0x4000  }
0x181: {  	[sflag:s19] =	ssyncset.done $0x0  }
0x182: {  	[sflag:s19] =	ssyncadd.s32 $0xFFFFC000  }
0x183: {  	[spmem:s2] =	stream.indirect.scatter.add.f32 [tilespmem:s17], [sflag:$0x3], $0x80, s29, s16, $0xb8;
	[tilespmem:$0x1C800] =	vst v63  }
0x184: {  	_ =	swait.ge [sflag:s14], $0x4000  }
0x185: {  	[sflag:s14] =	ssyncset.done $0x0  }
0x186: {  	[sflag:s14] =	ssyncadd.s32 $0xFFFFC000  }
0x187: {  	[tilespmem:s17], [sflag:$0x1] =	stream.indirect.gather [hbm4b:s4+s16], $0x80, s30, s16, $0xb8;
	[tilespmem:$0x1C800] =	vst v63  }
0x188: {  	_ =	swait.ge [sflag:s21], $0x4000  }
0x189: {  	[sflag:s21] =	ssyncset.done $0x0  }
0x18a: {  	[sflag:s21] =	ssyncadd.s32 $0xFFFFC000  }
0x18b: {  	[spmem:s2] =	stream.indirect.scatter.add.f32 [tilespmem:s18], [sflag:$0x3], $0x80, s31, s16, $0xb8;
	[tilespmem:$0x1C800] =	vst v63  }
0x18c: {  	_ =	swait.ge [sflag:s14], $0x4000  }
0x18d: {  	[sflag:s14] =	ssyncset.done $0x0  }
0x18e: {  	[sflag:s14] =	ssyncadd.s32 $0xFFFFC000  }
0x18f: {  	[tilespmem:s18], [sflag:$0x2] =	stream.indirect.gather [hbm4b:s4+s16], $0x80, s0, s16, $0xb8;
	[tilespmem:$0x1C800] =	vst v63  }
0x190: {  	_ =	swait.ge [sflag:s19], $0x4000  }
0x191: {  	[sflag:s19] =	ssyncset.done $0x0  }
0x192: {  	[sflag:s19] =	ssyncadd.s32 $0xFFFFC000  }
0x193: {  	[spmem:s2] =	stream.indirect.scatter.add.f32 [tilespmem:s17], [sflag:$0x3], $0x80, s1, s16, $0xb8;
	[tilespmem:$0x1C800] =	vst v63  }
0x194: {  	_ =	swait.ge [sflag:s14], $0x4000  }
0x195: {  	[sflag:s14] =	ssyncset.done $0x0  }
0x196: {  	[sflag:s14] =	ssyncadd.s32 $0xFFFFC000  }
0x197: {  	p1 =	seq.s32 s6, $0x700;
	_ =	swait.ge [sflag:s21], $0x4000  }
.Ltmp5:
0x198: {  	[sflag:s21] =	ssyncset.done $0x0;
	(pc) =	sbr.rel @!p1 .LBB2_3-.Ltmp5, $4  }
0x199: {  	s13 =	sadd.s32 $0x80, s6;
	[sflag:s21] =	ssyncadd.s32 $0xFFFFC000  }
0x19a: {  	[spmem:s2] =	stream.indirect.scatter.add.f32 [tilespmem:s18], [sflag:$0x3], $0x80, s5, s16, $0xb8;
	[tilespmem:$0x1C800] =	vst v63  }
0x19b: {  	s9 =	smov.u32 s6;
	s6 =	smov.u32 s13;
	_ =	swait.ge [sflag:s14], $0x4000  }
0x19c: {  	s13 =	smov.u32 s11;
	s8 =	smov.u32 s9;
	[sflag:s14] =	ssyncset.done $0x0  }
0x19d: {  	s6 =	sadd.s32 s8, s13;
	[sflag:s14] =	ssyncadd.s32 $0xFFFFC000  }
0x19e: {  	[tilespmem:s3], [sflag:$0x3] =	stream.linear.gather [hbm4b:s6+s3], $0x400, $0x38;
	[tilespmem:$0x1C800] =	vst v63  }
0x19f: {  	_ =	swait.ge [sflag:s14], $0x400  }
0x1a0: {  	[sflag:s14] =	ssyncset.done $0x0  }
0x1a1: {  	s12 =	sadd.s32 s8, s7;
	[sflag:s14] =	ssyncadd.s32 $0xFFFFFC00  }
0x1a2: {  	[tilespmem:s15], [sflag:$0x3] =	stream.linear.gather [hbm4b:s12+s3], $0x400, $0x38;
	[tilespmem:$0x1C800] =	vst v63  }
0x1a3: {  	_ =	swait.ge [sflag:s14], $0x400  }
0x1a4: {  	[sflag:s14] =	ssyncset.done $0x0  }
0x1a5: {  	[sflag:s14] =	ssyncadd.s32 $0xFFFFFC00  }
0x1a6: {  	[tilespmem:s17], [sflag:$0x1] =	stream.indirect.gather [hbm4b:s4+s16], $0x80, s3, s16, $0xb8;
	[tilespmem:$0x1C800] =	vst v63  }
0x1a7: {  	_ = 	snop  }
0x1a8: {  	[tilespmem:s18], [sflag:$0x2] =	stream.indirect.gather [hbm4b:s4+s16], $0x80, s16, s16, $0xb8;
	[tilespmem:$0x1C800] =	vst v63  }
0x1a9: {  	_ =	swait.ge [sflag:s19], $0x4000  }
0x1aa: {  	[sflag:s19] =	ssyncset.done $0x0  }
0x1ab: {  	[sflag:s19] =	ssyncadd.s32 $0xFFFFC000  }
0x1ac: {  	[spmem:s2] =	stream.indirect.scatter.add.f32 [tilespmem:s17], [sflag:$0x3], $0x80, s15, s16, $0xb8;
	[tilespmem:$0x1C800] =	vst v63  }
0x1ad: {  	_ =	swait.ge [sflag:s14], $0x4000  }
0x1ae: {  	[sflag:s14] =	ssyncset.done $0x0  }
0x1af: {  	[sflag:s14] =	ssyncadd.s32 $0xFFFFC000  }
0x1b0: {  	[tilespmem:s17], [sflag:$0x1] =	stream.indirect.gather [hbm4b:s4+s16], $0x80, s20, s16, $0xb8;
	[tilespmem:$0x1C800] =	vst v63  }
0x1b1: {  	_ =	swait.ge [sflag:s21], $0x4000  }
0x1b2: {  	[sflag:s21] =	ssyncset.done $0x0  }
0x1b3: {  	[sflag:s21] =	ssyncadd.s32 $0xFFFFC000  }
0x1b4: {  	[spmem:s2] =	stream.indirect.scatter.add.f32 [tilespmem:s18], [sflag:$0x3], $0x80, s22, s16, $0xb8;
	[tilespmem:$0x1C800] =	vst v63  }
0x1b5: {  	_ =	swait.ge [sflag:s14], $0x4000  }
0x1b6: {  	[sflag:s14] =	ssyncset.done $0x0  }
0x1b7: {  	[sflag:s14] =	ssyncadd.s32 $0xFFFFC000  }
0x1b8: {  	[tilespmem:s18], [sflag:$0x2] =	stream.indirect.gather [hbm4b:s4+s16], $0x80, s23, s16, $0xb8;
	[tilespmem:$0x1C800] =	vst v63  }
0x1b9: {  	_ =	swait.ge [sflag:s19], $0x4000  }
0x1ba: {  	[sflag:s19] =	ssyncset.done $0x0  }
0x1bb: {  	[sflag:s19] =	ssyncadd.s32 $0xFFFFC000  }
0x1bc: {  	[spmem:s2] =	stream.indirect.scatter.add.f32 [tilespmem:s17], [sflag:$0x3], $0x80, s24, s16, $0xb8;
	[tilespmem:$0x1C800] =	vst v63  }
0x1bd: {  	_ =	swait.ge [sflag:s14], $0x4000  }
0x1be: {  	[sflag:s14] =	ssyncset.done $0x0  }
0x1bf: {  	[sflag:s14] =	ssyncadd.s32 $0xFFFFC000  }
0x1c0: {  	[tilespmem:s17], [sflag:$0x1] =	stream.indirect.gather [hbm4b:s4+s16], $0x80, s25, s16, $0xb8;
	[tilespmem:$0x1C800] =	vst v63  }
0x1c1: {  	_ =	swait.ge [sflag:s21], $0x4000  }
0x1c2: {  	[sflag:s21] =	ssyncset.done $0x0  }
0x1c3: {  	[sflag:s21] =	ssyncadd.s32 $0xFFFFC000  }
0x1c4: {  	[spmem:s2] =	stream.indirect.scatter.add.f32 [tilespmem:s18], [sflag:$0x3], $0x80, s26, s16, $0xb8;
	[tilespmem:$0x1C800] =	vst v63  }
0x1c5: {  	_ =	swait.ge [sflag:s14], $0x4000  }
0x1c6: {  	[sflag:s14] =	ssyncset.done $0x0  }
0x1c7: {  	[sflag:s14] =	ssyncadd.s32 $0xFFFFC000  }
0x1c8: {  	[tilespmem:s18], [sflag:$0x2] =	stream.indirect.gather [hbm4b:s4+s16], $0x80, s28, s16, $0xb8;
	[tilespmem:$0x1C800] =	vst v63  }
0x1c9: {  	_ =	swait.ge [sflag:s19], $0x4000  }
0x1ca: {  	[sflag:s19] =	ssyncset.done $0x0  }
0x1cb: {  	[sflag:s19] =	ssyncadd.s32 $0xFFFFC000  }
0x1cc: {  	[spmem:s2] =	stream.indirect.scatter.add.f32 [tilespmem:s17], [sflag:$0x3], $0x80, s29, s16, $0xb8;
	[tilespmem:$0x1C800] =	vst v63  }
0x1cd: {  	_ =	swait.ge [sflag:s14], $0x4000  }
0x1ce: {  	[sflag:s14] =	ssyncset.done $0x0  }
0x1cf: {  	[sflag:s14] =	ssyncadd.s32 $0xFFFFC000  }
0x1d0: {  	[tilespmem:s17], [sflag:$0x1] =	stream.indirect.gather [hbm4b:s4+s16], $0x80, s30, s16, $0xb8;
	[tilespmem:$0x1C800] =	vst v63  }
0x1d1: {  	_ =	swait.ge [sflag:s21], $0x4000  }
0x1d2: {  	[sflag:s21] =	ssyncset.done $0x0  }
0x1d3: {  	[sflag:s21] =	ssyncadd.s32 $0xFFFFC000  }
0x1d4: {  	[spmem:s2] =	stream.indirect.scatter.add.f32 [tilespmem:s18], [sflag:$0x3], $0x80, s31, s16, $0xb8;
	[tilespmem:$0x1C800] =	vst v63  }
0x1d5: {  	_ =	swait.ge [sflag:s14], $0x4000  }
0x1d6: {  	[sflag:s14] =	ssyncset.done $0x0  }
0x1d7: {  	[sflag:s14] =	ssyncadd.s32 $0xFFFFC000  }
0x1d8: {  	[tilespmem:s18], [sflag:$0x2] =	stream.indirect.gather [hbm4b:s4+s16], $0x80, s0, s16, $0xb8;
	[tilespmem:$0x1C800] =	vst v63  }
0x1d9: {  	_ =	swait.ge [sflag:s19], $0x4000  }
0x1da: {  	[sflag:s19] =	ssyncset.done $0x0  }
0x1db: {  	[sflag:s19] =	ssyncadd.s32 $0xFFFFC000  }
0x1dc: {  	[spmem:s2] =	stream.indirect.scatter.add.f32 [tilespmem:s17], [sflag:$0x3], $0x80, s1, s16, $0xb8;
	[tilespmem:$0x1C800] =	vst v63  }
0x1dd: {  	_ =	swait.ge [sflag:s14], $0x4000  }
0x1de: {  	[sflag:s14] =	ssyncset.done $0x0  }
0x1df: {  	[sflag:s14] =	ssyncadd.s32 $0xFFFFC000  }
0x1e0: {  	_ =	swait.ge [sflag:s21], $0x4000  }
0x1e1: {  	[sflag:s21] =	ssyncset.done $0x0  }
.Ltmp6:
0x1e2: {  	[sflag:s21] =	ssyncadd.s32 $0xFFFFC000;
	(pc) =	sbr.rel .LBB2_8-.Ltmp6, $4  }
0x1e3: {  	[spmem:s2] =	stream.indirect.scatter.add.f32 [tilespmem:s18], [sflag:$0x3], $0x80, s5, s16, $0xb8;
	[tilespmem:$0x1C800] =	vst v63  }
0x1e4: {  	_ =	swait.ge [sflag:s14], $0x4000  }
0x1e5: {  	[sflag:s14] =	ssyncset.done $0x0;
	s12 =	rddreg [dreg:$0x8]  }
0x1e6: {  	s8 =	rddreg [dreg:$0xa];
	[sflag:s14] =	ssyncadd.s32 $0xFFFFC000  }
.LBB2_9:
0x1e7: {  	_ =	sfence.sel $0x180000  }
0x1e8: {  	[bflag:$0x0] =	sbarrier.arrive $0xFFFF  }
0x1e9: {  	_ =	strace $0x9000004D  }
0x1ea: {  	s0 =	stileid.u32;
	[bflag:$0x2] =	sbarrier.arrive $0xFFFF  }
0x1eb: {  	p0 =	sne.s32 s0, $0x0;
	s0 =	rddreg [dreg:$0x2]  }
0x1ec: {  	s0 =	sadd.s32 @!p0 $0x100000, s0  }
0x1ed: {  	[sflag:s0] =	ssyncadd.tile.s32 @!p0 $0x1;
	_ =	shalt  }
.Lfunc_end2:
_tile_overlayer_lowered:
.L_overlay_start_2:
0x1ee: {  	(tag) =	ssettag $0x2  }
0x1ef: {  	s0 =	rddreg [dreg:$0x0];
	s2 =	stileid.u32  }
0x1f0: {  	s1 =	rddreg [dreg:$0x1];
	p0 =	sne.s32 s2, $0x0  }
0x1f1: {  	s3 =	rddreg [dreg:$0x2];
	[bflag:$0x3] =	sbarrier.arrive $0xFFFF;
	s2 =	simm.s32 @!p0 $0x1C03  }
0x1f2: {  	[timem:s3], [sflag:s2] =	dma.local @!p0 [hbm:s0], s1  }
0x1f3: {  	s0 =	simm.s32 @!p0 $0x3  }
0x1f4: {  	_ =	swait.ge @!p0 [sflag:s0], s1  }
0x1f5: {  	s1 =	ssub.s32 @!p0 $0x0, s1;
	[sflag:s0] =	ssyncset.done @!p0 $0x0  }
0x1f6: {  	[sflag:s0] =	ssyncadd.s32 @!p0 s1  }
0x1f7: {  	[bflag:$0x3] =	sbarrier.arrive $0xFFFF  }
0x1f8: {  	_ =	shalt  }

</sc_bundles>
